<compile_context>
chip_gen: v7x
topology: tpu7x:2x2x1
jax: 0.10.2.dev20260603
libtpu: 0.0.44.dev20260713+nightly
codegen_flags: <defaults>
</compile_context>

<pallas_src>
import functools

import jax
import jax.numpy as jnp
from jax import lax
from jax.experimental import pallas as pl
from jax.experimental.pallas import tpu as pltpu
from jax.experimental.pallas import tpu_sc as plsc

N_NODE = 10000
E_TOTAL = 320000
B_Q = 512
D = 128
DX = 256
A = 32
C = 32
NW = 32
NCHUNK = E_TOTAL // C
CH_MAIN = 312
QCH = 26
QE = QCH * C
E_MAIN = CH_MAIN * C
N_EPI = NCHUNK - CH_MAIN * NW
ROWS_A = 640


def _mm_block(x_ref, w_ref, o_ref):
    o_ref[...] = jnp.dot(x_ref[...], w_ref[...], preferred_element_type=jnp.float32)


def _mm(x, w, block_rows=2000):
    n, d = x.shape
    k = w.shape[1]
    grid = pl.cdiv(n, block_rows)
    return pl.pallas_call(
        _mm_block,
        grid=(grid,),
        in_specs=[
            pl.BlockSpec((block_rows, d), lambda i: (i, 0)),
            pl.BlockSpec((d, k), lambda i: (0, 0)),
        ],
        out_specs=pl.BlockSpec((block_rows, k), lambda i: (i, 0)),
        out_shape=jax.ShapeDtypeStruct((n, k), jnp.float32),
    )(x, w)


def _post_block(p0_ref, p1_ref, w_ref, o_ref):
    s = p0_ref[...] + p1_ref[...]
    o_ref[...] = jnp.dot(s, w_ref[...], preferred_element_type=jnp.float32)


def _post(partials, wh, block_rows=2000):
    n = partials.shape[0] // 2
    grid = n // block_rows
    off = n // block_rows
    return pl.pallas_call(
        _post_block,
        grid=(grid,),
        in_specs=[
            pl.BlockSpec((block_rows, D), lambda i: (i, 0)),
            pl.BlockSpec((block_rows, D), lambda i, _o=off: (i + _o, 0)),
            pl.BlockSpec((D, D), lambda i: (0, 0)),
        ],
        out_specs=pl.BlockSpec((block_rows, D), lambda i: (i, 0)),
        out_shape=jax.ShapeDtypeStruct((n, D), jnp.float32),
    )(partials, partials, wh)


def _sc_body(sub_h, rel_h, obj_h, r_idx_h, q_rel_h, hx_h, rx_h, wqr_h, sp_h,
             out_h,
             subB, relB, objB, ridxB, qidx_v, obj_u, hsx0, hrx0, hsx1, hrx1,
             mq0, mq1, mm, alpha_v, spv, qrl, acc, gsem0, gsem1, qsem):
    cid = lax.axis_index("c")
    sid = lax.axis_index("s")
    wid = sid * 2 + cid
    ebase = wid * E_MAIN

    pltpu.sync_copy(sp_h, spv)
    pltpu.sync_copy(q_rel_h, qrl.at[pl.ds(0, B_Q)])
    b0 = spv[pl.ds(32, 16)]
    b1 = spv[pl.ds(48, 16)]
    wv0 = spv[pl.ds(0, 16)]
    wv1 = spv[pl.ds(16, 16)]
    wb = spv[pl.ds(64, 16)][0]

    z16 = jnp.zeros((16,), jnp.float32)

    def _zrow(r, carry):
        for k in range(D // 16):
            mm[r, pl.ds(k * 16, 16)] = z16
        return carry

    lax.fori_loop(0, C, _zrow, 0)
    z0 = sid * (N_NODE // 16)
    for j in range(19):
        pltpu.sync_copy(mm, acc.at[pl.ds(z0 + j * C, C), :])
    pltpu.sync_copy(mm.at[pl.ds(0, 17), :], acc.at[pl.ds(z0 + 19 * C, 17), :])
    plsc.subcore_barrier()

    lane = lax.iota(jnp.int32, 16)
    nm1 = jnp.full((16,), N_NODE - 1, jnp.int32)
    perms = [lane ^ k for k in (1, 2, 4, 8)]
    hbufs = (hsx0, hsx1)
    rbufs = (hrx0, hrx1)
    gsems = (gsem0, gsem1)
    mqs = (mq0, mq1)

    def _compose(kq):
        off = kq * C

        @plsc.parallel_loop(0, C // 16, 1, unroll=2)
        def _cg(g):
            r16 = ridxB[pl.ds(off + g * 16, 16)]
            qv = jnp.zeros((16,), jnp.int32)
            for j in range(16):
                qv = jnp.where(lane == j, qrl[pl.ds(r16[j], 16)][0], qv)
            qidx_v[pl.ds(g * 16, 16)] = qv

    def _fire_rows(kq, s):
        off = kq * C
        pltpu.async_copy(hx_h.at[subB.at[pl.ds(off, C)]], hbufs[s], gsems[s])
        pltpu.async_copy(rx_h.at[relB.at[pl.ds(off, C)]], rbufs[s], gsems[s])

    def _fire_wqr(kq, s):
        _compose(kq)
        pltpu.async_copy(wqr_h.at[qidx_v], mqs[s], qsem)

    def _wait_rows(s):
        pltpu.make_async_copy(hx_h.at[subB.at[pl.ds(0, C)]], hbufs[s],
                              gsems[s]).wait()
        pltpu.make_async_copy(rx_h.at[relB.at[pl.ds(0, C)]], rbufs[s],
                              gsems[s]).wait()

    def _wait_wqr(s):
        pltpu.make_async_copy(wqr_h.at[qidx_v], mqs[s], qsem).wait()

    def _process(kq, s, fire_next):
        hx = hbufs[s]
        rx = rbufs[s]
        mq = mqs[s]
        _wait_rows(s)
        _wait_wqr(s)
        if fire_next is not None:
            kn, cond = fire_next
            if cond is None:
                _fire_wqr(kn, 1 - s)
            else:
                @pl.when(cond)
                def _():
                    _fire_wqr(kn, 1 - s)
        off = kq * C
        for g in range(C // 16):
            obj_u[pl.ds(g * 16, 16)] = jnp.minimum(
                objB[pl.ds(off + g * 16, 16)], nm1)
        @plsc.parallel_loop(0, C, 1, unroll=4)
        def _edge(e):
            v0 = jnp.maximum(hx[e, pl.ds(D, 16)] + rx[e, pl.ds(D, 16)]
                             + mq[e, pl.ds(0, 16)] + b0, 0.0) * wv0
            v1 = jnp.maximum(hx[e, pl.ds(D + 16, 16)]
                             + rx[e, pl.ds(D + 16, 16)]
                             + mq[e, pl.ds(16, 16)] + b1, 0.0) * wv1
            s = v0 + v1
            for p in perms:
                s = s + s.at[p].get(mode="promise_in_bounds")
            a = 1.0 / (1.0 + jnp.exp(-(s + wb)))
            for kk in range(D // 16):
                sl = pl.ds(kk * 16, 16)
                mm[e, sl] = hx[e, sl] * rx[e, sl] * a

        pltpu.sync_copy(mm, acc.at[obj_u], add=True)

    def _quarter(q, carry):
        qbase = ebase + q * QE
        pltpu.sync_copy(sub_h.at[pl.ds(qbase, QE)], subB)
        pltpu.sync_copy(rel_h.at[pl.ds(qbase, QE)], relB)
        pltpu.sync_copy(obj_h.at[pl.ds(qbase, QE)], objB)
        pltpu.sync_copy(r_idx_h.at[pl.ds(qbase, QE)], ridxB)
        _fire_rows(0, 0)
        _fire_wqr(0, 0)

        def _pair(t, pc):
            k0 = t * 2
            _fire_rows(k0 + 1, 1)
            _process(k0, 0, (k0 + 1, None))

            @pl.when(t < QCH // 2 - 1)
            def _():
                _fire_rows(k0 + 2, 0)
            _process(k0 + 1, 1, (k0 + 2, t < QCH // 2 - 1))
            return pc

        lax.fori_loop(0, QCH // 2, _pair, 0)
        return carry

    lax.fori_loop(0, 12, _quarter, 0)

    @pl.when(wid < N_EPI)
    def _():
        base = NW * E_MAIN + wid * C
        pltpu.sync_copy(sub_h.at[pl.ds(base, C)], subB.at[pl.ds(0, C)])
        pltpu.sync_copy(rel_h.at[pl.ds(base, C)], relB.at[pl.ds(0, C)])
        pltpu.sync_copy(obj_h.at[pl.ds(base, C)], objB.at[pl.ds(0, C)])
        pltpu.sync_copy(r_idx_h.at[pl.ds(base, C)], ridxB.at[pl.ds(0, C)])
        _fire_rows(0, 0)
        _fire_wqr(0, 0)
        _process(0, 0, None)

    plsc.subcore_barrier()
    o0 = cid * N_NODE + sid * ROWS_A

    @pl.when(sid < 15)
    def _():
        pltpu.sync_copy(acc.at[pl.ds(sid * ROWS_A, ROWS_A), :],
                        out_h.at[pl.ds(o0, ROWS_A), :])

    @pl.when(sid == 15)
    def _():
        pltpu.sync_copy(acc.at[pl.ds(15 * ROWS_A, N_NODE - 15 * ROWS_A), :],
                        out_h.at[pl.ds(o0, N_NODE - 15 * ROWS_A), :])


@functools.cache
def _sc_edges_fn():
  return pl.kernel(
    _sc_body,
    out_type=jax.ShapeDtypeStruct((2 * N_NODE, D), jnp.float32),
    mesh=plsc.VectorSubcoreMesh(core_axis_name="c", subcore_axis_name="s",
                                num_cores=2, num_subcores=16),
    compiler_params=pltpu.CompilerParams(needs_layout_passes=False),
    scratch_types=[
        pltpu.VMEM((QE,), jnp.int32),
        pltpu.VMEM((QE,), jnp.int32),
        pltpu.VMEM((QE,), jnp.int32),
        pltpu.VMEM((QE,), jnp.int32),
        pltpu.VMEM((C,), jnp.int32),
        pltpu.VMEM((C,), jnp.int32),
        pltpu.VMEM((C, DX), jnp.float32),
        pltpu.VMEM((C, DX), jnp.float32),
        pltpu.VMEM((C, DX), jnp.float32),
        pltpu.VMEM((C, DX), jnp.float32),
        pltpu.VMEM((C, D), jnp.float32),
        pltpu.VMEM((C, D), jnp.float32),
        pltpu.VMEM((C, D), jnp.float32),
        pltpu.VMEM((C,), jnp.float32),
        pltpu.VMEM((80,), jnp.float32),
        pltpu.VMEM((B_Q + 16,), jnp.int32),
        pltpu.VMEM_SHARED((N_NODE, D), jnp.float32),
        pltpu.SemaphoreType.DMA,
        pltpu.SemaphoreType.DMA,
        pltpu.SemaphoreType.DMA,
    ],
  )


def kernel(q_sub, q_rel, r_idx, hidden, edges, n_node, rela_embed, Ws, Wr,
           Wqr_W, Wqr_b, walpha_W, walpha_b, Wh):
    sub_e = edges[:, 0].astype(jnp.int32)
    rel_e = edges[:, 1].astype(jnp.int32)
    obj_e = edges[:, 2].astype(jnp.int32)
    a_sub = _mm(hidden, Ws)
    a_rel = _mm(rela_embed, Wr)
    wqr_pre = _mm(rela_embed, Wqr_W)
    hx = jnp.concatenate(
        [hidden, a_sub, jnp.zeros((N_NODE, DX - D - A), jnp.float32)], axis=1)
    rx = jnp.concatenate(
        [rela_embed, a_rel,
         jnp.zeros((rela_embed.shape[0], DX - D - A), jnp.float32)], axis=1)
    wqrx = jnp.concatenate(
        [wqr_pre, jnp.zeros((wqr_pre.shape[0], D - A), jnp.float32)], axis=1)
    sp = jnp.concatenate([
        walpha_W.reshape(-1), Wqr_b.reshape(-1), walpha_b.reshape(-1),
        jnp.zeros((80 - A - A - 1,), jnp.float32),
    ])
    partials = _sc_edges_fn()(sub_e, rel_e, obj_e, r_idx.astype(jnp.int32),
                              q_rel.astype(jnp.int32), hx, rx, wqrx, sp)
    return _post(partials, Wh)[:N_NODE]

# --- scband reference (transcript-rebuilt; emitter-appended) ---
"""Pipeline reference for scband-gnn-auto-21474836480754 (READ-ONLY COPY).

The authoritative reference and input builder live on the scoring server;
editing this copy changes nothing except your own understanding.
"""

import jax, jax.numpy as jnp
import numpy as np

N_NODE = 10000
E = 320000
B = 512
IN_DIM = 128
OUT_DIM = 128
ATTN_DIM = 32
N_REL = 5000
N_REL_EMB = 2 * N_REL + 1


def setup_inputs(seed: int = 0) -> dict:
    key = jax.random.key(seed)
    ks = jax.random.split(key, 13)
    q_sub = jax.random.randint(ks[0], (B,), 0, N_NODE)
    q_rel = jax.random.randint(ks[1], (B,), 0, N_REL_EMB)
    r_idx = jax.random.randint(ks[2], (E,), 0, B)
    hidden = jax.random.normal(ks[3], (N_NODE, IN_DIM), dtype=jnp.float32)
    edges = jax.random.randint(ks[4], (E, 3), 0, N_NODE)
    rela_embed = jax.random.normal(ks[5], (N_REL_EMB, IN_DIM), dtype=jnp.float32) * 0.05
    Ws = jax.random.normal(ks[6], (IN_DIM, ATTN_DIM), dtype=jnp.float32) / np.sqrt(IN_DIM)
    Wr = jax.random.normal(ks[7], (IN_DIM, ATTN_DIM), dtype=jnp.float32) / np.sqrt(IN_DIM)
    Wqr_W = jax.random.normal(ks[8], (IN_DIM, ATTN_DIM), dtype=jnp.float32) / np.sqrt(IN_DIM)
    Wqr_b = jnp.zeros((ATTN_DIM,), dtype=jnp.float32)
    walpha_W = jax.random.normal(ks[9], (ATTN_DIM, 1), dtype=jnp.float32) / np.sqrt(ATTN_DIM)
    walpha_b = jnp.zeros((1,), dtype=jnp.float32)
    Wh = jax.random.normal(ks[10], (IN_DIM, OUT_DIM), dtype=jnp.float32) / np.sqrt(IN_DIM)
    return {
        'q_sub': q_sub, 'q_rel': q_rel, 'r_idx': r_idx, 'hidden': hidden,
        'edges': edges, 'n_node': N_NODE,
        'rela_embed': rela_embed, 'Ws': Ws, 'Wr': Wr,
        'Wqr_W': Wqr_W, 'Wqr_b': Wqr_b,
        'walpha_W': walpha_W, 'walpha_b': walpha_b, 'Wh': Wh,
    }


def reference(q_sub, q_rel, r_idx, hidden, edges, n_node,
              rela_embed, Ws, Wr, Wqr_W, Wqr_b, walpha_W, walpha_b, Wh):
    sub = edges[:, 0]
    rel = edges[:, 1]
    obj = edges[:, 2]
    hs = jnp.take(hidden, sub, axis=0)
    hr = jnp.take(rela_embed, rel, axis=0)
    h_qr = jnp.take(jnp.take(rela_embed, q_rel, axis=0), r_idx, axis=0)
    message = hs * hr
    pre = hs @ Ws + hr @ Wr + h_qr @ Wqr_W + Wqr_b
    alpha = jax.nn.sigmoid(jax.nn.relu(pre) @ walpha_W + walpha_b)
    message = alpha * message
    obj = jnp.minimum(obj, n_node - 1)
    message_agg = jax.ops.segment_sum(message, obj, num_segments=hidden.shape[0])
    hidden_new = message_agg @ Wh  # act = identity (idd)
    return hidden_new

if __name__ == "__main__":
    import jax
    _d = setup_inputs()
    print(jax.jit(kernel)(*tuple(_d.values())))

</pallas_src>

<mosaic_0001>
#map = affine_map<(d0, d1) -> (0)>
#map1 = affine_map<(d0, d1) -> (0, 0)>
module attributes {stable_mosaic.version = 14 : i64} {
  func.func @_sc_body(%arg0: i32, %arg1: i32, %arg2: memref<320000xi32, #tpu.memory_space<hbm>>, %arg3: memref<320000xi32, #tpu.memory_space<hbm>>, %arg4: memref<320000xi32, #tpu.memory_space<hbm>>, %arg5: memref<320000xi32, #tpu.memory_space<hbm>>, %arg6: memref<512xi32, #tpu.memory_space<hbm>>, %arg7: memref<10000x256xf32, #tpu.memory_space<hbm>>, %arg8: memref<10001x256xf32, #tpu.memory_space<hbm>>, %arg9: memref<10001x128xf32, #tpu.memory_space<hbm>>, %arg10: memref<80xf32, #tpu.memory_space<hbm>>, %arg11: memref<20000x128xf32, #tpu.memory_space<hbm>>, %arg12: memref<832xi32, #tpu.memory_space<vmem>>, %arg13: memref<832xi32, #tpu.memory_space<vmem>>, %arg14: memref<832xi32, #tpu.memory_space<vmem>>, %arg15: memref<832xi32, #tpu.memory_space<vmem>>, %arg16: memref<32xi32, #tpu.memory_space<vmem>>, %arg17: memref<32xi32, #tpu.memory_space<vmem>>, %arg18: memref<32x256xf32, #tpu.memory_space<vmem>>, %arg19: memref<32x256xf32, #tpu.memory_space<vmem>>, %arg20: memref<32x256xf32, #tpu.memory_space<vmem>>, %arg21: memref<32x256xf32, #tpu.memory_space<vmem>>, %arg22: memref<32x128xf32, #tpu.memory_space<vmem>>, %arg23: memref<32x128xf32, #tpu.memory_space<vmem>>, %arg24: memref<32x128xf32, #tpu.memory_space<vmem>>, %arg25: memref<32xf32, #tpu.memory_space<vmem>>, %arg26: memref<80xf32, #tpu.memory_space<vmem>>, %arg27: memref<528xi32, #tpu.memory_space<vmem>>, %arg28: memref<10000x128xf32, #tpu.memory_space<vmem_shared>>, %arg29: memref<!tpu.dma_semaphore, #tpu.memory_space<semaphore_mem>>, %arg30: memref<!tpu.dma_semaphore, #tpu.memory_space<semaphore_mem>>, %arg31: memref<!tpu.dma_semaphore, #tpu.memory_space<semaphore_mem>>) attributes {dimension_semantics = [#tpu.dimension_semantics<core_parallel>, #tpu.dimension_semantics<subcore_parallel>], iteration_bounds = array<i64: 2, 16>, scalar_prefetch = 0 : i64, scratch_operands = 20 : i64, tpu.core_type = #tpu.core_type<sc_vector_subcore>, window_params = [{transform_indices = #map}, {transform_indices = #map}, {transform_indices = #map}, {transform_indices = #map}, {transform_indices = #map}, {transform_indices = #map1}, {transform_indices = #map1}, {transform_indices = #map1}, {transform_indices = #map}, {transform_indices = #map1}]} {
    %mul3A = arith.constant 2 : i32
    %mul3A_0 = arith.muli %arg1, %mul3A : i32
    %add3A = arith.addi %mul3A_0, %arg0 : i32
    %mul3A_1 = arith.constant 9984 : i32
    %mul3A_2 = arith.muli %add3A, %mul3A_1 : i32
    "tpu.region"() ({
      %run_scoped3A = tpu.sem_alloc : memref<!tpu.dma_semaphore, #tpu.memory_space<semaphore_mem>>
      tpu.enqueue_dma source(%arg10 : memref<80xf32, #tpu.memory_space<hbm>>) target(%arg26 : memref<80xf32, #tpu.memory_space<vmem>>) target_semaphore(%run_scoped3A : memref<!tpu.dma_semaphore, #tpu.memory_space<semaphore_mem>>)
      tpu.wait_dma2 semaphore(%run_scoped3A : memref<!tpu.dma_semaphore, #tpu.memory_space<semaphore_mem>>) src(%arg10 : memref<80xf32, #tpu.memory_space<hbm>>) dst(%arg26 : memref<80xf32, #tpu.memory_space<vmem>>)
      tpu.yield
    }) : () -> ()
    "tpu.region"() ({
      %run_scoped3A = tpu.sem_alloc : memref<!tpu.dma_semaphore, #tpu.memory_space<semaphore_mem>>
      %dma_start3A = arith.constant 0 : i32
      %dma_start3A_96 = tpu.memref_slice %arg27[%dma_start3A] : memref<528xi32, #tpu.memory_space<vmem>> -> memref<512xi32, #tpu.memory_space<vmem>>
      %dma_start3A_97 = arith.constant 0 : i32
      %dma_start3A_98 = tpu.memref_slice %arg27[%dma_start3A_97] : memref<528xi32, #tpu.memory_space<vmem>> -> memref<512xi32, #tpu.memory_space<vmem>>
      tpu.enqueue_dma source(%arg6 : memref<512xi32, #tpu.memory_space<hbm>>) target(%dma_start3A_98 : memref<512xi32, #tpu.memory_space<vmem>>) target_semaphore(%run_scoped3A : memref<!tpu.dma_semaphore, #tpu.memory_space<semaphore_mem>>)
      %dma_wait3A = arith.constant 0 : i32
      %dma_wait3A_99 = tpu.memref_slice %arg27[%dma_wait3A] : memref<528xi32, #tpu.memory_space<vmem>> -> memref<512xi32, #tpu.memory_space<vmem>>
      %dma_wait3A_100 = arith.constant 0 : i32
      %dma_wait3A_101 = tpu.memref_slice %arg27[%dma_wait3A_100] : memref<528xi32, #tpu.memory_space<vmem>> -> memref<512xi32, #tpu.memory_space<vmem>>
      tpu.wait_dma2 semaphore(%run_scoped3A : memref<!tpu.dma_semaphore, #tpu.memory_space<semaphore_mem>>) src(%arg6 : memref<512xi32, #tpu.memory_space<hbm>>) dst(%dma_wait3A_101 : memref<512xi32, #tpu.memory_space<vmem>>)
      tpu.yield
    }) : () -> ()
    %get3A = arith.constant 32 : index
    %get3A_3 = tpu.vector_load %arg26[%get3A] {strides = array<i32>} : memref<80xf32, #tpu.memory_space<vmem>>, vector<16xf32>,
    %get3A_4 = arith.constant 48 : index
    %get3A_5 = tpu.vector_load %arg26[%get3A_4] {strides = array<i32>} : memref<80xf32, #tpu.memory_space<vmem>>, vector<16xf32>,
    %get3A_6 = arith.constant 0 : index
    %get3A_7 = tpu.vector_load %arg26[%get3A_6] {strides = array<i32>} : memref<80xf32, #tpu.memory_space<vmem>>, vector<16xf32>,
    %get3A_8 = arith.constant 16 : index
    %get3A_9 = tpu.vector_load %arg26[%get3A_8] {strides = array<i32>} : memref<80xf32, #tpu.memory_space<vmem>>, vector<16xf32>,
    %get3A_10 = arith.constant 64 : index
    %get3A_11 = tpu.vector_load %arg26[%get3A_10] {strides = array<i32>} : memref<80xf32, #tpu.memory_space<vmem>>, vector<16xf32>,
    %slice3A = vector.extract_strided_slice %get3A_11 {offsets = [0], sizes = [1], strides = [1]} : vector<16xf32> to vector<1xf32>
    %squeeze3A = vector.extract %slice3A[0] : f32 from vector<1xf32>
    %broadcast_in_dim3A = arith.constant 0.000000e+00 : f32
    %broadcast_in_dim3A_12 = vector.broadcast %broadcast_in_dim3A : f32 to vector<16xf32>
    %scan3A = arith.constant 0 : i32
    %scan3A_13 = arith.constant 0 : i32
    %scan3A_14 = arith.constant 32 : i32
    %scan3A_15 = arith.addi %scan3A_13, %scan3A_14 : i32
    %scan3A_16 = arith.constant 1 : i32
    scf.for %scan3A_96 = %scan3A_13 to %scan3A_15 step %scan3A_16  : i32 {
      %swap3A = arith.index_cast %scan3A_96 : i32 to index
      %swap3A_97 = arith.constant 0 : index
      %swap3A_98 = tpu.vector_load %arg24[%swap3A, %swap3A_97] {strides = array<i32>} : memref<32x128xf32, #tpu.memory_space<vmem>>, vector<16xf32>,
      tpu.vector_store %arg24[%swap3A, %swap3A_97], %broadcast_in_dim3A_12 {strides = array<i32>} : memref<32x128xf32, #tpu.memory_space<vmem>>, vector<16xf32>,
      %swap3A_99 = arith.index_cast %scan3A_96 : i32 to index
      %swap3A_100 = arith.constant 16 : index
      %swap3A_101 = tpu.vector_load %arg24[%swap3A_99, %swap3A_100] {strides = array<i32>} : memref<32x128xf32, #tpu.memory_space<vmem>>, vector<16xf32>,
      tpu.vector_store %arg24[%swap3A_99, %swap3A_100], %broadcast_in_dim3A_12 {strides = array<i32>} : memref<32x128xf32, #tpu.memory_space<vmem>>, vector<16xf32>,
      %swap3A_102 = arith.index_cast %scan3A_96 : i32 to index
      %swap3A_103 = arith.constant 32 : index
      %swap3A_104 = tpu.vector_load %arg24[%swap3A_102, %swap3A_103] {strides = array<i32>} : memref<32x128xf32, #tpu.memory_space<vmem>>, vector<16xf32>,
      tpu.vector_store %arg24[%swap3A_102, %swap3A_103], %broadcast_in_dim3A_12 {strides = array<i32>} : memref<32x128xf32, #tpu.memory_space<vmem>>, vector<16xf32>,
      %swap3A_105 = arith.index_cast %scan3A_96 : i32 to index
      %swap3A_106 = arith.constant 48 : index
      %swap3A_107 = tpu.vector_load %arg24[%swap3A_105, %swap3A_106] {strides = array<i32>} : memref<32x128xf32, #tpu.memory_space<vmem>>, vector<16xf32>,
      tpu.vector_store %arg24[%swap3A_105, %swap3A_106], %broadcast_in_dim3A_12 {strides = array<i32>} : memref<32x128xf32, #tpu.memory_space<vmem>>, vector<16xf32>,
      %swap3A_108 = arith.index_cast %scan3A_96 : i32 to index
      %swap3A_109 = arith.constant 64 : index
      %swap3A_110 = tpu.vector_load %arg24[%swap3A_108, %swap3A_109] {strides = array<i32>} : memref<32x128xf32, #tpu.memory_space<vmem>>, vector<16xf32>,
      tpu.vector_store %arg24[%swap3A_108, %swap3A_109], %broadcast_in_dim3A_12 {strides = array<i32>} : memref<32x128xf32, #tpu.memory_space<vmem>>, vector<16xf32>,
      %swap3A_111 = arith.index_cast %scan3A_96 : i32 to index
      %swap3A_112 = arith.constant 80 : index
      %swap3A_113 = tpu.vector_load %arg24[%swap3A_111, %swap3A_112] {strides = array<i32>} : memref<32x128xf32, #tpu.memory_space<vmem>>, vector<16xf32>,
      tpu.vector_store %arg24[%swap3A_111, %swap3A_112], %broadcast_in_dim3A_12 {strides = array<i32>} : memref<32x128xf32, #tpu.memory_space<vmem>>, vector<16xf32>,
      %swap3A_114 = arith.index_cast %scan3A_96 : i32 to index
      %swap3A_115 = arith.constant 96 : index
      %swap3A_116 = tpu.vector_load %arg24[%swap3A_114, %swap3A_115] {strides = array<i32>} : memref<32x128xf32, #tpu.memory_space<vmem>>, vector<16xf32>,
      tpu.vector_store %arg24[%swap3A_114, %swap3A_115], %broadcast_in_dim3A_12 {strides = array<i32>} : memref<32x128xf32, #tpu.memory_space<vmem>>, vector<16xf32>,
      %swap3A_117 = arith.index_cast %scan3A_96 : i32 to index
      %swap3A_118 = arith.constant 112 : index
      %swap3A_119 = tpu.vector_load %arg24[%swap3A_117, %swap3A_118] {strides = array<i32>} : memref<32x128xf32, #tpu.memory_space<vmem>>, vector<16xf32>,
      tpu.vector_store %arg24[%swap3A_117, %swap3A_118], %broadcast_in_dim3A_12 {strides = array<i32>} : memref<32x128xf32, #tpu.memory_space<vmem>>, vector<16xf32>,
    }
    %scan3A_17 = arith.constant 32 : i32
    %mul3A_18 = arith.constant 625 : i32
    %mul3A_19 = arith.muli %arg1, %mul3A_18 : i32
    %add3A_20 = arith.constant 0 : i32
    %add3A_21 = arith.addi %mul3A_19, %add3A_20 : i32
    "tpu.region"() ({
      %run_scoped3A = tpu.sem_alloc : memref<!tpu.dma_semaphore, #tpu.memory_space<semaphore_mem>>
      %dma_start3A = arith.constant 0 : i32
      %dma_start3A_96 = tpu.memref_slice %arg28[%add3A_21, %dma_start3A] : memref<10000x128xf32, #tpu.memory_space<vmem_shared>> -> memref<32x128xf32, #tpu.memory_space<vmem_shared>>
      %dma_start3A_97 = arith.constant 0 : i32
      %dma_start3A_98 = tpu.memref_slice %arg28[%add3A_21, %dma_start3A_97] : memref<10000x128xf32, #tpu.memory_space<vmem_shared>> -> memref<32x128xf32, #tpu.memory_space<vmem_shared>>
      tpu.enqueue_dma source(%arg24 : memref<32x128xf32, #tpu.memory_space<vmem>>) target(%dma_start3A_98 : memref<32x128xf32, #tpu.memory_space<vmem_shared>>) target_semaphore(%run_scoped3A : memref<!tpu.dma_semaphore, #tpu.memory_space<semaphore_mem>>)
      %dma_wait3A = arith.constant 0 : i32
      %dma_wait3A_99 = tpu.memref_slice %arg28[%add3A_21, %dma_wait3A] : memref<10000x128xf32, #tpu.memory_space<vmem_shared>> -> memref<32x128xf32, #tpu.memory_space<vmem_shared>>
      %dma_wait3A_100 = arith.constant 0 : i32
      %dma_wait3A_101 = tpu.memref_slice %arg28[%add3A_21, %dma_wait3A_100] : memref<10000x128xf32, #tpu.memory_space<vmem_shared>> -> memref<32x128xf32, #tpu.memory_space<vmem_shared>>
      tpu.wait_dma2 semaphore(%run_scoped3A : memref<!tpu.dma_semaphore, #tpu.memory_space<semaphore_mem>>) src(%arg24 : memref<32x128xf32, #tpu.memory_space<vmem>>) dst(%dma_wait3A_101 : memref<32x128xf32, #tpu.memory_space<vmem_shared>>)
      tpu.yield
    }) : () -> ()
    %add3A_22 = arith.constant 32 : i32
    %add3A_23 = arith.addi %mul3A_19, %add3A_22 : i32
    "tpu.region"() ({
      %run_scoped3A = tpu.sem_alloc : memref<!tpu.dma_semaphore, #tpu.memory_space<semaphore_mem>>
      %dma_start3A = arith.constant 0 : i32
      %dma_start3A_96 = tpu.memref_slice %arg28[%add3A_23, %dma_start3A] : memref<10000x128xf32, #tpu.memory_space<vmem_shared>> -> memref<32x128xf32, #tpu.memory_space<vmem_shared>>
      %dma_start3A_97 = arith.constant 0 : i32
      %dma_start3A_98 = tpu.memref_slice %arg28[%add3A_23, %dma_start3A_97] : memref<10000x128xf32, #tpu.memory_space<vmem_shared>> -> memref<32x128xf32, #tpu.memory_space<vmem_shared>>
      tpu.enqueue_dma source(%arg24 : memref<32x128xf32, #tpu.memory_space<vmem>>) target(%dma_start3A_98 : memref<32x128xf32, #tpu.memory_space<vmem_shared>>) target_semaphore(%run_scoped3A : memref<!tpu.dma_semaphore, #tpu.memory_space<semaphore_mem>>)
      %dma_wait3A = arith.constant 0 : i32
      %dma_wait3A_99 = tpu.memref_slice %arg28[%add3A_23, %dma_wait3A] : memref<10000x128xf32, #tpu.memory_space<vmem_shared>> -> memref<32x128xf32, #tpu.memory_space<vmem_shared>>
      %dma_wait3A_100 = arith.constant 0 : i32
      %dma_wait3A_101 = tpu.memref_slice %arg28[%add3A_23, %dma_wait3A_100] : memref<10000x128xf32, #tpu.memory_space<vmem_shared>> -> memref<32x128xf32, #tpu.memory_space<vmem_shared>>
      tpu.wait_dma2 semaphore(%run_scoped3A : memref<!tpu.dma_semaphore, #tpu.memory_space<semaphore_mem>>) src(%arg24 : memref<32x128xf32, #tpu.memory_space<vmem>>) dst(%dma_wait3A_101 : memref<32x128xf32, #tpu.memory_space<vmem_shared>>)
      tpu.yield
    }) : () -> ()
    %add3A_24 = arith.constant 64 : i32
    %add3A_25 = arith.addi %mul3A_19, %add3A_24 : i32
    "tpu.region"() ({
      %run_scoped3A = tpu.sem_alloc : memref<!tpu.dma_semaphore, #tpu.memory_space<semaphore_mem>>
      %dma_start3A = arith.constant 0 : i32
      %dma_start3A_96 = tpu.memref_slice %arg28[%add3A_25, %dma_start3A] : memref<10000x128xf32, #tpu.memory_space<vmem_shared>> -> memref<32x128xf32, #tpu.memory_space<vmem_shared>>
      %dma_start3A_97 = arith.constant 0 : i32
      %dma_start3A_98 = tpu.memref_slice %arg28[%add3A_25, %dma_start3A_97] : memref<10000x128xf32, #tpu.memory_space<vmem_shared>> -> memref<32x128xf32, #tpu.memory_space<vmem_shared>>
      tpu.enqueue_dma source(%arg24 : memref<32x128xf32, #tpu.memory_space<vmem>>) target(%dma_start3A_98 : memref<32x128xf32, #tpu.memory_space<vmem_shared>>) target_semaphore(%run_scoped3A : memref<!tpu.dma_semaphore, #tpu.memory_space<semaphore_mem>>)
      %dma_wait3A = arith.constant 0 : i32
      %dma_wait3A_99 = tpu.memref_slice %arg28[%add3A_25, %dma_wait3A] : memref<10000x128xf32, #tpu.memory_space<vmem_shared>> -> memref<32x128xf32, #tpu.memory_space<vmem_shared>>
      %dma_wait3A_100 = arith.constant 0 : i32
      %dma_wait3A_101 = tpu.memref_slice %arg28[%add3A_25, %dma_wait3A_100] : memref<10000x128xf32, #tpu.memory_space<vmem_shared>> -> memref<32x128xf32, #tpu.memory_space<vmem_shared>>
      tpu.wait_dma2 semaphore(%run_scoped3A : memref<!tpu.dma_semaphore, #tpu.memory_space<semaphore_mem>>) src(%arg24 : memref<32x128xf32, #tpu.memory_space<vmem>>) dst(%dma_wait3A_101 : memref<32x128xf32, #tpu.memory_space<vmem_shared>>)
      tpu.yield
    }) : () -> ()
    %add3A_26 = arith.constant 96 : i32
    %add3A_27 = arith.addi %mul3A_19, %add3A_26 : i32
    "tpu.region"() ({
      %run_scoped3A = tpu.sem_alloc : memref<!tpu.dma_semaphore, #tpu.memory_space<semaphore_mem>>
      %dma_start3A = arith.constant 0 : i32
      %dma_start3A_96 = tpu.memref_slice %arg28[%add3A_27, %dma_start3A] : memref<10000x128xf32, #tpu.memory_space<vmem_shared>> -> memref<32x128xf32, #tpu.memory_space<vmem_shared>>
      %dma_start3A_97 = arith.constant 0 : i32
      %dma_start3A_98 = tpu.memref_slice %arg28[%add3A_27, %dma_start3A_97] : memref<10000x128xf32, #tpu.memory_space<vmem_shared>> -> memref<32x128xf32, #tpu.memory_space<vmem_shared>>
      tpu.enqueue_dma source(%arg24 : memref<32x128xf32, #tpu.memory_space<vmem>>) target(%dma_start3A_98 : memref<32x128xf32, #tpu.memory_space<vmem_shared>>) target_semaphore(%run_scoped3A : memref<!tpu.dma_semaphore, #tpu.memory_space<semaphore_mem>>)
      %dma_wait3A = arith.constant 0 : i32
      %dma_wait3A_99 = tpu.memref_slice %arg28[%add3A_27, %dma_wait3A] : memref<10000x128xf32, #tpu.memory_space<vmem_shared>> -> memref<32x128xf32, #tpu.memory_space<vmem_shared>>
      %dma_wait3A_100 = arith.constant 0 : i32
      %dma_wait3A_101 = tpu.memref_slice %arg28[%add3A_27, %dma_wait3A_100] : memref<10000x128xf32, #tpu.memory_space<vmem_shared>> -> memref<32x128xf32, #tpu.memory_space<vmem_shared>>
      tpu.wait_dma2 semaphore(%run_scoped3A : memref<!tpu.dma_semaphore, #tpu.memory_space<semaphore_mem>>) src(%arg24 : memref<32x128xf32, #tpu.memory_space<vmem>>) dst(%dma_wait3A_101 : memref<32x128xf32, #tpu.memory_space<vmem_shared>>)
      tpu.yield
    }) : () -> ()
    %add3A_28 = arith.constant 128 : i32
    %add3A_29 = arith.addi %mul3A_19, %add3A_28 : i32
    "tpu.region"() ({
      %run_scoped3A = tpu.sem_alloc : memref<!tpu.dma_semaphore, #tpu.memory_space<semaphore_mem>>
      %dma_start3A = arith.constant 0 : i32
      %dma_start3A_96 = tpu.memref_slice %arg28[%add3A_29, %dma_start3A] : memref<10000x128xf32, #tpu.memory_space<vmem_shared>> -> memref<32x128xf32, #tpu.memory_space<vmem_shared>>
      %dma_start3A_97 = arith.constant 0 : i32
      %dma_start3A_98 = tpu.memref_slice %arg28[%add3A_29, %dma_start3A_97] : memref<10000x128xf32, #tpu.memory_space<vmem_shared>> -> memref<32x128xf32, #tpu.memory_space<vmem_shared>>
      tpu.enqueue_dma source(%arg24 : memref<32x128xf32, #tpu.memory_space<vmem>>) target(%dma_start3A_98 : memref<32x128xf32, #tpu.memory_space<vmem_shared>>) target_semaphore(%run_scoped3A : memref<!tpu.dma_semaphore, #tpu.memory_space<semaphore_mem>>)
      %dma_wait3A = arith.constant 0 : i32
      %dma_wait3A_99 = tpu.memref_slice %arg28[%add3A_29, %dma_wait3A] : memref<10000x128xf32, #tpu.memory_space<vmem_shared>> -> memref<32x128xf32, #tpu.memory_space<vmem_shared>>
      %dma_wait3A_100 = arith.constant 0 : i32
      %dma_wait3A_101 = tpu.memref_slice %arg28[%add3A_29, %dma_wait3A_100] : memref<10000x128xf32, #tpu.memory_space<vmem_shared>> -> memref<32x128xf32, #tpu.memory_space<vmem_shared>>
      tpu.wait_dma2 semaphore(%run_scoped3A : memref<!tpu.dma_semaphore, #tpu.memory_space<semaphore_mem>>) src(%arg24 : memref<32x128xf32, #tpu.memory_space<vmem>>) dst(%dma_wait3A_101 : memref<32x128xf32, #tpu.memory_space<vmem_shared>>)
      tpu.yield
    }) : () -> ()
    %add3A_30 = arith.constant 160 : i32
    %add3A_31 = arith.addi %mul3A_19, %add3A_30 : i32
    "tpu.region"() ({
      %run_scoped3A = tpu.sem_alloc : memref<!tpu.dma_semaphore, #tpu.memory_space<semaphore_mem>>
      %dma_start3A = arith.constant 0 : i32
      %dma_start3A_96 = tpu.memref_slice %arg28[%add3A_31, %dma_start3A] : memref<10000x128xf32, #tpu.memory_space<vmem_shared>> -> memref<32x128xf32, #tpu.memory_space<vmem_shared>>
      %dma_start3A_97 = arith.constant 0 : i32
      %dma_start3A_98 = tpu.memref_slice %arg28[%add3A_31, %dma_start3A_97] : memref<10000x128xf32, #tpu.memory_space<vmem_shared>> -> memref<32x128xf32, #tpu.memory_space<vmem_shared>>
      tpu.enqueue_dma source(%arg24 : memref<32x128xf32, #tpu.memory_space<vmem>>) target(%dma_start3A_98 : memref<32x128xf32, #tpu.memory_space<vmem_shared>>) target_semaphore(%run_scoped3A : memref<!tpu.dma_semaphore, #tpu.memory_space<semaphore_mem>>)
      %dma_wait3A = arith.constant 0 : i32
      %dma_wait3A_99 = tpu.memref_slice %arg28[%add3A_31, %dma_wait3A] : memref<10000x128xf32, #tpu.memory_space<vmem_shared>> -> memref<32x128xf32, #tpu.memory_space<vmem_shared>>
      %dma_wait3A_100 = arith.constant 0 : i32
      %dma_wait3A_101 = tpu.memref_slice %arg28[%add3A_31, %dma_wait3A_100] : memref<10000x128xf32, #tpu.memory_space<vmem_shared>> -> memref<32x128xf32, #tpu.memory_space<vmem_shared>>
      tpu.wait_dma2 semaphore(%run_scoped3A : memref<!tpu.dma_semaphore, #tpu.memory_space<semaphore_mem>>) src(%arg24 : memref<32x128xf32, #tpu.memory_space<vmem>>) dst(%dma_wait3A_101 : memref<32x128xf32, #tpu.memory_space<vmem_shared>>)
      tpu.yield
    }) : () -> ()
    %add3A_32 = arith.constant 192 : i32
    %add3A_33 = arith.addi %mul3A_19, %add3A_32 : i32
    "tpu.region"() ({
      %run_scoped3A = tpu.sem_alloc : memref<!tpu.dma_semaphore, #tpu.memory_space<semaphore_mem>>
      %dma_start3A = arith.constant 0 : i32
      %dma_start3A_96 = tpu.memref_slice %arg28[%add3A_33, %dma_start3A] : memref<10000x128xf32, #tpu.memory_space<vmem_shared>> -> memref<32x128xf32, #tpu.memory_space<vmem_shared>>
      %dma_start3A_97 = arith.constant 0 : i32
      %dma_start3A_98 = tpu.memref_slice %arg28[%add3A_33, %dma_start3A_97] : memref<10000x128xf32, #tpu.memory_space<vmem_shared>> -> memref<32x128xf32, #tpu.memory_space<vmem_shared>>
      tpu.enqueue_dma source(%arg24 : memref<32x128xf32, #tpu.memory_space<vmem>>) target(%dma_start3A_98 : memref<32x128xf32, #tpu.memory_space<vmem_shared>>) target_semaphore(%run_scoped3A : memref<!tpu.dma_semaphore, #tpu.memory_space<semaphore_mem>>)
      %dma_wait3A = arith.constant 0 : i32
      %dma_wait3A_99 = tpu.memref_slice %arg28[%add3A_33, %dma_wait3A] : memref<10000x128xf32, #tpu.memory_space<vmem_shared>> -> memref<32x128xf32, #tpu.memory_space<vmem_shared>>
      %dma_wait3A_100 = arith.constant 0 : i32
      %dma_wait3A_101 = tpu.memref_slice %arg28[%add3A_33, %dma_wait3A_100] : memref<10000x128xf32, #tpu.memory_space<vmem_shared>> -> memref<32x128xf32, #tpu.memory_space<vmem_shared>>
      tpu.wait_dma2 semaphore(%run_scoped3A : memref<!tpu.dma_semaphore, #tpu.memory_space<semaphore_mem>>) src(%arg24 : memref<32x128xf32, #tpu.memory_space<vmem>>) dst(%dma_wait3A_101 : memref<32x128xf32, #tpu.memory_space<vmem_shared>>)
      tpu.yield
    }) : () -> ()
    %add3A_34 = arith.constant 224 : i32
    %add3A_35 = arith.addi %mul3A_19, %add3A_34 : i32
    "tpu.region"() ({
      %run_scoped3A = tpu.sem_alloc : memref<!tpu.dma_semaphore, #tpu.memory_space<semaphore_mem>>
      %dma_start3A = arith.constant 0 : i32
      %dma_start3A_96 = tpu.memref_slice %arg28[%add3A_35, %dma_start3A] : memref<10000x128xf32, #tpu.memory_space<vmem_shared>> -> memref<32x128xf32, #tpu.memory_space<vmem_shared>>
      %dma_start3A_97 = arith.constant 0 : i32
      %dma_start3A_98 = tpu.memref_slice %arg28[%add3A_35, %dma_start3A_97] : memref<10000x128xf32, #tpu.memory_space<vmem_shared>> -> memref<32x128xf32, #tpu.memory_space<vmem_shared>>
      tpu.enqueue_dma source(%arg24 : memref<32x128xf32, #tpu.memory_space<vmem>>) target(%dma_start3A_98 : memref<32x128xf32, #tpu.memory_space<vmem_shared>>) target_semaphore(%run_scoped3A : memref<!tpu.dma_semaphore, #tpu.memory_space<semaphore_mem>>)
      %dma_wait3A = arith.constant 0 : i32
      %dma_wait3A_99 = tpu.memref_slice %arg28[%add3A_35, %dma_wait3A] : memref<10000x128xf32, #tpu.memory_space<vmem_shared>> -> memref<32x128xf32, #tpu.memory_space<vmem_shared>>
      %dma_wait3A_100 = arith.constant 0 : i32
      %dma_wait3A_101 = tpu.memref_slice %arg28[%add3A_35, %dma_wait3A_100] : memref<10000x128xf32, #tpu.memory_space<vmem_shared>> -> memref<32x128xf32, #tpu.memory_space<vmem_shared>>
      tpu.wait_dma2 semaphore(%run_scoped3A : memref<!tpu.dma_semaphore, #tpu.memory_space<semaphore_mem>>) src(%arg24 : memref<32x128xf32, #tpu.memory_space<vmem>>) dst(%dma_wait3A_101 : memref<32x128xf32, #tpu.memory_space<vmem_shared>>)
      tpu.yield
    }) : () -> ()
    %add3A_36 = arith.constant 256 : i32
    %add3A_37 = arith.addi %mul3A_19, %add3A_36 : i32
    "tpu.region"() ({
      %run_scoped3A = tpu.sem_alloc : memref<!tpu.dma_semaphore, #tpu.memory_space<semaphore_mem>>
      %dma_start3A = arith.constant 0 : i32
      %dma_start3A_96 = tpu.memref_slice %arg28[%add3A_37, %dma_start3A] : memref<10000x128xf32, #tpu.memory_space<vmem_shared>> -> memref<32x128xf32, #tpu.memory_space<vmem_shared>>
      %dma_start3A_97 = arith.constant 0 : i32
      %dma_start3A_98 = tpu.memref_slice %arg28[%add3A_37, %dma_start3A_97] : memref<10000x128xf32, #tpu.memory_space<vmem_shared>> -> memref<32x128xf32, #tpu.memory_space<vmem_shared>>
      tpu.enqueue_dma source(%arg24 : memref<32x128xf32, #tpu.memory_space<vmem>>) target(%dma_start3A_98 : memref<32x128xf32, #tpu.memory_space<vmem_shared>>) target_semaphore(%run_scoped3A : memref<!tpu.dma_semaphore, #tpu.memory_space<semaphore_mem>>)
      %dma_wait3A = arith.constant 0 : i32
      %dma_wait3A_99 = tpu.memref_slice %arg28[%add3A_37, %dma_wait3A] : memref<10000x128xf32, #tpu.memory_space<vmem_shared>> -> memref<32x128xf32, #tpu.memory_space<vmem_shared>>
      %dma_wait3A_100 = arith.constant 0 : i32
      %dma_wait3A_101 = tpu.memref_slice %arg28[%add3A_37, %dma_wait3A_100] : memref<10000x128xf32, #tpu.memory_space<vmem_shared>> -> memref<32x128xf32, #tpu.memory_space<vmem_shared>>
      tpu.wait_dma2 semaphore(%run_scoped3A : memref<!tpu.dma_semaphore, #tpu.memory_space<semaphore_mem>>) src(%arg24 : memref<32x128xf32, #tpu.memory_space<vmem>>) dst(%dma_wait3A_101 : memref<32x128xf32, #tpu.memory_space<vmem_shared>>)
      tpu.yield
    }) : () -> ()
    %add3A_38 = arith.constant 288 : i32
    %add3A_39 = arith.addi %mul3A_19, %add3A_38 : i32
    "tpu.region"() ({
      %run_scoped3A = tpu.sem_alloc : memref<!tpu.dma_semaphore, #tpu.memory_space<semaphore_mem>>
      %dma_start3A = arith.constant 0 : i32
      %dma_start3A_96 = tpu.memref_slice %arg28[%add3A_39, %dma_start3A] : memref<10000x128xf32, #tpu.memory_space<vmem_shared>> -> memref<32x128xf32, #tpu.memory_space<vmem_shared>>
      %dma_start3A_97 = arith.constant 0 : i32
      %dma_start3A_98 = tpu.memref_slice %arg28[%add3A_39, %dma_start3A_97] : memref<10000x128xf32, #tpu.memory_space<vmem_shared>> -> memref<32x128xf32, #tpu.memory_space<vmem_shared>>
      tpu.enqueue_dma source(%arg24 : memref<32x128xf32, #tpu.memory_space<vmem>>) target(%dma_start3A_98 : memref<32x128xf32, #tpu.memory_space<vmem_shared>>) target_semaphore(%run_scoped3A : memref<!tpu.dma_semaphore, #tpu.memory_space<semaphore_mem>>)
      %dma_wait3A = arith.constant 0 : i32
      %dma_wait3A_99 = tpu.memref_slice %arg28[%add3A_39, %dma_wait3A] : memref<10000x128xf32, #tpu.memory_space<vmem_shared>> -> memref<32x128xf32, #tpu.memory_space<vmem_shared>>
      %dma_wait3A_100 = arith.constant 0 : i32
      %dma_wait3A_101 = tpu.memref_slice %arg28[%add3A_39, %dma_wait3A_100] : memref<10000x128xf32, #tpu.memory_space<vmem_shared>> -> memref<32x128xf32, #tpu.memory_space<vmem_shared>>
      tpu.wait_dma2 semaphore(%run_scoped3A : memref<!tpu.dma_semaphore, #tpu.memory_space<semaphore_mem>>) src(%arg24 : memref<32x128xf32, #tpu.memory_space<vmem>>) dst(%dma_wait3A_101 : memref<32x128xf32, #tpu.memory_space<vmem_shared>>)
      tpu.yield
    }) : () -> ()
    %add3A_40 = arith.constant 320 : i32
    %add3A_41 = arith.addi %mul3A_19, %add3A_40 : i32
    "tpu.region"() ({
      %run_scoped3A = tpu.sem_alloc : memref<!tpu.dma_semaphore, #tpu.memory_space<semaphore_mem>>
      %dma_start3A = arith.constant 0 : i32
      %dma_start3A_96 = tpu.memref_slice %arg28[%add3A_41, %dma_start3A] : memref<10000x128xf32, #tpu.memory_space<vmem_shared>> -> memref<32x128xf32, #tpu.memory_space<vmem_shared>>
      %dma_start3A_97 = arith.constant 0 : i32
      %dma_start3A_98 = tpu.memref_slice %arg28[%add3A_41, %dma_start3A_97] : memref<10000x128xf32, #tpu.memory_space<vmem_shared>> -> memref<32x128xf32, #tpu.memory_space<vmem_shared>>
      tpu.enqueue_dma source(%arg24 : memref<32x128xf32, #tpu.memory_space<vmem>>) target(%dma_start3A_98 : memref<32x128xf32, #tpu.memory_space<vmem_shared>>) target_semaphore(%run_scoped3A : memref<!tpu.dma_semaphore, #tpu.memory_space<semaphore_mem>>)
      %dma_wait3A = arith.constant 0 : i32
      %dma_wait3A_99 = tpu.memref_slice %arg28[%add3A_41, %dma_wait3A] : memref<10000x128xf32, #tpu.memory_space<vmem_shared>> -> memref<32x128xf32, #tpu.memory_space<vmem_shared>>
      %dma_wait3A_100 = arith.constant 0 : i32
      %dma_wait3A_101 = tpu.memref_slice %arg28[%add3A_41, %dma_wait3A_100] : memref<10000x128xf32, #tpu.memory_space<vmem_shared>> -> memref<32x128xf32, #tpu.memory_space<vmem_shared>>
      tpu.wait_dma2 semaphore(%run_scoped3A : memref<!tpu.dma_semaphore, #tpu.memory_space<semaphore_mem>>) src(%arg24 : memref<32x128xf32, #tpu.memory_space<vmem>>) dst(%dma_wait3A_101 : memref<32x128xf32, #tpu.memory_space<vmem_shared>>)
      tpu.yield
    }) : () -> ()
    %add3A_42 = arith.constant 352 : i32
    %add3A_43 = arith.addi %mul3A_19, %add3A_42 : i32
    "tpu.region"() ({
      %run_scoped3A = tpu.sem_alloc : memref<!tpu.dma_semaphore, #tpu.memory_space<semaphore_mem>>
      %dma_start3A = arith.constant 0 : i32
      %dma_start3A_96 = tpu.memref_slice %arg28[%add3A_43, %dma_start3A] : memref<10000x128xf32, #tpu.memory_space<vmem_shared>> -> memref<32x128xf32, #tpu.memory_space<vmem_shared>>
      %dma_start3A_97 = arith.constant 0 : i32
      %dma_start3A_98 = tpu.memref_slice %arg28[%add3A_43, %dma_start3A_97] : memref<10000x128xf32, #tpu.memory_space<vmem_shared>> -> memref<32x128xf32, #tpu.memory_space<vmem_shared>>
      tpu.enqueue_dma source(%arg24 : memref<32x128xf32, #tpu.memory_space<vmem>>) target(%dma_start3A_98 : memref<32x128xf32, #tpu.memory_space<vmem_shared>>) target_semaphore(%run_scoped3A : memref<!tpu.dma_semaphore, #tpu.memory_space<semaphore_mem>>)
      %dma_wait3A = arith.constant 0 : i32
      %dma_wait3A_99 = tpu.memref_slice %arg28[%add3A_43, %dma_wait3A] : memref<10000x128xf32, #tpu.memory_space<vmem_shared>> -> memref<32x128xf32, #tpu.memory_space<vmem_shared>>
      %dma_wait3A_100 = arith.constant 0 : i32
      %dma_wait3A_101 = tpu.memref_slice %arg28[%add3A_43, %dma_wait3A_100] : memref<10000x128xf32, #tpu.memory_space<vmem_shared>> -> memref<32x128xf32, #tpu.memory_space<vmem_shared>>
      tpu.wait_dma2 semaphore(%run_scoped3A : memref<!tpu.dma_semaphore, #tpu.memory_space<semaphore_mem>>) src(%arg24 : memref<32x128xf32, #tpu.memory_space<vmem>>) dst(%dma_wait3A_101 : memref<32x128xf32, #tpu.memory_space<vmem_shared>>)
      tpu.yield
    }) : () -> ()
    %add3A_44 = arith.constant 384 : i32
    %add3A_45 = arith.addi %mul3A_19, %add3A_44 : i32
    "tpu.region"() ({
      %run_scoped3A = tpu.sem_alloc : memref<!tpu.dma_semaphore, #tpu.memory_space<semaphore_mem>>
      %dma_start3A = arith.constant 0 : i32
      %dma_start3A_96 = tpu.memref_slice %arg28[%add3A_45, %dma_start3A] : memref<10000x128xf32, #tpu.memory_space<vmem_shared>> -> memref<32x128xf32, #tpu.memory_space<vmem_shared>>
      %dma_start3A_97 = arith.constant 0 : i32
      %dma_start3A_98 = tpu.memref_slice %arg28[%add3A_45, %dma_start3A_97] : memref<10000x128xf32, #tpu.memory_space<vmem_shared>> -> memref<32x128xf32, #tpu.memory_space<vmem_shared>>
      tpu.enqueue_dma source(%arg24 : memref<32x128xf32, #tpu.memory_space<vmem>>) target(%dma_start3A_98 : memref<32x128xf32, #tpu.memory_space<vmem_shared>>) target_semaphore(%run_scoped3A : memref<!tpu.dma_semaphore, #tpu.memory_space<semaphore_mem>>)
      %dma_wait3A = arith.constant 0 : i32
      %dma_wait3A_99 = tpu.memref_slice %arg28[%add3A_45, %dma_wait3A] : memref<10000x128xf32, #tpu.memory_space<vmem_shared>> -> memref<32x128xf32, #tpu.memory_space<vmem_shared>>
      %dma_wait3A_100 = arith.constant 0 : i32
      %dma_wait3A_101 = tpu.memref_slice %arg28[%add3A_45, %dma_wait3A_100] : memref<10000x128xf32, #tpu.memory_space<vmem_shared>> -> memref<32x128xf32, #tpu.memory_space<vmem_shared>>
      tpu.wait_dma2 semaphore(%run_scoped3A : memref<!tpu.dma_semaphore, #tpu.memory_space<semaphore_mem>>) src(%arg24 : memref<32x128xf32, #tpu.memory_space<vmem>>) dst(%dma_wait3A_101 : memref<32x128xf32, #tpu.memory_space<vmem_shared>>)
      tpu.yield
    }) : () -> ()
    %add3A_46 = arith.constant 416 : i32
    %add3A_47 = arith.addi %mul3A_19, %add3A_46 : i32
    "tpu.region"() ({
      %run_scoped3A = tpu.sem_alloc : memref<!tpu.dma_semaphore, #tpu.memory_space<semaphore_mem>>
      %dma_start3A = arith.constant 0 : i32
      %dma_start3A_96 = tpu.memref_slice %arg28[%add3A_47, %dma_start3A] : memref<10000x128xf32, #tpu.memory_space<vmem_shared>> -> memref<32x128xf32, #tpu.memory_space<vmem_shared>>
      %dma_start3A_97 = arith.constant 0 : i32
      %dma_start3A_98 = tpu.memref_slice %arg28[%add3A_47, %dma_start3A_97] : memref<10000x128xf32, #tpu.memory_space<vmem_shared>> -> memref<32x128xf32, #tpu.memory_space<vmem_shared>>
      tpu.enqueue_dma source(%arg24 : memref<32x128xf32, #tpu.memory_space<vmem>>) target(%dma_start3A_98 : memref<32x128xf32, #tpu.memory_space<vmem_shared>>) target_semaphore(%run_scoped3A : memref<!tpu.dma_semaphore, #tpu.memory_space<semaphore_mem>>)
      %dma_wait3A = arith.constant 0 : i32
      %dma_wait3A_99 = tpu.memref_slice %arg28[%add3A_47, %dma_wait3A] : memref<10000x128xf32, #tpu.memory_space<vmem_shared>> -> memref<32x128xf32, #tpu.memory_space<vmem_shared>>
      %dma_wait3A_100 = arith.constant 0 : i32
      %dma_wait3A_101 = tpu.memref_slice %arg28[%add3A_47, %dma_wait3A_100] : memref<10000x128xf32, #tpu.memory_space<vmem_shared>> -> memref<32x128xf32, #tpu.memory_space<vmem_shared>>
      tpu.wait_dma2 semaphore(%run_scoped3A : memref<!tpu.dma_semaphore, #tpu.memory_space<semaphore_mem>>) src(%arg24 : memref<32x128xf32, #tpu.memory_space<vmem>>) dst(%dma_wait3A_101 : memref<32x128xf32, #tpu.memory_space<vmem_shared>>)
      tpu.yield
    }) : () -> ()
    %add3A_48 = arith.constant 448 : i32
    %add3A_49 = arith.addi %mul3A_19, %add3A_48 : i32
    "tpu.region"() ({
      %run_scoped3A = tpu.sem_alloc : memref<!tpu.dma_semaphore, #tpu.memory_space<semaphore_mem>>
      %dma_start3A = arith.constant 0 : i32
      %dma_start3A_96 = tpu.memref_slice %arg28[%add3A_49, %dma_start3A] : memref<10000x128xf32, #tpu.memory_space<vmem_shared>> -> memref<32x128xf32, #tpu.memory_space<vmem_shared>>
      %dma_start3A_97 = arith.constant 0 : i32
      %dma_start3A_98 = tpu.memref_slice %arg28[%add3A_49, %dma_start3A_97] : memref<10000x128xf32, #tpu.memory_space<vmem_shared>> -> memref<32x128xf32, #tpu.memory_space<vmem_shared>>
      tpu.enqueue_dma source(%arg24 : memref<32x128xf32, #tpu.memory_space<vmem>>) target(%dma_start3A_98 : memref<32x128xf32, #tpu.memory_space<vmem_shared>>) target_semaphore(%run_scoped3A : memref<!tpu.dma_semaphore, #tpu.memory_space<semaphore_mem>>)
      %dma_wait3A = arith.constant 0 : i32
      %dma_wait3A_99 = tpu.memref_slice %arg28[%add3A_49, %dma_wait3A] : memref<10000x128xf32, #tpu.memory_space<vmem_shared>> -> memref<32x128xf32, #tpu.memory_space<vmem_shared>>
      %dma_wait3A_100 = arith.constant 0 : i32
      %dma_wait3A_101 = tpu.memref_slice %arg28[%add3A_49, %dma_wait3A_100] : memref<10000x128xf32, #tpu.memory_space<vmem_shared>> -> memref<32x128xf32, #tpu.memory_space<vmem_shared>>
      tpu.wait_dma2 semaphore(%run_scoped3A : memref<!tpu.dma_semaphore, #tpu.memory_space<semaphore_mem>>) src(%arg24 : memref<32x128xf32, #tpu.memory_space<vmem>>) dst(%dma_wait3A_101 : memref<32x128xf32, #tpu.memory_space<vmem_shared>>)
      tpu.yield
    }) : () -> ()
    %add3A_50 = arith.constant 480 : i32
    %add3A_51 = arith.addi %mul3A_19, %add3A_50 : i32
    "tpu.region"() ({
      %run_scoped3A = tpu.sem_alloc : memref<!tpu.dma_semaphore, #tpu.memory_space<semaphore_mem>>
      %dma_start3A = arith.constant 0 : i32
      %dma_start3A_96 = tpu.memref_slice %arg28[%add3A_51, %dma_start3A] : memref<10000x128xf32, #tpu.memory_space<vmem_shared>> -> memref<32x128xf32, #tpu.memory_space<vmem_shared>>
      %dma_start3A_97 = arith.constant 0 : i32
      %dma_start3A_98 = tpu.memref_slice %arg28[%add3A_51, %dma_start3A_97] : memref<10000x128xf32, #tpu.memory_space<vmem_shared>> -> memref<32x128xf32, #tpu.memory_space<vmem_shared>>
      tpu.enqueue_dma source(%arg24 : memref<32x128xf32, #tpu.memory_space<vmem>>) target(%dma_start3A_98 : memref<32x128xf32, #tpu.memory_space<vmem_shared>>) target_semaphore(%run_scoped3A : memref<!tpu.dma_semaphore, #tpu.memory_space<semaphore_mem>>)
      %dma_wait3A = arith.constant 0 : i32
      %dma_wait3A_99 = tpu.memref_slice %arg28[%add3A_51, %dma_wait3A] : memref<10000x128xf32, #tpu.memory_space<vmem_shared>> -> memref<32x128xf32, #tpu.memory_space<vmem_shared>>
      %dma_wait3A_100 = arith.constant 0 : i32
      %dma_wait3A_101 = tpu.memref_slice %arg28[%add3A_51, %dma_wait3A_100] : memref<10000x128xf32, #tpu.memory_space<vmem_shared>> -> memref<32x128xf32, #tpu.memory_space<vmem_shared>>
      tpu.wait_dma2 semaphore(%run_scoped3A : memref<!tpu.dma_semaphore, #tpu.memory_space<semaphore_mem>>) src(%arg24 : memref<32x128xf32, #tpu.memory_space<vmem>>) dst(%dma_wait3A_101 : memref<32x128xf32, #tpu.memory_space<vmem_shared>>)
      tpu.yield
    }) : () -> ()
    %add3A_52 = arith.constant 512 : i32
    %add3A_53 = arith.addi %mul3A_19, %add3A_52 : i32
    "tpu.region"() ({
      %run_scoped3A = tpu.sem_alloc : memref<!tpu.dma_semaphore, #tpu.memory_space<semaphore_mem>>
      %dma_start3A = arith.constant 0 : i32
      %dma_start3A_96 = tpu.memref_slice %arg28[%add3A_53, %dma_start3A] : memref<10000x128xf32, #tpu.memory_space<vmem_shared>> -> memref<32x128xf32, #tpu.memory_space<vmem_shared>>
      %dma_start3A_97 = arith.constant 0 : i32
      %dma_start3A_98 = tpu.memref_slice %arg28[%add3A_53, %dma_start3A_97] : memref<10000x128xf32, #tpu.memory_space<vmem_shared>> -> memref<32x128xf32, #tpu.memory_space<vmem_shared>>
      tpu.enqueue_dma source(%arg24 : memref<32x128xf32, #tpu.memory_space<vmem>>) target(%dma_start3A_98 : memref<32x128xf32, #tpu.memory_space<vmem_shared>>) target_semaphore(%run_scoped3A : memref<!tpu.dma_semaphore, #tpu.memory_space<semaphore_mem>>)
      %dma_wait3A = arith.constant 0 : i32
      %dma_wait3A_99 = tpu.memref_slice %arg28[%add3A_53, %dma_wait3A] : memref<10000x128xf32, #tpu.memory_space<vmem_shared>> -> memref<32x128xf32, #tpu.memory_space<vmem_shared>>
      %dma_wait3A_100 = arith.constant 0 : i32
      %dma_wait3A_101 = tpu.memref_slice %arg28[%add3A_53, %dma_wait3A_100] : memref<10000x128xf32, #tpu.memory_space<vmem_shared>> -> memref<32x128xf32, #tpu.memory_space<vmem_shared>>
      tpu.wait_dma2 semaphore(%run_scoped3A : memref<!tpu.dma_semaphore, #tpu.memory_space<semaphore_mem>>) src(%arg24 : memref<32x128xf32, #tpu.memory_space<vmem>>) dst(%dma_wait3A_101 : memref<32x128xf32, #tpu.memory_space<vmem_shared>>)
      tpu.yield
    }) : () -> ()
    %add3A_54 = arith.constant 544 : i32
    %add3A_55 = arith.addi %mul3A_19, %add3A_54 : i32
    "tpu.region"() ({
      %run_scoped3A = tpu.sem_alloc : memref<!tpu.dma_semaphore, #tpu.memory_space<semaphore_mem>>
      %dma_start3A = arith.constant 0 : i32
      %dma_start3A_96 = tpu.memref_slice %arg28[%add3A_55, %dma_start3A] : memref<10000x128xf32, #tpu.memory_space<vmem_shared>> -> memref<32x128xf32, #tpu.memory_space<vmem_shared>>
      %dma_start3A_97 = arith.constant 0 : i32
      %dma_start3A_98 = tpu.memref_slice %arg28[%add3A_55, %dma_start3A_97] : memref<10000x128xf32, #tpu.memory_space<vmem_shared>> -> memref<32x128xf32, #tpu.memory_space<vmem_shared>>
      tpu.enqueue_dma source(%arg24 : memref<32x128xf32, #tpu.memory_space<vmem>>) target(%dma_start3A_98 : memref<32x128xf32, #tpu.memory_space<vmem_shared>>) target_semaphore(%run_scoped3A : memref<!tpu.dma_semaphore, #tpu.memory_space<semaphore_mem>>)
      %dma_wait3A = arith.constant 0 : i32
      %dma_wait3A_99 = tpu.memref_slice %arg28[%add3A_55, %dma_wait3A] : memref<10000x128xf32, #tpu.memory_space<vmem_shared>> -> memref<32x128xf32, #tpu.memory_space<vmem_shared>>
      %dma_wait3A_100 = arith.constant 0 : i32
      %dma_wait3A_101 = tpu.memref_slice %arg28[%add3A_55, %dma_wait3A_100] : memref<10000x128xf32, #tpu.memory_space<vmem_shared>> -> memref<32x128xf32, #tpu.memory_space<vmem_shared>>
      tpu.wait_dma2 semaphore(%run_scoped3A : memref<!tpu.dma_semaphore, #tpu.memory_space<semaphore_mem>>) src(%arg24 : memref<32x128xf32, #tpu.memory_space<vmem>>) dst(%dma_wait3A_101 : memref<32x128xf32, #tpu.memory_space<vmem_shared>>)
      tpu.yield
    }) : () -> ()
    %add3A_56 = arith.constant 576 : i32
    %add3A_57 = arith.addi %mul3A_19, %add3A_56 : i32
    "tpu.region"() ({
      %run_scoped3A = tpu.sem_alloc : memref<!tpu.dma_semaphore, #tpu.memory_space<semaphore_mem>>
      %dma_start3A = arith.constant 0 : i32
      %dma_start3A_96 = tpu.memref_slice %arg28[%add3A_57, %dma_start3A] : memref<10000x128xf32, #tpu.memory_space<vmem_shared>> -> memref<32x128xf32, #tpu.memory_space<vmem_shared>>
      %dma_start3A_97 = arith.constant 0 : i32
      %dma_start3A_98 = tpu.memref_slice %arg28[%add3A_57, %dma_start3A_97] : memref<10000x128xf32, #tpu.memory_space<vmem_shared>> -> memref<32x128xf32, #tpu.memory_space<vmem_shared>>
      tpu.enqueue_dma source(%arg24 : memref<32x128xf32, #tpu.memory_space<vmem>>) target(%dma_start3A_98 : memref<32x128xf32, #tpu.memory_space<vmem_shared>>) target_semaphore(%run_scoped3A : memref<!tpu.dma_semaphore, #tpu.memory_space<semaphore_mem>>)
      %dma_wait3A = arith.constant 0 : i32
      %dma_wait3A_99 = tpu.memref_slice %arg28[%add3A_57, %dma_wait3A] : memref<10000x128xf32, #tpu.memory_space<vmem_shared>> -> memref<32x128xf32, #tpu.memory_space<vmem_shared>>
      %dma_wait3A_100 = arith.constant 0 : i32
      %dma_wait3A_101 = tpu.memref_slice %arg28[%add3A_57, %dma_wait3A_100] : memref<10000x128xf32, #tpu.memory_space<vmem_shared>> -> memref<32x128xf32, #tpu.memory_space<vmem_shared>>
      tpu.wait_dma2 semaphore(%run_scoped3A : memref<!tpu.dma_semaphore, #tpu.memory_space<semaphore_mem>>) src(%arg24 : memref<32x128xf32, #tpu.memory_space<vmem>>) dst(%dma_wait3A_101 : memref<32x128xf32, #tpu.memory_space<vmem_shared>>)
      tpu.yield
    }) : () -> ()
    %add3A_58 = arith.constant 608 : i32
    %add3A_59 = arith.addi %mul3A_19, %add3A_58 : i32
    "tpu.region"() ({
      %run_scoped3A = tpu.sem_alloc : memref<!tpu.dma_semaphore, #tpu.memory_space<semaphore_mem>>
      %dma_start3A = arith.constant 0 : i32
      %dma_start3A_96 = arith.constant 0 : i32
      %dma_start3A_97 = tpu.memref_slice %arg24[%dma_start3A, %dma_start3A_96] : memref<32x128xf32, #tpu.memory_space<vmem>> -> memref<17x128xf32, #tpu.memory_space<vmem>>
      %dma_start3A_98 = arith.constant 0 : i32
      %dma_start3A_99 = tpu.memref_slice %arg28[%add3A_59, %dma_start3A_98] : memref<10000x128xf32, #tpu.memory_space<vmem_shared>> -> memref<17x128xf32, #tpu.memory_space<vmem_shared>>
      %dma_start3A_100 = arith.constant 0 : i32
      %dma_start3A_101 = tpu.memref_slice %arg28[%add3A_59, %dma_start3A_100] : memref<10000x128xf32, #tpu.memory_space<vmem_shared>> -> memref<17x128xf32, #tpu.memory_space<vmem_shared>>
      %dma_start3A_102 = arith.constant 0 : i32
      %dma_start3A_103 = arith.constant 0 : i32
      %dma_start3A_104 = tpu.memref_slice %arg24[%dma_start3A_102, %dma_start3A_103] : memref<32x128xf32, #tpu.memory_space<vmem>> -> memref<17x128xf32, #tpu.memory_space<vmem>>
      tpu.enqueue_dma source(%dma_start3A_104 : memref<17x128xf32, #tpu.memory_space<vmem>>) target(%dma_start3A_101 : memref<17x128xf32, #tpu.memory_space<vmem_shared>>) target_semaphore(%run_scoped3A : memref<!tpu.dma_semaphore, #tpu.memory_space<semaphore_mem>>)
      %dma_wait3A = arith.constant 0 : i32
      %dma_wait3A_105 = arith.constant 0 : i32
      %dma_wait3A_106 = tpu.memref_slice %arg24[%dma_wait3A, %dma_wait3A_105] : memref<32x128xf32, #tpu.memory_space<vmem>> -> memref<17x128xf32, #tpu.memory_space<vmem>>
      %dma_wait3A_107 = arith.constant 0 : i32
      %dma_wait3A_108 = tpu.memref_slice %arg28[%add3A_59, %dma_wait3A_107] : memref<10000x128xf32, #tpu.memory_space<vmem_shared>> -> memref<17x128xf32, #tpu.memory_space<vmem_shared>>
      %dma_wait3A_109 = arith.constant 0 : i32
      %dma_wait3A_110 = tpu.memref_slice %arg28[%add3A_59, %dma_wait3A_109] : memref<10000x128xf32, #tpu.memory_space<vmem_shared>> -> memref<17x128xf32, #tpu.memory_space<vmem_shared>>
      %dma_wait3A_111 = arith.constant 0 : i32
      %dma_wait3A_112 = arith.constant 0 : i32
      %dma_wait3A_113 = tpu.memref_slice %arg24[%dma_wait3A_111, %dma_wait3A_112] : memref<32x128xf32, #tpu.memory_space<vmem>> -> memref<17x128xf32, #tpu.memory_space<vmem>>
      tpu.wait_dma2 semaphore(%run_scoped3A : memref<!tpu.dma_semaphore, #tpu.memory_space<semaphore_mem>>) src(%dma_wait3A_113 : memref<17x128xf32, #tpu.memory_space<vmem>>) dst(%dma_wait3A_110 : memref<17x128xf32, #tpu.memory_space<vmem_shared>>)
      tpu.yield
    }) : () -> ()
    %barrier3A = arith.constant 0 : index
    tpu.barrier barrier_id(%barrier3A)
    %iota3A = tpu.iota {dimensions = array<i32: 0>} : vector<16xi32>
    %broadcast_in_dim3A_60 = arith.constant 9999 : i32
    %broadcast_in_dim3A_61 = vector.broadcast %broadcast_in_dim3A_60 : i32 to vector<16xi32>
    %xor3A = arith.constant 1 : i32
    %xor3A_62 = vector.broadcast %xor3A : i32 to vector<16xi32>
    %xor3A_63 = arith.xori %iota3A, %xor3A_62 : vector<16xi32>
    %xor3A_64 = arith.constant 2 : i32
    %xor3A_65 = vector.broadcast %xor3A_64 : i32 to vector<16xi32>
    %xor3A_66 = arith.xori %iota3A, %xor3A_65 : vector<16xi32>
    %xor3A_67 = arith.constant 4 : i32
    %xor3A_68 = vector.broadcast %xor3A_67 : i32 to vector<16xi32>
    %xor3A_69 = arith.xori %iota3A, %xor3A_68 : vector<16xi32>
    %xor3A_70 = arith.constant 8 : i32
    %xor3A_71 = vector.broadcast %xor3A_70 : i32 to vector<16xi32>
    %xor3A_72 = arith.xori %iota3A, %xor3A_71 : vector<16xi32>
    %scan3A_73 = arith.constant 0 : i32
    %scan3A_74 = arith.constant 0 : i32
    %scan3A_75 = arith.constant 12 : i32
    %scan3A_76 = arith.addi %scan3A_74, %scan3A_75 : i32
    %scan3A_77 = arith.constant 1 : i32
    scf.for %scan3A_96 = %scan3A_74 to %scan3A_76 step %scan3A_77  : i32 {
      %mul3A_97 = arith.constant 832 : i32
      %mul3A_98 = arith.muli %scan3A_96, %mul3A_97 : i32
      %add3A_99 = arith.addi %mul3A_2, %mul3A_98 : i32
      "tpu.region"() ({
        %run_scoped3A = tpu.sem_alloc : memref<!tpu.dma_semaphore, #tpu.memory_space<semaphore_mem>>
        %dma_start3A_120 = tpu.memref_slice %arg2[%add3A_99] : memref<320000xi32, #tpu.memory_space<hbm>> -> memref<832xi32, #tpu.memory_space<hbm>>
        %dma_start3A_121 = tpu.memref_slice %arg2[%add3A_99] : memref<320000xi32, #tpu.memory_space<hbm>> -> memref<832xi32, #tpu.memory_space<hbm>>
        tpu.enqueue_dma source(%dma_start3A_121 : memref<832xi32, #tpu.memory_space<hbm>>) target(%arg12 : memref<832xi32, #tpu.memory_space<vmem>>) target_semaphore(%run_scoped3A : memref<!tpu.dma_semaphore, #tpu.memory_space<semaphore_mem>>)
        %dma_wait3A = tpu.memref_slice %arg2[%add3A_99] : memref<320000xi32, #tpu.memory_space<hbm>> -> memref<832xi32, #tpu.memory_space<hbm>>
        %dma_wait3A_122 = tpu.memref_slice %arg2[%add3A_99] : memref<320000xi32, #tpu.memory_space<hbm>> -> memref<832xi32, #tpu.memory_space<hbm>>
        tpu.wait_dma2 semaphore(%run_scoped3A : memref<!tpu.dma_semaphore, #tpu.memory_space<semaphore_mem>>) src(%dma_wait3A_122 : memref<832xi32, #tpu.memory_space<hbm>>) dst(%arg12 : memref<832xi32, #tpu.memory_space<vmem>>)
        tpu.yield
      }) : () -> ()
      "tpu.region"() ({
        %run_scoped3A = tpu.sem_alloc : memref<!tpu.dma_semaphore, #tpu.memory_space<semaphore_mem>>
        %dma_start3A_120 = tpu.memref_slice %arg3[%add3A_99] : memref<320000xi32, #tpu.memory_space<hbm>> -> memref<832xi32, #tpu.memory_space<hbm>>
        %dma_start3A_121 = tpu.memref_slice %arg3[%add3A_99] : memref<320000xi32, #tpu.memory_space<hbm>> -> memref<832xi32, #tpu.memory_space<hbm>>
        tpu.enqueue_dma source(%dma_start3A_121 : memref<832xi32, #tpu.memory_space<hbm>>) target(%arg13 : memref<832xi32, #tpu.memory_space<vmem>>) target_semaphore(%run_scoped3A : memref<!tpu.dma_semaphore, #tpu.memory_space<semaphore_mem>>)
        %dma_wait3A = tpu.memref_slice %arg3[%add3A_99] : memref<320000xi32, #tpu.memory_space<hbm>> -> memref<832xi32, #tpu.memory_space<hbm>>
        %dma_wait3A_122 = tpu.memref_slice %arg3[%add3A_99] : memref<320000xi32, #tpu.memory_space<hbm>> -> memref<832xi32, #tpu.memory_space<hbm>>
        tpu.wait_dma2 semaphore(%run_scoped3A : memref<!tpu.dma_semaphore, #tpu.memory_space<semaphore_mem>>) src(%dma_wait3A_122 : memref<832xi32, #tpu.memory_space<hbm>>) dst(%arg13 : memref<832xi32, #tpu.memory_space<vmem>>)
        tpu.yield
      }) : () -> ()
      "tpu.region"() ({
        %run_scoped3A = tpu.sem_alloc : memref<!tpu.dma_semaphore, #tpu.memory_space<semaphore_mem>>
        %dma_start3A_120 = tpu.memref_slice %arg4[%add3A_99] : memref<320000xi32, #tpu.memory_space<hbm>> -> memref<832xi32, #tpu.memory_space<hbm>>
        %dma_start3A_121 = tpu.memref_slice %arg4[%add3A_99] : memref<320000xi32, #tpu.memory_space<hbm>> -> memref<832xi32, #tpu.memory_space<hbm>>
        tpu.enqueue_dma source(%dma_start3A_121 : memref<832xi32, #tpu.memory_space<hbm>>) target(%arg14 : memref<832xi32, #tpu.memory_space<vmem>>) target_semaphore(%run_scoped3A : memref<!tpu.dma_semaphore, #tpu.memory_space<semaphore_mem>>)
        %dma_wait3A = tpu.memref_slice %arg4[%add3A_99] : memref<320000xi32, #tpu.memory_space<hbm>> -> memref<832xi32, #tpu.memory_space<hbm>>
        %dma_wait3A_122 = tpu.memref_slice %arg4[%add3A_99] : memref<320000xi32, #tpu.memory_space<hbm>> -> memref<832xi32, #tpu.memory_space<hbm>>
        tpu.wait_dma2 semaphore(%run_scoped3A : memref<!tpu.dma_semaphore, #tpu.memory_space<semaphore_mem>>) src(%dma_wait3A_122 : memref<832xi32, #tpu.memory_space<hbm>>) dst(%arg14 : memref<832xi32, #tpu.memory_space<vmem>>)
        tpu.yield
      }) : () -> ()
      "tpu.region"() ({
        %run_scoped3A = tpu.sem_alloc : memref<!tpu.dma_semaphore, #tpu.memory_space<semaphore_mem>>
        %dma_start3A_120 = tpu.memref_slice %arg5[%add3A_99] : memref<320000xi32, #tpu.memory_space<hbm>> -> memref<832xi32, #tpu.memory_space<hbm>>
        %dma_start3A_121 = tpu.memref_slice %arg5[%add3A_99] : memref<320000xi32, #tpu.memory_space<hbm>> -> memref<832xi32, #tpu.memory_space<hbm>>
        tpu.enqueue_dma source(%dma_start3A_121 : memref<832xi32, #tpu.memory_space<hbm>>) target(%arg15 : memref<832xi32, #tpu.memory_space<vmem>>) target_semaphore(%run_scoped3A : memref<!tpu.dma_semaphore, #tpu.memory_space<semaphore_mem>>)
        %dma_wait3A = tpu.memref_slice %arg5[%add3A_99] : memref<320000xi32, #tpu.memory_space<hbm>> -> memref<832xi32, #tpu.memory_space<hbm>>
        %dma_wait3A_122 = tpu.memref_slice %arg5[%add3A_99] : memref<320000xi32, #tpu.memory_space<hbm>> -> memref<832xi32, #tpu.memory_space<hbm>>
        tpu.wait_dma2 semaphore(%run_scoped3A : memref<!tpu.dma_semaphore, #tpu.memory_space<semaphore_mem>>) src(%dma_wait3A_122 : memref<832xi32, #tpu.memory_space<hbm>>) dst(%arg15 : memref<832xi32, #tpu.memory_space<vmem>>)
        tpu.yield
      }) : () -> ()
      %dma_start3A = arith.constant 0 : i32
      %dma_start3A_100 = tpu.memref_slice %arg12[%dma_start3A] : memref<832xi32, #tpu.memory_space<vmem>> -> memref<32xi32, #tpu.memory_space<vmem>>
      %dma_start3A_101 = arith.constant 0 : i32
      %dma_start3A_102 = arith.constant 0 : i32
      %dma_start3A_103 = tpu.memref_slice %arg7[%dma_start3A_101, %dma_start3A_102] : memref<10000x256xf32, #tpu.memory_space<hbm>> -> memref<10000x256xf32, #tpu.memory_space<hbm>>
      tpu.enqueue_indirect_dma source(%dma_start3A_103 : memref<10000x256xf32, #tpu.memory_space<hbm>>) target(%arg18 : memref<32x256xf32, #tpu.memory_space<vmem>>) offsets(%dma_start3A_100 : memref<32xi32, #tpu.memory_space<vmem>>) semaphore(%arg29 : memref<!tpu.dma_semaphore, #tpu.memory_space<semaphore_mem>>)
      %dma_start3A_104 = arith.constant 0 : i32
      %dma_start3A_105 = tpu.memref_slice %arg13[%dma_start3A_104] : memref<832xi32, #tpu.memory_space<vmem>> -> memref<32xi32, #tpu.memory_space<vmem>>
      %dma_start3A_106 = arith.constant 0 : i32
      %dma_start3A_107 = arith.constant 0 : i32
      %dma_start3A_108 = tpu.memref_slice %arg8[%dma_start3A_106, %dma_start3A_107] : memref<10001x256xf32, #tpu.memory_space<hbm>> -> memref<10001x256xf32, #tpu.memory_space<hbm>>
      tpu.enqueue_indirect_dma source(%dma_start3A_108 : memref<10001x256xf32, #tpu.memory_space<hbm>>) target(%arg19 : memref<32x256xf32, #tpu.memory_space<vmem>>) offsets(%dma_start3A_105 : memref<32xi32, #tpu.memory_space<vmem>>) semaphore(%arg29 : memref<!tpu.dma_semaphore, #tpu.memory_space<semaphore_mem>>)
      %parallel_loop3A = arith.constant 0 : i32
      %parallel_loop3A_109 = arith.constant 2 : i32
      %parallel_loop3A_110 = arith.constant 1 : i32
      scf.for %parallel_loop3A_120 = %parallel_loop3A to %parallel_loop3A_109 step %parallel_loop3A_110  : i32 {
        %parallel_loop3A_121 = arith.constant 16 : i32
        %parallel_loop3A_122 = arith.muli %parallel_loop3A_120, %parallel_loop3A_121 : i32
        %parallel_loop3A_123 = arith.constant 0 : i32
        %parallel_loop3A_124 = arith.addi %parallel_loop3A_123, %parallel_loop3A_122 : i32
        %parallel_loop3A_125 = arith.index_cast %parallel_loop3A_124 : i32 to index
        %parallel_loop3A_126 = tpu.vector_load %arg15[%parallel_loop3A_125] {strides = array<i32>} : memref<832xi32, #tpu.memory_space<vmem>>, vector<16xi32>,
        %parallel_loop3A_127 = arith.constant 0 : i32
        %parallel_loop3A_128 = vector.broadcast %parallel_loop3A_127 : i32 to vector<16xi32>
        %parallel_loop3A_129 = arith.constant 0 : i32
        %parallel_loop3A_130 = vector.broadcast %parallel_loop3A_129 : i32 to vector<16xi32>
        %parallel_loop3A_131 = arith.cmpi eq, %iota3A, %parallel_loop3A_130 : vector<16xi32>
        %parallel_loop3A_132 = vector.extract_strided_slice %parallel_loop3A_126 {offsets = [0], sizes = [1], strides = [1]} : vector<16xi32> to vector<1xi32>
        %parallel_loop3A_133 = vector.extract %parallel_loop3A_132[0] : i32 from vector<1xi32>
        %parallel_loop3A_134 = arith.index_cast %parallel_loop3A_133 : i32 to index
        %parallel_loop3A_135 = tpu.vector_load %arg27[%parallel_loop3A_134] {strides = array<i32>} : memref<528xi32, #tpu.memory_space<vmem>>, vector<16xi32>,
        %parallel_loop3A_136 = vector.extract_strided_slice %parallel_loop3A_135 {offsets = [0], sizes = [1], strides = [1]} : vector<16xi32> to vector<1xi32>
        %parallel_loop3A_137 = vector.extract %parallel_loop3A_136[0] : i32 from vector<1xi32>
        %parallel_loop3A_138 = vector.broadcast %parallel_loop3A_137 : i32 to vector<16xi32>
        %parallel_loop3A_139 = arith.select %parallel_loop3A_131, %parallel_loop3A_138, %parallel_loop3A_128 : vector<16xi1>, vector<16xi32>
        %parallel_loop3A_140 = arith.constant 1 : i32
        %parallel_loop3A_141 = vector.broadcast %parallel_loop3A_140 : i32 to vector<16xi32>
        %parallel_loop3A_142 = arith.cmpi eq, %iota3A, %parallel_loop3A_141 : vector<16xi32>
        %parallel_loop3A_143 = vector.extract_strided_slice %parallel_loop3A_126 {offsets = [1], sizes = [1], strides = [1]} : vector<16xi32> to vector<1xi32>
        %parallel_loop3A_144 = vector.extract %parallel_loop3A_143[0] : i32 from vector<1xi32>
        %parallel_loop3A_145 = arith.index_cast %parallel_loop3A_144 : i32 to index
        %parallel_loop3A_146 = tpu.vector_load %arg27[%parallel_loop3A_145] {strides = array<i32>} : memref<528xi32, #tpu.memory_space<vmem>>, vector<16xi32>,
        %parallel_loop3A_147 = vector.extract_strided_slice %parallel_loop3A_146 {offsets = [0], sizes = [1], strides = [1]} : vector<16xi32> to vector<1xi32>
        %parallel_loop3A_148 = vector.extract %parallel_loop3A_147[0] : i32 from vector<1xi32>
        %parallel_loop3A_149 = vector.broadcast %parallel_loop3A_148 : i32 to vector<16xi32>
        %parallel_loop3A_150 = arith.select %parallel_loop3A_142, %parallel_loop3A_149, %parallel_loop3A_139 : vector<16xi1>, vector<16xi32>
        %parallel_loop3A_151 = arith.constant 2 : i32
        %parallel_loop3A_152 = vector.broadcast %parallel_loop3A_151 : i32 to vector<16xi32>
        %parallel_loop3A_153 = arith.cmpi eq, %iota3A, %parallel_loop3A_152 : vector<16xi32>
        %parallel_loop3A_154 = vector.extract_strided_slice %parallel_loop3A_126 {offsets = [2], sizes = [1], strides = [1]} : vector<16xi32> to vector<1xi32>
        %parallel_loop3A_155 = vector.extract %parallel_loop3A_154[0] : i32 from vector<1xi32>
        %parallel_loop3A_156 = arith.index_cast %parallel_loop3A_155 : i32 to index
        %parallel_loop3A_157 = tpu.vector_load %arg27[%parallel_loop3A_156] {strides = array<i32>} : memref<528xi32, #tpu.memory_space<vmem>>, vector<16xi32>,
        %parallel_loop3A_158 = vector.extract_strided_slice %parallel_loop3A_157 {offsets = [0], sizes = [1], strides = [1]} : vector<16xi32> to vector<1xi32>
        %parallel_loop3A_159 = vector.extract %parallel_loop3A_158[0] : i32 from vector<1xi32>
        %parallel_loop3A_160 = vector.broadcast %parallel_loop3A_159 : i32 to vector<16xi32>
        %parallel_loop3A_161 = arith.select %parallel_loop3A_153, %parallel_loop3A_160, %parallel_loop3A_150 : vector<16xi1>, vector<16xi32>
        %parallel_loop3A_162 = arith.constant 3 : i32
        %parallel_loop3A_163 = vector.broadcast %parallel_loop3A_162 : i32 to vector<16xi32>
        %parallel_loop3A_164 = arith.cmpi eq, %iota3A, %parallel_loop3A_163 : vector<16xi32>
        %parallel_loop3A_165 = vector.extract_strided_slice %parallel_loop3A_126 {offsets = [3], sizes = [1], strides = [1]} : vector<16xi32> to vector<1xi32>
        %parallel_loop3A_166 = vector.extract %parallel_loop3A_165[0] : i32 from vector<1xi32>
        %parallel_loop3A_167 = arith.index_cast %parallel_loop3A_166 : i32 to index
        %parallel_loop3A_168 = tpu.vector_load %arg27[%parallel_loop3A_167] {strides = array<i32>} : memref<528xi32, #tpu.memory_space<vmem>>, vector<16xi32>,
        %parallel_loop3A_169 = vector.extract_strided_slice %parallel_loop3A_168 {offsets = [0], sizes = [1], strides = [1]} : vector<16xi32> to vector<1xi32>
        %parallel_loop3A_170 = vector.extract %parallel_loop3A_169[0] : i32 from vector<1xi32>
        %parallel_loop3A_171 = vector.broadcast %parallel_loop3A_170 : i32 to vector<16xi32>
        %parallel_loop3A_172 = arith.select %parallel_loop3A_164, %parallel_loop3A_171, %parallel_loop3A_161 : vector<16xi1>, vector<16xi32>
        %parallel_loop3A_173 = arith.constant 4 : i32
        %parallel_loop3A_174 = vector.broadcast %parallel_loop3A_173 : i32 to vector<16xi32>
        %parallel_loop3A_175 = arith.cmpi eq, %iota3A, %parallel_loop3A_174 : vector<16xi32>
        %parallel_loop3A_176 = vector.extract_strided_slice %parallel_loop3A_126 {offsets = [4], sizes = [1], strides = [1]} : vector<16xi32> to vector<1xi32>
        %parallel_loop3A_177 = vector.extract %parallel_loop3A_176[0] : i32 from vector<1xi32>
        %parallel_loop3A_178 = arith.index_cast %parallel_loop3A_177 : i32 to index
        %parallel_loop3A_179 = tpu.vector_load %arg27[%parallel_loop3A_178] {strides = array<i32>} : memref<528xi32, #tpu.memory_space<vmem>>, vector<16xi32>,
        %parallel_loop3A_180 = vector.extract_strided_slice %parallel_loop3A_179 {offsets = [0], sizes = [1], strides = [1]} : vector<16xi32> to vector<1xi32>
        %parallel_loop3A_181 = vector.extract %parallel_loop3A_180[0] : i32 from vector<1xi32>
        %parallel_loop3A_182 = vector.broadcast %parallel_loop3A_181 : i32 to vector<16xi32>
        %parallel_loop3A_183 = arith.select %parallel_loop3A_175, %parallel_loop3A_182, %parallel_loop3A_172 : vector<16xi1>, vector<16xi32>
        %parallel_loop3A_184 = arith.constant 5 : i32
        %parallel_loop3A_185 = vector.broadcast %parallel_loop3A_184 : i32 to vector<16xi32>
        %parallel_loop3A_186 = arith.cmpi eq, %iota3A, %parallel_loop3A_185 : vector<16xi32>
        %parallel_loop3A_187 = vector.extract_strided_slice %parallel_loop3A_126 {offsets = [5], sizes = [1], strides = [1]} : vector<16xi32> to vector<1xi32>
        %parallel_loop3A_188 = vector.extract %parallel_loop3A_187[0] : i32 from vector<1xi32>
        %parallel_loop3A_189 = arith.index_cast %parallel_loop3A_188 : i32 to index
        %parallel_loop3A_190 = tpu.vector_load %arg27[%parallel_loop3A_189] {strides = array<i32>} : memref<528xi32, #tpu.memory_space<vmem>>, vector<16xi32>,
        %parallel_loop3A_191 = vector.extract_strided_slice %parallel_loop3A_190 {offsets = [0], sizes = [1], strides = [1]} : vector<16xi32> to vector<1xi32>
        %parallel_loop3A_192 = vector.extract %parallel_loop3A_191[0] : i32 from vector<1xi32>
        %parallel_loop3A_193 = vector.broadcast %parallel_loop3A_192 : i32 to vector<16xi32>
        %parallel_loop3A_194 = arith.select %parallel_loop3A_186, %parallel_loop3A_193, %parallel_loop3A_183 : vector<16xi1>, vector<16xi32>
        %parallel_loop3A_195 = arith.constant 6 : i32
        %parallel_loop3A_196 = vector.broadcast %parallel_loop3A_195 : i32 to vector<16xi32>
        %parallel_loop3A_197 = arith.cmpi eq, %iota3A, %parallel_loop3A_196 : vector<16xi32>
        %parallel_loop3A_198 = vector.extract_strided_slice %parallel_loop3A_126 {offsets = [6], sizes = [1], strides = [1]} : vector<16xi32> to vector<1xi32>
        %parallel_loop3A_199 = vector.extract %parallel_loop3A_198[0] : i32 from vector<1xi32>
        %parallel_loop3A_200 = arith.index_cast %parallel_loop3A_199 : i32 to index
        %parallel_loop3A_201 = tpu.vector_load %arg27[%parallel_loop3A_200] {strides = array<i32>} : memref<528xi32, #tpu.memory_space<vmem>>, vector<16xi32>,
        %parallel_loop3A_202 = vector.extract_strided_slice %parallel_loop3A_201 {offsets = [0], sizes = [1], strides = [1]} : vector<16xi32> to vector<1xi32>
        %parallel_loop3A_203 = vector.extract %parallel_loop3A_202[0] : i32 from vector<1xi32>
        %parallel_loop3A_204 = vector.broadcast %parallel_loop3A_203 : i32 to vector<16xi32>
        %parallel_loop3A_205 = arith.select %parallel_loop3A_197, %parallel_loop3A_204, %parallel_loop3A_194 : vector<16xi1>, vector<16xi32>
        %parallel_loop3A_206 = arith.constant 7 : i32
        %parallel_loop3A_207 = vector.broadcast %parallel_loop3A_206 : i32 to vector<16xi32>
        %parallel_loop3A_208 = arith.cmpi eq, %iota3A, %parallel_loop3A_207 : vector<16xi32>
        %parallel_loop3A_209 = vector.extract_strided_slice %parallel_loop3A_126 {offsets = [7], sizes = [1], strides = [1]} : vector<16xi32> to vector<1xi32>
        %parallel_loop3A_210 = vector.extract %parallel_loop3A_209[0] : i32 from vector<1xi32>
        %parallel_loop3A_211 = arith.index_cast %parallel_loop3A_210 : i32 to index
        %parallel_loop3A_212 = tpu.vector_load %arg27[%parallel_loop3A_211] {strides = array<i32>} : memref<528xi32, #tpu.memory_space<vmem>>, vector<16xi32>,
        %parallel_loop3A_213 = vector.extract_strided_slice %parallel_loop3A_212 {offsets = [0], sizes = [1], strides = [1]} : vector<16xi32> to vector<1xi32>
        %parallel_loop3A_214 = vector.extract %parallel_loop3A_213[0] : i32 from vector<1xi32>
        %parallel_loop3A_215 = vector.broadcast %parallel_loop3A_214 : i32 to vector<16xi32>
        %parallel_loop3A_216 = arith.select %parallel_loop3A_208, %parallel_loop3A_215, %parallel_loop3A_205 : vector<16xi1>, vector<16xi32>
        %parallel_loop3A_217 = arith.constant 8 : i32
        %parallel_loop3A_218 = vector.broadcast %parallel_loop3A_217 : i32 to vector<16xi32>
        %parallel_loop3A_219 = arith.cmpi eq, %iota3A, %parallel_loop3A_218 : vector<16xi32>
        %parallel_loop3A_220 = vector.extract_strided_slice %parallel_loop3A_126 {offsets = [8], sizes = [1], strides = [1]} : vector<16xi32> to vector<1xi32>
        %parallel_loop3A_221 = vector.extract %parallel_loop3A_220[0] : i32 from vector<1xi32>
        %parallel_loop3A_222 = arith.index_cast %parallel_loop3A_221 : i32 to index
        %parallel_loop3A_223 = tpu.vector_load %arg27[%parallel_loop3A_222] {strides = array<i32>} : memref<528xi32, #tpu.memory_space<vmem>>, vector<16xi32>,
        %parallel_loop3A_224 = vector.extract_strided_slice %parallel_loop3A_223 {offsets = [0], sizes = [1], strides = [1]} : vector<16xi32> to vector<1xi32>
        %parallel_loop3A_225 = vector.extract %parallel_loop3A_224[0] : i32 from vector<1xi32>
        %parallel_loop3A_226 = vector.broadcast %parallel_loop3A_225 : i32 to vector<16xi32>
        %parallel_loop3A_227 = arith.select %parallel_loop3A_219, %parallel_loop3A_226, %parallel_loop3A_216 : vector<16xi1>, vector<16xi32>
        %parallel_loop3A_228 = arith.constant 9 : i32
        %parallel_loop3A_229 = vector.broadcast %parallel_loop3A_228 : i32 to vector<16xi32>
        %parallel_loop3A_230 = arith.cmpi eq, %iota3A, %parallel_loop3A_229 : vector<16xi32>
        %parallel_loop3A_231 = vector.extract_strided_slice %parallel_loop3A_126 {offsets = [9], sizes = [1], strides = [1]} : vector<16xi32> to vector<1xi32>
        %parallel_loop3A_232 = vector.extract %parallel_loop3A_231[0] : i32 from vector<1xi32>
        %parallel_loop3A_233 = arith.index_cast %parallel_loop3A_232 : i32 to index
        %parallel_loop3A_234 = tpu.vector_load %arg27[%parallel_loop3A_233] {strides = array<i32>} : memref<528xi32, #tpu.memory_space<vmem>>, vector<16xi32>,
        %parallel_loop3A_235 = vector.extract_strided_slice %parallel_loop3A_234 {offsets = [0], sizes = [1], strides = [1]} : vector<16xi32> to vector<1xi32>
        %parallel_loop3A_236 = vector.extract %parallel_loop3A_235[0] : i32 from vector<1xi32>
        %parallel_loop3A_237 = vector.broadcast %parallel_loop3A_236 : i32 to vector<16xi32>
        %parallel_loop3A_238 = arith.select %parallel_loop3A_230, %parallel_loop3A_237, %parallel_loop3A_227 : vector<16xi1>, vector<16xi32>
        %parallel_loop3A_239 = arith.constant 10 : i32
        %parallel_loop3A_240 = vector.broadcast %parallel_loop3A_239 : i32 to vector<16xi32>
        %parallel_loop3A_241 = arith.cmpi eq, %iota3A, %parallel_loop3A_240 : vector<16xi32>
        %parallel_loop3A_242 = vector.extract_strided_slice %parallel_loop3A_126 {offsets = [10], sizes = [1], strides = [1]} : vector<16xi32> to vector<1xi32>
        %parallel_loop3A_243 = vector.extract %parallel_loop3A_242[0] : i32 from vector<1xi32>
        %parallel_loop3A_244 = arith.index_cast %parallel_loop3A_243 : i32 to index
        %parallel_loop3A_245 = tpu.vector_load %arg27[%parallel_loop3A_244] {strides = array<i32>} : memref<528xi32, #tpu.memory_space<vmem>>, vector<16xi32>,
        %parallel_loop3A_246 = vector.extract_strided_slice %parallel_loop3A_245 {offsets = [0], sizes = [1], strides = [1]} : vector<16xi32> to vector<1xi32>
        %parallel_loop3A_247 = vector.extract %parallel_loop3A_246[0] : i32 from vector<1xi32>
        %parallel_loop3A_248 = vector.broadcast %parallel_loop3A_247 : i32 to vector<16xi32>
        %parallel_loop3A_249 = arith.select %parallel_loop3A_241, %parallel_loop3A_248, %parallel_loop3A_238 : vector<16xi1>, vector<16xi32>
        %parallel_loop3A_250 = arith.constant 11 : i32
        %parallel_loop3A_251 = vector.broadcast %parallel_loop3A_250 : i32 to vector<16xi32>
        %parallel_loop3A_252 = arith.cmpi eq, %iota3A, %parallel_loop3A_251 : vector<16xi32>
        %parallel_loop3A_253 = vector.extract_strided_slice %parallel_loop3A_126 {offsets = [11], sizes = [1], strides = [1]} : vector<16xi32> to vector<1xi32>
        %parallel_loop3A_254 = vector.extract %parallel_loop3A_253[0] : i32 from vector<1xi32>
        %parallel_loop3A_255 = arith.index_cast %parallel_loop3A_254 : i32 to index
        %parallel_loop3A_256 = tpu.vector_load %arg27[%parallel_loop3A_255] {strides = array<i32>} : memref<528xi32, #tpu.memory_space<vmem>>, vector<16xi32>,
        %parallel_loop3A_257 = vector.extract_strided_slice %parallel_loop3A_256 {offsets = [0], sizes = [1], strides = [1]} : vector<16xi32> to vector<1xi32>
        %parallel_loop3A_258 = vector.extract %parallel_loop3A_257[0] : i32 from vector<1xi32>
        %parallel_loop3A_259 = vector.broadcast %parallel_loop3A_258 : i32 to vector<16xi32>
        %parallel_loop3A_260 = arith.select %parallel_loop3A_252, %parallel_loop3A_259, %parallel_loop3A_249 : vector<16xi1>, vector<16xi32>
        %parallel_loop3A_261 = arith.constant 12 : i32
        %parallel_loop3A_262 = vector.broadcast %parallel_loop3A_261 : i32 to vector<16xi32>
        %parallel_loop3A_263 = arith.cmpi eq, %iota3A, %parallel_loop3A_262 : vector<16xi32>
        %parallel_loop3A_264 = vector.extract_strided_slice %parallel_loop3A_126 {offsets = [12], sizes = [1], strides = [1]} : vector<16xi32> to vector<1xi32>
        %parallel_loop3A_265 = vector.extract %parallel_loop3A_264[0] : i32 from vector<1xi32>
        %parallel_loop3A_266 = arith.index_cast %parallel_loop3A_265 : i32 to index
        %parallel_loop3A_267 = tpu.vector_load %arg27[%parallel_loop3A_266] {strides = array<i32>} : memref<528xi32, #tpu.memory_space<vmem>>, vector<16xi32>,
        %parallel_loop3A_268 = vector.extract_strided_slice %parallel_loop3A_267 {offsets = [0], sizes = [1], strides = [1]} : vector<16xi32> to vector<1xi32>
        %parallel_loop3A_269 = vector.extract %parallel_loop3A_268[0] : i32 from vector<1xi32>
        %parallel_loop3A_270 = vector.broadcast %parallel_loop3A_269 : i32 to vector<16xi32>
        %parallel_loop3A_271 = arith.select %parallel_loop3A_263, %parallel_loop3A_270, %parallel_loop3A_260 : vector<16xi1>, vector<16xi32>
        %parallel_loop3A_272 = arith.constant 13 : i32
        %parallel_loop3A_273 = vector.broadcast %parallel_loop3A_272 : i32 to vector<16xi32>
        %parallel_loop3A_274 = arith.cmpi eq, %iota3A, %parallel_loop3A_273 : vector<16xi32>
        %parallel_loop3A_275 = vector.extract_strided_slice %parallel_loop3A_126 {offsets = [13], sizes = [1], strides = [1]} : vector<16xi32> to vector<1xi32>
        %parallel_loop3A_276 = vector.extract %parallel_loop3A_275[0] : i32 from vector<1xi32>
        %parallel_loop3A_277 = arith.index_cast %parallel_loop3A_276 : i32 to index
        %parallel_loop3A_278 = tpu.vector_load %arg27[%parallel_loop3A_277] {strides = array<i32>} : memref<528xi32, #tpu.memory_space<vmem>>, vector<16xi32>,
        %parallel_loop3A_279 = vector.extract_strided_slice %parallel_loop3A_278 {offsets = [0], sizes = [1], strides = [1]} : vector<16xi32> to vector<1xi32>
        %parallel_loop3A_280 = vector.extract %parallel_loop3A_279[0] : i32 from vector<1xi32>
        %parallel_loop3A_281 = vector.broadcast %parallel_loop3A_280 : i32 to vector<16xi32>
        %parallel_loop3A_282 = arith.select %parallel_loop3A_274, %parallel_loop3A_281, %parallel_loop3A_271 : vector<16xi1>, vector<16xi32>
        %parallel_loop3A_283 = arith.constant 14 : i32
        %parallel_loop3A_284 = vector.broadcast %parallel_loop3A_283 : i32 to vector<16xi32>
        %parallel_loop3A_285 = arith.cmpi eq, %iota3A, %parallel_loop3A_284 : vector<16xi32>
        %parallel_loop3A_286 = vector.extract_strided_slice %parallel_loop3A_126 {offsets = [14], sizes = [1], strides = [1]} : vector<16xi32> to vector<1xi32>
        %parallel_loop3A_287 = vector.extract %parallel_loop3A_286[0] : i32 from vector<1xi32>
        %parallel_loop3A_288 = arith.index_cast %parallel_loop3A_287 : i32 to index
        %parallel_loop3A_289 = tpu.vector_load %arg27[%parallel_loop3A_288] {strides = array<i32>} : memref<528xi32, #tpu.memory_space<vmem>>, vector<16xi32>,
        %parallel_loop3A_290 = vector.extract_strided_slice %parallel_loop3A_289 {offsets = [0], sizes = [1], strides = [1]} : vector<16xi32> to vector<1xi32>
        %parallel_loop3A_291 = vector.extract %parallel_loop3A_290[0] : i32 from vector<1xi32>
        %parallel_loop3A_292 = vector.broadcast %parallel_loop3A_291 : i32 to vector<16xi32>
        %parallel_loop3A_293 = arith.select %parallel_loop3A_285, %parallel_loop3A_292, %parallel_loop3A_282 : vector<16xi1>, vector<16xi32>
        %parallel_loop3A_294 = arith.constant 15 : i32
        %parallel_loop3A_295 = vector.broadcast %parallel_loop3A_294 : i32 to vector<16xi32>
        %parallel_loop3A_296 = arith.cmpi eq, %iota3A, %parallel_loop3A_295 : vector<16xi32>
        %parallel_loop3A_297 = vector.extract_strided_slice %parallel_loop3A_126 {offsets = [15], sizes = [1], strides = [1]} : vector<16xi32> to vector<1xi32>
        %parallel_loop3A_298 = vector.extract %parallel_loop3A_297[0] : i32 from vector<1xi32>
        %parallel_loop3A_299 = arith.index_cast %parallel_loop3A_298 : i32 to index
        %parallel_loop3A_300 = tpu.vector_load %arg27[%parallel_loop3A_299] {strides = array<i32>} : memref<528xi32, #tpu.memory_space<vmem>>, vector<16xi32>,
        %parallel_loop3A_301 = vector.extract_strided_slice %parallel_loop3A_300 {offsets = [0], sizes = [1], strides = [1]} : vector<16xi32> to vector<1xi32>
        %parallel_loop3A_302 = vector.extract %parallel_loop3A_301[0] : i32 from vector<1xi32>
        %parallel_loop3A_303 = vector.broadcast %parallel_loop3A_302 : i32 to vector<16xi32>
        %parallel_loop3A_304 = arith.select %parallel_loop3A_296, %parallel_loop3A_303, %parallel_loop3A_293 : vector<16xi1>, vector<16xi32>
        %parallel_loop3A_305 = arith.constant 16 : i32
        %parallel_loop3A_306 = arith.muli %parallel_loop3A_120, %parallel_loop3A_305 : i32
        %parallel_loop3A_307 = arith.index_cast %parallel_loop3A_306 : i32 to index
        %parallel_loop3A_308 = tpu.vector_load %arg16[%parallel_loop3A_307] {strides = array<i32>} : memref<32xi32, #tpu.memory_space<vmem>>, vector<16xi32>,
        tpu.vector_store %arg16[%parallel_loop3A_307], %parallel_loop3A_304 {strides = array<i32>} : memref<32xi32, #tpu.memory_space<vmem>>, vector<16xi32>,
      } {sc.loop_unroll_factor = 2 : i64, sc.parallel_access}
      %dma_start3A_111 = arith.constant 0 : i32
      %dma_start3A_112 = arith.constant 0 : i32
      %dma_start3A_113 = tpu.memref_slice %arg9[%dma_start3A_111, %dma_start3A_112] : memref<10001x128xf32, #tpu.memory_space<hbm>> -> memref<10001x128xf32, #tpu.memory_space<hbm>>
      tpu.enqueue_indirect_dma source(%dma_start3A_113 : memref<10001x128xf32, #tpu.memory_space<hbm>>) target(%arg22 : memref<32x128xf32, #tpu.memory_space<vmem>>) offsets(%arg16 : memref<32xi32, #tpu.memory_space<vmem>>) semaphore(%arg31 : memref<!tpu.dma_semaphore, #tpu.memory_space<semaphore_mem>>)
      %scan3A_114 = arith.constant 0 : i32
      %scan3A_115 = arith.constant 0 : i32
      %scan3A_116 = arith.constant 13 : i32
      %scan3A_117 = arith.addi %scan3A_115, %scan3A_116 : i32
      %scan3A_118 = arith.constant 1 : i32
      scf.for %scan3A_120 = %scan3A_115 to %scan3A_117 step %scan3A_118  : i32 {
        %mul3A_121 = arith.constant 2 : i32
        %mul3A_122 = arith.muli %scan3A_120, %mul3A_121 : i32
        %add3A_123 = arith.constant 1 : i32
        %add3A_124 = arith.addi %mul3A_122, %add3A_123 : i32
        %mul3A_125 = arith.constant 32 : i32
        %mul3A_126 = arith.muli %add3A_124, %mul3A_125 : i32
        %dma_start3A_127 = tpu.memref_slice %arg12[%mul3A_126] : memref<832xi32, #tpu.memory_space<vmem>> -> memref<32xi32, #tpu.memory_space<vmem>>
        %dma_start3A_128 = arith.constant 0 : i32
        %dma_start3A_129 = arith.constant 0 : i32
        %dma_start3A_130 = tpu.memref_slice %arg7[%dma_start3A_128, %dma_start3A_129] : memref<10000x256xf32, #tpu.memory_space<hbm>> -> memref<10000x256xf32, #tpu.memory_space<hbm>>
        tpu.enqueue_indirect_dma source(%dma_start3A_130 : memref<10000x256xf32, #tpu.memory_space<hbm>>) target(%arg20 : memref<32x256xf32, #tpu.memory_space<vmem>>) offsets(%dma_start3A_127 : memref<32xi32, #tpu.memory_space<vmem>>) semaphore(%arg30 : memref<!tpu.dma_semaphore, #tpu.memory_space<semaphore_mem>>)
        %dma_start3A_131 = tpu.memref_slice %arg13[%mul3A_126] : memref<832xi32, #tpu.memory_space<vmem>> -> memref<32xi32, #tpu.memory_space<vmem>>
        %dma_start3A_132 = arith.constant 0 : i32
        %dma_start3A_133 = arith.constant 0 : i32
        %dma_start3A_134 = tpu.memref_slice %arg8[%dma_start3A_132, %dma_start3A_133] : memref<10001x256xf32, #tpu.memory_space<hbm>> -> memref<10001x256xf32, #tpu.memory_space<hbm>>
        tpu.enqueue_indirect_dma source(%dma_start3A_134 : memref<10001x256xf32, #tpu.memory_space<hbm>>) target(%arg21 : memref<32x256xf32, #tpu.memory_space<vmem>>) offsets(%dma_start3A_131 : memref<32xi32, #tpu.memory_space<vmem>>) semaphore(%arg30 : memref<!tpu.dma_semaphore, #tpu.memory_space<semaphore_mem>>)
        %add3A_135 = arith.constant 1 : i32
        %add3A_136 = arith.addi %mul3A_122, %add3A_135 : i32
        %dma_wait3A = arith.constant 0 : i32
        %dma_wait3A_137 = tpu.memref_slice %arg12[%dma_wait3A] : memref<832xi32, #tpu.memory_space<vmem>> -> memref<32xi32, #tpu.memory_space<vmem>>
        %dma_wait3A_138 = arith.constant 0 : i32
        %dma_wait3A_139 = arith.constant 0 : i32
        %dma_wait3A_140 = tpu.memref_slice %arg7[%dma_wait3A_138, %dma_wait3A_139] : memref<10000x256xf32, #tpu.memory_space<hbm>> -> memref<10000x256xf32, #tpu.memory_space<hbm>>
        tpu.wait_indirect_dma semaphore(%arg29 : memref<!tpu.dma_semaphore, #tpu.memory_space<semaphore_mem>>) src(%dma_wait3A_140 : memref<10000x256xf32, #tpu.memory_space<hbm>>) dst(%arg18 : memref<32x256xf32, #tpu.memory_space<vmem>>)
        %dma_wait3A_141 = arith.constant 0 : i32
        %dma_wait3A_142 = tpu.memref_slice %arg13[%dma_wait3A_141] : memref<832xi32, #tpu.memory_space<vmem>> -> memref<32xi32, #tpu.memory_space<vmem>>
        %dma_wait3A_143 = arith.constant 0 : i32
        %dma_wait3A_144 = arith.constant 0 : i32
        %dma_wait3A_145 = tpu.memref_slice %arg8[%dma_wait3A_143, %dma_wait3A_144] : memref<10001x256xf32, #tpu.memory_space<hbm>> -> memref<10001x256xf32, #tpu.memory_space<hbm>>
        tpu.wait_indirect_dma semaphore(%arg29 : memref<!tpu.dma_semaphore, #tpu.memory_space<semaphore_mem>>) src(%dma_wait3A_145 : memref<10001x256xf32, #tpu.memory_space<hbm>>) dst(%arg19 : memref<32x256xf32, #tpu.memory_space<vmem>>)
        %dma_wait3A_146 = arith.constant 0 : i32
        %dma_wait3A_147 = arith.constant 0 : i32
        %dma_wait3A_148 = tpu.memref_slice %arg9[%dma_wait3A_146, %dma_wait3A_147] : memref<10001x128xf32, #tpu.memory_space<hbm>> -> memref<10001x128xf32, #tpu.memory_space<hbm>>
        tpu.wait_indirect_dma semaphore(%arg31 : memref<!tpu.dma_semaphore, #tpu.memory_space<semaphore_mem>>) src(%dma_wait3A_148 : memref<10001x128xf32, #tpu.memory_space<hbm>>) dst(%arg22 : memref<32x128xf32, #tpu.memory_space<vmem>>)
        %mul3A_149 = arith.constant 32 : i32
        %mul3A_150 = arith.muli %add3A_136, %mul3A_149 : i32
        %parallel_loop3A_151 = arith.constant 0 : i32
        %parallel_loop3A_152 = arith.constant 2 : i32
        %parallel_loop3A_153 = arith.constant 1 : i32
        scf.for %parallel_loop3A_220 = %parallel_loop3A_151 to %parallel_loop3A_152 step %parallel_loop3A_153  : i32 {
          %parallel_loop3A_221 = arith.constant 16 : i32
          %parallel_loop3A_222 = arith.muli %parallel_loop3A_220, %parallel_loop3A_221 : i32
          %parallel_loop3A_223 = arith.addi %mul3A_150, %parallel_loop3A_222 : i32
          %parallel_loop3A_224 = arith.index_cast %parallel_loop3A_223 : i32 to index
          %parallel_loop3A_225 = tpu.vector_load %arg15[%parallel_loop3A_224] {strides = array<i32>} : memref<832xi32, #tpu.memory_space<vmem>>, vector<16xi32>,
          %parallel_loop3A_226 = arith.constant 0 : i32
          %parallel_loop3A_227 = vector.broadcast %parallel_loop3A_226 : i32 to vector<16xi32>
          %parallel_loop3A_228 = arith.constant 0 : i32
          %parallel_loop3A_229 = vector.broadcast %parallel_loop3A_228 : i32 to vector<16xi32>
          %parallel_loop3A_230 = arith.cmpi eq, %iota3A, %parallel_loop3A_229 : vector<16xi32>
          %parallel_loop3A_231 = vector.extract_strided_slice %parallel_loop3A_225 {offsets = [0], sizes = [1], strides = [1]} : vector<16xi32> to vector<1xi32>
          %parallel_loop3A_232 = vector.extract %parallel_loop3A_231[0] : i32 from vector<1xi32>
          %parallel_loop3A_233 = arith.index_cast %parallel_loop3A_232 : i32 to index
          %parallel_loop3A_234 = tpu.vector_load %arg27[%parallel_loop3A_233] {strides = array<i32>} : memref<528xi32, #tpu.memory_space<vmem>>, vector<16xi32>,
          %parallel_loop3A_235 = vector.extract_strided_slice %parallel_loop3A_234 {offsets = [0], sizes = [1], strides = [1]} : vector<16xi32> to vector<1xi32>
          %parallel_loop3A_236 = vector.extract %parallel_loop3A_235[0] : i32 from vector<1xi32>
          %parallel_loop3A_237 = vector.broadcast %parallel_loop3A_236 : i32 to vector<16xi32>
          %parallel_loop3A_238 = arith.select %parallel_loop3A_230, %parallel_loop3A_237, %parallel_loop3A_227 : vector<16xi1>, vector<16xi32>
          %parallel_loop3A_239 = arith.constant 1 : i32
          %parallel_loop3A_240 = vector.broadcast %parallel_loop3A_239 : i32 to vector<16xi32>
          %parallel_loop3A_241 = arith.cmpi eq, %iota3A, %parallel_loop3A_240 : vector<16xi32>
          %parallel_loop3A_242 = vector.extract_strided_slice %parallel_loop3A_225 {offsets = [1], sizes = [1], strides = [1]} : vector<16xi32> to vector<1xi32>
          %parallel_loop3A_243 = vector.extract %parallel_loop3A_242[0] : i32 from vector<1xi32>
          %parallel_loop3A_244 = arith.index_cast %parallel_loop3A_243 : i32 to index
          %parallel_loop3A_245 = tpu.vector_load %arg27[%parallel_loop3A_244] {strides = array<i32>} : memref<528xi32, #tpu.memory_space<vmem>>, vector<16xi32>,
          %parallel_loop3A_246 = vector.extract_strided_slice %parallel_loop3A_245 {offsets = [0], sizes = [1], strides = [1]} : vector<16xi32> to vector<1xi32>
          %parallel_loop3A_247 = vector.extract %parallel_loop3A_246[0] : i32 from vector<1xi32>
          %parallel_loop3A_248 = vector.broadcast %parallel_loop3A_247 : i32 to vector<16xi32>
          %parallel_loop3A_249 = arith.select %parallel_loop3A_241, %parallel_loop3A_248, %parallel_loop3A_238 : vector<16xi1>, vector<16xi32>
          %parallel_loop3A_250 = arith.constant 2 : i32
          %parallel_loop3A_251 = vector.broadcast %parallel_loop3A_250 : i32 to vector<16xi32>
          %parallel_loop3A_252 = arith.cmpi eq, %iota3A, %parallel_loop3A_251 : vector<16xi32>
          %parallel_loop3A_253 = vector.extract_strided_slice %parallel_loop3A_225 {offsets = [2], sizes = [1], strides = [1]} : vector<16xi32> to vector<1xi32>
          %parallel_loop3A_254 = vector.extract %parallel_loop3A_253[0] : i32 from vector<1xi32>
          %parallel_loop3A_255 = arith.index_cast %parallel_loop3A_254 : i32 to index
          %parallel_loop3A_256 = tpu.vector_load %arg27[%parallel_loop3A_255] {strides = array<i32>} : memref<528xi32, #tpu.memory_space<vmem>>, vector<16xi32>,
          %parallel_loop3A_257 = vector.extract_strided_slice %parallel_loop3A_256 {offsets = [0], sizes = [1], strides = [1]} : vector<16xi32> to vector<1xi32>
          %parallel_loop3A_258 = vector.extract %parallel_loop3A_257[0] : i32 from vector<1xi32>
          %parallel_loop3A_259 = vector.broadcast %parallel_loop3A_258 : i32 to vector<16xi32>
          %parallel_loop3A_260 = arith.select %parallel_loop3A_252, %parallel_loop3A_259, %parallel_loop3A_249 : vector<16xi1>, vector<16xi32>
          %parallel_loop3A_261 = arith.constant 3 : i32
          %parallel_loop3A_262 = vector.broadcast %parallel_loop3A_261 : i32 to vector<16xi32>
          %parallel_loop3A_263 = arith.cmpi eq, %iota3A, %parallel_loop3A_262 : vector<16xi32>
          %parallel_loop3A_264 = vector.extract_strided_slice %parallel_loop3A_225 {offsets = [3], sizes = [1], strides = [1]} : vector<16xi32> to vector<1xi32>
          %parallel_loop3A_265 = vector.extract %parallel_loop3A_264[0] : i32 from vector<1xi32>
          %parallel_loop3A_266 = arith.index_cast %parallel_loop3A_265 : i32 to index
          %parallel_loop3A_267 = tpu.vector_load %arg27[%parallel_loop3A_266] {strides = array<i32>} : memref<528xi32, #tpu.memory_space<vmem>>, vector<16xi32>,
          %parallel_loop3A_268 = vector.extract_strided_slice %parallel_loop3A_267 {offsets = [0], sizes = [1], strides = [1]} : vector<16xi32> to vector<1xi32>
          %parallel_loop3A_269 = vector.extract %parallel_loop3A_268[0] : i32 from vector<1xi32>
          %parallel_loop3A_270 = vector.broadcast %parallel_loop3A_269 : i32 to vector<16xi32>
          %parallel_loop3A_271 = arith.select %parallel_loop3A_263, %parallel_loop3A_270, %parallel_loop3A_260 : vector<16xi1>, vector<16xi32>
          %parallel_loop3A_272 = arith.constant 4 : i32
          %parallel_loop3A_273 = vector.broadcast %parallel_loop3A_272 : i32 to vector<16xi32>
          %parallel_loop3A_274 = arith.cmpi eq, %iota3A, %parallel_loop3A_273 : vector<16xi32>
          %parallel_loop3A_275 = vector.extract_strided_slice %parallel_loop3A_225 {offsets = [4], sizes = [1], strides = [1]} : vector<16xi32> to vector<1xi32>
          %parallel_loop3A_276 = vector.extract %parallel_loop3A_275[0] : i32 from vector<1xi32>
          %parallel_loop3A_277 = arith.index_cast %parallel_loop3A_276 : i32 to index
          %parallel_loop3A_278 = tpu.vector_load %arg27[%parallel_loop3A_277] {strides = array<i32>} : memref<528xi32, #tpu.memory_space<vmem>>, vector<16xi32>,
          %parallel_loop3A_279 = vector.extract_strided_slice %parallel_loop3A_278 {offsets = [0], sizes = [1], strides = [1]} : vector<16xi32> to vector<1xi32>
          %parallel_loop3A_280 = vector.extract %parallel_loop3A_279[0] : i32 from vector<1xi32>
          %parallel_loop3A_281 = vector.broadcast %parallel_loop3A_280 : i32 to vector<16xi32>
          %parallel_loop3A_282 = arith.select %parallel_loop3A_274, %parallel_loop3A_281, %parallel_loop3A_271 : vector<16xi1>, vector<16xi32>
          %parallel_loop3A_283 = arith.constant 5 : i32
          %parallel_loop3A_284 = vector.broadcast %parallel_loop3A_283 : i32 to vector<16xi32>
          %parallel_loop3A_285 = arith.cmpi eq, %iota3A, %parallel_loop3A_284 : vector<16xi32>
          %parallel_loop3A_286 = vector.extract_strided_slice %parallel_loop3A_225 {offsets = [5], sizes = [1], strides = [1]} : vector<16xi32> to vector<1xi32>
          %parallel_loop3A_287 = vector.extract %parallel_loop3A_286[0] : i32 from vector<1xi32>
          %parallel_loop3A_288 = arith.index_cast %parallel_loop3A_287 : i32 to index
          %parallel_loop3A_289 = tpu.vector_load %arg27[%parallel_loop3A_288] {strides = array<i32>} : memref<528xi32, #tpu.memory_space<vmem>>, vector<16xi32>,
          %parallel_loop3A_290 = vector.extract_strided_slice %parallel_loop3A_289 {offsets = [0], sizes = [1], strides = [1]} : vector<16xi32> to vector<1xi32>
          %parallel_loop3A_291 = vector.extract %parallel_loop3A_290[0] : i32 from vector<1xi32>
          %parallel_loop3A_292 = vector.broadcast %parallel_loop3A_291 : i32 to vector<16xi32>
          %parallel_loop3A_293 = arith.select %parallel_loop3A_285, %parallel_loop3A_292, %parallel_loop3A_282 : vector<16xi1>, vector<16xi32>
          %parallel_loop3A_294 = arith.constant 6 : i32
          %parallel_loop3A_295 = vector.broadcast %parallel_loop3A_294 : i32 to vector<16xi32>
          %parallel_loop3A_296 = arith.cmpi eq, %iota3A, %parallel_loop3A_295 : vector<16xi32>
          %parallel_loop3A_297 = vector.extract_strided_slice %parallel_loop3A_225 {offsets = [6], sizes = [1], strides = [1]} : vector<16xi32> to vector<1xi32>
          %parallel_loop3A_298 = vector.extract %parallel_loop3A_297[0] : i32 from vector<1xi32>
          %parallel_loop3A_299 = arith.index_cast %parallel_loop3A_298 : i32 to index
          %parallel_loop3A_300 = tpu.vector_load %arg27[%parallel_loop3A_299] {strides = array<i32>} : memref<528xi32, #tpu.memory_space<vmem>>, vector<16xi32>,
          %parallel_loop3A_301 = vector.extract_strided_slice %parallel_loop3A_300 {offsets = [0], sizes = [1], strides = [1]} : vector<16xi32> to vector<1xi32>
          %parallel_loop3A_302 = vector.extract %parallel_loop3A_301[0] : i32 from vector<1xi32>
          %parallel_loop3A_303 = vector.broadcast %parallel_loop3A_302 : i32 to vector<16xi32>
          %parallel_loop3A_304 = arith.select %parallel_loop3A_296, %parallel_loop3A_303, %parallel_loop3A_293 : vector<16xi1>, vector<16xi32>
          %parallel_loop3A_305 = arith.constant 7 : i32
          %parallel_loop3A_306 = vector.broadcast %parallel_loop3A_305 : i32 to vector<16xi32>
          %parallel_loop3A_307 = arith.cmpi eq, %iota3A, %parallel_loop3A_306 : vector<16xi32>
          %parallel_loop3A_308 = vector.extract_strided_slice %parallel_loop3A_225 {offsets = [7], sizes = [1], strides = [1]} : vector<16xi32> to vector<1xi32>
          %parallel_loop3A_309 = vector.extract %parallel_loop3A_308[0] : i32 from vector<1xi32>
          %parallel_loop3A_310 = arith.index_cast %parallel_loop3A_309 : i32 to index
          %parallel_loop3A_311 = tpu.vector_load %arg27[%parallel_loop3A_310] {strides = array<i32>} : memref<528xi32, #tpu.memory_space<vmem>>, vector<16xi32>,
          %parallel_loop3A_312 = vector.extract_strided_slice %parallel_loop3A_311 {offsets = [0], sizes = [1], strides = [1]} : vector<16xi32> to vector<1xi32>
          %parallel_loop3A_313 = vector.extract %parallel_loop3A_312[0] : i32 from vector<1xi32>
          %parallel_loop3A_314 = vector.broadcast %parallel_loop3A_313 : i32 to vector<16xi32>
          %parallel_loop3A_315 = arith.select %parallel_loop3A_307, %parallel_loop3A_314, %parallel_loop3A_304 : vector<16xi1>, vector<16xi32>
          %parallel_loop3A_316 = arith.constant 8 : i32
          %parallel_loop3A_317 = vector.broadcast %parallel_loop3A_316 : i32 to vector<16xi32>
          %parallel_loop3A_318 = arith.cmpi eq, %iota3A, %parallel_loop3A_317 : vector<16xi32>
          %parallel_loop3A_319 = vector.extract_strided_slice %parallel_loop3A_225 {offsets = [8], sizes = [1], strides = [1]} : vector<16xi32> to vector<1xi32>
          %parallel_loop3A_320 = vector.extract %parallel_loop3A_319[0] : i32 from vector<1xi32>
          %parallel_loop3A_321 = arith.index_cast %parallel_loop3A_320 : i32 to index
          %parallel_loop3A_322 = tpu.vector_load %arg27[%parallel_loop3A_321] {strides = array<i32>} : memref<528xi32, #tpu.memory_space<vmem>>, vector<16xi32>,
          %parallel_loop3A_323 = vector.extract_strided_slice %parallel_loop3A_322 {offsets = [0], sizes = [1], strides = [1]} : vector<16xi32> to vector<1xi32>
          %parallel_loop3A_324 = vector.extract %parallel_loop3A_323[0] : i32 from vector<1xi32>
          %parallel_loop3A_325 = vector.broadcast %parallel_loop3A_324 : i32 to vector<16xi32>
          %parallel_loop3A_326 = arith.select %parallel_loop3A_318, %parallel_loop3A_325, %parallel_loop3A_315 : vector<16xi1>, vector<16xi32>
          %parallel_loop3A_327 = arith.constant 9 : i32
          %parallel_loop3A_328 = vector.broadcast %parallel_loop3A_327 : i32 to vector<16xi32>
          %parallel_loop3A_329 = arith.cmpi eq, %iota3A, %parallel_loop3A_328 : vector<16xi32>
          %parallel_loop3A_330 = vector.extract_strided_slice %parallel_loop3A_225 {offsets = [9], sizes = [1], strides = [1]} : vector<16xi32> to vector<1xi32>
          %parallel_loop3A_331 = vector.extract %parallel_loop3A_330[0] : i32 from vector<1xi32>
          %parallel_loop3A_332 = arith.index_cast %parallel_loop3A_331 : i32 to index
          %parallel_loop3A_333 = tpu.vector_load %arg27[%parallel_loop3A_332] {strides = array<i32>} : memref<528xi32, #tpu.memory_space<vmem>>, vector<16xi32>,
          %parallel_loop3A_334 = vector.extract_strided_slice %parallel_loop3A_333 {offsets = [0], sizes = [1], strides = [1]} : vector<16xi32> to vector<1xi32>
          %parallel_loop3A_335 = vector.extract %parallel_loop3A_334[0] : i32 from vector<1xi32>
          %parallel_loop3A_336 = vector.broadcast %parallel_loop3A_335 : i32 to vector<16xi32>
          %parallel_loop3A_337 = arith.select %parallel_loop3A_329, %parallel_loop3A_336, %parallel_loop3A_326 : vector<16xi1>, vector<16xi32>
          %parallel_loop3A_338 = arith.constant 10 : i32
          %parallel_loop3A_339 = vector.broadcast %parallel_loop3A_338 : i32 to vector<16xi32>
          %parallel_loop3A_340 = arith.cmpi eq, %iota3A, %parallel_loop3A_339 : vector<16xi32>
          %parallel_loop3A_341 = vector.extract_strided_slice %parallel_loop3A_225 {offsets = [10], sizes = [1], strides = [1]} : vector<16xi32> to vector<1xi32>
          %parallel_loop3A_342 = vector.extract %parallel_loop3A_341[0] : i32 from vector<1xi32>
          %parallel_loop3A_343 = arith.index_cast %parallel_loop3A_342 : i32 to index
          %parallel_loop3A_344 = tpu.vector_load %arg27[%parallel_loop3A_343] {strides = array<i32>} : memref<528xi32, #tpu.memory_space<vmem>>, vector<16xi32>,
          %parallel_loop3A_345 = vector.extract_strided_slice %parallel_loop3A_344 {offsets = [0], sizes = [1], strides = [1]} : vector<16xi32> to vector<1xi32>
          %parallel_loop3A_346 = vector.extract %parallel_loop3A_345[0] : i32 from vector<1xi32>
          %parallel_loop3A_347 = vector.broadcast %parallel_loop3A_346 : i32 to vector<16xi32>
          %parallel_loop3A_348 = arith.select %parallel_loop3A_340, %parallel_loop3A_347, %parallel_loop3A_337 : vector<16xi1>, vector<16xi32>
          %parallel_loop3A_349 = arith.constant 11 : i32
          %parallel_loop3A_350 = vector.broadcast %parallel_loop3A_349 : i32 to vector<16xi32>
          %parallel_loop3A_351 = arith.cmpi eq, %iota3A, %parallel_loop3A_350 : vector<16xi32>
          %parallel_loop3A_352 = vector.extract_strided_slice %parallel_loop3A_225 {offsets = [11], sizes = [1], strides = [1]} : vector<16xi32> to vector<1xi32>
          %parallel_loop3A_353 = vector.extract %parallel_loop3A_352[0] : i32 from vector<1xi32>
          %parallel_loop3A_354 = arith.index_cast %parallel_loop3A_353 : i32 to index
          %parallel_loop3A_355 = tpu.vector_load %arg27[%parallel_loop3A_354] {strides = array<i32>} : memref<528xi32, #tpu.memory_space<vmem>>, vector<16xi32>,
          %parallel_loop3A_356 = vector.extract_strided_slice %parallel_loop3A_355 {offsets = [0], sizes = [1], strides = [1]} : vector<16xi32> to vector<1xi32>
          %parallel_loop3A_357 = vector.extract %parallel_loop3A_356[0] : i32 from vector<1xi32>
          %parallel_loop3A_358 = vector.broadcast %parallel_loop3A_357 : i32 to vector<16xi32>
          %parallel_loop3A_359 = arith.select %parallel_loop3A_351, %parallel_loop3A_358, %parallel_loop3A_348 : vector<16xi1>, vector<16xi32>
          %parallel_loop3A_360 = arith.constant 12 : i32
          %parallel_loop3A_361 = vector.broadcast %parallel_loop3A_360 : i32 to vector<16xi32>
          %parallel_loop3A_362 = arith.cmpi eq, %iota3A, %parallel_loop3A_361 : vector<16xi32>
          %parallel_loop3A_363 = vector.extract_strided_slice %parallel_loop3A_225 {offsets = [12], sizes = [1], strides = [1]} : vector<16xi32> to vector<1xi32>
          %parallel_loop3A_364 = vector.extract %parallel_loop3A_363[0] : i32 from vector<1xi32>
          %parallel_loop3A_365 = arith.index_cast %parallel_loop3A_364 : i32 to index
          %parallel_loop3A_366 = tpu.vector_load %arg27[%parallel_loop3A_365] {strides = array<i32>} : memref<528xi32, #tpu.memory_space<vmem>>, vector<16xi32>,
          %parallel_loop3A_367 = vector.extract_strided_slice %parallel_loop3A_366 {offsets = [0], sizes = [1], strides = [1]} : vector<16xi32> to vector<1xi32>
          %parallel_loop3A_368 = vector.extract %parallel_loop3A_367[0] : i32 from vector<1xi32>
          %parallel_loop3A_369 = vector.broadcast %parallel_loop3A_368 : i32 to vector<16xi32>
          %parallel_loop3A_370 = arith.select %parallel_loop3A_362, %parallel_loop3A_369, %parallel_loop3A_359 : vector<16xi1>, vector<16xi32>
          %parallel_loop3A_371 = arith.constant 13 : i32
          %parallel_loop3A_372 = vector.broadcast %parallel_loop3A_371 : i32 to vector<16xi32>
          %parallel_loop3A_373 = arith.cmpi eq, %iota3A, %parallel_loop3A_372 : vector<16xi32>
          %parallel_loop3A_374 = vector.extract_strided_slice %parallel_loop3A_225 {offsets = [13], sizes = [1], strides = [1]} : vector<16xi32> to vector<1xi32>
          %parallel_loop3A_375 = vector.extract %parallel_loop3A_374[0] : i32 from vector<1xi32>
          %parallel_loop3A_376 = arith.index_cast %parallel_loop3A_375 : i32 to index
          %parallel_loop3A_377 = tpu.vector_load %arg27[%parallel_loop3A_376] {strides = array<i32>} : memref<528xi32, #tpu.memory_space<vmem>>, vector<16xi32>,
          %parallel_loop3A_378 = vector.extract_strided_slice %parallel_loop3A_377 {offsets = [0], sizes = [1], strides = [1]} : vector<16xi32> to vector<1xi32>
          %parallel_loop3A_379 = vector.extract %parallel_loop3A_378[0] : i32 from vector<1xi32>
          %parallel_loop3A_380 = vector.broadcast %parallel_loop3A_379 : i32 to vector<16xi32>
          %parallel_loop3A_381 = arith.select %parallel_loop3A_373, %parallel_loop3A_380, %parallel_loop3A_370 : vector<16xi1>, vector<16xi32>
          %parallel_loop3A_382 = arith.constant 14 : i32
          %parallel_loop3A_383 = vector.broadcast %parallel_loop3A_382 : i32 to vector<16xi32>
          %parallel_loop3A_384 = arith.cmpi eq, %iota3A, %parallel_loop3A_383 : vector<16xi32>
          %parallel_loop3A_385 = vector.extract_strided_slice %parallel_loop3A_225 {offsets = [14], sizes = [1], strides = [1]} : vector<16xi32> to vector<1xi32>
          %parallel_loop3A_386 = vector.extract %parallel_loop3A_385[0] : i32 from vector<1xi32>
          %parallel_loop3A_387 = arith.index_cast %parallel_loop3A_386 : i32 to index
          %parallel_loop3A_388 = tpu.vector_load %arg27[%parallel_loop3A_387] {strides = array<i32>} : memref<528xi32, #tpu.memory_space<vmem>>, vector<16xi32>,
          %parallel_loop3A_389 = vector.extract_strided_slice %parallel_loop3A_388 {offsets = [0], sizes = [1], strides = [1]} : vector<16xi32> to vector<1xi32>
          %parallel_loop3A_390 = vector.extract %parallel_loop3A_389[0] : i32 from vector<1xi32>
          %parallel_loop3A_391 = vector.broadcast %parallel_loop3A_390 : i32 to vector<16xi32>
          %parallel_loop3A_392 = arith.select %parallel_loop3A_384, %parallel_loop3A_391, %parallel_loop3A_381 : vector<16xi1>, vector<16xi32>
          %parallel_loop3A_393 = arith.constant 15 : i32
          %parallel_loop3A_394 = vector.broadcast %parallel_loop3A_393 : i32 to vector<16xi32>
          %parallel_loop3A_395 = arith.cmpi eq, %iota3A, %parallel_loop3A_394 : vector<16xi32>
          %parallel_loop3A_396 = vector.extract_strided_slice %parallel_loop3A_225 {offsets = [15], sizes = [1], strides = [1]} : vector<16xi32> to vector<1xi32>
          %parallel_loop3A_397 = vector.extract %parallel_loop3A_396[0] : i32 from vector<1xi32>
          %parallel_loop3A_398 = arith.index_cast %parallel_loop3A_397 : i32 to index
          %parallel_loop3A_399 = tpu.vector_load %arg27[%parallel_loop3A_398] {strides = array<i32>} : memref<528xi32, #tpu.memory_space<vmem>>, vector<16xi32>,
          %parallel_loop3A_400 = vector.extract_strided_slice %parallel_loop3A_399 {offsets = [0], sizes = [1], strides = [1]} : vector<16xi32> to vector<1xi32>
          %parallel_loop3A_401 = vector.extract %parallel_loop3A_400[0] : i32 from vector<1xi32>
          %parallel_loop3A_402 = vector.broadcast %parallel_loop3A_401 : i32 to vector<16xi32>
          %parallel_loop3A_403 = arith.select %parallel_loop3A_395, %parallel_loop3A_402, %parallel_loop3A_392 : vector<16xi1>, vector<16xi32>
          %parallel_loop3A_404 = arith.constant 16 : i32
          %parallel_loop3A_405 = arith.muli %parallel_loop3A_220, %parallel_loop3A_404 : i32
          %parallel_loop3A_406 = arith.index_cast %parallel_loop3A_405 : i32 to index
          %parallel_loop3A_407 = tpu.vector_load %arg16[%parallel_loop3A_406] {strides = array<i32>} : memref<32xi32, #tpu.memory_space<vmem>>, vector<16xi32>,
          tpu.vector_store %arg16[%parallel_loop3A_406], %parallel_loop3A_403 {strides = array<i32>} : memref<32xi32, #tpu.memory_space<vmem>>, vector<16xi32>,
        } {sc.loop_unroll_factor = 2 : i64, sc.parallel_access}
        %dma_start3A_154 = arith.constant 0 : i32
        %dma_start3A_155 = arith.constant 0 : i32
        %dma_start3A_156 = tpu.memref_slice %arg9[%dma_start3A_154, %dma_start3A_155] : memref<10001x128xf32, #tpu.memory_space<hbm>> -> memref<10001x128xf32, #tpu.memory_space<hbm>>
        tpu.enqueue_indirect_dma source(%dma_start3A_156 : memref<10001x128xf32, #tpu.memory_space<hbm>>) target(%arg23 : memref<32x128xf32, #tpu.memory_space<vmem>>) offsets(%arg16 : memref<32xi32, #tpu.memory_space<vmem>>) semaphore(%arg31 : memref<!tpu.dma_semaphore, #tpu.memory_space<semaphore_mem>>)
        %mul3A_157 = arith.constant 32 : i32
        %mul3A_158 = arith.muli %mul3A_122, %mul3A_157 : i32
        %add3A_159 = arith.constant 0 : i32
        %add3A_160 = arith.addi %mul3A_158, %add3A_159 : i32
        %get3A_161 = arith.index_cast %add3A_160 : i32 to index
        %get3A_162 = tpu.vector_load %arg14[%get3A_161] {strides = array<i32>} : memref<832xi32, #tpu.memory_space<vmem>>, vector<16xi32>,
        %min3A = arith.minsi %get3A_162, %broadcast_in_dim3A_61 : vector<16xi32>
        %swap3A = arith.constant 0 : index
        %swap3A_163 = tpu.vector_load %arg17[%swap3A] {strides = array<i32>} : memref<32xi32, #tpu.memory_space<vmem>>, vector<16xi32>,
        tpu.vector_store %arg17[%swap3A], %min3A {strides = array<i32>} : memref<32xi32, #tpu.memory_space<vmem>>, vector<16xi32>,
        %add3A_164 = arith.constant 16 : i32
        %add3A_165 = arith.addi %mul3A_158, %add3A_164 : i32
        %get3A_166 = arith.index_cast %add3A_165 : i32 to index
        %get3A_167 = tpu.vector_load %arg14[%get3A_166] {strides = array<i32>} : memref<832xi32, #tpu.memory_space<vmem>>, vector<16xi32>,
        %min3A_168 = arith.minsi %get3A_167, %broadcast_in_dim3A_61 : vector<16xi32>
        %swap3A_169 = arith.constant 16 : index
        %swap3A_170 = tpu.vector_load %arg17[%swap3A_169] {strides = array<i32>} : memref<32xi32, #tpu.memory_space<vmem>>, vector<16xi32>,
        tpu.vector_store %arg17[%swap3A_169], %min3A_168 {strides = array<i32>} : memref<32xi32, #tpu.memory_space<vmem>>, vector<16xi32>,
        %parallel_loop3A_171 = arith.constant 0 : i32
        %parallel_loop3A_172 = arith.constant 32 : i32
        %parallel_loop3A_173 = arith.constant 1 : i32
        scf.for %parallel_loop3A_220 = %parallel_loop3A_171 to %parallel_loop3A_172 step %parallel_loop3A_173  : i32 {
          %parallel_loop3A_221 = arith.index_cast %parallel_loop3A_220 : i32 to index
          %parallel_loop3A_222 = arith.constant 128 : index
          %parallel_loop3A_223 = tpu.vector_load %arg18[%parallel_loop3A_221, %parallel_loop3A_222] {strides = array<i32>} : memref<32x256xf32, #tpu.memory_space<vmem>>, vector<16xf32>,
          %parallel_loop3A_224 = arith.index_cast %parallel_loop3A_220 : i32 to index
          %parallel_loop3A_225 = arith.constant 128 : index
          %parallel_loop3A_226 = tpu.vector_load %arg19[%parallel_loop3A_224, %parallel_loop3A_225] {strides = array<i32>} : memref<32x256xf32, #tpu.memory_space<vmem>>, vector<16xf32>,
          %parallel_loop3A_227 = arith.addf %parallel_loop3A_223, %parallel_loop3A_226 : vector<16xf32>
          %parallel_loop3A_228 = arith.index_cast %parallel_loop3A_220 : i32 to index
          %parallel_loop3A_229 = arith.constant 0 : index
          %parallel_loop3A_230 = tpu.vector_load %arg22[%parallel_loop3A_228, %parallel_loop3A_229] {strides = array<i32>} : memref<32x128xf32, #tpu.memory_space<vmem>>, vector<16xf32>,
          %parallel_loop3A_231 = arith.addf %parallel_loop3A_227, %parallel_loop3A_230 : vector<16xf32>
          %parallel_loop3A_232 = arith.addf %parallel_loop3A_231, %get3A_3 : vector<16xf32>
          %parallel_loop3A_233 = arith.constant 0.000000e+00 : f32
          %parallel_loop3A_234 = vector.broadcast %parallel_loop3A_233 : f32 to vector<16xf32>
          %parallel_loop3A_235 = arith.maximumf %parallel_loop3A_232, %parallel_loop3A_234 : vector<16xf32>
          %parallel_loop3A_236 = arith.mulf %parallel_loop3A_235, %get3A_7 : vector<16xf32>
          %parallel_loop3A_237 = arith.index_cast %parallel_loop3A_220 : i32 to index
          %parallel_loop3A_238 = arith.constant 144 : index
          %parallel_loop3A_239 = tpu.vector_load %arg18[%parallel_loop3A_237, %parallel_loop3A_238] {strides = array<i32>} : memref<32x256xf32, #tpu.memory_space<vmem>>, vector<16xf32>,
          %parallel_loop3A_240 = arith.index_cast %parallel_loop3A_220 : i32 to index
          %parallel_loop3A_241 = arith.constant 144 : index
          %parallel_loop3A_242 = tpu.vector_load %arg19[%parallel_loop3A_240, %parallel_loop3A_241] {strides = array<i32>} : memref<32x256xf32, #tpu.memory_space<vmem>>, vector<16xf32>,
          %parallel_loop3A_243 = arith.addf %parallel_loop3A_239, %parallel_loop3A_242 : vector<16xf32>
          %parallel_loop3A_244 = arith.index_cast %parallel_loop3A_220 : i32 to index
          %parallel_loop3A_245 = arith.constant 16 : index
          %parallel_loop3A_246 = tpu.vector_load %arg22[%parallel_loop3A_244, %parallel_loop3A_245] {strides = array<i32>} : memref<32x128xf32, #tpu.memory_space<vmem>>, vector<16xf32>,
          %parallel_loop3A_247 = arith.addf %parallel_loop3A_243, %parallel_loop3A_246 : vector<16xf32>
          %parallel_loop3A_248 = arith.addf %parallel_loop3A_247, %get3A_5 : vector<16xf32>
          %parallel_loop3A_249 = arith.constant 0.000000e+00 : f32
          %parallel_loop3A_250 = vector.broadcast %parallel_loop3A_249 : f32 to vector<16xf32>
          %parallel_loop3A_251 = arith.maximumf %parallel_loop3A_248, %parallel_loop3A_250 : vector<16xf32>
          %parallel_loop3A_252 = arith.mulf %parallel_loop3A_251, %get3A_9 : vector<16xf32>
          %parallel_loop3A_253 = arith.addf %parallel_loop3A_236, %parallel_loop3A_252 : vector<16xf32>
          %parallel_loop3A_254 = arith.constant 0 : i32
          %parallel_loop3A_255 = vector.broadcast %parallel_loop3A_254 : i32 to vector<16xi32>
          %parallel_loop3A_256 = arith.cmpi slt, %xor3A_63, %parallel_loop3A_255 : vector<16xi32>
          %parallel_loop3A_257 = arith.constant 16 : i32
          %parallel_loop3A_258 = vector.broadcast %parallel_loop3A_257 : i32 to vector<16xi32>
          %parallel_loop3A_259 = arith.addi %xor3A_63, %parallel_loop3A_258 : vector<16xi32>
          %parallel_loop3A_260 = arith.select %parallel_loop3A_256, %parallel_loop3A_259, %xor3A_63 : vector<16xi1>, vector<16xi32>
          %parallel_loop3A_261 = vector.shape_cast %parallel_loop3A_260 : vector<16xi32> to vector<16x1xi32>
          %parallel_loop3A_262 = vector.shape_cast %parallel_loop3A_261 : vector<16x1xi32> to vector<16xi32>
          %parallel_loop3A_263 = tpu.dynamic_gather %parallel_loop3A_253[%parallel_loop3A_262] in [0] : vector<16xf32>, vector<16xi32> -> vector<16xf32>
          %parallel_loop3A_264 = arith.addf %parallel_loop3A_253, %parallel_loop3A_263 : vector<16xf32>
          %parallel_loop3A_265 = arith.constant 0 : i32
          %parallel_loop3A_266 = vector.broadcast %parallel_loop3A_265 : i32 to vector<16xi32>
          %parallel_loop3A_267 = arith.cmpi slt, %xor3A_66, %parallel_loop3A_266 : vector<16xi32>
          %parallel_loop3A_268 = arith.constant 16 : i32
          %parallel_loop3A_269 = vector.broadcast %parallel_loop3A_268 : i32 to vector<16xi32>
          %parallel_loop3A_270 = arith.addi %xor3A_66, %parallel_loop3A_269 : vector<16xi32>
          %parallel_loop3A_271 = arith.select %parallel_loop3A_267, %parallel_loop3A_270, %xor3A_66 : vector<16xi1>, vector<16xi32>
          %parallel_loop3A_272 = vector.shape_cast %parallel_loop3A_271 : vector<16xi32> to vector<16x1xi32>
          %parallel_loop3A_273 = vector.shape_cast %parallel_loop3A_272 : vector<16x1xi32> to vector<16xi32>
          %parallel_loop3A_274 = tpu.dynamic_gather %parallel_loop3A_264[%parallel_loop3A_273] in [0] : vector<16xf32>, vector<16xi32> -> vector<16xf32>
          %parallel_loop3A_275 = arith.addf %parallel_loop3A_264, %parallel_loop3A_274 : vector<16xf32>
          %parallel_loop3A_276 = arith.constant 0 : i32
          %parallel_loop3A_277 = vector.broadcast %parallel_loop3A_276 : i32 to vector<16xi32>
          %parallel_loop3A_278 = arith.cmpi slt, %xor3A_69, %parallel_loop3A_277 : vector<16xi32>
          %parallel_loop3A_279 = arith.constant 16 : i32
          %parallel_loop3A_280 = vector.broadcast %parallel_loop3A_279 : i32 to vector<16xi32>
          %parallel_loop3A_281 = arith.addi %xor3A_69, %parallel_loop3A_280 : vector<16xi32>
          %parallel_loop3A_282 = arith.select %parallel_loop3A_278, %parallel_loop3A_281, %xor3A_69 : vector<16xi1>, vector<16xi32>
          %parallel_loop3A_283 = vector.shape_cast %parallel_loop3A_282 : vector<16xi32> to vector<16x1xi32>
          %parallel_loop3A_284 = vector.shape_cast %parallel_loop3A_283 : vector<16x1xi32> to vector<16xi32>
          %parallel_loop3A_285 = tpu.dynamic_gather %parallel_loop3A_275[%parallel_loop3A_284] in [0] : vector<16xf32>, vector<16xi32> -> vector<16xf32>
          %parallel_loop3A_286 = arith.addf %parallel_loop3A_275, %parallel_loop3A_285 : vector<16xf32>
          %parallel_loop3A_287 = arith.constant 0 : i32
          %parallel_loop3A_288 = vector.broadcast %parallel_loop3A_287 : i32 to vector<16xi32>
          %parallel_loop3A_289 = arith.cmpi slt, %xor3A_72, %parallel_loop3A_288 : vector<16xi32>
          %parallel_loop3A_290 = arith.constant 16 : i32
          %parallel_loop3A_291 = vector.broadcast %parallel_loop3A_290 : i32 to vector<16xi32>
          %parallel_loop3A_292 = arith.addi %xor3A_72, %parallel_loop3A_291 : vector<16xi32>
          %parallel_loop3A_293 = arith.select %parallel_loop3A_289, %parallel_loop3A_292, %xor3A_72 : vector<16xi1>, vector<16xi32>
          %parallel_loop3A_294 = vector.shape_cast %parallel_loop3A_293 : vector<16xi32> to vector<16x1xi32>
          %parallel_loop3A_295 = vector.shape_cast %parallel_loop3A_294 : vector<16x1xi32> to vector<16xi32>
          %parallel_loop3A_296 = tpu.dynamic_gather %parallel_loop3A_286[%parallel_loop3A_295] in [0] : vector<16xf32>, vector<16xi32> -> vector<16xf32>
          %parallel_loop3A_297 = arith.addf %parallel_loop3A_286, %parallel_loop3A_296 : vector<16xf32>
          %parallel_loop3A_298 = vector.broadcast %squeeze3A : f32 to vector<16xf32>
          %parallel_loop3A_299 = arith.addf %parallel_loop3A_297, %parallel_loop3A_298 : vector<16xf32>
          %parallel_loop3A_300 = arith.constant 0.000000e+00 : f32
          %parallel_loop3A_301 = vector.broadcast %parallel_loop3A_300 : f32 to vector<16xf32>
          %parallel_loop3A_302 = arith.subf %parallel_loop3A_301, %parallel_loop3A_299 : vector<16xf32>
          %parallel_loop3A_303 = math.exp %parallel_loop3A_302 : vector<16xf32>
          %parallel_loop3A_304 = arith.constant 1.000000e+00 : f32
          %parallel_loop3A_305 = vector.broadcast %parallel_loop3A_304 : f32 to vector<16xf32>
          %parallel_loop3A_306 = arith.addf %parallel_loop3A_305, %parallel_loop3A_303 : vector<16xf32>
          %parallel_loop3A_307 = arith.constant 1.000000e+00 : f32
          %parallel_loop3A_308 = vector.broadcast %parallel_loop3A_307 : f32 to vector<16xf32>
          %parallel_loop3A_309 = arith.divf %parallel_loop3A_308, %parallel_loop3A_306 : vector<16xf32>
          %parallel_loop3A_310 = arith.index_cast %parallel_loop3A_220 : i32 to index
          %parallel_loop3A_311 = arith.constant 0 : index
          %parallel_loop3A_312 = tpu.vector_load %arg18[%parallel_loop3A_310, %parallel_loop3A_311] {strides = array<i32>} : memref<32x256xf32, #tpu.memory_space<vmem>>, vector<16xf32>,
          %parallel_loop3A_313 = arith.index_cast %parallel_loop3A_220 : i32 to index
          %parallel_loop3A_314 = arith.constant 0 : index
          %parallel_loop3A_315 = tpu.vector_load %arg19[%parallel_loop3A_313, %parallel_loop3A_314] {strides = array<i32>} : memref<32x256xf32, #tpu.memory_space<vmem>>, vector<16xf32>,
          %parallel_loop3A_316 = arith.mulf %parallel_loop3A_312, %parallel_loop3A_315 : vector<16xf32>
          %parallel_loop3A_317 = arith.mulf %parallel_loop3A_316, %parallel_loop3A_309 : vector<16xf32>
          %parallel_loop3A_318 = arith.index_cast %parallel_loop3A_220 : i32 to index
          %parallel_loop3A_319 = arith.constant 0 : index
          %parallel_loop3A_320 = tpu.vector_load %arg24[%parallel_loop3A_318, %parallel_loop3A_319] {strides = array<i32>} : memref<32x128xf32, #tpu.memory_space<vmem>>, vector<16xf32>,
          tpu.vector_store %arg24[%parallel_loop3A_318, %parallel_loop3A_319], %parallel_loop3A_317 {strides = array<i32>} : memref<32x128xf32, #tpu.memory_space<vmem>>, vector<16xf32>,
          %parallel_loop3A_321 = arith.index_cast %parallel_loop3A_220 : i32 to index
          %parallel_loop3A_322 = arith.constant 16 : index
          %parallel_loop3A_323 = tpu.vector_load %arg18[%parallel_loop3A_321, %parallel_loop3A_322] {strides = array<i32>} : memref<32x256xf32, #tpu.memory_space<vmem>>, vector<16xf32>,
          %parallel_loop3A_324 = arith.index_cast %parallel_loop3A_220 : i32 to index
          %parallel_loop3A_325 = arith.constant 16 : index
          %parallel_loop3A_326 = tpu.vector_load %arg19[%parallel_loop3A_324, %parallel_loop3A_325] {strides = array<i32>} : memref<32x256xf32, #tpu.memory_space<vmem>>, vector<16xf32>,
          %parallel_loop3A_327 = arith.mulf %parallel_loop3A_323, %parallel_loop3A_326 : vector<16xf32>
          %parallel_loop3A_328 = arith.mulf %parallel_loop3A_327, %parallel_loop3A_309 : vector<16xf32>
          %parallel_loop3A_329 = arith.index_cast %parallel_loop3A_220 : i32 to index
          %parallel_loop3A_330 = arith.constant 16 : index
          %parallel_loop3A_331 = tpu.vector_load %arg24[%parallel_loop3A_329, %parallel_loop3A_330] {strides = array<i32>} : memref<32x128xf32, #tpu.memory_space<vmem>>, vector<16xf32>,
          tpu.vector_store %arg24[%parallel_loop3A_329, %parallel_loop3A_330], %parallel_loop3A_328 {strides = array<i32>} : memref<32x128xf32, #tpu.memory_space<vmem>>, vector<16xf32>,
          %parallel_loop3A_332 = arith.index_cast %parallel_loop3A_220 : i32 to index
          %parallel_loop3A_333 = arith.constant 32 : index
          %parallel_loop3A_334 = tpu.vector_load %arg18[%parallel_loop3A_332, %parallel_loop3A_333] {strides = array<i32>} : memref<32x256xf32, #tpu.memory_space<vmem>>, vector<16xf32>,
          %parallel_loop3A_335 = arith.index_cast %parallel_loop3A_220 : i32 to index
          %parallel_loop3A_336 = arith.constant 32 : index
          %parallel_loop3A_337 = tpu.vector_load %arg19[%parallel_loop3A_335, %parallel_loop3A_336] {strides = array<i32>} : memref<32x256xf32, #tpu.memory_space<vmem>>, vector<16xf32>,
          %parallel_loop3A_338 = arith.mulf %parallel_loop3A_334, %parallel_loop3A_337 : vector<16xf32>
          %parallel_loop3A_339 = arith.mulf %parallel_loop3A_338, %parallel_loop3A_309 : vector<16xf32>
          %parallel_loop3A_340 = arith.index_cast %parallel_loop3A_220 : i32 to index
          %parallel_loop3A_341 = arith.constant 32 : index
          %parallel_loop3A_342 = tpu.vector_load %arg24[%parallel_loop3A_340, %parallel_loop3A_341] {strides = array<i32>} : memref<32x128xf32, #tpu.memory_space<vmem>>, vector<16xf32>,
          tpu.vector_store %arg24[%parallel_loop3A_340, %parallel_loop3A_341], %parallel_loop3A_339 {strides = array<i32>} : memref<32x128xf32, #tpu.memory_space<vmem>>, vector<16xf32>,
          %parallel_loop3A_343 = arith.index_cast %parallel_loop3A_220 : i32 to index
          %parallel_loop3A_344 = arith.constant 48 : index
          %parallel_loop3A_345 = tpu.vector_load %arg18[%parallel_loop3A_343, %parallel_loop3A_344] {strides = array<i32>} : memref<32x256xf32, #tpu.memory_space<vmem>>, vector<16xf32>,
          %parallel_loop3A_346 = arith.index_cast %parallel_loop3A_220 : i32 to index
          %parallel_loop3A_347 = arith.constant 48 : index
          %parallel_loop3A_348 = tpu.vector_load %arg19[%parallel_loop3A_346, %parallel_loop3A_347] {strides = array<i32>} : memref<32x256xf32, #tpu.memory_space<vmem>>, vector<16xf32>,
          %parallel_loop3A_349 = arith.mulf %parallel_loop3A_345, %parallel_loop3A_348 : vector<16xf32>
          %parallel_loop3A_350 = arith.mulf %parallel_loop3A_349, %parallel_loop3A_309 : vector<16xf32>
          %parallel_loop3A_351 = arith.index_cast %parallel_loop3A_220 : i32 to index
          %parallel_loop3A_352 = arith.constant 48 : index
          %parallel_loop3A_353 = tpu.vector_load %arg24[%parallel_loop3A_351, %parallel_loop3A_352] {strides = array<i32>} : memref<32x128xf32, #tpu.memory_space<vmem>>, vector<16xf32>,
          tpu.vector_store %arg24[%parallel_loop3A_351, %parallel_loop3A_352], %parallel_loop3A_350 {strides = array<i32>} : memref<32x128xf32, #tpu.memory_space<vmem>>, vector<16xf32>,
          %parallel_loop3A_354 = arith.index_cast %parallel_loop3A_220 : i32 to index
          %parallel_loop3A_355 = arith.constant 64 : index
          %parallel_loop3A_356 = tpu.vector_load %arg18[%parallel_loop3A_354, %parallel_loop3A_355] {strides = array<i32>} : memref<32x256xf32, #tpu.memory_space<vmem>>, vector<16xf32>,
          %parallel_loop3A_357 = arith.index_cast %parallel_loop3A_220 : i32 to index
          %parallel_loop3A_358 = arith.constant 64 : index
          %parallel_loop3A_359 = tpu.vector_load %arg19[%parallel_loop3A_357, %parallel_loop3A_358] {strides = array<i32>} : memref<32x256xf32, #tpu.memory_space<vmem>>, vector<16xf32>,
          %parallel_loop3A_360 = arith.mulf %parallel_loop3A_356, %parallel_loop3A_359 : vector<16xf32>
          %parallel_loop3A_361 = arith.mulf %parallel_loop3A_360, %parallel_loop3A_309 : vector<16xf32>
          %parallel_loop3A_362 = arith.index_cast %parallel_loop3A_220 : i32 to index
          %parallel_loop3A_363 = arith.constant 64 : index
          %parallel_loop3A_364 = tpu.vector_load %arg24[%parallel_loop3A_362, %parallel_loop3A_363] {strides = array<i32>} : memref<32x128xf32, #tpu.memory_space<vmem>>, vector<16xf32>,
          tpu.vector_store %arg24[%parallel_loop3A_362, %parallel_loop3A_363], %parallel_loop3A_361 {strides = array<i32>} : memref<32x128xf32, #tpu.memory_space<vmem>>, vector<16xf32>,
          %parallel_loop3A_365 = arith.index_cast %parallel_loop3A_220 : i32 to index
          %parallel_loop3A_366 = arith.constant 80 : index
          %parallel_loop3A_367 = tpu.vector_load %arg18[%parallel_loop3A_365, %parallel_loop3A_366] {strides = array<i32>} : memref<32x256xf32, #tpu.memory_space<vmem>>, vector<16xf32>,
          %parallel_loop3A_368 = arith.index_cast %parallel_loop3A_220 : i32 to index
          %parallel_loop3A_369 = arith.constant 80 : index
          %parallel_loop3A_370 = tpu.vector_load %arg19[%parallel_loop3A_368, %parallel_loop3A_369] {strides = array<i32>} : memref<32x256xf32, #tpu.memory_space<vmem>>, vector<16xf32>,
          %parallel_loop3A_371 = arith.mulf %parallel_loop3A_367, %parallel_loop3A_370 : vector<16xf32>
          %parallel_loop3A_372 = arith.mulf %parallel_loop3A_371, %parallel_loop3A_309 : vector<16xf32>
          %parallel_loop3A_373 = arith.index_cast %parallel_loop3A_220 : i32 to index
          %parallel_loop3A_374 = arith.constant 80 : index
          %parallel_loop3A_375 = tpu.vector_load %arg24[%parallel_loop3A_373, %parallel_loop3A_374] {strides = array<i32>} : memref<32x128xf32, #tpu.memory_space<vmem>>, vector<16xf32>,
          tpu.vector_store %arg24[%parallel_loop3A_373, %parallel_loop3A_374], %parallel_loop3A_372 {strides = array<i32>} : memref<32x128xf32, #tpu.memory_space<vmem>>, vector<16xf32>,
          %parallel_loop3A_376 = arith.index_cast %parallel_loop3A_220 : i32 to index
          %parallel_loop3A_377 = arith.constant 96 : index
          %parallel_loop3A_378 = tpu.vector_load %arg18[%parallel_loop3A_376, %parallel_loop3A_377] {strides = array<i32>} : memref<32x256xf32, #tpu.memory_space<vmem>>, vector<16xf32>,
          %parallel_loop3A_379 = arith.index_cast %parallel_loop3A_220 : i32 to index
          %parallel_loop3A_380 = arith.constant 96 : index
          %parallel_loop3A_381 = tpu.vector_load %arg19[%parallel_loop3A_379, %parallel_loop3A_380] {strides = array<i32>} : memref<32x256xf32, #tpu.memory_space<vmem>>, vector<16xf32>,
          %parallel_loop3A_382 = arith.mulf %parallel_loop3A_378, %parallel_loop3A_381 : vector<16xf32>
          %parallel_loop3A_383 = arith.mulf %parallel_loop3A_382, %parallel_loop3A_309 : vector<16xf32>
          %parallel_loop3A_384 = arith.index_cast %parallel_loop3A_220 : i32 to index
          %parallel_loop3A_385 = arith.constant 96 : index
          %parallel_loop3A_386 = tpu.vector_load %arg24[%parallel_loop3A_384, %parallel_loop3A_385] {strides = array<i32>} : memref<32x128xf32, #tpu.memory_space<vmem>>, vector<16xf32>,
          tpu.vector_store %arg24[%parallel_loop3A_384, %parallel_loop3A_385], %parallel_loop3A_383 {strides = array<i32>} : memref<32x128xf32, #tpu.memory_space<vmem>>, vector<16xf32>,
          %parallel_loop3A_387 = arith.index_cast %parallel_loop3A_220 : i32 to index
          %parallel_loop3A_388 = arith.constant 112 : index
          %parallel_loop3A_389 = tpu.vector_load %arg18[%parallel_loop3A_387, %parallel_loop3A_388] {strides = array<i32>} : memref<32x256xf32, #tpu.memory_space<vmem>>, vector<16xf32>,
          %parallel_loop3A_390 = arith.index_cast %parallel_loop3A_220 : i32 to index
          %parallel_loop3A_391 = arith.constant 112 : index
          %parallel_loop3A_392 = tpu.vector_load %arg19[%parallel_loop3A_390, %parallel_loop3A_391] {strides = array<i32>} : memref<32x256xf32, #tpu.memory_space<vmem>>, vector<16xf32>,
          %parallel_loop3A_393 = arith.mulf %parallel_loop3A_389, %parallel_loop3A_392 : vector<16xf32>
          %parallel_loop3A_394 = arith.mulf %parallel_loop3A_393, %parallel_loop3A_309 : vector<16xf32>
          %parallel_loop3A_395 = arith.index_cast %parallel_loop3A_220 : i32 to index
          %parallel_loop3A_396 = arith.constant 112 : index
          %parallel_loop3A_397 = tpu.vector_load %arg24[%parallel_loop3A_395, %parallel_loop3A_396] {strides = array<i32>} : memref<32x128xf32, #tpu.memory_space<vmem>>, vector<16xf32>,
          tpu.vector_store %arg24[%parallel_loop3A_395, %parallel_loop3A_396], %parallel_loop3A_394 {strides = array<i32>} : memref<32x128xf32, #tpu.memory_space<vmem>>, vector<16xf32>,
        } {sc.loop_unroll_factor = 4 : i64, sc.parallel_access}
        "tpu.region"() ({
          %run_scoped3A = tpu.sem_alloc : memref<!tpu.dma_semaphore, #tpu.memory_space<semaphore_mem>>
          %dma_start3A_220 = arith.constant 0 : i32
          %dma_start3A_221 = arith.constant 0 : i32
          %dma_start3A_222 = tpu.memref_slice %arg28[%dma_start3A_220, %dma_start3A_221] : memref<10000x128xf32, #tpu.memory_space<vmem_shared>> -> memref<10000x128xf32, #tpu.memory_space<vmem_shared>>
          tpu.enqueue_indirect_dma source(%arg24 : memref<32x128xf32, #tpu.memory_space<vmem>>) target(%dma_start3A_222 : memref<10000x128xf32, #tpu.memory_space<vmem_shared>>) offsets(%arg17 : memref<32xi32, #tpu.memory_space<vmem>>) semaphore(%run_scoped3A : memref<!tpu.dma_semaphore, #tpu.memory_space<semaphore_mem>>) {add = true}
          %dma_wait3A_223 = arith.constant 0 : i32
          %dma_wait3A_224 = arith.constant 0 : i32
          %dma_wait3A_225 = tpu.memref_slice %arg28[%dma_wait3A_223, %dma_wait3A_224] : memref<10000x128xf32, #tpu.memory_space<vmem_shared>> -> memref<10000x128xf32, #tpu.memory_space<vmem_shared>>
          tpu.wait_indirect_dma semaphore(%run_scoped3A : memref<!tpu.dma_semaphore, #tpu.memory_space<semaphore_mem>>) src(%arg24 : memref<32x128xf32, #tpu.memory_space<vmem>>) dst(%dma_wait3A_225 : memref<10000x128xf32, #tpu.memory_space<vmem_shared>>)
          tpu.yield
        }) : () -> ()
        %lt3A_174 = arith.constant 12 : i32
        %lt3A_175 = arith.cmpi slt, %scan3A_120, %lt3A_174 : i32
        %convert_element_type3A_176 = arith.extui %lt3A_175 : i1 to i32
        %cond3A_177 = arith.constant 0 : i32
        %cond3A_178 = arith.cmpi ne, %convert_element_type3A_176, %cond3A_177 : i32
        scf.if %cond3A_178 {
          %add3A_220 = arith.constant 2 : i32
          %add3A_221 = arith.addi %mul3A_122, %add3A_220 : i32
          %mul3A_222 = arith.constant 32 : i32
          %mul3A_223 = arith.muli %add3A_221, %mul3A_222 : i32
          %dma_start3A_224 = tpu.memref_slice %arg12[%mul3A_223] : memref<832xi32, #tpu.memory_space<vmem>> -> memref<32xi32, #tpu.memory_space<vmem>>
          %dma_start3A_225 = arith.constant 0 : i32
          %dma_start3A_226 = arith.constant 0 : i32
          %dma_start3A_227 = tpu.memref_slice %arg7[%dma_start3A_225, %dma_start3A_226] : memref<10000x256xf32, #tpu.memory_space<hbm>> -> memref<10000x256xf32, #tpu.memory_space<hbm>>
          tpu.enqueue_indirect_dma source(%dma_start3A_227 : memref<10000x256xf32, #tpu.memory_space<hbm>>) target(%arg18 : memref<32x256xf32, #tpu.memory_space<vmem>>) offsets(%dma_start3A_224 : memref<32xi32, #tpu.memory_space<vmem>>) semaphore(%arg29 : memref<!tpu.dma_semaphore, #tpu.memory_space<semaphore_mem>>)
          %dma_start3A_228 = tpu.memref_slice %arg13[%mul3A_223] : memref<832xi32, #tpu.memory_space<vmem>> -> memref<32xi32, #tpu.memory_space<vmem>>
          %dma_start3A_229 = arith.constant 0 : i32
          %dma_start3A_230 = arith.constant 0 : i32
          %dma_start3A_231 = tpu.memref_slice %arg8[%dma_start3A_229, %dma_start3A_230] : memref<10001x256xf32, #tpu.memory_space<hbm>> -> memref<10001x256xf32, #tpu.memory_space<hbm>>
          tpu.enqueue_indirect_dma source(%dma_start3A_231 : memref<10001x256xf32, #tpu.memory_space<hbm>>) target(%arg19 : memref<32x256xf32, #tpu.memory_space<vmem>>) offsets(%dma_start3A_228 : memref<32xi32, #tpu.memory_space<vmem>>) semaphore(%arg29 : memref<!tpu.dma_semaphore, #tpu.memory_space<semaphore_mem>>)
        } else {
        }
        %add3A_179 = arith.constant 1 : i32
        %add3A_180 = arith.addi %mul3A_122, %add3A_179 : i32
        %add3A_181 = arith.constant 2 : i32
        %add3A_182 = arith.addi %mul3A_122, %add3A_181 : i32
        %lt3A_183 = arith.constant 12 : i32
        %lt3A_184 = arith.cmpi slt, %scan3A_120, %lt3A_183 : i32
        %dma_wait3A_185 = arith.constant 0 : i32
        %dma_wait3A_186 = tpu.memref_slice %arg12[%dma_wait3A_185] : memref<832xi32, #tpu.memory_space<vmem>> -> memref<32xi32, #tpu.memory_space<vmem>>
        %dma_wait3A_187 = arith.constant 0 : i32
        %dma_wait3A_188 = arith.constant 0 : i32
        %dma_wait3A_189 = tpu.memref_slice %arg7[%dma_wait3A_187, %dma_wait3A_188] : memref<10000x256xf32, #tpu.memory_space<hbm>> -> memref<10000x256xf32, #tpu.memory_space<hbm>>
        tpu.wait_indirect_dma semaphore(%arg30 : memref<!tpu.dma_semaphore, #tpu.memory_space<semaphore_mem>>) src(%dma_wait3A_189 : memref<10000x256xf32, #tpu.memory_space<hbm>>) dst(%arg20 : memref<32x256xf32, #tpu.memory_space<vmem>>)
        %dma_wait3A_190 = arith.constant 0 : i32
        %dma_wait3A_191 = tpu.memref_slice %arg13[%dma_wait3A_190] : memref<832xi32, #tpu.memory_space<vmem>> -> memref<32xi32, #tpu.memory_space<vmem>>
        %dma_wait3A_192 = arith.constant 0 : i32
        %dma_wait3A_193 = arith.constant 0 : i32
        %dma_wait3A_194 = tpu.memref_slice %arg8[%dma_wait3A_192, %dma_wait3A_193] : memref<10001x256xf32, #tpu.memory_space<hbm>> -> memref<10001x256xf32, #tpu.memory_space<hbm>>
        tpu.wait_indirect_dma semaphore(%arg30 : memref<!tpu.dma_semaphore, #tpu.memory_space<semaphore_mem>>) src(%dma_wait3A_194 : memref<10001x256xf32, #tpu.memory_space<hbm>>) dst(%arg21 : memref<32x256xf32, #tpu.memory_space<vmem>>)
        %dma_wait3A_195 = arith.constant 0 : i32
        %dma_wait3A_196 = arith.constant 0 : i32
        %dma_wait3A_197 = tpu.memref_slice %arg9[%dma_wait3A_195, %dma_wait3A_196] : memref<10001x128xf32, #tpu.memory_space<hbm>> -> memref<10001x128xf32, #tpu.memory_space<hbm>>
        tpu.wait_indirect_dma semaphore(%arg31 : memref<!tpu.dma_semaphore, #tpu.memory_space<semaphore_mem>>) src(%dma_wait3A_197 : memref<10001x128xf32, #tpu.memory_space<hbm>>) dst(%arg23 : memref<32x128xf32, #tpu.memory_space<vmem>>)
        %convert_element_type3A_198 = arith.extui %lt3A_184 : i1 to i32
        %cond3A_199 = arith.constant 0 : i32
        %cond3A_200 = arith.cmpi ne, %convert_element_type3A_198, %cond3A_199 : i32
        scf.if %cond3A_200 {
          %mul3A_220 = arith.constant 32 : i32
          %mul3A_221 = arith.muli %add3A_182, %mul3A_220 : i32
          %parallel_loop3A_222 = arith.constant 0 : i32
          %parallel_loop3A_223 = arith.constant 2 : i32
          %parallel_loop3A_224 = arith.constant 1 : i32
          scf.for %parallel_loop3A_228 = %parallel_loop3A_222 to %parallel_loop3A_223 step %parallel_loop3A_224  : i32 {
            %parallel_loop3A_229 = arith.constant 16 : i32
            %parallel_loop3A_230 = arith.muli %parallel_loop3A_228, %parallel_loop3A_229 : i32
            %parallel_loop3A_231 = arith.addi %mul3A_221, %parallel_loop3A_230 : i32
            %parallel_loop3A_232 = arith.index_cast %parallel_loop3A_231 : i32 to index
            %parallel_loop3A_233 = tpu.vector_load %arg15[%parallel_loop3A_232] {strides = array<i32>} : memref<832xi32, #tpu.memory_space<vmem>>, vector<16xi32>,
            %parallel_loop3A_234 = arith.constant 0 : i32
            %parallel_loop3A_235 = vector.broadcast %parallel_loop3A_234 : i32 to vector<16xi32>
            %parallel_loop3A_236 = arith.constant 0 : i32
            %parallel_loop3A_237 = vector.broadcast %parallel_loop3A_236 : i32 to vector<16xi32>
            %parallel_loop3A_238 = arith.cmpi eq, %iota3A, %parallel_loop3A_237 : vector<16xi32>
            %parallel_loop3A_239 = vector.extract_strided_slice %parallel_loop3A_233 {offsets = [0], sizes = [1], strides = [1]} : vector<16xi32> to vector<1xi32>
            %parallel_loop3A_240 = vector.extract %parallel_loop3A_239[0] : i32 from vector<1xi32>
            %parallel_loop3A_241 = arith.index_cast %parallel_loop3A_240 : i32 to index
            %parallel_loop3A_242 = tpu.vector_load %arg27[%parallel_loop3A_241] {strides = array<i32>} : memref<528xi32, #tpu.memory_space<vmem>>, vector<16xi32>,
            %parallel_loop3A_243 = vector.extract_strided_slice %parallel_loop3A_242 {offsets = [0], sizes = [1], strides = [1]} : vector<16xi32> to vector<1xi32>
            %parallel_loop3A_244 = vector.extract %parallel_loop3A_243[0] : i32 from vector<1xi32>
            %parallel_loop3A_245 = vector.broadcast %parallel_loop3A_244 : i32 to vector<16xi32>
            %parallel_loop3A_246 = arith.select %parallel_loop3A_238, %parallel_loop3A_245, %parallel_loop3A_235 : vector<16xi1>, vector<16xi32>
            %parallel_loop3A_247 = arith.constant 1 : i32
            %parallel_loop3A_248 = vector.broadcast %parallel_loop3A_247 : i32 to vector<16xi32>
            %parallel_loop3A_249 = arith.cmpi eq, %iota3A, %parallel_loop3A_248 : vector<16xi32>
            %parallel_loop3A_250 = vector.extract_strided_slice %parallel_loop3A_233 {offsets = [1], sizes = [1], strides = [1]} : vector<16xi32> to vector<1xi32>
            %parallel_loop3A_251 = vector.extract %parallel_loop3A_250[0] : i32 from vector<1xi32>
            %parallel_loop3A_252 = arith.index_cast %parallel_loop3A_251 : i32 to index
            %parallel_loop3A_253 = tpu.vector_load %arg27[%parallel_loop3A_252] {strides = array<i32>} : memref<528xi32, #tpu.memory_space<vmem>>, vector<16xi32>,
            %parallel_loop3A_254 = vector.extract_strided_slice %parallel_loop3A_253 {offsets = [0], sizes = [1], strides = [1]} : vector<16xi32> to vector<1xi32>
            %parallel_loop3A_255 = vector.extract %parallel_loop3A_254[0] : i32 from vector<1xi32>
            %parallel_loop3A_256 = vector.broadcast %parallel_loop3A_255 : i32 to vector<16xi32>
            %parallel_loop3A_257 = arith.select %parallel_loop3A_249, %parallel_loop3A_256, %parallel_loop3A_246 : vector<16xi1>, vector<16xi32>
            %parallel_loop3A_258 = arith.constant 2 : i32
            %parallel_loop3A_259 = vector.broadcast %parallel_loop3A_258 : i32 to vector<16xi32>
            %parallel_loop3A_260 = arith.cmpi eq, %iota3A, %parallel_loop3A_259 : vector<16xi32>
            %parallel_loop3A_261 = vector.extract_strided_slice %parallel_loop3A_233 {offsets = [2], sizes = [1], strides = [1]} : vector<16xi32> to vector<1xi32>
            %parallel_loop3A_262 = vector.extract %parallel_loop3A_261[0] : i32 from vector<1xi32>
            %parallel_loop3A_263 = arith.index_cast %parallel_loop3A_262 : i32 to index
            %parallel_loop3A_264 = tpu.vector_load %arg27[%parallel_loop3A_263] {strides = array<i32>} : memref<528xi32, #tpu.memory_space<vmem>>, vector<16xi32>,
            %parallel_loop3A_265 = vector.extract_strided_slice %parallel_loop3A_264 {offsets = [0], sizes = [1], strides = [1]} : vector<16xi32> to vector<1xi32>
            %parallel_loop3A_266 = vector.extract %parallel_loop3A_265[0] : i32 from vector<1xi32>
            %parallel_loop3A_267 = vector.broadcast %parallel_loop3A_266 : i32 to vector<16xi32>
            %parallel_loop3A_268 = arith.select %parallel_loop3A_260, %parallel_loop3A_267, %parallel_loop3A_257 : vector<16xi1>, vector<16xi32>
            %parallel_loop3A_269 = arith.constant 3 : i32
            %parallel_loop3A_270 = vector.broadcast %parallel_loop3A_269 : i32 to vector<16xi32>
            %parallel_loop3A_271 = arith.cmpi eq, %iota3A, %parallel_loop3A_270 : vector<16xi32>
            %parallel_loop3A_272 = vector.extract_strided_slice %parallel_loop3A_233 {offsets = [3], sizes = [1], strides = [1]} : vector<16xi32> to vector<1xi32>
            %parallel_loop3A_273 = vector.extract %parallel_loop3A_272[0] : i32 from vector<1xi32>
            %parallel_loop3A_274 = arith.index_cast %parallel_loop3A_273 : i32 to index
            %parallel_loop3A_275 = tpu.vector_load %arg27[%parallel_loop3A_274] {strides = array<i32>} : memref<528xi32, #tpu.memory_space<vmem>>, vector<16xi32>,
            %parallel_loop3A_276 = vector.extract_strided_slice %parallel_loop3A_275 {offsets = [0], sizes = [1], strides = [1]} : vector<16xi32> to vector<1xi32>
            %parallel_loop3A_277 = vector.extract %parallel_loop3A_276[0] : i32 from vector<1xi32>
            %parallel_loop3A_278 = vector.broadcast %parallel_loop3A_277 : i32 to vector<16xi32>
            %parallel_loop3A_279 = arith.select %parallel_loop3A_271, %parallel_loop3A_278, %parallel_loop3A_268 : vector<16xi1>, vector<16xi32>
            %parallel_loop3A_280 = arith.constant 4 : i32
            %parallel_loop3A_281 = vector.broadcast %parallel_loop3A_280 : i32 to vector<16xi32>
            %parallel_loop3A_282 = arith.cmpi eq, %iota3A, %parallel_loop3A_281 : vector<16xi32>
            %parallel_loop3A_283 = vector.extract_strided_slice %parallel_loop3A_233 {offsets = [4], sizes = [1], strides = [1]} : vector<16xi32> to vector<1xi32>
            %parallel_loop3A_284 = vector.extract %parallel_loop3A_283[0] : i32 from vector<1xi32>
            %parallel_loop3A_285 = arith.index_cast %parallel_loop3A_284 : i32 to index
            %parallel_loop3A_286 = tpu.vector_load %arg27[%parallel_loop3A_285] {strides = array<i32>} : memref<528xi32, #tpu.memory_space<vmem>>, vector<16xi32>,
            %parallel_loop3A_287 = vector.extract_strided_slice %parallel_loop3A_286 {offsets = [0], sizes = [1], strides = [1]} : vector<16xi32> to vector<1xi32>
            %parallel_loop3A_288 = vector.extract %parallel_loop3A_287[0] : i32 from vector<1xi32>
            %parallel_loop3A_289 = vector.broadcast %parallel_loop3A_288 : i32 to vector<16xi32>
            %parallel_loop3A_290 = arith.select %parallel_loop3A_282, %parallel_loop3A_289, %parallel_loop3A_279 : vector<16xi1>, vector<16xi32>
            %parallel_loop3A_291 = arith.constant 5 : i32
            %parallel_loop3A_292 = vector.broadcast %parallel_loop3A_291 : i32 to vector<16xi32>
            %parallel_loop3A_293 = arith.cmpi eq, %iota3A, %parallel_loop3A_292 : vector<16xi32>
            %parallel_loop3A_294 = vector.extract_strided_slice %parallel_loop3A_233 {offsets = [5], sizes = [1], strides = [1]} : vector<16xi32> to vector<1xi32>
            %parallel_loop3A_295 = vector.extract %parallel_loop3A_294[0] : i32 from vector<1xi32>
            %parallel_loop3A_296 = arith.index_cast %parallel_loop3A_295 : i32 to index
            %parallel_loop3A_297 = tpu.vector_load %arg27[%parallel_loop3A_296] {strides = array<i32>} : memref<528xi32, #tpu.memory_space<vmem>>, vector<16xi32>,
            %parallel_loop3A_298 = vector.extract_strided_slice %parallel_loop3A_297 {offsets = [0], sizes = [1], strides = [1]} : vector<16xi32> to vector<1xi32>
            %parallel_loop3A_299 = vector.extract %parallel_loop3A_298[0] : i32 from vector<1xi32>
            %parallel_loop3A_300 = vector.broadcast %parallel_loop3A_299 : i32 to vector<16xi32>
            %parallel_loop3A_301 = arith.select %parallel_loop3A_293, %parallel_loop3A_300, %parallel_loop3A_290 : vector<16xi1>, vector<16xi32>
            %parallel_loop3A_302 = arith.constant 6 : i32
            %parallel_loop3A_303 = vector.broadcast %parallel_loop3A_302 : i32 to vector<16xi32>
            %parallel_loop3A_304 = arith.cmpi eq, %iota3A, %parallel_loop3A_303 : vector<16xi32>
            %parallel_loop3A_305 = vector.extract_strided_slice %parallel_loop3A_233 {offsets = [6], sizes = [1], strides = [1]} : vector<16xi32> to vector<1xi32>
            %parallel_loop3A_306 = vector.extract %parallel_loop3A_305[0] : i32 from vector<1xi32>
            %parallel_loop3A_307 = arith.index_cast %parallel_loop3A_306 : i32 to index
            %parallel_loop3A_308 = tpu.vector_load %arg27[%parallel_loop3A_307] {strides = array<i32>} : memref<528xi32, #tpu.memory_space<vmem>>, vector<16xi32>,
            %parallel_loop3A_309 = vector.extract_strided_slice %parallel_loop3A_308 {offsets = [0], sizes = [1], strides = [1]} : vector<16xi32> to vector<1xi32>
            %parallel_loop3A_310 = vector.extract %parallel_loop3A_309[0] : i32 from vector<1xi32>
            %parallel_loop3A_311 = vector.broadcast %parallel_loop3A_310 : i32 to vector<16xi32>
            %parallel_loop3A_312 = arith.select %parallel_loop3A_304, %parallel_loop3A_311, %parallel_loop3A_301 : vector<16xi1>, vector<16xi32>
            %parallel_loop3A_313 = arith.constant 7 : i32
            %parallel_loop3A_314 = vector.broadcast %parallel_loop3A_313 : i32 to vector<16xi32>
            %parallel_loop3A_315 = arith.cmpi eq, %iota3A, %parallel_loop3A_314 : vector<16xi32>
            %parallel_loop3A_316 = vector.extract_strided_slice %parallel_loop3A_233 {offsets = [7], sizes = [1], strides = [1]} : vector<16xi32> to vector<1xi32>
            %parallel_loop3A_317 = vector.extract %parallel_loop3A_316[0] : i32 from vector<1xi32>
            %parallel_loop3A_318 = arith.index_cast %parallel_loop3A_317 : i32 to index
            %parallel_loop3A_319 = tpu.vector_load %arg27[%parallel_loop3A_318] {strides = array<i32>} : memref<528xi32, #tpu.memory_space<vmem>>, vector<16xi32>,
            %parallel_loop3A_320 = vector.extract_strided_slice %parallel_loop3A_319 {offsets = [0], sizes = [1], strides = [1]} : vector<16xi32> to vector<1xi32>
            %parallel_loop3A_321 = vector.extract %parallel_loop3A_320[0] : i32 from vector<1xi32>
            %parallel_loop3A_322 = vector.broadcast %parallel_loop3A_321 : i32 to vector<16xi32>
            %parallel_loop3A_323 = arith.select %parallel_loop3A_315, %parallel_loop3A_322, %parallel_loop3A_312 : vector<16xi1>, vector<16xi32>
            %parallel_loop3A_324 = arith.constant 8 : i32
            %parallel_loop3A_325 = vector.broadcast %parallel_loop3A_324 : i32 to vector<16xi32>
            %parallel_loop3A_326 = arith.cmpi eq, %iota3A, %parallel_loop3A_325 : vector<16xi32>
            %parallel_loop3A_327 = vector.extract_strided_slice %parallel_loop3A_233 {offsets = [8], sizes = [1], strides = [1]} : vector<16xi32> to vector<1xi32>
            %parallel_loop3A_328 = vector.extract %parallel_loop3A_327[0] : i32 from vector<1xi32>
            %parallel_loop3A_329 = arith.index_cast %parallel_loop3A_328 : i32 to index
            %parallel_loop3A_330 = tpu.vector_load %arg27[%parallel_loop3A_329] {strides = array<i32>} : memref<528xi32, #tpu.memory_space<vmem>>, vector<16xi32>,
            %parallel_loop3A_331 = vector.extract_strided_slice %parallel_loop3A_330 {offsets = [0], sizes = [1], strides = [1]} : vector<16xi32> to vector<1xi32>
            %parallel_loop3A_332 = vector.extract %parallel_loop3A_331[0] : i32 from vector<1xi32>
            %parallel_loop3A_333 = vector.broadcast %parallel_loop3A_332 : i32 to vector<16xi32>
            %parallel_loop3A_334 = arith.select %parallel_loop3A_326, %parallel_loop3A_333, %parallel_loop3A_323 : vector<16xi1>, vector<16xi32>
            %parallel_loop3A_335 = arith.constant 9 : i32
            %parallel_loop3A_336 = vector.broadcast %parallel_loop3A_335 : i32 to vector<16xi32>
            %parallel_loop3A_337 = arith.cmpi eq, %iota3A, %parallel_loop3A_336 : vector<16xi32>
            %parallel_loop3A_338 = vector.extract_strided_slice %parallel_loop3A_233 {offsets = [9], sizes = [1], strides = [1]} : vector<16xi32> to vector<1xi32>
            %parallel_loop3A_339 = vector.extract %parallel_loop3A_338[0] : i32 from vector<1xi32>
            %parallel_loop3A_340 = arith.index_cast %parallel_loop3A_339 : i32 to index
            %parallel_loop3A_341 = tpu.vector_load %arg27[%parallel_loop3A_340] {strides = array<i32>} : memref<528xi32, #tpu.memory_space<vmem>>, vector<16xi32>,
            %parallel_loop3A_342 = vector.extract_strided_slice %parallel_loop3A_341 {offsets = [0], sizes = [1], strides = [1]} : vector<16xi32> to vector<1xi32>
            %parallel_loop3A_343 = vector.extract %parallel_loop3A_342[0] : i32 from vector<1xi32>
            %parallel_loop3A_344 = vector.broadcast %parallel_loop3A_343 : i32 to vector<16xi32>
            %parallel_loop3A_345 = arith.select %parallel_loop3A_337, %parallel_loop3A_344, %parallel_loop3A_334 : vector<16xi1>, vector<16xi32>
            %parallel_loop3A_346 = arith.constant 10 : i32
            %parallel_loop3A_347 = vector.broadcast %parallel_loop3A_346 : i32 to vector<16xi32>
            %parallel_loop3A_348 = arith.cmpi eq, %iota3A, %parallel_loop3A_347 : vector<16xi32>
            %parallel_loop3A_349 = vector.extract_strided_slice %parallel_loop3A_233 {offsets = [10], sizes = [1], strides = [1]} : vector<16xi32> to vector<1xi32>
            %parallel_loop3A_350 = vector.extract %parallel_loop3A_349[0] : i32 from vector<1xi32>
            %parallel_loop3A_351 = arith.index_cast %parallel_loop3A_350 : i32 to index
            %parallel_loop3A_352 = tpu.vector_load %arg27[%parallel_loop3A_351] {strides = array<i32>} : memref<528xi32, #tpu.memory_space<vmem>>, vector<16xi32>,
            %parallel_loop3A_353 = vector.extract_strided_slice %parallel_loop3A_352 {offsets = [0], sizes = [1], strides = [1]} : vector<16xi32> to vector<1xi32>
            %parallel_loop3A_354 = vector.extract %parallel_loop3A_353[0] : i32 from vector<1xi32>
            %parallel_loop3A_355 = vector.broadcast %parallel_loop3A_354 : i32 to vector<16xi32>
            %parallel_loop3A_356 = arith.select %parallel_loop3A_348, %parallel_loop3A_355, %parallel_loop3A_345 : vector<16xi1>, vector<16xi32>
            %parallel_loop3A_357 = arith.constant 11 : i32
            %parallel_loop3A_358 = vector.broadcast %parallel_loop3A_357 : i32 to vector<16xi32>
            %parallel_loop3A_359 = arith.cmpi eq, %iota3A, %parallel_loop3A_358 : vector<16xi32>
            %parallel_loop3A_360 = vector.extract_strided_slice %parallel_loop3A_233 {offsets = [11], sizes = [1], strides = [1]} : vector<16xi32> to vector<1xi32>
            %parallel_loop3A_361 = vector.extract %parallel_loop3A_360[0] : i32 from vector<1xi32>
            %parallel_loop3A_362 = arith.index_cast %parallel_loop3A_361 : i32 to index
            %parallel_loop3A_363 = tpu.vector_load %arg27[%parallel_loop3A_362] {strides = array<i32>} : memref<528xi32, #tpu.memory_space<vmem>>, vector<16xi32>,
            %parallel_loop3A_364 = vector.extract_strided_slice %parallel_loop3A_363 {offsets = [0], sizes = [1], strides = [1]} : vector<16xi32> to vector<1xi32>
            %parallel_loop3A_365 = vector.extract %parallel_loop3A_364[0] : i32 from vector<1xi32>
            %parallel_loop3A_366 = vector.broadcast %parallel_loop3A_365 : i32 to vector<16xi32>
            %parallel_loop3A_367 = arith.select %parallel_loop3A_359, %parallel_loop3A_366, %parallel_loop3A_356 : vector<16xi1>, vector<16xi32>
            %parallel_loop3A_368 = arith.constant 12 : i32
            %parallel_loop3A_369 = vector.broadcast %parallel_loop3A_368 : i32 to vector<16xi32>
            %parallel_loop3A_370 = arith.cmpi eq, %iota3A, %parallel_loop3A_369 : vector<16xi32>
            %parallel_loop3A_371 = vector.extract_strided_slice %parallel_loop3A_233 {offsets = [12], sizes = [1], strides = [1]} : vector<16xi32> to vector<1xi32>
            %parallel_loop3A_372 = vector.extract %parallel_loop3A_371[0] : i32 from vector<1xi32>
            %parallel_loop3A_373 = arith.index_cast %parallel_loop3A_372 : i32 to index
            %parallel_loop3A_374 = tpu.vector_load %arg27[%parallel_loop3A_373] {strides = array<i32>} : memref<528xi32, #tpu.memory_space<vmem>>, vector<16xi32>,
            %parallel_loop3A_375 = vector.extract_strided_slice %parallel_loop3A_374 {offsets = [0], sizes = [1], strides = [1]} : vector<16xi32> to vector<1xi32>
            %parallel_loop3A_376 = vector.extract %parallel_loop3A_375[0] : i32 from vector<1xi32>
            %parallel_loop3A_377 = vector.broadcast %parallel_loop3A_376 : i32 to vector<16xi32>
            %parallel_loop3A_378 = arith.select %parallel_loop3A_370, %parallel_loop3A_377, %parallel_loop3A_367 : vector<16xi1>, vector<16xi32>
            %parallel_loop3A_379 = arith.constant 13 : i32
            %parallel_loop3A_380 = vector.broadcast %parallel_loop3A_379 : i32 to vector<16xi32>
            %parallel_loop3A_381 = arith.cmpi eq, %iota3A, %parallel_loop3A_380 : vector<16xi32>
            %parallel_loop3A_382 = vector.extract_strided_slice %parallel_loop3A_233 {offsets = [13], sizes = [1], strides = [1]} : vector<16xi32> to vector<1xi32>
            %parallel_loop3A_383 = vector.extract %parallel_loop3A_382[0] : i32 from vector<1xi32>
            %parallel_loop3A_384 = arith.index_cast %parallel_loop3A_383 : i32 to index
            %parallel_loop3A_385 = tpu.vector_load %arg27[%parallel_loop3A_384] {strides = array<i32>} : memref<528xi32, #tpu.memory_space<vmem>>, vector<16xi32>,
            %parallel_loop3A_386 = vector.extract_strided_slice %parallel_loop3A_385 {offsets = [0], sizes = [1], strides = [1]} : vector<16xi32> to vector<1xi32>
            %parallel_loop3A_387 = vector.extract %parallel_loop3A_386[0] : i32 from vector<1xi32>
            %parallel_loop3A_388 = vector.broadcast %parallel_loop3A_387 : i32 to vector<16xi32>
            %parallel_loop3A_389 = arith.select %parallel_loop3A_381, %parallel_loop3A_388, %parallel_loop3A_378 : vector<16xi1>, vector<16xi32>
            %parallel_loop3A_390 = arith.constant 14 : i32
            %parallel_loop3A_391 = vector.broadcast %parallel_loop3A_390 : i32 to vector<16xi32>
            %parallel_loop3A_392 = arith.cmpi eq, %iota3A, %parallel_loop3A_391 : vector<16xi32>
            %parallel_loop3A_393 = vector.extract_strided_slice %parallel_loop3A_233 {offsets = [14], sizes = [1], strides = [1]} : vector<16xi32> to vector<1xi32>
            %parallel_loop3A_394 = vector.extract %parallel_loop3A_393[0] : i32 from vector<1xi32>
            %parallel_loop3A_395 = arith.index_cast %parallel_loop3A_394 : i32 to index
            %parallel_loop3A_396 = tpu.vector_load %arg27[%parallel_loop3A_395] {strides = array<i32>} : memref<528xi32, #tpu.memory_space<vmem>>, vector<16xi32>,
            %parallel_loop3A_397 = vector.extract_strided_slice %parallel_loop3A_396 {offsets = [0], sizes = [1], strides = [1]} : vector<16xi32> to vector<1xi32>
            %parallel_loop3A_398 = vector.extract %parallel_loop3A_397[0] : i32 from vector<1xi32>
            %parallel_loop3A_399 = vector.broadcast %parallel_loop3A_398 : i32 to vector<16xi32>
            %parallel_loop3A_400 = arith.select %parallel_loop3A_392, %parallel_loop3A_399, %parallel_loop3A_389 : vector<16xi1>, vector<16xi32>
            %parallel_loop3A_401 = arith.constant 15 : i32
            %parallel_loop3A_402 = vector.broadcast %parallel_loop3A_401 : i32 to vector<16xi32>
            %parallel_loop3A_403 = arith.cmpi eq, %iota3A, %parallel_loop3A_402 : vector<16xi32>
            %parallel_loop3A_404 = vector.extract_strided_slice %parallel_loop3A_233 {offsets = [15], sizes = [1], strides = [1]} : vector<16xi32> to vector<1xi32>
            %parallel_loop3A_405 = vector.extract %parallel_loop3A_404[0] : i32 from vector<1xi32>
            %parallel_loop3A_406 = arith.index_cast %parallel_loop3A_405 : i32 to index
            %parallel_loop3A_407 = tpu.vector_load %arg27[%parallel_loop3A_406] {strides = array<i32>} : memref<528xi32, #tpu.memory_space<vmem>>, vector<16xi32>,
            %parallel_loop3A_408 = vector.extract_strided_slice %parallel_loop3A_407 {offsets = [0], sizes = [1], strides = [1]} : vector<16xi32> to vector<1xi32>
            %parallel_loop3A_409 = vector.extract %parallel_loop3A_408[0] : i32 from vector<1xi32>
            %parallel_loop3A_410 = vector.broadcast %parallel_loop3A_409 : i32 to vector<16xi32>
            %parallel_loop3A_411 = arith.select %parallel_loop3A_403, %parallel_loop3A_410, %parallel_loop3A_400 : vector<16xi1>, vector<16xi32>
            %parallel_loop3A_412 = arith.constant 16 : i32
            %parallel_loop3A_413 = arith.muli %parallel_loop3A_228, %parallel_loop3A_412 : i32
            %parallel_loop3A_414 = arith.index_cast %parallel_loop3A_413 : i32 to index
            %parallel_loop3A_415 = tpu.vector_load %arg16[%parallel_loop3A_414] {strides = array<i32>} : memref<32xi32, #tpu.memory_space<vmem>>, vector<16xi32>,
            tpu.vector_store %arg16[%parallel_loop3A_414], %parallel_loop3A_411 {strides = array<i32>} : memref<32xi32, #tpu.memory_space<vmem>>, vector<16xi32>,
          } {sc.loop_unroll_factor = 2 : i64, sc.parallel_access}
          %dma_start3A_225 = arith.constant 0 : i32
          %dma_start3A_226 = arith.constant 0 : i32
          %dma_start3A_227 = tpu.memref_slice %arg9[%dma_start3A_225, %dma_start3A_226] : memref<10001x128xf32, #tpu.memory_space<hbm>> -> memref<10001x128xf32, #tpu.memory_space<hbm>>
          tpu.enqueue_indirect_dma source(%dma_start3A_227 : memref<10001x128xf32, #tpu.memory_space<hbm>>) target(%arg22 : memref<32x128xf32, #tpu.memory_space<vmem>>) offsets(%arg16 : memref<32xi32, #tpu.memory_space<vmem>>) semaphore(%arg31 : memref<!tpu.dma_semaphore, #tpu.memory_space<semaphore_mem>>)
        } else {
        }
        %mul3A_201 = arith.constant 32 : i32
        %mul3A_202 = arith.muli %add3A_180, %mul3A_201 : i32
        %add3A_203 = arith.constant 0 : i32
        %add3A_204 = arith.addi %mul3A_202, %add3A_203 : i32
        %get3A_205 = arith.index_cast %add3A_204 : i32 to index
        %get3A_206 = tpu.vector_load %arg14[%get3A_205] {strides = array<i32>} : memref<832xi32, #tpu.memory_space<vmem>>, vector<16xi32>,
        %min3A_207 = arith.minsi %get3A_206, %broadcast_in_dim3A_61 : vector<16xi32>
        %swap3A_208 = arith.constant 0 : index
        %swap3A_209 = tpu.vector_load %arg17[%swap3A_208] {strides = array<i32>} : memref<32xi32, #tpu.memory_space<vmem>>, vector<16xi32>,
        tpu.vector_store %arg17[%swap3A_208], %min3A_207 {strides = array<i32>} : memref<32xi32, #tpu.memory_space<vmem>>, vector<16xi32>,
        %add3A_210 = arith.constant 16 : i32
        %add3A_211 = arith.addi %mul3A_202, %add3A_210 : i32
        %get3A_212 = arith.index_cast %add3A_211 : i32 to index
        %get3A_213 = tpu.vector_load %arg14[%get3A_212] {strides = array<i32>} : memref<832xi32, #tpu.memory_space<vmem>>, vector<16xi32>,
        %min3A_214 = arith.minsi %get3A_213, %broadcast_in_dim3A_61 : vector<16xi32>
        %swap3A_215 = arith.constant 16 : index
        %swap3A_216 = tpu.vector_load %arg17[%swap3A_215] {strides = array<i32>} : memref<32xi32, #tpu.memory_space<vmem>>, vector<16xi32>,
        tpu.vector_store %arg17[%swap3A_215], %min3A_214 {strides = array<i32>} : memref<32xi32, #tpu.memory_space<vmem>>, vector<16xi32>,
        %parallel_loop3A_217 = arith.constant 0 : i32
        %parallel_loop3A_218 = arith.constant 32 : i32
        %parallel_loop3A_219 = arith.constant 1 : i32
        scf.for %parallel_loop3A_220 = %parallel_loop3A_217 to %parallel_loop3A_218 step %parallel_loop3A_219  : i32 {
          %parallel_loop3A_221 = arith.index_cast %parallel_loop3A_220 : i32 to index
          %parallel_loop3A_222 = arith.constant 128 : index
          %parallel_loop3A_223 = tpu.vector_load %arg20[%parallel_loop3A_221, %parallel_loop3A_222] {strides = array<i32>} : memref<32x256xf32, #tpu.memory_space<vmem>>, vector<16xf32>,
          %parallel_loop3A_224 = arith.index_cast %parallel_loop3A_220 : i32 to index
          %parallel_loop3A_225 = arith.constant 128 : index
          %parallel_loop3A_226 = tpu.vector_load %arg21[%parallel_loop3A_224, %parallel_loop3A_225] {strides = array<i32>} : memref<32x256xf32, #tpu.memory_space<vmem>>, vector<16xf32>,
          %parallel_loop3A_227 = arith.addf %parallel_loop3A_223, %parallel_loop3A_226 : vector<16xf32>
          %parallel_loop3A_228 = arith.index_cast %parallel_loop3A_220 : i32 to index
          %parallel_loop3A_229 = arith.constant 0 : index
          %parallel_loop3A_230 = tpu.vector_load %arg23[%parallel_loop3A_228, %parallel_loop3A_229] {strides = array<i32>} : memref<32x128xf32, #tpu.memory_space<vmem>>, vector<16xf32>,
          %parallel_loop3A_231 = arith.addf %parallel_loop3A_227, %parallel_loop3A_230 : vector<16xf32>
          %parallel_loop3A_232 = arith.addf %parallel_loop3A_231, %get3A_3 : vector<16xf32>
          %parallel_loop3A_233 = arith.constant 0.000000e+00 : f32
          %parallel_loop3A_234 = vector.broadcast %parallel_loop3A_233 : f32 to vector<16xf32>
          %parallel_loop3A_235 = arith.maximumf %parallel_loop3A_232, %parallel_loop3A_234 : vector<16xf32>
          %parallel_loop3A_236 = arith.mulf %parallel_loop3A_235, %get3A_7 : vector<16xf32>
          %parallel_loop3A_237 = arith.index_cast %parallel_loop3A_220 : i32 to index
          %parallel_loop3A_238 = arith.constant 144 : index
          %parallel_loop3A_239 = tpu.vector_load %arg20[%parallel_loop3A_237, %parallel_loop3A_238] {strides = array<i32>} : memref<32x256xf32, #tpu.memory_space<vmem>>, vector<16xf32>,
          %parallel_loop3A_240 = arith.index_cast %parallel_loop3A_220 : i32 to index
          %parallel_loop3A_241 = arith.constant 144 : index
          %parallel_loop3A_242 = tpu.vector_load %arg21[%parallel_loop3A_240, %parallel_loop3A_241] {strides = array<i32>} : memref<32x256xf32, #tpu.memory_space<vmem>>, vector<16xf32>,
          %parallel_loop3A_243 = arith.addf %parallel_loop3A_239, %parallel_loop3A_242 : vector<16xf32>
          %parallel_loop3A_244 = arith.index_cast %parallel_loop3A_220 : i32 to index
          %parallel_loop3A_245 = arith.constant 16 : index
          %parallel_loop3A_246 = tpu.vector_load %arg23[%parallel_loop3A_244, %parallel_loop3A_245] {strides = array<i32>} : memref<32x128xf32, #tpu.memory_space<vmem>>, vector<16xf32>,
          %parallel_loop3A_247 = arith.addf %parallel_loop3A_243, %parallel_loop3A_246 : vector<16xf32>
          %parallel_loop3A_248 = arith.addf %parallel_loop3A_247, %get3A_5 : vector<16xf32>
          %parallel_loop3A_249 = arith.constant 0.000000e+00 : f32
          %parallel_loop3A_250 = vector.broadcast %parallel_loop3A_249 : f32 to vector<16xf32>
          %parallel_loop3A_251 = arith.maximumf %parallel_loop3A_248, %parallel_loop3A_250 : vector<16xf32>
          %parallel_loop3A_252 = arith.mulf %parallel_loop3A_251, %get3A_9 : vector<16xf32>
          %parallel_loop3A_253 = arith.addf %parallel_loop3A_236, %parallel_loop3A_252 : vector<16xf32>
          %parallel_loop3A_254 = arith.constant 0 : i32
          %parallel_loop3A_255 = vector.broadcast %parallel_loop3A_254 : i32 to vector<16xi32>
          %parallel_loop3A_256 = arith.cmpi slt, %xor3A_63, %parallel_loop3A_255 : vector<16xi32>
          %parallel_loop3A_257 = arith.constant 16 : i32
          %parallel_loop3A_258 = vector.broadcast %parallel_loop3A_257 : i32 to vector<16xi32>
          %parallel_loop3A_259 = arith.addi %xor3A_63, %parallel_loop3A_258 : vector<16xi32>
          %parallel_loop3A_260 = arith.select %parallel_loop3A_256, %parallel_loop3A_259, %xor3A_63 : vector<16xi1>, vector<16xi32>
          %parallel_loop3A_261 = vector.shape_cast %parallel_loop3A_260 : vector<16xi32> to vector<16x1xi32>
          %parallel_loop3A_262 = vector.shape_cast %parallel_loop3A_261 : vector<16x1xi32> to vector<16xi32>
          %parallel_loop3A_263 = tpu.dynamic_gather %parallel_loop3A_253[%parallel_loop3A_262] in [0] : vector<16xf32>, vector<16xi32> -> vector<16xf32>
          %parallel_loop3A_264 = arith.addf %parallel_loop3A_253, %parallel_loop3A_263 : vector<16xf32>
          %parallel_loop3A_265 = arith.constant 0 : i32
          %parallel_loop3A_266 = vector.broadcast %parallel_loop3A_265 : i32 to vector<16xi32>
          %parallel_loop3A_267 = arith.cmpi slt, %xor3A_66, %parallel_loop3A_266 : vector<16xi32>
          %parallel_loop3A_268 = arith.constant 16 : i32
          %parallel_loop3A_269 = vector.broadcast %parallel_loop3A_268 : i32 to vector<16xi32>
          %parallel_loop3A_270 = arith.addi %xor3A_66, %parallel_loop3A_269 : vector<16xi32>
          %parallel_loop3A_271 = arith.select %parallel_loop3A_267, %parallel_loop3A_270, %xor3A_66 : vector<16xi1>, vector<16xi32>
          %parallel_loop3A_272 = vector.shape_cast %parallel_loop3A_271 : vector<16xi32> to vector<16x1xi32>
          %parallel_loop3A_273 = vector.shape_cast %parallel_loop3A_272 : vector<16x1xi32> to vector<16xi32>
          %parallel_loop3A_274 = tpu.dynamic_gather %parallel_loop3A_264[%parallel_loop3A_273] in [0] : vector<16xf32>, vector<16xi32> -> vector<16xf32>
          %parallel_loop3A_275 = arith.addf %parallel_loop3A_264, %parallel_loop3A_274 : vector<16xf32>
          %parallel_loop3A_276 = arith.constant 0 : i32
          %parallel_loop3A_277 = vector.broadcast %parallel_loop3A_276 : i32 to vector<16xi32>
          %parallel_loop3A_278 = arith.cmpi slt, %xor3A_69, %parallel_loop3A_277 : vector<16xi32>
          %parallel_loop3A_279 = arith.constant 16 : i32
          %parallel_loop3A_280 = vector.broadcast %parallel_loop3A_279 : i32 to vector<16xi32>
          %parallel_loop3A_281 = arith.addi %xor3A_69, %parallel_loop3A_280 : vector<16xi32>
          %parallel_loop3A_282 = arith.select %parallel_loop3A_278, %parallel_loop3A_281, %xor3A_69 : vector<16xi1>, vector<16xi32>
          %parallel_loop3A_283 = vector.shape_cast %parallel_loop3A_282 : vector<16xi32> to vector<16x1xi32>
          %parallel_loop3A_284 = vector.shape_cast %parallel_loop3A_283 : vector<16x1xi32> to vector<16xi32>
          %parallel_loop3A_285 = tpu.dynamic_gather %parallel_loop3A_275[%parallel_loop3A_284] in [0] : vector<16xf32>, vector<16xi32> -> vector<16xf32>
          %parallel_loop3A_286 = arith.addf %parallel_loop3A_275, %parallel_loop3A_285 : vector<16xf32>
          %parallel_loop3A_287 = arith.constant 0 : i32
          %parallel_loop3A_288 = vector.broadcast %parallel_loop3A_287 : i32 to vector<16xi32>
          %parallel_loop3A_289 = arith.cmpi slt, %xor3A_72, %parallel_loop3A_288 : vector<16xi32>
          %parallel_loop3A_290 = arith.constant 16 : i32
          %parallel_loop3A_291 = vector.broadcast %parallel_loop3A_290 : i32 to vector<16xi32>
          %parallel_loop3A_292 = arith.addi %xor3A_72, %parallel_loop3A_291 : vector<16xi32>
          %parallel_loop3A_293 = arith.select %parallel_loop3A_289, %parallel_loop3A_292, %xor3A_72 : vector<16xi1>, vector<16xi32>
          %parallel_loop3A_294 = vector.shape_cast %parallel_loop3A_293 : vector<16xi32> to vector<16x1xi32>
          %parallel_loop3A_295 = vector.shape_cast %parallel_loop3A_294 : vector<16x1xi32> to vector<16xi32>
          %parallel_loop3A_296 = tpu.dynamic_gather %parallel_loop3A_286[%parallel_loop3A_295] in [0] : vector<16xf32>, vector<16xi32> -> vector<16xf32>
          %parallel_loop3A_297 = arith.addf %parallel_loop3A_286, %parallel_loop3A_296 : vector<16xf32>
          %parallel_loop3A_298 = vector.broadcast %squeeze3A : f32 to vector<16xf32>
          %parallel_loop3A_299 = arith.addf %parallel_loop3A_297, %parallel_loop3A_298 : vector<16xf32>
          %parallel_loop3A_300 = arith.constant 0.000000e+00 : f32
          %parallel_loop3A_301 = vector.broadcast %parallel_loop3A_300 : f32 to vector<16xf32>
          %parallel_loop3A_302 = arith.subf %parallel_loop3A_301, %parallel_loop3A_299 : vector<16xf32>
          %parallel_loop3A_303 = math.exp %parallel_loop3A_302 : vector<16xf32>
          %parallel_loop3A_304 = arith.constant 1.000000e+00 : f32
          %parallel_loop3A_305 = vector.broadcast %parallel_loop3A_304 : f32 to vector<16xf32>
          %parallel_loop3A_306 = arith.addf %parallel_loop3A_305, %parallel_loop3A_303 : vector<16xf32>
          %parallel_loop3A_307 = arith.constant 1.000000e+00 : f32
          %parallel_loop3A_308 = vector.broadcast %parallel_loop3A_307 : f32 to vector<16xf32>
          %parallel_loop3A_309 = arith.divf %parallel_loop3A_308, %parallel_loop3A_306 : vector<16xf32>
          %parallel_loop3A_310 = arith.index_cast %parallel_loop3A_220 : i32 to index
          %parallel_loop3A_311 = arith.constant 0 : index
          %parallel_loop3A_312 = tpu.vector_load %arg20[%parallel_loop3A_310, %parallel_loop3A_311] {strides = array<i32>} : memref<32x256xf32, #tpu.memory_space<vmem>>, vector<16xf32>,
          %parallel_loop3A_313 = arith.index_cast %parallel_loop3A_220 : i32 to index
          %parallel_loop3A_314 = arith.constant 0 : index
          %parallel_loop3A_315 = tpu.vector_load %arg21[%parallel_loop3A_313, %parallel_loop3A_314] {strides = array<i32>} : memref<32x256xf32, #tpu.memory_space<vmem>>, vector<16xf32>,
          %parallel_loop3A_316 = arith.mulf %parallel_loop3A_312, %parallel_loop3A_315 : vector<16xf32>
          %parallel_loop3A_317 = arith.mulf %parallel_loop3A_316, %parallel_loop3A_309 : vector<16xf32>
          %parallel_loop3A_318 = arith.index_cast %parallel_loop3A_220 : i32 to index
          %parallel_loop3A_319 = arith.constant 0 : index
          %parallel_loop3A_320 = tpu.vector_load %arg24[%parallel_loop3A_318, %parallel_loop3A_319] {strides = array<i32>} : memref<32x128xf32, #tpu.memory_space<vmem>>, vector<16xf32>,
          tpu.vector_store %arg24[%parallel_loop3A_318, %parallel_loop3A_319], %parallel_loop3A_317 {strides = array<i32>} : memref<32x128xf32, #tpu.memory_space<vmem>>, vector<16xf32>,
          %parallel_loop3A_321 = arith.index_cast %parallel_loop3A_220 : i32 to index
          %parallel_loop3A_322 = arith.constant 16 : index
          %parallel_loop3A_323 = tpu.vector_load %arg20[%parallel_loop3A_321, %parallel_loop3A_322] {strides = array<i32>} : memref<32x256xf32, #tpu.memory_space<vmem>>, vector<16xf32>,
          %parallel_loop3A_324 = arith.index_cast %parallel_loop3A_220 : i32 to index
          %parallel_loop3A_325 = arith.constant 16 : index
          %parallel_loop3A_326 = tpu.vector_load %arg21[%parallel_loop3A_324, %parallel_loop3A_325] {strides = array<i32>} : memref<32x256xf32, #tpu.memory_space<vmem>>, vector<16xf32>,
          %parallel_loop3A_327 = arith.mulf %parallel_loop3A_323, %parallel_loop3A_326 : vector<16xf32>
          %parallel_loop3A_328 = arith.mulf %parallel_loop3A_327, %parallel_loop3A_309 : vector<16xf32>
          %parallel_loop3A_329 = arith.index_cast %parallel_loop3A_220 : i32 to index
          %parallel_loop3A_330 = arith.constant 16 : index
          %parallel_loop3A_331 = tpu.vector_load %arg24[%parallel_loop3A_329, %parallel_loop3A_330] {strides = array<i32>} : memref<32x128xf32, #tpu.memory_space<vmem>>, vector<16xf32>,
          tpu.vector_store %arg24[%parallel_loop3A_329, %parallel_loop3A_330], %parallel_loop3A_328 {strides = array<i32>} : memref<32x128xf32, #tpu.memory_space<vmem>>, vector<16xf32>,
          %parallel_loop3A_332 = arith.index_cast %parallel_loop3A_220 : i32 to index
          %parallel_loop3A_333 = arith.constant 32 : index
          %parallel_loop3A_334 = tpu.vector_load %arg20[%parallel_loop3A_332, %parallel_loop3A_333] {strides = array<i32>} : memref<32x256xf32, #tpu.memory_space<vmem>>, vector<16xf32>,
          %parallel_loop3A_335 = arith.index_cast %parallel_loop3A_220 : i32 to index
          %parallel_loop3A_336 = arith.constant 32 : index
          %parallel_loop3A_337 = tpu.vector_load %arg21[%parallel_loop3A_335, %parallel_loop3A_336] {strides = array<i32>} : memref<32x256xf32, #tpu.memory_space<vmem>>, vector<16xf32>,
          %parallel_loop3A_338 = arith.mulf %parallel_loop3A_334, %parallel_loop3A_337 : vector<16xf32>
          %parallel_loop3A_339 = arith.mulf %parallel_loop3A_338, %parallel_loop3A_309 : vector<16xf32>
          %parallel_loop3A_340 = arith.index_cast %parallel_loop3A_220 : i32 to index
          %parallel_loop3A_341 = arith.constant 32 : index
          %parallel_loop3A_342 = tpu.vector_load %arg24[%parallel_loop3A_340, %parallel_loop3A_341] {strides = array<i32>} : memref<32x128xf32, #tpu.memory_space<vmem>>, vector<16xf32>,
          tpu.vector_store %arg24[%parallel_loop3A_340, %parallel_loop3A_341], %parallel_loop3A_339 {strides = array<i32>} : memref<32x128xf32, #tpu.memory_space<vmem>>, vector<16xf32>,
          %parallel_loop3A_343 = arith.index_cast %parallel_loop3A_220 : i32 to index
          %parallel_loop3A_344 = arith.constant 48 : index
          %parallel_loop3A_345 = tpu.vector_load %arg20[%parallel_loop3A_343, %parallel_loop3A_344] {strides = array<i32>} : memref<32x256xf32, #tpu.memory_space<vmem>>, vector<16xf32>,
          %parallel_loop3A_346 = arith.index_cast %parallel_loop3A_220 : i32 to index
          %parallel_loop3A_347 = arith.constant 48 : index
          %parallel_loop3A_348 = tpu.vector_load %arg21[%parallel_loop3A_346, %parallel_loop3A_347] {strides = array<i32>} : memref<32x256xf32, #tpu.memory_space<vmem>>, vector<16xf32>,
          %parallel_loop3A_349 = arith.mulf %parallel_loop3A_345, %parallel_loop3A_348 : vector<16xf32>
          %parallel_loop3A_350 = arith.mulf %parallel_loop3A_349, %parallel_loop3A_309 : vector<16xf32>
          %parallel_loop3A_351 = arith.index_cast %parallel_loop3A_220 : i32 to index
          %parallel_loop3A_352 = arith.constant 48 : index
          %parallel_loop3A_353 = tpu.vector_load %arg24[%parallel_loop3A_351, %parallel_loop3A_352] {strides = array<i32>} : memref<32x128xf32, #tpu.memory_space<vmem>>, vector<16xf32>,
          tpu.vector_store %arg24[%parallel_loop3A_351, %parallel_loop3A_352], %parallel_loop3A_350 {strides = array<i32>} : memref<32x128xf32, #tpu.memory_space<vmem>>, vector<16xf32>,
          %parallel_loop3A_354 = arith.index_cast %parallel_loop3A_220 : i32 to index
          %parallel_loop3A_355 = arith.constant 64 : index
          %parallel_loop3A_356 = tpu.vector_load %arg20[%parallel_loop3A_354, %parallel_loop3A_355] {strides = array<i32>} : memref<32x256xf32, #tpu.memory_space<vmem>>, vector<16xf32>,
          %parallel_loop3A_357 = arith.index_cast %parallel_loop3A_220 : i32 to index
          %parallel_loop3A_358 = arith.constant 64 : index
          %parallel_loop3A_359 = tpu.vector_load %arg21[%parallel_loop3A_357, %parallel_loop3A_358] {strides = array<i32>} : memref<32x256xf32, #tpu.memory_space<vmem>>, vector<16xf32>,
          %parallel_loop3A_360 = arith.mulf %parallel_loop3A_356, %parallel_loop3A_359 : vector<16xf32>
          %parallel_loop3A_361 = arith.mulf %parallel_loop3A_360, %parallel_loop3A_309 : vector<16xf32>
          %parallel_loop3A_362 = arith.index_cast %parallel_loop3A_220 : i32 to index
          %parallel_loop3A_363 = arith.constant 64 : index
          %parallel_loop3A_364 = tpu.vector_load %arg24[%parallel_loop3A_362, %parallel_loop3A_363] {strides = array<i32>} : memref<32x128xf32, #tpu.memory_space<vmem>>, vector<16xf32>,
          tpu.vector_store %arg24[%parallel_loop3A_362, %parallel_loop3A_363], %parallel_loop3A_361 {strides = array<i32>} : memref<32x128xf32, #tpu.memory_space<vmem>>, vector<16xf32>,
          %parallel_loop3A_365 = arith.index_cast %parallel_loop3A_220 : i32 to index
          %parallel_loop3A_366 = arith.constant 80 : index
          %parallel_loop3A_367 = tpu.vector_load %arg20[%parallel_loop3A_365, %parallel_loop3A_366] {strides = array<i32>} : memref<32x256xf32, #tpu.memory_space<vmem>>, vector<16xf32>,
          %parallel_loop3A_368 = arith.index_cast %parallel_loop3A_220 : i32 to index
          %parallel_loop3A_369 = arith.constant 80 : index
          %parallel_loop3A_370 = tpu.vector_load %arg21[%parallel_loop3A_368, %parallel_loop3A_369] {strides = array<i32>} : memref<32x256xf32, #tpu.memory_space<vmem>>, vector<16xf32>,
          %parallel_loop3A_371 = arith.mulf %parallel_loop3A_367, %parallel_loop3A_370 : vector<16xf32>
          %parallel_loop3A_372 = arith.mulf %parallel_loop3A_371, %parallel_loop3A_309 : vector<16xf32>
          %parallel_loop3A_373 = arith.index_cast %parallel_loop3A_220 : i32 to index
          %parallel_loop3A_374 = arith.constant 80 : index
          %parallel_loop3A_375 = tpu.vector_load %arg24[%parallel_loop3A_373, %parallel_loop3A_374] {strides = array<i32>} : memref<32x128xf32, #tpu.memory_space<vmem>>, vector<16xf32>,
          tpu.vector_store %arg24[%parallel_loop3A_373, %parallel_loop3A_374], %parallel_loop3A_372 {strides = array<i32>} : memref<32x128xf32, #tpu.memory_space<vmem>>, vector<16xf32>,
          %parallel_loop3A_376 = arith.index_cast %parallel_loop3A_220 : i32 to index
          %parallel_loop3A_377 = arith.constant 96 : index
          %parallel_loop3A_378 = tpu.vector_load %arg20[%parallel_loop3A_376, %parallel_loop3A_377] {strides = array<i32>} : memref<32x256xf32, #tpu.memory_space<vmem>>, vector<16xf32>,
          %parallel_loop3A_379 = arith.index_cast %parallel_loop3A_220 : i32 to index
          %parallel_loop3A_380 = arith.constant 96 : index
          %parallel_loop3A_381 = tpu.vector_load %arg21[%parallel_loop3A_379, %parallel_loop3A_380] {strides = array<i32>} : memref<32x256xf32, #tpu.memory_space<vmem>>, vector<16xf32>,
          %parallel_loop3A_382 = arith.mulf %parallel_loop3A_378, %parallel_loop3A_381 : vector<16xf32>
          %parallel_loop3A_383 = arith.mulf %parallel_loop3A_382, %parallel_loop3A_309 : vector<16xf32>
          %parallel_loop3A_384 = arith.index_cast %parallel_loop3A_220 : i32 to index
          %parallel_loop3A_385 = arith.constant 96 : index
          %parallel_loop3A_386 = tpu.vector_load %arg24[%parallel_loop3A_384, %parallel_loop3A_385] {strides = array<i32>} : memref<32x128xf32, #tpu.memory_space<vmem>>, vector<16xf32>,
          tpu.vector_store %arg24[%parallel_loop3A_384, %parallel_loop3A_385], %parallel_loop3A_383 {strides = array<i32>} : memref<32x128xf32, #tpu.memory_space<vmem>>, vector<16xf32>,
          %parallel_loop3A_387 = arith.index_cast %parallel_loop3A_220 : i32 to index
          %parallel_loop3A_388 = arith.constant 112 : index
          %parallel_loop3A_389 = tpu.vector_load %arg20[%parallel_loop3A_387, %parallel_loop3A_388] {strides = array<i32>} : memref<32x256xf32, #tpu.memory_space<vmem>>, vector<16xf32>,
          %parallel_loop3A_390 = arith.index_cast %parallel_loop3A_220 : i32 to index
          %parallel_loop3A_391 = arith.constant 112 : index
          %parallel_loop3A_392 = tpu.vector_load %arg21[%parallel_loop3A_390, %parallel_loop3A_391] {strides = array<i32>} : memref<32x256xf32, #tpu.memory_space<vmem>>, vector<16xf32>,
          %parallel_loop3A_393 = arith.mulf %parallel_loop3A_389, %parallel_loop3A_392 : vector<16xf32>
          %parallel_loop3A_394 = arith.mulf %parallel_loop3A_393, %parallel_loop3A_309 : vector<16xf32>
          %parallel_loop3A_395 = arith.index_cast %parallel_loop3A_220 : i32 to index
          %parallel_loop3A_396 = arith.constant 112 : index
          %parallel_loop3A_397 = tpu.vector_load %arg24[%parallel_loop3A_395, %parallel_loop3A_396] {strides = array<i32>} : memref<32x128xf32, #tpu.memory_space<vmem>>, vector<16xf32>,
          tpu.vector_store %arg24[%parallel_loop3A_395, %parallel_loop3A_396], %parallel_loop3A_394 {strides = array<i32>} : memref<32x128xf32, #tpu.memory_space<vmem>>, vector<16xf32>,
        } {sc.loop_unroll_factor = 4 : i64, sc.parallel_access}
        "tpu.region"() ({
          %run_scoped3A = tpu.sem_alloc : memref<!tpu.dma_semaphore, #tpu.memory_space<semaphore_mem>>
          %dma_start3A_220 = arith.constant 0 : i32
          %dma_start3A_221 = arith.constant 0 : i32
          %dma_start3A_222 = tpu.memref_slice %arg28[%dma_start3A_220, %dma_start3A_221] : memref<10000x128xf32, #tpu.memory_space<vmem_shared>> -> memref<10000x128xf32, #tpu.memory_space<vmem_shared>>
          tpu.enqueue_indirect_dma source(%arg24 : memref<32x128xf32, #tpu.memory_space<vmem>>) target(%dma_start3A_222 : memref<10000x128xf32, #tpu.memory_space<vmem_shared>>) offsets(%arg17 : memref<32xi32, #tpu.memory_space<vmem>>) semaphore(%run_scoped3A : memref<!tpu.dma_semaphore, #tpu.memory_space<semaphore_mem>>) {add = true}
          %dma_wait3A_223 = arith.constant 0 : i32
          %dma_wait3A_224 = arith.constant 0 : i32
          %dma_wait3A_225 = tpu.memref_slice %arg28[%dma_wait3A_223, %dma_wait3A_224] : memref<10000x128xf32, #tpu.memory_space<vmem_shared>> -> memref<10000x128xf32, #tpu.memory_space<vmem_shared>>
          tpu.wait_indirect_dma semaphore(%run_scoped3A : memref<!tpu.dma_semaphore, #tpu.memory_space<semaphore_mem>>) src(%arg24 : memref<32x128xf32, #tpu.memory_space<vmem>>) dst(%dma_wait3A_225 : memref<10000x128xf32, #tpu.memory_space<vmem_shared>>)
          tpu.yield
        }) : () -> ()
      }
      %scan3A_119 = arith.constant 13 : i32
    }
    %scan3A_78 = arith.constant 12 : i32
    %lt3A = arith.constant 16 : i32
    %lt3A_79 = arith.cmpi slt, %add3A, %lt3A : i32
    %convert_element_type3A = arith.extui %lt3A_79 : i1 to i32
    %cond3A = arith.constant 0 : i32
    %cond3A_80 = arith.cmpi ne, %convert_element_type3A, %cond3A : i32
    scf.if %cond3A_80 {
      %mul3A_96 = arith.constant 32 : i32
      %mul3A_97 = arith.muli %add3A, %mul3A_96 : i32
      %add3A_98 = arith.constant 319488 : i32
      %add3A_99 = arith.addi %add3A_98, %mul3A_97 : i32
      "tpu.region"() ({
        %run_scoped3A = tpu.sem_alloc : memref<!tpu.dma_semaphore, #tpu.memory_space<semaphore_mem>>
        %dma_start3A_137 = arith.constant 0 : i32
        %dma_start3A_138 = tpu.memref_slice %arg12[%dma_start3A_137] : memref<832xi32, #tpu.memory_space<vmem>> -> memref<32xi32, #tpu.memory_space<vmem>>
        %dma_start3A_139 = tpu.memref_slice %arg2[%add3A_99] : memref<320000xi32, #tpu.memory_space<hbm>> -> memref<32xi32, #tpu.memory_space<hbm>>
        %dma_start3A_140 = arith.constant 0 : i32
        %dma_start3A_141 = tpu.memref_slice %arg12[%dma_start3A_140] : memref<832xi32, #tpu.memory_space<vmem>> -> memref<32xi32, #tpu.memory_space<vmem>>
        %dma_start3A_142 = tpu.memref_slice %arg2[%add3A_99] : memref<320000xi32, #tpu.memory_space<hbm>> -> memref<32xi32, #tpu.memory_space<hbm>>
        tpu.enqueue_dma source(%dma_start3A_142 : memref<32xi32, #tpu.memory_space<hbm>>) target(%dma_start3A_141 : memref<32xi32, #tpu.memory_space<vmem>>) target_semaphore(%run_scoped3A : memref<!tpu.dma_semaphore, #tpu.memory_space<semaphore_mem>>)
        %dma_wait3A_143 = arith.constant 0 : i32
        %dma_wait3A_144 = tpu.memref_slice %arg12[%dma_wait3A_143] : memref<832xi32, #tpu.memory_space<vmem>> -> memref<32xi32, #tpu.memory_space<vmem>>
        %dma_wait3A_145 = tpu.memref_slice %arg2[%add3A_99] : memref<320000xi32, #tpu.memory_space<hbm>> -> memref<32xi32, #tpu.memory_space<hbm>>
        %dma_wait3A_146 = arith.constant 0 : i32
        %dma_wait3A_147 = tpu.memref_slice %arg12[%dma_wait3A_146] : memref<832xi32, #tpu.memory_space<vmem>> -> memref<32xi32, #tpu.memory_space<vmem>>
        %dma_wait3A_148 = tpu.memref_slice %arg2[%add3A_99] : memref<320000xi32, #tpu.memory_space<hbm>> -> memref<32xi32, #tpu.memory_space<hbm>>
        tpu.wait_dma2 semaphore(%run_scoped3A : memref<!tpu.dma_semaphore, #tpu.memory_space<semaphore_mem>>) src(%dma_wait3A_148 : memref<32xi32, #tpu.memory_space<hbm>>) dst(%dma_wait3A_147 : memref<32xi32, #tpu.memory_space<vmem>>)
        tpu.yield
      }) : () -> ()
      "tpu.region"() ({
        %run_scoped3A = tpu.sem_alloc : memref<!tpu.dma_semaphore, #tpu.memory_space<semaphore_mem>>
        %dma_start3A_137 = arith.constant 0 : i32
        %dma_start3A_138 = tpu.memref_slice %arg13[%dma_start3A_137] : memref<832xi32, #tpu.memory_space<vmem>> -> memref<32xi32, #tpu.memory_space<vmem>>
        %dma_start3A_139 = tpu.memref_slice %arg3[%add3A_99] : memref<320000xi32, #tpu.memory_space<hbm>> -> memref<32xi32, #tpu.memory_space<hbm>>
        %dma_start3A_140 = arith.constant 0 : i32
        %dma_start3A_141 = tpu.memref_slice %arg13[%dma_start3A_140] : memref<832xi32, #tpu.memory_space<vmem>> -> memref<32xi32, #tpu.memory_space<vmem>>
        %dma_start3A_142 = tpu.memref_slice %arg3[%add3A_99] : memref<320000xi32, #tpu.memory_space<hbm>> -> memref<32xi32, #tpu.memory_space<hbm>>
        tpu.enqueue_dma source(%dma_start3A_142 : memref<32xi32, #tpu.memory_space<hbm>>) target(%dma_start3A_141 : memref<32xi32, #tpu.memory_space<vmem>>) target_semaphore(%run_scoped3A : memref<!tpu.dma_semaphore, #tpu.memory_space<semaphore_mem>>)
        %dma_wait3A_143 = arith.constant 0 : i32
        %dma_wait3A_144 = tpu.memref_slice %arg13[%dma_wait3A_143] : memref<832xi32, #tpu.memory_space<vmem>> -> memref<32xi32, #tpu.memory_space<vmem>>
        %dma_wait3A_145 = tpu.memref_slice %arg3[%add3A_99] : memref<320000xi32, #tpu.memory_space<hbm>> -> memref<32xi32, #tpu.memory_space<hbm>>
        %dma_wait3A_146 = arith.constant 0 : i32
        %dma_wait3A_147 = tpu.memref_slice %arg13[%dma_wait3A_146] : memref<832xi32, #tpu.memory_space<vmem>> -> memref<32xi32, #tpu.memory_space<vmem>>
        %dma_wait3A_148 = tpu.memref_slice %arg3[%add3A_99] : memref<320000xi32, #tpu.memory_space<hbm>> -> memref<32xi32, #tpu.memory_space<hbm>>
        tpu.wait_dma2 semaphore(%run_scoped3A : memref<!tpu.dma_semaphore, #tpu.memory_space<semaphore_mem>>) src(%dma_wait3A_148 : memref<32xi32, #tpu.memory_space<hbm>>) dst(%dma_wait3A_147 : memref<32xi32, #tpu.memory_space<vmem>>)
        tpu.yield
      }) : () -> ()
      "tpu.region"() ({
        %run_scoped3A = tpu.sem_alloc : memref<!tpu.dma_semaphore, #tpu.memory_space<semaphore_mem>>
        %dma_start3A_137 = arith.constant 0 : i32
        %dma_start3A_138 = tpu.memref_slice %arg14[%dma_start3A_137] : memref<832xi32, #tpu.memory_space<vmem>> -> memref<32xi32, #tpu.memory_space<vmem>>
        %dma_start3A_139 = tpu.memref_slice %arg4[%add3A_99] : memref<320000xi32, #tpu.memory_space<hbm>> -> memref<32xi32, #tpu.memory_space<hbm>>
        %dma_start3A_140 = arith.constant 0 : i32
        %dma_start3A_141 = tpu.memref_slice %arg14[%dma_start3A_140] : memref<832xi32, #tpu.memory_space<vmem>> -> memref<32xi32, #tpu.memory_space<vmem>>
        %dma_start3A_142 = tpu.memref_slice %arg4[%add3A_99] : memref<320000xi32, #tpu.memory_space<hbm>> -> memref<32xi32, #tpu.memory_space<hbm>>
        tpu.enqueue_dma source(%dma_start3A_142 : memref<32xi32, #tpu.memory_space<hbm>>) target(%dma_start3A_141 : memref<32xi32, #tpu.memory_space<vmem>>) target_semaphore(%run_scoped3A : memref<!tpu.dma_semaphore, #tpu.memory_space<semaphore_mem>>)
        %dma_wait3A_143 = arith.constant 0 : i32
        %dma_wait3A_144 = tpu.memref_slice %arg14[%dma_wait3A_143] : memref<832xi32, #tpu.memory_space<vmem>> -> memref<32xi32, #tpu.memory_space<vmem>>
        %dma_wait3A_145 = tpu.memref_slice %arg4[%add3A_99] : memref<320000xi32, #tpu.memory_space<hbm>> -> memref<32xi32, #tpu.memory_space<hbm>>
        %dma_wait3A_146 = arith.constant 0 : i32
        %dma_wait3A_147 = tpu.memref_slice %arg14[%dma_wait3A_146] : memref<832xi32, #tpu.memory_space<vmem>> -> memref<32xi32, #tpu.memory_space<vmem>>
        %dma_wait3A_148 = tpu.memref_slice %arg4[%add3A_99] : memref<320000xi32, #tpu.memory_space<hbm>> -> memref<32xi32, #tpu.memory_space<hbm>>
        tpu.wait_dma2 semaphore(%run_scoped3A : memref<!tpu.dma_semaphore, #tpu.memory_space<semaphore_mem>>) src(%dma_wait3A_148 : memref<32xi32, #tpu.memory_space<hbm>>) dst(%dma_wait3A_147 : memref<32xi32, #tpu.memory_space<vmem>>)
        tpu.yield
      }) : () -> ()
      "tpu.region"() ({
        %run_scoped3A = tpu.sem_alloc : memref<!tpu.dma_semaphore, #tpu.memory_space<semaphore_mem>>
        %dma_start3A_137 = arith.constant 0 : i32
        %dma_start3A_138 = tpu.memref_slice %arg15[%dma_start3A_137] : memref<832xi32, #tpu.memory_space<vmem>> -> memref<32xi32, #tpu.memory_space<vmem>>
        %dma_start3A_139 = tpu.memref_slice %arg5[%add3A_99] : memref<320000xi32, #tpu.memory_space<hbm>> -> memref<32xi32, #tpu.memory_space<hbm>>
        %dma_start3A_140 = arith.constant 0 : i32
        %dma_start3A_141 = tpu.memref_slice %arg15[%dma_start3A_140] : memref<832xi32, #tpu.memory_space<vmem>> -> memref<32xi32, #tpu.memory_space<vmem>>
        %dma_start3A_142 = tpu.memref_slice %arg5[%add3A_99] : memref<320000xi32, #tpu.memory_space<hbm>> -> memref<32xi32, #tpu.memory_space<hbm>>
        tpu.enqueue_dma source(%dma_start3A_142 : memref<32xi32, #tpu.memory_space<hbm>>) target(%dma_start3A_141 : memref<32xi32, #tpu.memory_space<vmem>>) target_semaphore(%run_scoped3A : memref<!tpu.dma_semaphore, #tpu.memory_space<semaphore_mem>>)
        %dma_wait3A_143 = arith.constant 0 : i32
        %dma_wait3A_144 = tpu.memref_slice %arg15[%dma_wait3A_143] : memref<832xi32, #tpu.memory_space<vmem>> -> memref<32xi32, #tpu.memory_space<vmem>>
        %dma_wait3A_145 = tpu.memref_slice %arg5[%add3A_99] : memref<320000xi32, #tpu.memory_space<hbm>> -> memref<32xi32, #tpu.memory_space<hbm>>
        %dma_wait3A_146 = arith.constant 0 : i32
        %dma_wait3A_147 = tpu.memref_slice %arg15[%dma_wait3A_146] : memref<832xi32, #tpu.memory_space<vmem>> -> memref<32xi32, #tpu.memory_space<vmem>>
        %dma_wait3A_148 = tpu.memref_slice %arg5[%add3A_99] : memref<320000xi32, #tpu.memory_space<hbm>> -> memref<32xi32, #tpu.memory_space<hbm>>
        tpu.wait_dma2 semaphore(%run_scoped3A : memref<!tpu.dma_semaphore, #tpu.memory_space<semaphore_mem>>) src(%dma_wait3A_148 : memref<32xi32, #tpu.memory_space<hbm>>) dst(%dma_wait3A_147 : memref<32xi32, #tpu.memory_space<vmem>>)
        tpu.yield
      }) : () -> ()
      %dma_start3A = arith.constant 0 : i32
      %dma_start3A_100 = tpu.memref_slice %arg12[%dma_start3A] : memref<832xi32, #tpu.memory_space<vmem>> -> memref<32xi32, #tpu.memory_space<vmem>>
      %dma_start3A_101 = arith.constant 0 : i32
      %dma_start3A_102 = arith.constant 0 : i32
      %dma_start3A_103 = tpu.memref_slice %arg7[%dma_start3A_101, %dma_start3A_102] : memref<10000x256xf32, #tpu.memory_space<hbm>> -> memref<10000x256xf32, #tpu.memory_space<hbm>>
      tpu.enqueue_indirect_dma source(%dma_start3A_103 : memref<10000x256xf32, #tpu.memory_space<hbm>>) target(%arg18 : memref<32x256xf32, #tpu.memory_space<vmem>>) offsets(%dma_start3A_100 : memref<32xi32, #tpu.memory_space<vmem>>) semaphore(%arg29 : memref<!tpu.dma_semaphore, #tpu.memory_space<semaphore_mem>>)
      %dma_start3A_104 = arith.constant 0 : i32
      %dma_start3A_105 = tpu.memref_slice %arg13[%dma_start3A_104] : memref<832xi32, #tpu.memory_space<vmem>> -> memref<32xi32, #tpu.memory_space<vmem>>
      %dma_start3A_106 = arith.constant 0 : i32
      %dma_start3A_107 = arith.constant 0 : i32
      %dma_start3A_108 = tpu.memref_slice %arg8[%dma_start3A_106, %dma_start3A_107] : memref<10001x256xf32, #tpu.memory_space<hbm>> -> memref<10001x256xf32, #tpu.memory_space<hbm>>
      tpu.enqueue_indirect_dma source(%dma_start3A_108 : memref<10001x256xf32, #tpu.memory_space<hbm>>) target(%arg19 : memref<32x256xf32, #tpu.memory_space<vmem>>) offsets(%dma_start3A_105 : memref<32xi32, #tpu.memory_space<vmem>>) semaphore(%arg29 : memref<!tpu.dma_semaphore, #tpu.memory_space<semaphore_mem>>)
      %parallel_loop3A = arith.constant 0 : i32
      %parallel_loop3A_109 = arith.constant 2 : i32
      %parallel_loop3A_110 = arith.constant 1 : i32
      scf.for %parallel_loop3A_137 = %parallel_loop3A to %parallel_loop3A_109 step %parallel_loop3A_110  : i32 {
        %parallel_loop3A_138 = arith.constant 16 : i32
        %parallel_loop3A_139 = arith.muli %parallel_loop3A_137, %parallel_loop3A_138 : i32
        %parallel_loop3A_140 = arith.constant 0 : i32
        %parallel_loop3A_141 = arith.addi %parallel_loop3A_140, %parallel_loop3A_139 : i32
        %parallel_loop3A_142 = arith.index_cast %parallel_loop3A_141 : i32 to index
        %parallel_loop3A_143 = tpu.vector_load %arg15[%parallel_loop3A_142] {strides = array<i32>} : memref<832xi32, #tpu.memory_space<vmem>>, vector<16xi32>,
        %parallel_loop3A_144 = arith.constant 0 : i32
        %parallel_loop3A_145 = vector.broadcast %parallel_loop3A_144 : i32 to vector<16xi32>
        %parallel_loop3A_146 = arith.constant 0 : i32
        %parallel_loop3A_147 = vector.broadcast %parallel_loop3A_146 : i32 to vector<16xi32>
        %parallel_loop3A_148 = arith.cmpi eq, %iota3A, %parallel_loop3A_147 : vector<16xi32>
        %parallel_loop3A_149 = vector.extract_strided_slice %parallel_loop3A_143 {offsets = [0], sizes = [1], strides = [1]} : vector<16xi32> to vector<1xi32>
        %parallel_loop3A_150 = vector.extract %parallel_loop3A_149[0] : i32 from vector<1xi32>
        %parallel_loop3A_151 = arith.index_cast %parallel_loop3A_150 : i32 to index
        %parallel_loop3A_152 = tpu.vector_load %arg27[%parallel_loop3A_151] {strides = array<i32>} : memref<528xi32, #tpu.memory_space<vmem>>, vector<16xi32>,
        %parallel_loop3A_153 = vector.extract_strided_slice %parallel_loop3A_152 {offsets = [0], sizes = [1], strides = [1]} : vector<16xi32> to vector<1xi32>
        %parallel_loop3A_154 = vector.extract %parallel_loop3A_153[0] : i32 from vector<1xi32>
        %parallel_loop3A_155 = vector.broadcast %parallel_loop3A_154 : i32 to vector<16xi32>
        %parallel_loop3A_156 = arith.select %parallel_loop3A_148, %parallel_loop3A_155, %parallel_loop3A_145 : vector<16xi1>, vector<16xi32>
        %parallel_loop3A_157 = arith.constant 1 : i32
        %parallel_loop3A_158 = vector.broadcast %parallel_loop3A_157 : i32 to vector<16xi32>
        %parallel_loop3A_159 = arith.cmpi eq, %iota3A, %parallel_loop3A_158 : vector<16xi32>
        %parallel_loop3A_160 = vector.extract_strided_slice %parallel_loop3A_143 {offsets = [1], sizes = [1], strides = [1]} : vector<16xi32> to vector<1xi32>
        %parallel_loop3A_161 = vector.extract %parallel_loop3A_160[0] : i32 from vector<1xi32>
        %parallel_loop3A_162 = arith.index_cast %parallel_loop3A_161 : i32 to index
        %parallel_loop3A_163 = tpu.vector_load %arg27[%parallel_loop3A_162] {strides = array<i32>} : memref<528xi32, #tpu.memory_space<vmem>>, vector<16xi32>,
        %parallel_loop3A_164 = vector.extract_strided_slice %parallel_loop3A_163 {offsets = [0], sizes = [1], strides = [1]} : vector<16xi32> to vector<1xi32>
        %parallel_loop3A_165 = vector.extract %parallel_loop3A_164[0] : i32 from vector<1xi32>
        %parallel_loop3A_166 = vector.broadcast %parallel_loop3A_165 : i32 to vector<16xi32>
        %parallel_loop3A_167 = arith.select %parallel_loop3A_159, %parallel_loop3A_166, %parallel_loop3A_156 : vector<16xi1>, vector<16xi32>
        %parallel_loop3A_168 = arith.constant 2 : i32
        %parallel_loop3A_169 = vector.broadcast %parallel_loop3A_168 : i32 to vector<16xi32>
        %parallel_loop3A_170 = arith.cmpi eq, %iota3A, %parallel_loop3A_169 : vector<16xi32>
        %parallel_loop3A_171 = vector.extract_strided_slice %parallel_loop3A_143 {offsets = [2], sizes = [1], strides = [1]} : vector<16xi32> to vector<1xi32>
        %parallel_loop3A_172 = vector.extract %parallel_loop3A_171[0] : i32 from vector<1xi32>
        %parallel_loop3A_173 = arith.index_cast %parallel_loop3A_172 : i32 to index
        %parallel_loop3A_174 = tpu.vector_load %arg27[%parallel_loop3A_173] {strides = array<i32>} : memref<528xi32, #tpu.memory_space<vmem>>, vector<16xi32>,
        %parallel_loop3A_175 = vector.extract_strided_slice %parallel_loop3A_174 {offsets = [0], sizes = [1], strides = [1]} : vector<16xi32> to vector<1xi32>
        %parallel_loop3A_176 = vector.extract %parallel_loop3A_175[0] : i32 from vector<1xi32>
        %parallel_loop3A_177 = vector.broadcast %parallel_loop3A_176 : i32 to vector<16xi32>
        %parallel_loop3A_178 = arith.select %parallel_loop3A_170, %parallel_loop3A_177, %parallel_loop3A_167 : vector<16xi1>, vector<16xi32>
        %parallel_loop3A_179 = arith.constant 3 : i32
        %parallel_loop3A_180 = vector.broadcast %parallel_loop3A_179 : i32 to vector<16xi32>
        %parallel_loop3A_181 = arith.cmpi eq, %iota3A, %parallel_loop3A_180 : vector<16xi32>
        %parallel_loop3A_182 = vector.extract_strided_slice %parallel_loop3A_143 {offsets = [3], sizes = [1], strides = [1]} : vector<16xi32> to vector<1xi32>
        %parallel_loop3A_183 = vector.extract %parallel_loop3A_182[0] : i32 from vector<1xi32>
        %parallel_loop3A_184 = arith.index_cast %parallel_loop3A_183 : i32 to index
        %parallel_loop3A_185 = tpu.vector_load %arg27[%parallel_loop3A_184] {strides = array<i32>} : memref<528xi32, #tpu.memory_space<vmem>>, vector<16xi32>,
        %parallel_loop3A_186 = vector.extract_strided_slice %parallel_loop3A_185 {offsets = [0], sizes = [1], strides = [1]} : vector<16xi32> to vector<1xi32>
        %parallel_loop3A_187 = vector.extract %parallel_loop3A_186[0] : i32 from vector<1xi32>
        %parallel_loop3A_188 = vector.broadcast %parallel_loop3A_187 : i32 to vector<16xi32>
        %parallel_loop3A_189 = arith.select %parallel_loop3A_181, %parallel_loop3A_188, %parallel_loop3A_178 : vector<16xi1>, vector<16xi32>
        %parallel_loop3A_190 = arith.constant 4 : i32
        %parallel_loop3A_191 = vector.broadcast %parallel_loop3A_190 : i32 to vector<16xi32>
        %parallel_loop3A_192 = arith.cmpi eq, %iota3A, %parallel_loop3A_191 : vector<16xi32>
        %parallel_loop3A_193 = vector.extract_strided_slice %parallel_loop3A_143 {offsets = [4], sizes = [1], strides = [1]} : vector<16xi32> to vector<1xi32>
        %parallel_loop3A_194 = vector.extract %parallel_loop3A_193[0] : i32 from vector<1xi32>
        %parallel_loop3A_195 = arith.index_cast %parallel_loop3A_194 : i32 to index
        %parallel_loop3A_196 = tpu.vector_load %arg27[%parallel_loop3A_195] {strides = array<i32>} : memref<528xi32, #tpu.memory_space<vmem>>, vector<16xi32>,
        %parallel_loop3A_197 = vector.extract_strided_slice %parallel_loop3A_196 {offsets = [0], sizes = [1], strides = [1]} : vector<16xi32> to vector<1xi32>
        %parallel_loop3A_198 = vector.extract %parallel_loop3A_197[0] : i32 from vector<1xi32>
        %parallel_loop3A_199 = vector.broadcast %parallel_loop3A_198 : i32 to vector<16xi32>
        %parallel_loop3A_200 = arith.select %parallel_loop3A_192, %parallel_loop3A_199, %parallel_loop3A_189 : vector<16xi1>, vector<16xi32>
        %parallel_loop3A_201 = arith.constant 5 : i32
        %parallel_loop3A_202 = vector.broadcast %parallel_loop3A_201 : i32 to vector<16xi32>
        %parallel_loop3A_203 = arith.cmpi eq, %iota3A, %parallel_loop3A_202 : vector<16xi32>
        %parallel_loop3A_204 = vector.extract_strided_slice %parallel_loop3A_143 {offsets = [5], sizes = [1], strides = [1]} : vector<16xi32> to vector<1xi32>
        %parallel_loop3A_205 = vector.extract %parallel_loop3A_204[0] : i32 from vector<1xi32>
        %parallel_loop3A_206 = arith.index_cast %parallel_loop3A_205 : i32 to index
        %parallel_loop3A_207 = tpu.vector_load %arg27[%parallel_loop3A_206] {strides = array<i32>} : memref<528xi32, #tpu.memory_space<vmem>>, vector<16xi32>,
        %parallel_loop3A_208 = vector.extract_strided_slice %parallel_loop3A_207 {offsets = [0], sizes = [1], strides = [1]} : vector<16xi32> to vector<1xi32>
        %parallel_loop3A_209 = vector.extract %parallel_loop3A_208[0] : i32 from vector<1xi32>
        %parallel_loop3A_210 = vector.broadcast %parallel_loop3A_209 : i32 to vector<16xi32>
        %parallel_loop3A_211 = arith.select %parallel_loop3A_203, %parallel_loop3A_210, %parallel_loop3A_200 : vector<16xi1>, vector<16xi32>
        %parallel_loop3A_212 = arith.constant 6 : i32
        %parallel_loop3A_213 = vector.broadcast %parallel_loop3A_212 : i32 to vector<16xi32>
        %parallel_loop3A_214 = arith.cmpi eq, %iota3A, %parallel_loop3A_213 : vector<16xi32>
        %parallel_loop3A_215 = vector.extract_strided_slice %parallel_loop3A_143 {offsets = [6], sizes = [1], strides = [1]} : vector<16xi32> to vector<1xi32>
        %parallel_loop3A_216 = vector.extract %parallel_loop3A_215[0] : i32 from vector<1xi32>
        %parallel_loop3A_217 = arith.index_cast %parallel_loop3A_216 : i32 to index
        %parallel_loop3A_218 = tpu.vector_load %arg27[%parallel_loop3A_217] {strides = array<i32>} : memref<528xi32, #tpu.memory_space<vmem>>, vector<16xi32>,
        %parallel_loop3A_219 = vector.extract_strided_slice %parallel_loop3A_218 {offsets = [0], sizes = [1], strides = [1]} : vector<16xi32> to vector<1xi32>
        %parallel_loop3A_220 = vector.extract %parallel_loop3A_219[0] : i32 from vector<1xi32>
        %parallel_loop3A_221 = vector.broadcast %parallel_loop3A_220 : i32 to vector<16xi32>
        %parallel_loop3A_222 = arith.select %parallel_loop3A_214, %parallel_loop3A_221, %parallel_loop3A_211 : vector<16xi1>, vector<16xi32>
        %parallel_loop3A_223 = arith.constant 7 : i32
        %parallel_loop3A_224 = vector.broadcast %parallel_loop3A_223 : i32 to vector<16xi32>
        %parallel_loop3A_225 = arith.cmpi eq, %iota3A, %parallel_loop3A_224 : vector<16xi32>
        %parallel_loop3A_226 = vector.extract_strided_slice %parallel_loop3A_143 {offsets = [7], sizes = [1], strides = [1]} : vector<16xi32> to vector<1xi32>
        %parallel_loop3A_227 = vector.extract %parallel_loop3A_226[0] : i32 from vector<1xi32>
        %parallel_loop3A_228 = arith.index_cast %parallel_loop3A_227 : i32 to index
        %parallel_loop3A_229 = tpu.vector_load %arg27[%parallel_loop3A_228] {strides = array<i32>} : memref<528xi32, #tpu.memory_space<vmem>>, vector<16xi32>,
        %parallel_loop3A_230 = vector.extract_strided_slice %parallel_loop3A_229 {offsets = [0], sizes = [1], strides = [1]} : vector<16xi32> to vector<1xi32>
        %parallel_loop3A_231 = vector.extract %parallel_loop3A_230[0] : i32 from vector<1xi32>
        %parallel_loop3A_232 = vector.broadcast %parallel_loop3A_231 : i32 to vector<16xi32>
        %parallel_loop3A_233 = arith.select %parallel_loop3A_225, %parallel_loop3A_232, %parallel_loop3A_222 : vector<16xi1>, vector<16xi32>
        %parallel_loop3A_234 = arith.constant 8 : i32
        %parallel_loop3A_235 = vector.broadcast %parallel_loop3A_234 : i32 to vector<16xi32>
        %parallel_loop3A_236 = arith.cmpi eq, %iota3A, %parallel_loop3A_235 : vector<16xi32>
        %parallel_loop3A_237 = vector.extract_strided_slice %parallel_loop3A_143 {offsets = [8], sizes = [1], strides = [1]} : vector<16xi32> to vector<1xi32>
        %parallel_loop3A_238 = vector.extract %parallel_loop3A_237[0] : i32 from vector<1xi32>
        %parallel_loop3A_239 = arith.index_cast %parallel_loop3A_238 : i32 to index
        %parallel_loop3A_240 = tpu.vector_load %arg27[%parallel_loop3A_239] {strides = array<i32>} : memref<528xi32, #tpu.memory_space<vmem>>, vector<16xi32>,
        %parallel_loop3A_241 = vector.extract_strided_slice %parallel_loop3A_240 {offsets = [0], sizes = [1], strides = [1]} : vector<16xi32> to vector<1xi32>
        %parallel_loop3A_242 = vector.extract %parallel_loop3A_241[0] : i32 from vector<1xi32>
        %parallel_loop3A_243 = vector.broadcast %parallel_loop3A_242 : i32 to vector<16xi32>
        %parallel_loop3A_244 = arith.select %parallel_loop3A_236, %parallel_loop3A_243, %parallel_loop3A_233 : vector<16xi1>, vector<16xi32>
        %parallel_loop3A_245 = arith.constant 9 : i32
        %parallel_loop3A_246 = vector.broadcast %parallel_loop3A_245 : i32 to vector<16xi32>
        %parallel_loop3A_247 = arith.cmpi eq, %iota3A, %parallel_loop3A_246 : vector<16xi32>
        %parallel_loop3A_248 = vector.extract_strided_slice %parallel_loop3A_143 {offsets = [9], sizes = [1], strides = [1]} : vector<16xi32> to vector<1xi32>
        %parallel_loop3A_249 = vector.extract %parallel_loop3A_248[0] : i32 from vector<1xi32>
        %parallel_loop3A_250 = arith.index_cast %parallel_loop3A_249 : i32 to index
        %parallel_loop3A_251 = tpu.vector_load %arg27[%parallel_loop3A_250] {strides = array<i32>} : memref<528xi32, #tpu.memory_space<vmem>>, vector<16xi32>,
        %parallel_loop3A_252 = vector.extract_strided_slice %parallel_loop3A_251 {offsets = [0], sizes = [1], strides = [1]} : vector<16xi32> to vector<1xi32>
        %parallel_loop3A_253 = vector.extract %parallel_loop3A_252[0] : i32 from vector<1xi32>
        %parallel_loop3A_254 = vector.broadcast %parallel_loop3A_253 : i32 to vector<16xi32>
        %parallel_loop3A_255 = arith.select %parallel_loop3A_247, %parallel_loop3A_254, %parallel_loop3A_244 : vector<16xi1>, vector<16xi32>
        %parallel_loop3A_256 = arith.constant 10 : i32
        %parallel_loop3A_257 = vector.broadcast %parallel_loop3A_256 : i32 to vector<16xi32>
        %parallel_loop3A_258 = arith.cmpi eq, %iota3A, %parallel_loop3A_257 : vector<16xi32>
        %parallel_loop3A_259 = vector.extract_strided_slice %parallel_loop3A_143 {offsets = [10], sizes = [1], strides = [1]} : vector<16xi32> to vector<1xi32>
        %parallel_loop3A_260 = vector.extract %parallel_loop3A_259[0] : i32 from vector<1xi32>
        %parallel_loop3A_261 = arith.index_cast %parallel_loop3A_260 : i32 to index
        %parallel_loop3A_262 = tpu.vector_load %arg27[%parallel_loop3A_261] {strides = array<i32>} : memref<528xi32, #tpu.memory_space<vmem>>, vector<16xi32>,
        %parallel_loop3A_263 = vector.extract_strided_slice %parallel_loop3A_262 {offsets = [0], sizes = [1], strides = [1]} : vector<16xi32> to vector<1xi32>
        %parallel_loop3A_264 = vector.extract %parallel_loop3A_263[0] : i32 from vector<1xi32>
        %parallel_loop3A_265 = vector.broadcast %parallel_loop3A_264 : i32 to vector<16xi32>
        %parallel_loop3A_266 = arith.select %parallel_loop3A_258, %parallel_loop3A_265, %parallel_loop3A_255 : vector<16xi1>, vector<16xi32>
        %parallel_loop3A_267 = arith.constant 11 : i32
        %parallel_loop3A_268 = vector.broadcast %parallel_loop3A_267 : i32 to vector<16xi32>
        %parallel_loop3A_269 = arith.cmpi eq, %iota3A, %parallel_loop3A_268 : vector<16xi32>
        %parallel_loop3A_270 = vector.extract_strided_slice %parallel_loop3A_143 {offsets = [11], sizes = [1], strides = [1]} : vector<16xi32> to vector<1xi32>
        %parallel_loop3A_271 = vector.extract %parallel_loop3A_270[0] : i32 from vector<1xi32>
        %parallel_loop3A_272 = arith.index_cast %parallel_loop3A_271 : i32 to index
        %parallel_loop3A_273 = tpu.vector_load %arg27[%parallel_loop3A_272] {strides = array<i32>} : memref<528xi32, #tpu.memory_space<vmem>>, vector<16xi32>,
        %parallel_loop3A_274 = vector.extract_strided_slice %parallel_loop3A_273 {offsets = [0], sizes = [1], strides = [1]} : vector<16xi32> to vector<1xi32>
        %parallel_loop3A_275 = vector.extract %parallel_loop3A_274[0] : i32 from vector<1xi32>
        %parallel_loop3A_276 = vector.broadcast %parallel_loop3A_275 : i32 to vector<16xi32>
        %parallel_loop3A_277 = arith.select %parallel_loop3A_269, %parallel_loop3A_276, %parallel_loop3A_266 : vector<16xi1>, vector<16xi32>
        %parallel_loop3A_278 = arith.constant 12 : i32
        %parallel_loop3A_279 = vector.broadcast %parallel_loop3A_278 : i32 to vector<16xi32>
        %parallel_loop3A_280 = arith.cmpi eq, %iota3A, %parallel_loop3A_279 : vector<16xi32>
        %parallel_loop3A_281 = vector.extract_strided_slice %parallel_loop3A_143 {offsets = [12], sizes = [1], strides = [1]} : vector<16xi32> to vector<1xi32>
        %parallel_loop3A_282 = vector.extract %parallel_loop3A_281[0] : i32 from vector<1xi32>
        %parallel_loop3A_283 = arith.index_cast %parallel_loop3A_282 : i32 to index
        %parallel_loop3A_284 = tpu.vector_load %arg27[%parallel_loop3A_283] {strides = array<i32>} : memref<528xi32, #tpu.memory_space<vmem>>, vector<16xi32>,
        %parallel_loop3A_285 = vector.extract_strided_slice %parallel_loop3A_284 {offsets = [0], sizes = [1], strides = [1]} : vector<16xi32> to vector<1xi32>
        %parallel_loop3A_286 = vector.extract %parallel_loop3A_285[0] : i32 from vector<1xi32>
        %parallel_loop3A_287 = vector.broadcast %parallel_loop3A_286 : i32 to vector<16xi32>
        %parallel_loop3A_288 = arith.select %parallel_loop3A_280, %parallel_loop3A_287, %parallel_loop3A_277 : vector<16xi1>, vector<16xi32>
        %parallel_loop3A_289 = arith.constant 13 : i32
        %parallel_loop3A_290 = vector.broadcast %parallel_loop3A_289 : i32 to vector<16xi32>
        %parallel_loop3A_291 = arith.cmpi eq, %iota3A, %parallel_loop3A_290 : vector<16xi32>
        %parallel_loop3A_292 = vector.extract_strided_slice %parallel_loop3A_143 {offsets = [13], sizes = [1], strides = [1]} : vector<16xi32> to vector<1xi32>
        %parallel_loop3A_293 = vector.extract %parallel_loop3A_292[0] : i32 from vector<1xi32>
        %parallel_loop3A_294 = arith.index_cast %parallel_loop3A_293 : i32 to index
        %parallel_loop3A_295 = tpu.vector_load %arg27[%parallel_loop3A_294] {strides = array<i32>} : memref<528xi32, #tpu.memory_space<vmem>>, vector<16xi32>,
        %parallel_loop3A_296 = vector.extract_strided_slice %parallel_loop3A_295 {offsets = [0], sizes = [1], strides = [1]} : vector<16xi32> to vector<1xi32>
        %parallel_loop3A_297 = vector.extract %parallel_loop3A_296[0] : i32 from vector<1xi32>
        %parallel_loop3A_298 = vector.broadcast %parallel_loop3A_297 : i32 to vector<16xi32>
        %parallel_loop3A_299 = arith.select %parallel_loop3A_291, %parallel_loop3A_298, %parallel_loop3A_288 : vector<16xi1>, vector<16xi32>
        %parallel_loop3A_300 = arith.constant 14 : i32
        %parallel_loop3A_301 = vector.broadcast %parallel_loop3A_300 : i32 to vector<16xi32>
        %parallel_loop3A_302 = arith.cmpi eq, %iota3A, %parallel_loop3A_301 : vector<16xi32>
        %parallel_loop3A_303 = vector.extract_strided_slice %parallel_loop3A_143 {offsets = [14], sizes = [1], strides = [1]} : vector<16xi32> to vector<1xi32>
        %parallel_loop3A_304 = vector.extract %parallel_loop3A_303[0] : i32 from vector<1xi32>
        %parallel_loop3A_305 = arith.index_cast %parallel_loop3A_304 : i32 to index
        %parallel_loop3A_306 = tpu.vector_load %arg27[%parallel_loop3A_305] {strides = array<i32>} : memref<528xi32, #tpu.memory_space<vmem>>, vector<16xi32>,
        %parallel_loop3A_307 = vector.extract_strided_slice %parallel_loop3A_306 {offsets = [0], sizes = [1], strides = [1]} : vector<16xi32> to vector<1xi32>
        %parallel_loop3A_308 = vector.extract %parallel_loop3A_307[0] : i32 from vector<1xi32>
        %parallel_loop3A_309 = vector.broadcast %parallel_loop3A_308 : i32 to vector<16xi32>
        %parallel_loop3A_310 = arith.select %parallel_loop3A_302, %parallel_loop3A_309, %parallel_loop3A_299 : vector<16xi1>, vector<16xi32>
        %parallel_loop3A_311 = arith.constant 15 : i32
        %parallel_loop3A_312 = vector.broadcast %parallel_loop3A_311 : i32 to vector<16xi32>
        %parallel_loop3A_313 = arith.cmpi eq, %iota3A, %parallel_loop3A_312 : vector<16xi32>
        %parallel_loop3A_314 = vector.extract_strided_slice %parallel_loop3A_143 {offsets = [15], sizes = [1], strides = [1]} : vector<16xi32> to vector<1xi32>
        %parallel_loop3A_315 = vector.extract %parallel_loop3A_314[0] : i32 from vector<1xi32>
        %parallel_loop3A_316 = arith.index_cast %parallel_loop3A_315 : i32 to index
        %parallel_loop3A_317 = tpu.vector_load %arg27[%parallel_loop3A_316] {strides = array<i32>} : memref<528xi32, #tpu.memory_space<vmem>>, vector<16xi32>,
        %parallel_loop3A_318 = vector.extract_strided_slice %parallel_loop3A_317 {offsets = [0], sizes = [1], strides = [1]} : vector<16xi32> to vector<1xi32>
        %parallel_loop3A_319 = vector.extract %parallel_loop3A_318[0] : i32 from vector<1xi32>
        %parallel_loop3A_320 = vector.broadcast %parallel_loop3A_319 : i32 to vector<16xi32>
        %parallel_loop3A_321 = arith.select %parallel_loop3A_313, %parallel_loop3A_320, %parallel_loop3A_310 : vector<16xi1>, vector<16xi32>
        %parallel_loop3A_322 = arith.constant 16 : i32
        %parallel_loop3A_323 = arith.muli %parallel_loop3A_137, %parallel_loop3A_322 : i32
        %parallel_loop3A_324 = arith.index_cast %parallel_loop3A_323 : i32 to index
        %parallel_loop3A_325 = tpu.vector_load %arg16[%parallel_loop3A_324] {strides = array<i32>} : memref<32xi32, #tpu.memory_space<vmem>>, vector<16xi32>,
        tpu.vector_store %arg16[%parallel_loop3A_324], %parallel_loop3A_321 {strides = array<i32>} : memref<32xi32, #tpu.memory_space<vmem>>, vector<16xi32>,
      } {sc.loop_unroll_factor = 2 : i64, sc.parallel_access}
      %dma_start3A_111 = arith.constant 0 : i32
      %dma_start3A_112 = arith.constant 0 : i32
      %dma_start3A_113 = tpu.memref_slice %arg9[%dma_start3A_111, %dma_start3A_112] : memref<10001x128xf32, #tpu.memory_space<hbm>> -> memref<10001x128xf32, #tpu.memory_space<hbm>>
      tpu.enqueue_indirect_dma source(%dma_start3A_113 : memref<10001x128xf32, #tpu.memory_space<hbm>>) target(%arg22 : memref<32x128xf32, #tpu.memory_space<vmem>>) offsets(%arg16 : memref<32xi32, #tpu.memory_space<vmem>>) semaphore(%arg31 : memref<!tpu.dma_semaphore, #tpu.memory_space<semaphore_mem>>)
      %dma_wait3A = arith.constant 0 : i32
      %dma_wait3A_114 = tpu.memref_slice %arg12[%dma_wait3A] : memref<832xi32, #tpu.memory_space<vmem>> -> memref<32xi32, #tpu.memory_space<vmem>>
      %dma_wait3A_115 = arith.constant 0 : i32
      %dma_wait3A_116 = arith.constant 0 : i32
      %dma_wait3A_117 = tpu.memref_slice %arg7[%dma_wait3A_115, %dma_wait3A_116] : memref<10000x256xf32, #tpu.memory_space<hbm>> -> memref<10000x256xf32, #tpu.memory_space<hbm>>
      tpu.wait_indirect_dma semaphore(%arg29 : memref<!tpu.dma_semaphore, #tpu.memory_space<semaphore_mem>>) src(%dma_wait3A_117 : memref<10000x256xf32, #tpu.memory_space<hbm>>) dst(%arg18 : memref<32x256xf32, #tpu.memory_space<vmem>>)
      %dma_wait3A_118 = arith.constant 0 : i32
      %dma_wait3A_119 = tpu.memref_slice %arg13[%dma_wait3A_118] : memref<832xi32, #tpu.memory_space<vmem>> -> memref<32xi32, #tpu.memory_space<vmem>>
      %dma_wait3A_120 = arith.constant 0 : i32
      %dma_wait3A_121 = arith.constant 0 : i32
      %dma_wait3A_122 = tpu.memref_slice %arg8[%dma_wait3A_120, %dma_wait3A_121] : memref<10001x256xf32, #tpu.memory_space<hbm>> -> memref<10001x256xf32, #tpu.memory_space<hbm>>
      tpu.wait_indirect_dma semaphore(%arg29 : memref<!tpu.dma_semaphore, #tpu.memory_space<semaphore_mem>>) src(%dma_wait3A_122 : memref<10001x256xf32, #tpu.memory_space<hbm>>) dst(%arg19 : memref<32x256xf32, #tpu.memory_space<vmem>>)
      %dma_wait3A_123 = arith.constant 0 : i32
      %dma_wait3A_124 = arith.constant 0 : i32
      %dma_wait3A_125 = tpu.memref_slice %arg9[%dma_wait3A_123, %dma_wait3A_124] : memref<10001x128xf32, #tpu.memory_space<hbm>> -> memref<10001x128xf32, #tpu.memory_space<hbm>>
      tpu.wait_indirect_dma semaphore(%arg31 : memref<!tpu.dma_semaphore, #tpu.memory_space<semaphore_mem>>) src(%dma_wait3A_125 : memref<10001x128xf32, #tpu.memory_space<hbm>>) dst(%arg22 : memref<32x128xf32, #tpu.memory_space<vmem>>)
      %get3A_126 = arith.constant 0 : index
      %get3A_127 = tpu.vector_load %arg14[%get3A_126] {strides = array<i32>} : memref<832xi32, #tpu.memory_space<vmem>>, vector<16xi32>,
      %min3A = arith.minsi %get3A_127, %broadcast_in_dim3A_61 : vector<16xi32>
      %swap3A = arith.constant 0 : index
      %swap3A_128 = tpu.vector_load %arg17[%swap3A] {strides = array<i32>} : memref<32xi32, #tpu.memory_space<vmem>>, vector<16xi32>,
      tpu.vector_store %arg17[%swap3A], %min3A {strides = array<i32>} : memref<32xi32, #tpu.memory_space<vmem>>, vector<16xi32>,
      %get3A_129 = arith.constant 16 : index
      %get3A_130 = tpu.vector_load %arg14[%get3A_129] {strides = array<i32>} : memref<832xi32, #tpu.memory_space<vmem>>, vector<16xi32>,
      %min3A_131 = arith.minsi %get3A_130, %broadcast_in_dim3A_61 : vector<16xi32>
      %swap3A_132 = arith.constant 16 : index
      %swap3A_133 = tpu.vector_load %arg17[%swap3A_132] {strides = array<i32>} : memref<32xi32, #tpu.memory_space<vmem>>, vector<16xi32>,
      tpu.vector_store %arg17[%swap3A_132], %min3A_131 {strides = array<i32>} : memref<32xi32, #tpu.memory_space<vmem>>, vector<16xi32>,
      %parallel_loop3A_134 = arith.constant 0 : i32
      %parallel_loop3A_135 = arith.constant 32 : i32
      %parallel_loop3A_136 = arith.constant 1 : i32
      scf.for %parallel_loop3A_137 = %parallel_loop3A_134 to %parallel_loop3A_135 step %parallel_loop3A_136  : i32 {
        %parallel_loop3A_138 = arith.index_cast %parallel_loop3A_137 : i32 to index
        %parallel_loop3A_139 = arith.constant 128 : index
        %parallel_loop3A_140 = tpu.vector_load %arg18[%parallel_loop3A_138, %parallel_loop3A_139] {strides = array<i32>} : memref<32x256xf32, #tpu.memory_space<vmem>>, vector<16xf32>,
        %parallel_loop3A_141 = arith.index_cast %parallel_loop3A_137 : i32 to index
        %parallel_loop3A_142 = arith.constant 128 : index
        %parallel_loop3A_143 = tpu.vector_load %arg19[%parallel_loop3A_141, %parallel_loop3A_142] {strides = array<i32>} : memref<32x256xf32, #tpu.memory_space<vmem>>, vector<16xf32>,
        %parallel_loop3A_144 = arith.addf %parallel_loop3A_140, %parallel_loop3A_143 : vector<16xf32>
        %parallel_loop3A_145 = arith.index_cast %parallel_loop3A_137 : i32 to index
        %parallel_loop3A_146 = arith.constant 0 : index
        %parallel_loop3A_147 = tpu.vector_load %arg22[%parallel_loop3A_145, %parallel_loop3A_146] {strides = array<i32>} : memref<32x128xf32, #tpu.memory_space<vmem>>, vector<16xf32>,
        %parallel_loop3A_148 = arith.addf %parallel_loop3A_144, %parallel_loop3A_147 : vector<16xf32>
        %parallel_loop3A_149 = arith.addf %parallel_loop3A_148, %get3A_3 : vector<16xf32>
        %parallel_loop3A_150 = arith.constant 0.000000e+00 : f32
        %parallel_loop3A_151 = vector.broadcast %parallel_loop3A_150 : f32 to vector<16xf32>
        %parallel_loop3A_152 = arith.maximumf %parallel_loop3A_149, %parallel_loop3A_151 : vector<16xf32>
        %parallel_loop3A_153 = arith.mulf %parallel_loop3A_152, %get3A_7 : vector<16xf32>
        %parallel_loop3A_154 = arith.index_cast %parallel_loop3A_137 : i32 to index
        %parallel_loop3A_155 = arith.constant 144 : index
        %parallel_loop3A_156 = tpu.vector_load %arg18[%parallel_loop3A_154, %parallel_loop3A_155] {strides = array<i32>} : memref<32x256xf32, #tpu.memory_space<vmem>>, vector<16xf32>,
        %parallel_loop3A_157 = arith.index_cast %parallel_loop3A_137 : i32 to index
        %parallel_loop3A_158 = arith.constant 144 : index
        %parallel_loop3A_159 = tpu.vector_load %arg19[%parallel_loop3A_157, %parallel_loop3A_158] {strides = array<i32>} : memref<32x256xf32, #tpu.memory_space<vmem>>, vector<16xf32>,
        %parallel_loop3A_160 = arith.addf %parallel_loop3A_156, %parallel_loop3A_159 : vector<16xf32>
        %parallel_loop3A_161 = arith.index_cast %parallel_loop3A_137 : i32 to index
        %parallel_loop3A_162 = arith.constant 16 : index
        %parallel_loop3A_163 = tpu.vector_load %arg22[%parallel_loop3A_161, %parallel_loop3A_162] {strides = array<i32>} : memref<32x128xf32, #tpu.memory_space<vmem>>, vector<16xf32>,
        %parallel_loop3A_164 = arith.addf %parallel_loop3A_160, %parallel_loop3A_163 : vector<16xf32>
        %parallel_loop3A_165 = arith.addf %parallel_loop3A_164, %get3A_5 : vector<16xf32>
        %parallel_loop3A_166 = arith.constant 0.000000e+00 : f32
        %parallel_loop3A_167 = vector.broadcast %parallel_loop3A_166 : f32 to vector<16xf32>
        %parallel_loop3A_168 = arith.maximumf %parallel_loop3A_165, %parallel_loop3A_167 : vector<16xf32>
        %parallel_loop3A_169 = arith.mulf %parallel_loop3A_168, %get3A_9 : vector<16xf32>
        %parallel_loop3A_170 = arith.addf %parallel_loop3A_153, %parallel_loop3A_169 : vector<16xf32>
        %parallel_loop3A_171 = arith.constant 0 : i32
        %parallel_loop3A_172 = vector.broadcast %parallel_loop3A_171 : i32 to vector<16xi32>
        %parallel_loop3A_173 = arith.cmpi slt, %xor3A_63, %parallel_loop3A_172 : vector<16xi32>
        %parallel_loop3A_174 = arith.constant 16 : i32
        %parallel_loop3A_175 = vector.broadcast %parallel_loop3A_174 : i32 to vector<16xi32>
        %parallel_loop3A_176 = arith.addi %xor3A_63, %parallel_loop3A_175 : vector<16xi32>
        %parallel_loop3A_177 = arith.select %parallel_loop3A_173, %parallel_loop3A_176, %xor3A_63 : vector<16xi1>, vector<16xi32>
        %parallel_loop3A_178 = vector.shape_cast %parallel_loop3A_177 : vector<16xi32> to vector<16x1xi32>
        %parallel_loop3A_179 = vector.shape_cast %parallel_loop3A_178 : vector<16x1xi32> to vector<16xi32>
        %parallel_loop3A_180 = tpu.dynamic_gather %parallel_loop3A_170[%parallel_loop3A_179] in [0] : vector<16xf32>, vector<16xi32> -> vector<16xf32>
        %parallel_loop3A_181 = arith.addf %parallel_loop3A_170, %parallel_loop3A_180 : vector<16xf32>
        %parallel_loop3A_182 = arith.constant 0 : i32
        %parallel_loop3A_183 = vector.broadcast %parallel_loop3A_182 : i32 to vector<16xi32>
        %parallel_loop3A_184 = arith.cmpi slt, %xor3A_66, %parallel_loop3A_183 : vector<16xi32>
        %parallel_loop3A_185 = arith.constant 16 : i32
        %parallel_loop3A_186 = vector.broadcast %parallel_loop3A_185 : i32 to vector<16xi32>
        %parallel_loop3A_187 = arith.addi %xor3A_66, %parallel_loop3A_186 : vector<16xi32>
        %parallel_loop3A_188 = arith.select %parallel_loop3A_184, %parallel_loop3A_187, %xor3A_66 : vector<16xi1>, vector<16xi32>
        %parallel_loop3A_189 = vector.shape_cast %parallel_loop3A_188 : vector<16xi32> to vector<16x1xi32>
        %parallel_loop3A_190 = vector.shape_cast %parallel_loop3A_189 : vector<16x1xi32> to vector<16xi32>
        %parallel_loop3A_191 = tpu.dynamic_gather %parallel_loop3A_181[%parallel_loop3A_190] in [0] : vector<16xf32>, vector<16xi32> -> vector<16xf32>
        %parallel_loop3A_192 = arith.addf %parallel_loop3A_181, %parallel_loop3A_191 : vector<16xf32>
        %parallel_loop3A_193 = arith.constant 0 : i32
        %parallel_loop3A_194 = vector.broadcast %parallel_loop3A_193 : i32 to vector<16xi32>
        %parallel_loop3A_195 = arith.cmpi slt, %xor3A_69, %parallel_loop3A_194 : vector<16xi32>
        %parallel_loop3A_196 = arith.constant 16 : i32
        %parallel_loop3A_197 = vector.broadcast %parallel_loop3A_196 : i32 to vector<16xi32>
        %parallel_loop3A_198 = arith.addi %xor3A_69, %parallel_loop3A_197 : vector<16xi32>
        %parallel_loop3A_199 = arith.select %parallel_loop3A_195, %parallel_loop3A_198, %xor3A_69 : vector<16xi1>, vector<16xi32>
        %parallel_loop3A_200 = vector.shape_cast %parallel_loop3A_199 : vector<16xi32> to vector<16x1xi32>
        %parallel_loop3A_201 = vector.shape_cast %parallel_loop3A_200 : vector<16x1xi32> to vector<16xi32>
        %parallel_loop3A_202 = tpu.dynamic_gather %parallel_loop3A_192[%parallel_loop3A_201] in [0] : vector<16xf32>, vector<16xi32> -> vector<16xf32>
        %parallel_loop3A_203 = arith.addf %parallel_loop3A_192, %parallel_loop3A_202 : vector<16xf32>
        %parallel_loop3A_204 = arith.constant 0 : i32
        %parallel_loop3A_205 = vector.broadcast %parallel_loop3A_204 : i32 to vector<16xi32>
        %parallel_loop3A_206 = arith.cmpi slt, %xor3A_72, %parallel_loop3A_205 : vector<16xi32>
        %parallel_loop3A_207 = arith.constant 16 : i32
        %parallel_loop3A_208 = vector.broadcast %parallel_loop3A_207 : i32 to vector<16xi32>
        %parallel_loop3A_209 = arith.addi %xor3A_72, %parallel_loop3A_208 : vector<16xi32>
        %parallel_loop3A_210 = arith.select %parallel_loop3A_206, %parallel_loop3A_209, %xor3A_72 : vector<16xi1>, vector<16xi32>
        %parallel_loop3A_211 = vector.shape_cast %parallel_loop3A_210 : vector<16xi32> to vector<16x1xi32>
        %parallel_loop3A_212 = vector.shape_cast %parallel_loop3A_211 : vector<16x1xi32> to vector<16xi32>
        %parallel_loop3A_213 = tpu.dynamic_gather %parallel_loop3A_203[%parallel_loop3A_212] in [0] : vector<16xf32>, vector<16xi32> -> vector<16xf32>
        %parallel_loop3A_214 = arith.addf %parallel_loop3A_203, %parallel_loop3A_213 : vector<16xf32>
        %parallel_loop3A_215 = vector.broadcast %squeeze3A : f32 to vector<16xf32>
        %parallel_loop3A_216 = arith.addf %parallel_loop3A_214, %parallel_loop3A_215 : vector<16xf32>
        %parallel_loop3A_217 = arith.constant 0.000000e+00 : f32
        %parallel_loop3A_218 = vector.broadcast %parallel_loop3A_217 : f32 to vector<16xf32>
        %parallel_loop3A_219 = arith.subf %parallel_loop3A_218, %parallel_loop3A_216 : vector<16xf32>
        %parallel_loop3A_220 = math.exp %parallel_loop3A_219 : vector<16xf32>
        %parallel_loop3A_221 = arith.constant 1.000000e+00 : f32
        %parallel_loop3A_222 = vector.broadcast %parallel_loop3A_221 : f32 to vector<16xf32>
        %parallel_loop3A_223 = arith.addf %parallel_loop3A_222, %parallel_loop3A_220 : vector<16xf32>
        %parallel_loop3A_224 = arith.constant 1.000000e+00 : f32
        %parallel_loop3A_225 = vector.broadcast %parallel_loop3A_224 : f32 to vector<16xf32>
        %parallel_loop3A_226 = arith.divf %parallel_loop3A_225, %parallel_loop3A_223 : vector<16xf32>
        %parallel_loop3A_227 = arith.index_cast %parallel_loop3A_137 : i32 to index
        %parallel_loop3A_228 = arith.constant 0 : index
        %parallel_loop3A_229 = tpu.vector_load %arg18[%parallel_loop3A_227, %parallel_loop3A_228] {strides = array<i32>} : memref<32x256xf32, #tpu.memory_space<vmem>>, vector<16xf32>,
        %parallel_loop3A_230 = arith.index_cast %parallel_loop3A_137 : i32 to index
        %parallel_loop3A_231 = arith.constant 0 : index
        %parallel_loop3A_232 = tpu.vector_load %arg19[%parallel_loop3A_230, %parallel_loop3A_231] {strides = array<i32>} : memref<32x256xf32, #tpu.memory_space<vmem>>, vector<16xf32>,
        %parallel_loop3A_233 = arith.mulf %parallel_loop3A_229, %parallel_loop3A_232 : vector<16xf32>
        %parallel_loop3A_234 = arith.mulf %parallel_loop3A_233, %parallel_loop3A_226 : vector<16xf32>
        %parallel_loop3A_235 = arith.index_cast %parallel_loop3A_137 : i32 to index
        %parallel_loop3A_236 = arith.constant 0 : index
        %parallel_loop3A_237 = tpu.vector_load %arg24[%parallel_loop3A_235, %parallel_loop3A_236] {strides = array<i32>} : memref<32x128xf32, #tpu.memory_space<vmem>>, vector<16xf32>,
        tpu.vector_store %arg24[%parallel_loop3A_235, %parallel_loop3A_236], %parallel_loop3A_234 {strides = array<i32>} : memref<32x128xf32, #tpu.memory_space<vmem>>, vector<16xf32>,
        %parallel_loop3A_238 = arith.index_cast %parallel_loop3A_137 : i32 to index
        %parallel_loop3A_239 = arith.constant 16 : index
        %parallel_loop3A_240 = tpu.vector_load %arg18[%parallel_loop3A_238, %parallel_loop3A_239] {strides = array<i32>} : memref<32x256xf32, #tpu.memory_space<vmem>>, vector<16xf32>,
        %parallel_loop3A_241 = arith.index_cast %parallel_loop3A_137 : i32 to index
        %parallel_loop3A_242 = arith.constant 16 : index
        %parallel_loop3A_243 = tpu.vector_load %arg19[%parallel_loop3A_241, %parallel_loop3A_242] {strides = array<i32>} : memref<32x256xf32, #tpu.memory_space<vmem>>, vector<16xf32>,
        %parallel_loop3A_244 = arith.mulf %parallel_loop3A_240, %parallel_loop3A_243 : vector<16xf32>
        %parallel_loop3A_245 = arith.mulf %parallel_loop3A_244, %parallel_loop3A_226 : vector<16xf32>
        %parallel_loop3A_246 = arith.index_cast %parallel_loop3A_137 : i32 to index
        %parallel_loop3A_247 = arith.constant 16 : index
        %parallel_loop3A_248 = tpu.vector_load %arg24[%parallel_loop3A_246, %parallel_loop3A_247] {strides = array<i32>} : memref<32x128xf32, #tpu.memory_space<vmem>>, vector<16xf32>,
        tpu.vector_store %arg24[%parallel_loop3A_246, %parallel_loop3A_247], %parallel_loop3A_245 {strides = array<i32>} : memref<32x128xf32, #tpu.memory_space<vmem>>, vector<16xf32>,
        %parallel_loop3A_249 = arith.index_cast %parallel_loop3A_137 : i32 to index
        %parallel_loop3A_250 = arith.constant 32 : index
        %parallel_loop3A_251 = tpu.vector_load %arg18[%parallel_loop3A_249, %parallel_loop3A_250] {strides = array<i32>} : memref<32x256xf32, #tpu.memory_space<vmem>>, vector<16xf32>,
        %parallel_loop3A_252 = arith.index_cast %parallel_loop3A_137 : i32 to index
        %parallel_loop3A_253 = arith.constant 32 : index
        %parallel_loop3A_254 = tpu.vector_load %arg19[%parallel_loop3A_252, %parallel_loop3A_253] {strides = array<i32>} : memref<32x256xf32, #tpu.memory_space<vmem>>, vector<16xf32>,
        %parallel_loop3A_255 = arith.mulf %parallel_loop3A_251, %parallel_loop3A_254 : vector<16xf32>
        %parallel_loop3A_256 = arith.mulf %parallel_loop3A_255, %parallel_loop3A_226 : vector<16xf32>
        %parallel_loop3A_257 = arith.index_cast %parallel_loop3A_137 : i32 to index
        %parallel_loop3A_258 = arith.constant 32 : index
        %parallel_loop3A_259 = tpu.vector_load %arg24[%parallel_loop3A_257, %parallel_loop3A_258] {strides = array<i32>} : memref<32x128xf32, #tpu.memory_space<vmem>>, vector<16xf32>,
        tpu.vector_store %arg24[%parallel_loop3A_257, %parallel_loop3A_258], %parallel_loop3A_256 {strides = array<i32>} : memref<32x128xf32, #tpu.memory_space<vmem>>, vector<16xf32>,
        %parallel_loop3A_260 = arith.index_cast %parallel_loop3A_137 : i32 to index
        %parallel_loop3A_261 = arith.constant 48 : index
        %parallel_loop3A_262 = tpu.vector_load %arg18[%parallel_loop3A_260, %parallel_loop3A_261] {strides = array<i32>} : memref<32x256xf32, #tpu.memory_space<vmem>>, vector<16xf32>,
        %parallel_loop3A_263 = arith.index_cast %parallel_loop3A_137 : i32 to index
        %parallel_loop3A_264 = arith.constant 48 : index
        %parallel_loop3A_265 = tpu.vector_load %arg19[%parallel_loop3A_263, %parallel_loop3A_264] {strides = array<i32>} : memref<32x256xf32, #tpu.memory_space<vmem>>, vector<16xf32>,
        %parallel_loop3A_266 = arith.mulf %parallel_loop3A_262, %parallel_loop3A_265 : vector<16xf32>
        %parallel_loop3A_267 = arith.mulf %parallel_loop3A_266, %parallel_loop3A_226 : vector<16xf32>
        %parallel_loop3A_268 = arith.index_cast %parallel_loop3A_137 : i32 to index
        %parallel_loop3A_269 = arith.constant 48 : index
        %parallel_loop3A_270 = tpu.vector_load %arg24[%parallel_loop3A_268, %parallel_loop3A_269] {strides = array<i32>} : memref<32x128xf32, #tpu.memory_space<vmem>>, vector<16xf32>,
        tpu.vector_store %arg24[%parallel_loop3A_268, %parallel_loop3A_269], %parallel_loop3A_267 {strides = array<i32>} : memref<32x128xf32, #tpu.memory_space<vmem>>, vector<16xf32>,
        %parallel_loop3A_271 = arith.index_cast %parallel_loop3A_137 : i32 to index
        %parallel_loop3A_272 = arith.constant 64 : index
        %parallel_loop3A_273 = tpu.vector_load %arg18[%parallel_loop3A_271, %parallel_loop3A_272] {strides = array<i32>} : memref<32x256xf32, #tpu.memory_space<vmem>>, vector<16xf32>,
        %parallel_loop3A_274 = arith.index_cast %parallel_loop3A_137 : i32 to index
        %parallel_loop3A_275 = arith.constant 64 : index
        %parallel_loop3A_276 = tpu.vector_load %arg19[%parallel_loop3A_274, %parallel_loop3A_275] {strides = array<i32>} : memref<32x256xf32, #tpu.memory_space<vmem>>, vector<16xf32>,
        %parallel_loop3A_277 = arith.mulf %parallel_loop3A_273, %parallel_loop3A_276 : vector<16xf32>
        %parallel_loop3A_278 = arith.mulf %parallel_loop3A_277, %parallel_loop3A_226 : vector<16xf32>
        %parallel_loop3A_279 = arith.index_cast %parallel_loop3A_137 : i32 to index
        %parallel_loop3A_280 = arith.constant 64 : index
        %parallel_loop3A_281 = tpu.vector_load %arg24[%parallel_loop3A_279, %parallel_loop3A_280] {strides = array<i32>} : memref<32x128xf32, #tpu.memory_space<vmem>>, vector<16xf32>,
        tpu.vector_store %arg24[%parallel_loop3A_279, %parallel_loop3A_280], %parallel_loop3A_278 {strides = array<i32>} : memref<32x128xf32, #tpu.memory_space<vmem>>, vector<16xf32>,
        %parallel_loop3A_282 = arith.index_cast %parallel_loop3A_137 : i32 to index
        %parallel_loop3A_283 = arith.constant 80 : index
        %parallel_loop3A_284 = tpu.vector_load %arg18[%parallel_loop3A_282, %parallel_loop3A_283] {strides = array<i32>} : memref<32x256xf32, #tpu.memory_space<vmem>>, vector<16xf32>,
        %parallel_loop3A_285 = arith.index_cast %parallel_loop3A_137 : i32 to index
        %parallel_loop3A_286 = arith.constant 80 : index
        %parallel_loop3A_287 = tpu.vector_load %arg19[%parallel_loop3A_285, %parallel_loop3A_286] {strides = array<i32>} : memref<32x256xf32, #tpu.memory_space<vmem>>, vector<16xf32>,
        %parallel_loop3A_288 = arith.mulf %parallel_loop3A_284, %parallel_loop3A_287 : vector<16xf32>
        %parallel_loop3A_289 = arith.mulf %parallel_loop3A_288, %parallel_loop3A_226 : vector<16xf32>
        %parallel_loop3A_290 = arith.index_cast %parallel_loop3A_137 : i32 to index
        %parallel_loop3A_291 = arith.constant 80 : index
        %parallel_loop3A_292 = tpu.vector_load %arg24[%parallel_loop3A_290, %parallel_loop3A_291] {strides = array<i32>} : memref<32x128xf32, #tpu.memory_space<vmem>>, vector<16xf32>,
        tpu.vector_store %arg24[%parallel_loop3A_290, %parallel_loop3A_291], %parallel_loop3A_289 {strides = array<i32>} : memref<32x128xf32, #tpu.memory_space<vmem>>, vector<16xf32>,
        %parallel_loop3A_293 = arith.index_cast %parallel_loop3A_137 : i32 to index
        %parallel_loop3A_294 = arith.constant 96 : index
        %parallel_loop3A_295 = tpu.vector_load %arg18[%parallel_loop3A_293, %parallel_loop3A_294] {strides = array<i32>} : memref<32x256xf32, #tpu.memory_space<vmem>>, vector<16xf32>,
        %parallel_loop3A_296 = arith.index_cast %parallel_loop3A_137 : i32 to index
        %parallel_loop3A_297 = arith.constant 96 : index
        %parallel_loop3A_298 = tpu.vector_load %arg19[%parallel_loop3A_296, %parallel_loop3A_297] {strides = array<i32>} : memref<32x256xf32, #tpu.memory_space<vmem>>, vector<16xf32>,
        %parallel_loop3A_299 = arith.mulf %parallel_loop3A_295, %parallel_loop3A_298 : vector<16xf32>
        %parallel_loop3A_300 = arith.mulf %parallel_loop3A_299, %parallel_loop3A_226 : vector<16xf32>
        %parallel_loop3A_301 = arith.index_cast %parallel_loop3A_137 : i32 to index
        %parallel_loop3A_302 = arith.constant 96 : index
        %parallel_loop3A_303 = tpu.vector_load %arg24[%parallel_loop3A_301, %parallel_loop3A_302] {strides = array<i32>} : memref<32x128xf32, #tpu.memory_space<vmem>>, vector<16xf32>,
        tpu.vector_store %arg24[%parallel_loop3A_301, %parallel_loop3A_302], %parallel_loop3A_300 {strides = array<i32>} : memref<32x128xf32, #tpu.memory_space<vmem>>, vector<16xf32>,
        %parallel_loop3A_304 = arith.index_cast %parallel_loop3A_137 : i32 to index
        %parallel_loop3A_305 = arith.constant 112 : index
        %parallel_loop3A_306 = tpu.vector_load %arg18[%parallel_loop3A_304, %parallel_loop3A_305] {strides = array<i32>} : memref<32x256xf32, #tpu.memory_space<vmem>>, vector<16xf32>,
        %parallel_loop3A_307 = arith.index_cast %parallel_loop3A_137 : i32 to index
        %parallel_loop3A_308 = arith.constant 112 : index
        %parallel_loop3A_309 = tpu.vector_load %arg19[%parallel_loop3A_307, %parallel_loop3A_308] {strides = array<i32>} : memref<32x256xf32, #tpu.memory_space<vmem>>, vector<16xf32>,
        %parallel_loop3A_310 = arith.mulf %parallel_loop3A_306, %parallel_loop3A_309 : vector<16xf32>
        %parallel_loop3A_311 = arith.mulf %parallel_loop3A_310, %parallel_loop3A_226 : vector<16xf32>
        %parallel_loop3A_312 = arith.index_cast %parallel_loop3A_137 : i32 to index
        %parallel_loop3A_313 = arith.constant 112 : index
        %parallel_loop3A_314 = tpu.vector_load %arg24[%parallel_loop3A_312, %parallel_loop3A_313] {strides = array<i32>} : memref<32x128xf32, #tpu.memory_space<vmem>>, vector<16xf32>,
        tpu.vector_store %arg24[%parallel_loop3A_312, %parallel_loop3A_313], %parallel_loop3A_311 {strides = array<i32>} : memref<32x128xf32, #tpu.memory_space<vmem>>, vector<16xf32>,
      } {sc.loop_unroll_factor = 4 : i64, sc.parallel_access}
      "tpu.region"() ({
        %run_scoped3A = tpu.sem_alloc : memref<!tpu.dma_semaphore, #tpu.memory_space<semaphore_mem>>
        %dma_start3A_137 = arith.constant 0 : i32
        %dma_start3A_138 = arith.constant 0 : i32
        %dma_start3A_139 = tpu.memref_slice %arg28[%dma_start3A_137, %dma_start3A_138] : memref<10000x128xf32, #tpu.memory_space<vmem_shared>> -> memref<10000x128xf32, #tpu.memory_space<vmem_shared>>
        tpu.enqueue_indirect_dma source(%arg24 : memref<32x128xf32, #tpu.memory_space<vmem>>) target(%dma_start3A_139 : memref<10000x128xf32, #tpu.memory_space<vmem_shared>>) offsets(%arg17 : memref<32xi32, #tpu.memory_space<vmem>>) semaphore(%run_scoped3A : memref<!tpu.dma_semaphore, #tpu.memory_space<semaphore_mem>>) {add = true}
        %dma_wait3A_140 = arith.constant 0 : i32
        %dma_wait3A_141 = arith.constant 0 : i32
        %dma_wait3A_142 = tpu.memref_slice %arg28[%dma_wait3A_140, %dma_wait3A_141] : memref<10000x128xf32, #tpu.memory_space<vmem_shared>> -> memref<10000x128xf32, #tpu.memory_space<vmem_shared>>
        tpu.wait_indirect_dma semaphore(%run_scoped3A : memref<!tpu.dma_semaphore, #tpu.memory_space<semaphore_mem>>) src(%arg24 : memref<32x128xf32, #tpu.memory_space<vmem>>) dst(%dma_wait3A_142 : memref<10000x128xf32, #tpu.memory_space<vmem_shared>>)
        tpu.yield
      }) : () -> ()
    } else {
    }
    %barrier3A_81 = arith.constant 0 : index
    tpu.barrier barrier_id(%barrier3A_81)
    %mul3A_82 = arith.constant 10000 : i32
    %mul3A_83 = arith.muli %arg0, %mul3A_82 : i32
    %mul3A_84 = arith.constant 640 : i32
    %mul3A_85 = arith.muli %arg1, %mul3A_84 : i32
    %add3A_86 = arith.addi %mul3A_83, %mul3A_85 : i32
    %lt3A_87 = arith.constant 15 : i32
    %lt3A_88 = arith.cmpi slt, %arg1, %lt3A_87 : i32
    %convert_element_type3A_89 = arith.extui %lt3A_88 : i1 to i32
    %cond3A_90 = arith.constant 0 : i32
    %cond3A_91 = arith.cmpi ne, %convert_element_type3A_89, %cond3A_90 : i32
    scf.if %cond3A_91 {
      %mul3A_96 = arith.constant 640 : i32
      %mul3A_97 = arith.muli %arg1, %mul3A_96 : i32
      "tpu.region"() ({
        %run_scoped3A = tpu.sem_alloc : memref<!tpu.dma_semaphore, #tpu.memory_space<semaphore_mem>>
        %dma_start3A = arith.constant 0 : i32
        %dma_start3A_98 = tpu.memref_slice %arg11[%add3A_86, %dma_start3A] : memref<20000x128xf32, #tpu.memory_space<hbm>> -> memref<640x128xf32, #tpu.memory_space<hbm>>
        %dma_start3A_99 = arith.constant 0 : i32
        %dma_start3A_100 = tpu.memref_slice %arg28[%mul3A_97, %dma_start3A_99] : memref<10000x128xf32, #tpu.memory_space<vmem_shared>> -> memref<640x128xf32, #tpu.memory_space<vmem_shared>>
        tpu.enqueue_dma source(%dma_start3A_100 : memref<640x128xf32, #tpu.memory_space<vmem_shared>>) target(%dma_start3A_98 : memref<640x128xf32, #tpu.memory_space<hbm>>) target_semaphore(%run_scoped3A : memref<!tpu.dma_semaphore, #tpu.memory_space<semaphore_mem>>)
        %dma_wait3A = arith.constant 0 : i32
        %dma_wait3A_101 = tpu.memref_slice %arg11[%add3A_86, %dma_wait3A] : memref<20000x128xf32, #tpu.memory_space<hbm>> -> memref<640x128xf32, #tpu.memory_space<hbm>>
        %dma_wait3A_102 = arith.constant 0 : i32
        %dma_wait3A_103 = tpu.memref_slice %arg28[%mul3A_97, %dma_wait3A_102] : memref<10000x128xf32, #tpu.memory_space<vmem_shared>> -> memref<640x128xf32, #tpu.memory_space<vmem_shared>>
        tpu.wait_dma2 semaphore(%run_scoped3A : memref<!tpu.dma_semaphore, #tpu.memory_space<semaphore_mem>>) src(%dma_wait3A_103 : memref<640x128xf32, #tpu.memory_space<vmem_shared>>) dst(%dma_wait3A_101 : memref<640x128xf32, #tpu.memory_space<hbm>>)
        tpu.yield
      }) : () -> ()
    } else {
    }
    %eq3A = arith.constant 15 : i32
    %eq3A_92 = arith.cmpi eq, %arg1, %eq3A : i32
    %convert_element_type3A_93 = arith.extui %eq3A_92 : i1 to i32
    %cond3A_94 = arith.constant 0 : i32
    %cond3A_95 = arith.cmpi ne, %convert_element_type3A_93, %cond3A_94 : i32
    scf.if %cond3A_95 {
      "tpu.region"() ({
        %run_scoped3A = tpu.sem_alloc : memref<!tpu.dma_semaphore, #tpu.memory_space<semaphore_mem>>
        %dma_start3A = arith.constant 0 : i32
        %dma_start3A_96 = tpu.memref_slice %arg11[%add3A_86, %dma_start3A] : memref<20000x128xf32, #tpu.memory_space<hbm>> -> memref<400x128xf32, #tpu.memory_space<hbm>>
        %dma_start3A_97 = arith.constant 9600 : i32
        %dma_start3A_98 = arith.constant 0 : i32
        %dma_start3A_99 = tpu.memref_slice %arg28[%dma_start3A_97, %dma_start3A_98] : memref<10000x128xf32, #tpu.memory_space<vmem_shared>> -> memref<400x128xf32, #tpu.memory_space<vmem_shared>>
        tpu.enqueue_dma source(%dma_start3A_99 : memref<400x128xf32, #tpu.memory_space<vmem_shared>>) target(%dma_start3A_96 : memref<400x128xf32, #tpu.memory_space<hbm>>) target_semaphore(%run_scoped3A : memref<!tpu.dma_semaphore, #tpu.memory_space<semaphore_mem>>)
        %dma_wait3A = arith.constant 0 : i32
        %dma_wait3A_100 = tpu.memref_slice %arg11[%add3A_86, %dma_wait3A] : memref<20000x128xf32, #tpu.memory_space<hbm>> -> memref<400x128xf32, #tpu.memory_space<hbm>>
        %dma_wait3A_101 = arith.constant 9600 : i32
        %dma_wait3A_102 = arith.constant 0 : i32
        %dma_wait3A_103 = tpu.memref_slice %arg28[%dma_wait3A_101, %dma_wait3A_102] : memref<10000x128xf32, #tpu.memory_space<vmem_shared>> -> memref<400x128xf32, #tpu.memory_space<vmem_shared>>
        tpu.wait_dma2 semaphore(%run_scoped3A : memref<!tpu.dma_semaphore, #tpu.memory_space<semaphore_mem>>) src(%dma_wait3A_103 : memref<400x128xf32, #tpu.memory_space<vmem_shared>>) dst(%dma_wait3A_100 : memref<400x128xf32, #tpu.memory_space<hbm>>)
        tpu.yield
      }) : () -> ()
    } else {
    }
    return
  }
}

module attributes {stable_mosaic.version = 14 : i64} {
  func.func @_mm_block(%arg0: i32, %arg1: memref<2000x128xf32, #tpu.memory_space<vmem>>, %arg2: memref<128x32xf32, #tpu.memory_space<vmem>>, %arg3: memref<2000x32xf32, #tpu.memory_space<vmem>>) attributes {dimension_semantics = [#tpu.dimension_semantics<arbitrary>], iteration_bounds = array<i64: 6>, scalar_prefetch = 0 : i64, scratch_operands = 0 : i64, tpu.core_type = #tpu.core_type<tc>, window_params = [{transform_indices = @transform_0, window_bounds = array<i64: 2000, 128>}, {pipeline_mode = #tpu.pipeline_mode<synchronous>, transform_indices = @transform_1, window_bounds = array<i64: 128, 32>}, {transform_indices = @transform_2, window_bounds = array<i64: 2000, 32>}]} {
    %get3A = arith.constant 0 : index
    %get3A_0 = arith.constant 0 : index
    %get3A_1 = vector.load %arg1[%get3A, %get3A_0] : memref<2000x128xf32, #tpu.memory_space<vmem>>, vector<2000x128xf32>
    %get3A_2 = arith.constant 0 : index
    %get3A_3 = arith.constant 0 : index
    %get3A_4 = vector.load %arg2[%get3A_2, %get3A_3] : memref<128x32xf32, #tpu.memory_space<vmem>>, vector<128x32xf32>
    %dot_general3A = arith.constant dense<0.000000e+00> : vector<2000x32xf32>
    %dot_general3A_5 = tpu.matmul %get3A_1, %get3A_4, %dot_general3A {dimension_numbers = #tpu.dot_dimension_numbers<[1], [0], [0], [1], [0, 0, 1, 1], [], []>, transpose_lhs_hint = false} : vector<2000x128xf32>, vector<128x32xf32>, vector<2000x32xf32> -> vector<2000x32xf32>
    %swap3A = arith.constant 0 : index
    %swap3A_6 = arith.constant 0 : index
    %swap3A_7 = vector.load %arg3[%swap3A, %swap3A_6] : memref<2000x32xf32, #tpu.memory_space<vmem>>, vector<2000x32xf32>
    tpu.vector_store %arg3[%swap3A, %swap3A_6], %dot_general3A_5 {strides = array<i32>} : memref<2000x32xf32, #tpu.memory_space<vmem>>, vector<2000x32xf32>,
    return
  }
  func.func @transform_0(%arg0: i32) -> (i32, i32) {
    %c0_i32 = arith.constant 0 : i32
    %c0_i32_0 = arith.constant 0 : i32
    return %arg0, %c0_i32 : i32, i32
  }
  func.func @transform_1(%arg0: i32) -> (i32, i32) {
    %c0_i32 = arith.constant 0 : i32
    %c0_i32_0 = arith.constant 0 : i32
    %c0_i32_1 = arith.constant 0 : i32
    return %c0_i32, %c0_i32_0 : i32, i32
  }
  func.func @transform_2(%arg0: i32) -> (i32, i32) {
    %c0_i32 = arith.constant 0 : i32
    %c0_i32_0 = arith.constant 0 : i32
    return %arg0, %c0_i32 : i32, i32
  }
}

module attributes {stable_mosaic.version = 14 : i64} {
  func.func @_mm_block(%arg0: i32, %arg1: memref<2000x128xf32, #tpu.memory_space<vmem>>, %arg2: memref<128x32xf32, #tpu.memory_space<vmem>>, %arg3: memref<2000x32xf32, #tpu.memory_space<vmem>>) attributes {dimension_semantics = [#tpu.dimension_semantics<arbitrary>], iteration_bounds = array<i64: 5>, scalar_prefetch = 0 : i64, scratch_operands = 0 : i64, tpu.core_type = #tpu.core_type<tc>, window_params = [{transform_indices = @transform_0, window_bounds = array<i64: 2000, 128>}, {pipeline_mode = #tpu.pipeline_mode<synchronous>, transform_indices = @transform_1, window_bounds = array<i64: 128, 32>}, {transform_indices = @transform_2, window_bounds = array<i64: 2000, 32>}]} {
    %get3A = arith.constant 0 : index
    %get3A_0 = arith.constant 0 : index
    %get3A_1 = vector.load %arg1[%get3A, %get3A_0] : memref<2000x128xf32, #tpu.memory_space<vmem>>, vector<2000x128xf32>
    %get3A_2 = arith.constant 0 : index
    %get3A_3 = arith.constant 0 : index
    %get3A_4 = vector.load %arg2[%get3A_2, %get3A_3] : memref<128x32xf32, #tpu.memory_space<vmem>>, vector<128x32xf32>
    %dot_general3A = arith.constant dense<0.000000e+00> : vector<2000x32xf32>
    %dot_general3A_5 = tpu.matmul %get3A_1, %get3A_4, %dot_general3A {dimension_numbers = #tpu.dot_dimension_numbers<[1], [0], [0], [1], [0, 0, 1, 1], [], []>, transpose_lhs_hint = false} : vector<2000x128xf32>, vector<128x32xf32>, vector<2000x32xf32> -> vector<2000x32xf32>
    %swap3A = arith.constant 0 : index
    %swap3A_6 = arith.constant 0 : index
    %swap3A_7 = vector.load %arg3[%swap3A, %swap3A_6] : memref<2000x32xf32, #tpu.memory_space<vmem>>, vector<2000x32xf32>
    tpu.vector_store %arg3[%swap3A, %swap3A_6], %dot_general3A_5 {strides = array<i32>} : memref<2000x32xf32, #tpu.memory_space<vmem>>, vector<2000x32xf32>,
    return
  }
  func.func @transform_0(%arg0: i32) -> (i32, i32) {
    %c0_i32 = arith.constant 0 : i32
    %c0_i32_0 = arith.constant 0 : i32
    return %arg0, %c0_i32 : i32, i32
  }
  func.func @transform_1(%arg0: i32) -> (i32, i32) {
    %c0_i32 = arith.constant 0 : i32
    %c0_i32_0 = arith.constant 0 : i32
    %c0_i32_1 = arith.constant 0 : i32
    return %c0_i32, %c0_i32_0 : i32, i32
  }
  func.func @transform_2(%arg0: i32) -> (i32, i32) {
    %c0_i32 = arith.constant 0 : i32
    %c0_i32_0 = arith.constant 0 : i32
    return %arg0, %c0_i32 : i32, i32
  }
}

module attributes {stable_mosaic.version = 14 : i64} {
  func.func @_post_block(%arg0: i32, %arg1: memref<2000x128xf32, #tpu.memory_space<vmem>>, %arg2: memref<2000x128xf32, #tpu.memory_space<vmem>>, %arg3: memref<128x128xf32, #tpu.memory_space<vmem>>, %arg4: memref<2000x128xf32, #tpu.memory_space<vmem>>) attributes {dimension_semantics = [#tpu.dimension_semantics<arbitrary>], iteration_bounds = array<i64: 5>, scalar_prefetch = 0 : i64, scratch_operands = 0 : i64, tpu.core_type = #tpu.core_type<tc>, window_params = [{transform_indices = @transform_0, window_bounds = array<i64: 2000, 128>}, {transform_indices = @transform_1, window_bounds = array<i64: 2000, 128>}, {pipeline_mode = #tpu.pipeline_mode<synchronous>, transform_indices = @transform_2, window_bounds = array<i64: 128, 128>}, {transform_indices = @transform_3, window_bounds = array<i64: 2000, 128>}]} {
    %get3A = arith.constant 0 : index
    %get3A_0 = arith.constant 0 : index
    %get3A_1 = vector.load %arg1[%get3A, %get3A_0] : memref<2000x128xf32, #tpu.memory_space<vmem>>, vector<2000x128xf32>
    %get3A_2 = arith.constant 0 : index
    %get3A_3 = arith.constant 0 : index
    %get3A_4 = vector.load %arg2[%get3A_2, %get3A_3] : memref<2000x128xf32, #tpu.memory_space<vmem>>, vector<2000x128xf32>
    %add3A = arith.addf %get3A_1, %get3A_4 : vector<2000x128xf32>
    %get3A_5 = arith.constant 0 : index
    %get3A_6 = arith.constant 0 : index
    %get3A_7 = vector.load %arg3[%get3A_5, %get3A_6] : memref<128x128xf32, #tpu.memory_space<vmem>>, vector<128x128xf32>
    %dot_general3A = arith.constant dense<0.000000e+00> : vector<2000x128xf32>
    %dot_general3A_8 = tpu.matmul %add3A, %get3A_7, %dot_general3A {dimension_numbers = #tpu.dot_dimension_numbers<[1], [0], [0], [1], [0, 0, 1, 1], [], []>, transpose_lhs_hint = false} : vector<2000x128xf32>, vector<128x128xf32>, vector<2000x128xf32> -> vector<2000x128xf32>
    %swap3A = arith.constant 0 : index
    %swap3A_9 = arith.constant 0 : index
    %swap3A_10 = vector.load %arg4[%swap3A, %swap3A_9] : memref<2000x128xf32, #tpu.memory_space<vmem>>, vector<2000x128xf32>
    tpu.vector_store %arg4[%swap3A, %swap3A_9], %dot_general3A_8 {strides = array<i32>} : memref<2000x128xf32, #tpu.memory_space<vmem>>, vector<2000x128xf32>,
    return
  }
  func.func @transform_0(%arg0: i32) -> (i32, i32) {
    %c0_i32 = arith.constant 0 : i32
    %c0_i32_0 = arith.constant 0 : i32
    return %arg0, %c0_i32 : i32, i32
  }
  func.func @transform_1(%arg0: i32) -> (i32, i32) {
    %add3A = arith.constant 5 : i32
    %add3A_0 = arith.addi %arg0, %add3A : i32
    %c0_i32 = arith.constant 0 : i32
    %c0_i32_1 = arith.constant 0 : i32
    return %add3A_0, %c0_i32 : i32, i32
  }
  func.func @transform_2(%arg0: i32) -> (i32, i32) {
    %c0_i32 = arith.constant 0 : i32
    %c0_i32_0 = arith.constant 0 : i32
    %c0_i32_1 = arith.constant 0 : i32
    return %c0_i32, %c0_i32_0 : i32, i32
  }
  func.func @transform_3(%arg0: i32) -> (i32, i32) {
    %c0_i32 = arith.constant 0 : i32
    %c0_i32_0 = arith.constant 0 : i32
    return %arg0, %c0_i32 : i32, i32
  }
}

</mosaic_0001>

<sc_bundles>
// kernel: kernel.7.cloned.1.call-start
scs
__scs_entry_jumppad:
0x0: {  	(pc) =	sbr.rel $0x88, $3  }
0x1: {  	(tag) =	ssettag $0x0;
	lr =	simm.s32 $0x1  }
0x2: {  	[smem:$0x3F95] =	sst lr;
	_ =	strace $0xD0000000  }
0x3: {  	_ = 	snop  }
0x4: {  	_ = 	snop  }
0x5: {  	_ = 	snop  }
0x6: {  	_ = 	snop  }
0x7: {  	_ = 	snop  }
__scs_overlays_trampoline_lowered:
0x8: {  	[smem:$0x3FA4] =	sst s0  }
0x9: {  	[smem:$0x3FA5] =	sst s1  }
0xa: {  	[smem:$0x3FA6] =	sst s2  }
0xb: {  	[smem:$0x3FA7] =	sst s3  }
0xc: {  	[smem:$0x3FA8] =	sst s4  }
0xd: {  	[smem:$0x3FA9] =	sst s5  }
0xe: {  	[smem:$0x3FAA] =	sst s6  }
0xf: {  	[smem:$0x3FAB] =	sst s7  }
0x10: {  	[smem:$0x3FAC] =	sst s8  }
0x11: {  	[smem:$0x3FAD] =	sst s9;
	s0 =	simm.s32 @!p0 $0x0  }
0x12: {  	s1 =	sld [smem:$0x3F93];
	s0 =	simm.s32 @p0 $0x1  }
0x13: {  	[smem:$0x3FAE] =	sst s0;
	s0 =	simm.s32 @!p1 $0x0  }
0x14: {  	s2 =	sld [smem:$0x3F92];
	s0 =	simm.s32 @p1 $0x1  }
0x15: {  	[smem:$0x3FAF] =	sst s0;
	s0 =	simm.s32 @!p2 $0x0  }
0x16: {  	s3 =	sld [smem:$0x3FDB];
	s0 =	simm.s32 @p2 $0x1  }
0x17: {  	s4 =	simm.s32 $0x1BF5;
	[smem:$0x3FB1] =	sst s0  }
0x18: {  	s0 =	sld [smem:$0x3F94];
	_ =	swait.ge [sflag:s4], $0x0  }
0x19: {  	s7 =	sld [smem:$0x3F95]  }
0x1a: {  	s8 =	sadd.s32 $0xFFFFE003, lr  }
0x1b: {  	s9 =	sadd.s32 $0xFFFFFEF7, lr;
	s5 =	simm.s32 $0xFFFFFFFF;
	p2 =	slt.u32 s8, $0xFFFFF086  }
0x1c: {  	p1 =	slt.u32 s9, $0xF7A;
	s5 =	simm.s32 @!p2 $0x0  }
0x1d: {  	s5 =	simm.s32 @p1 $0x1;
	p0 =	seq.s32 s7, s2  }
0x1e: {  	s7 =	smul.u32 @!p0 $0xF7A, s2;
	p2 =	seq.s32 @!p0 s5, $0x0  }
0x1f: {  	s9 =	smul.u32 $0xF7A, s1;
	s8 =	simm.s32 @!p0 $0x1BF5;
	p2 =	por !p2, p0  }
0x20: {  	[sflag:s8] =	ssyncset.s32 @!p0 $0xFFFFF086;
	s6 =	sadd.s32 @!p0 s3, s7;
	s7 =	simm.s32 @!p0 $0x108  }
0x21: {  	s3 =	sadd.s32 s3, s9;
	s6 =	sadd.s32 @!p0 $0x88, s6;
	s7 =	simm.s32 @p2 $0x1082  }
0x22: {  	[simem:s7], [sflag:s8] =	dma.local @!p0 [hbm:s6], $0xF7A  }
0x23: {  	s9 =	sor.u32 $0xD0000000, s2;
	s6 =	simm.s32 $0x108;
	_ =	swait.ge @!p0 [sflag:s8], $0x0  }
0x24: {  	s3 =	sadd.s32 $0x88, s3;
	s6 =	simm.s32 @!p1 $0x1082;
	[sflag:s4] =	ssyncset.s32 $0xFFFFF086  }
0x25: {  	[simem:s6], [sflag:s4] =	dma.local [hbm:s3], $0xF7A  }
0x26: {  	[smem:$0x3F95] =	sst s1;
	(tag) =	ssettag s2;
	_ =	strace s9  }
0x27: {  	s1 =	sld [smem:$0x3FA5]  }
0x28: {  	s2 =	sld [smem:$0x3FA6]  }
0x29: {  	s4 =	sld [smem:$0x3FA8]  }
0x2a: {  	p0 =	seq.s32 s5, $0x0;
	s5 =	sld [smem:$0x3FA9]  }
0x2b: {  	s6 =	sld [smem:$0x3FAA]  }
0x2c: {  	s7 =	sld [smem:$0x3FAB]  }
0x2d: {  	s3 =	simm.s32 $0x108;
	s8 =	sld [smem:$0x3FAC]  }
0x2e: {  	s3 =	simm.s32 @!p0 $0x1082;
	s9 =	sld [smem:$0x3FAD]  }
0x2f: {  	lr =	sadd.s32 s0, s3;
	s0 =	sld [smem:$0x3FA4]  }
0x30: {  	s3 =	sld [smem:$0x3FA7]  }
0x31: {  	[smem:$0x3FB0] =	sst s10  }
0x32: {  	s10 =	sld [smem:$0x3FAE];
	_ =	sdelay $0x3  }
0x33: {  	p0 =	seq.s32 s10, $0x1;
	s10 =	sld [smem:$0x3FB0];
	_ =	sdelay $0x3  }
0x34: {  	[smem:$0x3FB0] =	sst s10  }
0x35: {  	s10 =	sld [smem:$0x3FAF];
	_ =	sdelay $0x3  }
0x36: {  	p1 =	seq.s32 s10, $0x1;
	s10 =	sld [smem:$0x3FB0];
	_ =	sdelay $0x3  }
0x37: {  	[smem:$0x3FB0] =	sst s10  }
0x38: {  	s10 =	sld [smem:$0x3FB1]  }
0x39: {  	_ = 	snop;
	(pc) =	sbr.ind lr, $3  }
0x3a: {  	_ = 	snop  }
0x3b: {  	_ = 	snop  }
0x3c: {  	p2 =	seq.s32 s10, $0x1;
	s10 =	sld [smem:$0x3FB0]  }
0x3d: {  	_ =	shalt  }
0x3e: {  	_ =	shalt  }
0x3f: {  	_ =	shalt  }
0x40: {  	_ =	shalt  }
0x41: {  	_ =	shalt  }
0x42: {  	_ =	shalt  }
0x43: {  	_ =	shalt  }
0x44: {  	_ =	shalt  }
0x45: {  	_ =	shalt  }
0x46: {  	_ =	shalt  }
0x47: {  	_ =	shalt  }
0x48: {  	_ =	shalt  }
0x49: {  	_ =	shalt  }
0x4a: {  	_ =	shalt  }
0x4b: {  	_ =	shalt  }
0x4c: {  	_ =	shalt  }
0x4d: {  	_ =	shalt  }
0x4e: {  	_ =	shalt  }
0x4f: {  	_ =	shalt  }
0x50: {  	_ =	shalt  }
0x51: {  	_ =	shalt  }
0x52: {  	_ =	shalt  }
0x53: {  	_ =	shalt  }
0x54: {  	_ =	shalt  }
0x55: {  	_ =	shalt  }
0x56: {  	_ =	shalt  }
0x57: {  	_ =	shalt  }
0x58: {  	_ =	shalt  }
0x59: {  	_ =	shalt  }
0x5a: {  	_ =	shalt  }
0x5b: {  	_ =	shalt  }
0x5c: {  	_ =	shalt  }
0x5d: {  	_ =	shalt  }
0x5e: {  	_ =	shalt  }
0x5f: {  	_ =	shalt  }
0x60: {  	_ =	shalt  }
0x61: {  	_ =	shalt  }
0x62: {  	_ =	shalt  }
0x63: {  	_ =	shalt  }
0x64: {  	_ =	shalt  }
0x65: {  	_ =	shalt  }
0x66: {  	_ =	shalt  }
0x67: {  	_ =	shalt  }
0x68: {  	_ =	shalt  }
0x69: {  	_ =	shalt  }
0x6a: {  	_ =	shalt  }
0x6b: {  	_ =	shalt  }
0x6c: {  	_ =	shalt  }
0x6d: {  	_ =	shalt  }
0x6e: {  	_ =	shalt  }
0x6f: {  	_ =	shalt  }
0x70: {  	_ =	shalt  }
0x71: {  	_ =	shalt  }
0x72: {  	_ =	shalt  }
0x73: {  	_ =	shalt  }
0x74: {  	_ =	shalt  }
0x75: {  	_ =	shalt  }
0x76: {  	_ =	shalt  }
0x77: {  	_ =	shalt  }
0x78: {  	_ =	shalt  }
0x79: {  	_ =	shalt  }
0x7a: {  	_ =	shalt  }
0x7b: {  	_ =	shalt  }
0x7c: {  	_ =	shalt  }
0x7d: {  	_ =	shalt  }
0x7e: {  	_ =	shalt  }
0x7f: {  	_ =	shalt  }
0x80: {  	_ =	shalt  }
0x81: {  	_ =	shalt  }
0x82: {  	_ =	shalt  }
0x83: {  	_ =	shalt  }
0x84: {  	_ =	shalt  }
0x85: {  	_ =	shalt  }
0x86: {  	_ =	shalt  }
0x87: {  	_ =	shalt  }
.Lfunc_end0:
.L_simem_size_0:
called_computation_lowered:
.L_overlay_start_0:
0x88: {  	s2 =	sld [smem:$0x3FD9]  }
0x89: {  	s3 =	sld [smem:$0x3FFE];
	_ =	sdelay $0x1  }
0x8a: {  	s1 =	srdreg.scid  }
0x8b: {  	s0 =	sand.u32 $0x1, s1  }
0x8c: {  	s17 =	sshll.u32 s0, $0xA;
	s2 =	sadd.s32 s3, s2  }
0x8d: {  	s2 =	sadd.s32 s2, s17  }
0x8e: {  	[smem:$0x3FBC] =	sst s2  }
0x8f: {  	_ = 	snop  }
0x90: {  	s2 =	sld [smem:$0x3FC9]  }
0x91: {  	s18 =	sld [smem:$0x3FC8]  }
0x92: {  	s4 =	sld [smem:$0x3FD0];
	(tm) =	ssettm $0x1  }
0x93: {  	s5 =	sld [smem:$0x3FFB];
	_ =	sdelay $0x3  }
0x94: {  	_ =	strace s5  }
0x95: {  	s5 =	sld [smem:$0x3FFC];
	_ =	sdelay $0x3  }
0x96: {  	_ =	strace s5  }
0x97: {  	s5 =	sld [smem:$0x3FFD];
	_ =	sdelay $0x3  }
0x98: {  	_ =	strace s5  }
0x99: {  	_ =	strace $0x8FFFFFFF  }
0x9a: {  	s19 =	sld [smem:$0x3FDB];
	_ =	sdelay $0x1  }
0x9b: {  	s6 =	simm.s32 $_scs_section_size  }
0x9c: {  	s7 =	simm.s32 $_size__tile_overlayer_lowered;
	s8 =	simm.s32 $_tile_overlayer_lowered  }
0x9d: {  	s22 =	simm.s32 $0x1BFF;
	s21 =	sshll.u32 s8, $0x1;
	s5 =	sadd.s32 s6, s19  }
0x9e: {  	s9 =	simm.s32 $0x0;
	s20 =	sshll.u32 s7, $0x1;
	s7 =	sadd.s32 s21, s5  }
0x9f: {  	[timem:s9], [sflag:s22] =	dma.local [hbm:s7], s20  }
0xa0: {  	_ =	swait.ge [sflag:s22], s20  }
0xa1: {  	s6 =	ssub.s32 $0x0, s20;
	[sflag:s22] =	ssyncset.done $0x0  }
0xa2: {  	[sflag:s22] =	ssyncadd.s32 s6;
	_ =	sdelay $0x1  }
0xa3: {  	s23 =	simm.s32 $0x1B8B  }
0xa4: {  	_ =	swait.ge [sflag:s23], $0x1  }
0xa5: {  	[sflag:s23] =	ssyncset.done $0x0  }
0xa6: {  	s25 =	simm.s32 $0x1B8E;
	s24 =	sld [smem:$0x3FFE];
	[sflag:s23] =	ssyncadd.s32 $0xFFFFFFFF  }
0xa7: {  	s26 =	simm.s32 $execute0_lowered;
	[smem:$0x3FD2] =	sst s25  }
0xa8: {  	s7 =	sshll.u32 s26, $0x1;
	_ =	strace $0x80000046;
	[dreg:$0x1] =	wrdreg $0xFFFFFFFF  }
0xa9: {  	s28 =	simm.s32 $_size_execute0_lowered;
	s5 =	sadd.s32 s5, s7;
	[dreg:$0x0] =	wrdreg $0x0  }
0xaa: {  	s7 =	sshll.u32 s28, $0x1;
	[dreg:$0x2] =	wrdreg s5  }
0xab: {  	[dreg:$0x3] =	wrdreg s7  }
0xac: {  	[dreg:$0x4] =	wrdreg $0xC0  }
0xad: {  	_ =	task [dreg:s9], $0x5FFFF  }
0xae: {  	[dreg:$0x1] =	wrdreg $0xFFFFFFFF  }
0xaf: {  	[dreg:$0x0] =	wrdreg $0x60  }
0xb0: {  	[dreg:$0x2] =	wrdreg s24  }
0xb1: {  	[dreg:$0x3] =	wrdreg s4  }
0xb2: {  	[dreg:$0x4] =	wrdreg s18  }
0xb3: {  	[dreg:$0x5] =	wrdreg s2  }
0xb4: {  	[dreg:$0x6] =	wrdreg $0xC2000  }
0xb5: {  	[dreg:$0x7] =	wrdreg $0x9  }
0xb6: {  	_ =	task.clear_ibuf [dreg:s9], $0x8FFFF;
	_ =	strace $0x90000046  }
0xb7: {  	s29 =	simm.s32 $0x9;
	_ =	strace $0x80000048  }
0xb8: {  	_ =	swait.ge [sflag:s29], $0x1  }
0xb9: {  	[sflag:s29] =	ssyncadd.s32 $0xFFFFFFFF  }
0xba: {  	_ =	strace $0x90000048  }
0xbb: {  	_ =	sfence  }
0xbc: {  	s30 =	sld [smem:$0x0];
	_ =	sdelay $0x2  }
0xbd: {  	s31 =	sshll.u32 s1, $0xD;
	s1 =	sshrl.u32 s1, $0x2  }
0xbe: {  	s3 =	sand.u32 $0x4000, s31;
	s1 =	sadd.s32 s1, s30  }
0xbf: {  	s0 =	sor.u32 s3, s0;
	s1 =	sshll.u32 s1, $0x11  }
0xc0: {  	s0 =	sor.u32 s1, s0  }
0xc1: {  	s0 =	sadd.s32 $0x8F2B, s0  }
0xc2: {  	[sflag:s0] =	ssyncadd.remote.s32 $0x1  }
0xc3: {  	_ =	sfence.sel $0xFFFF  }
0xc4: {  	[dreg:$0x0] =	wrdreg $0xFFFFFFFF;
	(pc) =	sbr.abs _section_cstart, $3  }
0xc5: {  	[dreg:$0x1] =	wrdreg $0xFFFFFFFF  }
0xc6: {  	_ =	task.clear_ibuf [dreg:s9], $0x2FFFF;
	_ =	strace $0x9FFFFFFF  }
0xc7: {  	(tm) =	ssettm $0x7FFFFFFF  }
tec
execute0_lowered:
.L_overlay_start_1:
0x0: {  	(tag) =	ssettag $0x1  }
0x1: {  	s0 =	rddreg [dreg:$0x0]  }
0x2: {  	s6 =	rddreg [dreg:$0x1]  }
0x3: {  	s7 =	rddreg [dreg:$0x2]  }
0x4: {  	s8 =	rddreg [dreg:$0x4];
	s1 =	srdreg.scid;
	s3 =	simm.s32 $0x0  }
0x5: {  	s9 =	stileid.u32;
	s1 =	sand.u32 $0x1, s1;
	[smem:$0x7FF] =	sst s3  }
0x6: {  	s10 =	sadd.s32 $0xA600, s0;
	s4 =	sadd.s32 $0x3B600, s0;
	s18 =	sadd.s32 $0x89800, s0  }
0x7: {  	s19 =	sadd.s32 $0x14400, s0;
	_ =	strace $0x80000047;
	[dreg:$0x8] =	wrdreg s4  }
0x8: {  	s20 =	smul.u32 $0x4E200, s9;
	s21 =	sadd.s32 $0xD7C00, s0;
	[dreg:$0x9] =	wrdreg s18  }
0x9: {  	s5 =	sshll.u32 s9, $0x1;
	s2 =	smul.u32 $0x2710, s1;
	[dreg:$0xa] =	wrdreg s19  }
0xa: {  	[dreg:$0xb] =	wrdreg s21;
	s22 =	ssub.s32 $0x2, s1;
	s1 =	sor.u32 s1, s5  }
0xb: {  	s11 =	sadd.s32 $0x800, s0;
	[dreg:$0x6] =	wrdreg s10;
	s24 =	smul.u32 $0x2700, s1  }
0xc: {  	[dreg:$0x7] =	wrdreg s11;
	s3 =	sshrl.u32 s20, $0x2  }
0xd: {  	s4 =	sadd.s32 s3, s8;
	[dreg:$0xd] =	wrdreg s24  }
0xe: {  	s25 =	sadd.s32 $0x1000, s4;
	[dreg:$0xc] =	wrdreg s4  }
0xf: {  	s1 =	sshll.u32 s1, $0x2;
	s26 =	sadd.s32 $0x2000, s4;
	[dreg:$0xe] =	wrdreg s25  }
0x10: {  	s1 =	sor.u32 $0x9C00, s1;
	s29 =	sadd.s32 $0x3000, s4;
	[dreg:$0xf] =	wrdreg s26  }
0x11: {  	s30 =	sadd.s32 s10, s1;
	[dreg:$0x10] =	wrdreg s29  }
0x12: {  	s10 =	sadd.s32 s11, s1;
	[dreg:$0x11] =	wrdreg s30  }
0x13: {  	s11 =	sadd.s32 s6, s1;
	[dreg:$0x12] =	wrdreg s10  }
0x14: {  	s1 =	sadd.s32 s7, s1;
	[dreg:$0x13] =	wrdreg s11  }
0x15: {  	s14 =	sadd.s32 $0x4000, s4;
	[dreg:$0x14] =	wrdreg s1  }
0x16: {  	s17 =	smul.u32 $0x280, s9;
	s15 =	sadd.s32 $0x5000, s4;
	[dreg:$0x19] =	wrdreg s14  }
0x17: {  	s16 =	sadd.s32 $0x6000, s4;
	[dreg:$0x1a] =	wrdreg s15  }
0x18: {  	v3 =	vlaneseq.u32;
	v0 =	vimm.f32 $0.0e+00;
	s2 =	sadd.s32 s17, s2;
	s17 =	sadd.s32 $0x7000, s4;
	[dreg:$0x1b] =	wrdreg s16  }
0x19: {  	v4 =	vimm.s32 $0xEFCDAB89;
	v5 =	vimm.s32 $0x67452301;
	vm0 =	vmmov $0xffff;
	s18 =	sadd.s32 $0x8000, s4;
	[dreg:$0x1c] =	wrdreg s17  }
0x1a: {  	vm2 =	vmmov $0x3;
	s28 =	smul.u32 $0x50000, s9;
	v4 =	vunpack.c.l.s4.s8 v4;
	v5 =	vunpack.c.l.s4.s8 v5;
	s19 =	sadd.s32 $0x9000, s4;
	[dreg:$0x1d] =	wrdreg s18  }
0x1b: {  	vm3 =	vmmov $0x7;
	vm4 =	vmmov $0xf;
	v6 =	vimm.s32 $0xDCFE98BA;
	s23 =	sshrl.u32 s22, $0x1;
	s20 =	sadd.s32 $0xA000, s4;
	[dreg:$0x1e] =	wrdreg s19  }
0x1c: {  	v7 =	vimm.s32 $0xBA98FEDC;
	s12 =	sshrl.u32 s28, $0x2;
	v4 =	vunpack.c.0.s8.s32 v4;
	v5 =	vunpack.c.0.s8.s32 v5;
	s21 =	sadd.s32 $0xB000, s4;
	[dreg:$0x1f] =	wrdreg s20  }
0x1d: {  	v8 =	vimm.s32 $0x32107654;
	vm5 =	vmmov $0x1f;
	vm6 =	vmmov $0x3f;
	s2 =	sshll.u32 s2, $0x4;
	s24 =	sadd.s32 $0xE000, s4;
	[smem:$0x7F5] =	sst s21  }
0x1e: {  	v4 =	vcombine.low v5, v4;
	v5 =	vunpack.c.l.s4.s8 v6;
	v6 =	vimm.s32 $0x54761032;
	s28 =	sadd.s32 $0x11000, s4;
	s0 =	sadd.s32 s2, s0;
	[smem:$0x7F8] =	sst s24  }
0x1f: {  	vm7 =	vmmov $0x7f;
	vm8 =	vmmov $0xff;
	s2 =	ssub.s32 s22, s23;
	s22 =	sadd.s32 $0xC000, s4;
	[smem:$0x7FB] =	sst s28;
	v6 =	vunpack.c.l.s4.s8 v6  }
0x20: {  	vm9 =	vmmov $0x1ff;
	v7 =	vunpack.c.l.s4.s8 v7;
	v8 =	vunpack.c.l.s4.s8 v8;
	s23 =	sadd.s32 $0xD000, s4;
	[smem:$0x7F6] =	sst s22  }
0x21: {  	vm10 =	vmmov $0x3ff;
	s25 =	sadd.s32 $0xF000, s4;
	[smem:$0x7F7] =	sst s23;
	v5 =	vunpack.c.0.s8.s32 v5;
	v6 =	vunpack.c.0.s8.s32 v6  }
0x22: {  	vm11 =	vmmov $0x7ff;
	v7 =	vunpack.c.0.s8.s32 v7;
	v8 =	vunpack.c.0.s8.s32 v8;
	s26 =	sadd.s32 $0x10000, s4;
	[smem:$0x7F9] =	sst s25  }
0x23: {  	s31 =	simm.s32 $0x4;
	vm12 =	vmmov $0xfff;
	s29 =	sadd.s32 $0x12000, s4;
	[smem:$0x7FA] =	sst s26;
	v5 =	vcombine.low v6, v5;
	v6 =	vimm.s32 $0xFEDCBA98  }
0x24: {  	s13 =	sadd.s32 $0x12C000, s8;
	v7 =	vcombine.low v8, v7;
	v8 =	vimm.s32 $0x76543210;
	s30 =	sadd.s32 $0x13000, s4;
	[smem:$0x7FC] =	sst s29;
	v6 =	vunpack.c.l.s4.s8 v6  }
.Ltmp0:
0x25: {  	vm13 =	vmmov $0x1fff;
	vm14 =	vmmov $0x3fff;
	v8 =	vunpack.c.l.s4.s8 v8;
	s0 =	sadd.s32 $0xD7E00, s0;
	[smem:$0x7FD] =	sst s30;
	(pc) =	sbr.rel .LBB2_1-.Ltmp0, $4  }
0x26: {  	vm15 =	vmmov $0x7fff;
	v1 =	vand.u32 $0x7, v3;
	s1 =	sadd.s32 s12, s8;
	s2 =	smax.u32 s2, $0x1;
	[dreg:$0x15] =	wrdreg s0;
	v6 =	vunpack.c.0.s8.s32 v6  }
0x27: {  	p0 =	sgt.u32 s9, $0x7;
	v2 =	vshrl.u32 v3, $0x3;
	v3 =	vor.u32 $0x8, v3;
	s1 =	sshrl.u32 s1, $0x3;
	[dreg:$0x16] =	wrdreg s2;
	v8 =	vunpack.c.0.s8.s32 v8  }
0x28: {  	p1 =	seq.s32 s9, $0xF;
	v2 =	vmul.u32 $0x8, v2;
	v4 =	vand.u32 $0xF, v4;
	[dreg:$0x17] =	wrdreg s1;
	s0 =	sshrl.u32 s13, $0x3;
	v9 =	vand.u32 $0xF, v6  }
0x29: {  	s4 =	simm.s32 $0x20;
	s1 =	simm.s32 $0x0;
	[dreg:$0x18] =	wrdreg s0;
	v5 =	vand.u32 $0xF, v5;
	v6 =	vand.u32 $0xF, v7;
	v7 =	vcombine.low v9, v8  }
.LBB2_20:
0x2a: {  	s0 =	rddreg [dreg:$0x15]  }
0x2b: {  	s1 =	rddreg [dreg:$0x18];
	s2 =	simm.s32 $0x1FC4  }
0x2c: {  	[hbm:s0], [sflag:s2] =	dma.local [spmem:s1], $0x1900  }
0x2d: {  	_ =	swait.ge [sflag:s31], $0x1900  }
0x2e: {  	[sflag:s31] =	ssyncset.done $0x0  }
0x2f: {  	s1 =	sld [smem:$0x7F4];
	[sflag:s31] =	ssyncadd.s32 $0xFFFFE700  }
.LBB2_21:
0x30: {  	_ =	sdelay $0x1  }
0x31: {  	s0 =	rddreg [dreg:$0x16];
	s1 =	sadd.s32 $0x1, s1  }
0x32: {  	p2 =	sne.s32 s1, s0  }
.Ltmp1:
0x33: {  	_ = 	snop;
	(pc) =	sbr.rel @!p2 .LBB2_22-.Ltmp1, $1  }
0x34: {  	_ =	sdelay $0x3  }
.LBB2_1:
0x35: {  	[smem:$0x7F4] =	sst s1  }
0x36: {  	s28 =	simm.s32 $0x0;
	s0 =	rddreg [dreg:$0xb];
	s2 =	simm.s32 $0xBF00  }
0x37: {  	[tilespmem:s2], [sflag:$0x4] =	stream.linear.gather [hbm4b:s0+s28], $0x80, $0x38;
	[tilespmem:$0x1FA80] =	vst v63  }
0x38: {  	_ =	swait.ge [sflag:s31], $0x80  }
0x39: {  	[sflag:s31] =	ssyncset.done $0x0  }
0x3a: {  	[sflag:s31] =	ssyncadd.s32 $0xFFFFFF80  }
0x3b: {  	s30 =	simm.s32 $0xBF80;
	s29 =	rddreg [dreg:$0x3]  }
0x3c: {  	[tilespmem:s30], [sflag:$0x4] =	stream.linear.gather [hbm4b:s29+s28], $0x200, $0x38;
	[tilespmem:$0x1FA80] =	vst v63  }
0x3d: {  	_ =	swait.ge [sflag:s31], $0x200  }
0x3e: {  	[sflag:s31] =	ssyncset.done $0x0  }
0x3f: {  	[sflag:s31] =	ssyncadd.s32 $0xFFFFFE00  }
0x40: {  	v8 =	vld [tilespmem:$0xBF20]  }
0x41: {  	v9 =	vld [tilespmem:$0xBF30]  }
0x42: {  	v10 =	vld [tilespmem:$0xBF00]  }
0x43: {  	v11 =	vld [tilespmem:$0xBF10]  }
0x44: {  	s1 =	simm.s32 $0x200;
	s0 =	simm.s32 $0x0;
	v12 =	vld [tilespmem:$0xBF40]  }
.LBB2_2:
0x45: {  	p2 =	sne.s32 s1, $0x3E00;
	[tilespmem:s0+$0xAF70] =	vst v0  }
0x46: {  	[tilespmem:s0+$0xAF00] =	vst v0  }
0x47: {  	[tilespmem:s0+$0xAF10] =	vst v0  }
.Ltmp2:
0x48: {  	[tilespmem:s0+$0xAF20] =	vst v0;
	(pc) =	sbr.rel @p2 .LBB2_2-.Ltmp2, $4  }
0x49: {  	[tilespmem:s0+$0xAF30] =	vst v0  }
0x4a: {  	[tilespmem:s0+$0xAF40] =	vst v0  }
0x4b: {  	[tilespmem:s0+$0xAF50] =	vst v0  }
0x4c: {  	[tilespmem:s0+$0xAF60] =	vst v0;
	s0 =	sshra.s32 s1, $0x2;
	s1 =	sadd.s32 $0x200, s1  }
0x4d: {  	[tilespmem:s0+$0xAF70] =	vst v0  }
0x4e: {  	[tilespmem:s0+$0xAF00] =	vst v0  }
0x4f: {  	[tilespmem:s0+$0xAF10] =	vst v0  }
0x50: {  	[tilespmem:s0+$0xAF20] =	vst v0  }
0x51: {  	[tilespmem:s0+$0xAF30] =	vst v0  }
0x52: {  	[tilespmem:s0+$0xAF40] =	vst v0  }
0x53: {  	[tilespmem:s0+$0xAF50] =	vst v0  }
0x54: {  	[tilespmem:s0+$0xAF60] =	vst v0;
	s10 =	rddreg [dreg:$0xc];
	s1 =	simm.s32 $0xAF00  }
0x55: {  	[spmem:s10] =	stream.linear.scatter [tilespmem:s1], [sflag:$0x4], $0x1000, $0x38;
	[tilespmem:$0x1FA80] =	vst v63  }
0x56: {  	_ =	swait.ge [sflag:s31], $0x1000  }
0x57: {  	[sflag:s31] =	ssyncset.done $0x0  }
0x58: {  	s11 =	rddreg [dreg:$0xe];
	[sflag:s31] =	ssyncadd.s32 $0xFFFFF000  }
0x59: {  	[spmem:s11] =	stream.linear.scatter [tilespmem:s1], [sflag:$0x4], $0x1000, $0x38;
	[tilespmem:$0x1FA80] =	vst v63  }
0x5a: {  	_ =	swait.ge [sflag:s31], $0x1000  }
0x5b: {  	[sflag:s31] =	ssyncset.done $0x0  }
0x5c: {  	s12 =	rddreg [dreg:$0xf];
	[sflag:s31] =	ssyncadd.s32 $0xFFFFF000  }
0x5d: {  	[spmem:s12] =	stream.linear.scatter [tilespmem:s1], [sflag:$0x4], $0x1000, $0x38;
	[tilespmem:$0x1FA80] =	vst v63  }
0x5e: {  	_ =	swait.ge [sflag:s31], $0x1000  }
0x5f: {  	[sflag:s31] =	ssyncset.done $0x0  }
0x60: {  	s13 =	rddreg [dreg:$0x10];
	[sflag:s31] =	ssyncadd.s32 $0xFFFFF000  }
0x61: {  	[spmem:s13] =	stream.linear.scatter [tilespmem:s1], [sflag:$0x4], $0x1000, $0x38;
	[tilespmem:$0x1FA80] =	vst v63  }
0x62: {  	_ =	swait.ge [sflag:s31], $0x1000  }
0x63: {  	[sflag:s31] =	ssyncset.done $0x0  }
0x64: {  	s14 =	rddreg [dreg:$0x19];
	[sflag:s31] =	ssyncadd.s32 $0xFFFFF000  }
0x65: {  	[spmem:s14] =	stream.linear.scatter [tilespmem:s1], [sflag:$0x4], $0x1000, $0x38;
	[tilespmem:$0x1FA80] =	vst v63  }
0x66: {  	_ =	swait.ge [sflag:s31], $0x1000  }
0x67: {  	[sflag:s31] =	ssyncset.done $0x0  }
0x68: {  	s15 =	rddreg [dreg:$0x1a];
	[sflag:s31] =	ssyncadd.s32 $0xFFFFF000  }
0x69: {  	[spmem:s15] =	stream.linear.scatter [tilespmem:s1], [sflag:$0x4], $0x1000, $0x38;
	[tilespmem:$0x1FA80] =	vst v63  }
0x6a: {  	_ =	swait.ge [sflag:s31], $0x1000  }
0x6b: {  	[sflag:s31] =	ssyncset.done $0x0  }
0x6c: {  	s16 =	rddreg [dreg:$0x1b];
	[sflag:s31] =	ssyncadd.s32 $0xFFFFF000  }
0x6d: {  	[spmem:s16] =	stream.linear.scatter [tilespmem:s1], [sflag:$0x4], $0x1000, $0x38;
	[tilespmem:$0x1FA80] =	vst v63  }
0x6e: {  	_ =	swait.ge [sflag:s31], $0x1000  }
0x6f: {  	[sflag:s31] =	ssyncset.done $0x0  }
0x70: {  	s17 =	rddreg [dreg:$0x1c];
	[sflag:s31] =	ssyncadd.s32 $0xFFFFF000  }
0x71: {  	[spmem:s17] =	stream.linear.scatter [tilespmem:s1], [sflag:$0x4], $0x1000, $0x38;
	[tilespmem:$0x1FA80] =	vst v63  }
0x72: {  	_ =	swait.ge [sflag:s31], $0x1000  }
0x73: {  	[sflag:s31] =	ssyncset.done $0x0  }
0x74: {  	s18 =	rddreg [dreg:$0x1d];
	[sflag:s31] =	ssyncadd.s32 $0xFFFFF000  }
0x75: {  	[spmem:s18] =	stream.linear.scatter [tilespmem:s1], [sflag:$0x4], $0x1000, $0x38;
	[tilespmem:$0x1FA80] =	vst v63  }
0x76: {  	_ =	swait.ge [sflag:s31], $0x1000  }
0x77: {  	[sflag:s31] =	ssyncset.done $0x0  }
0x78: {  	s19 =	rddreg [dreg:$0x1e];
	[sflag:s31] =	ssyncadd.s32 $0xFFFFF000  }
0x79: {  	[spmem:s19] =	stream.linear.scatter [tilespmem:s1], [sflag:$0x4], $0x1000, $0x38;
	[tilespmem:$0x1FA80] =	vst v63  }
0x7a: {  	_ =	swait.ge [sflag:s31], $0x1000  }
0x7b: {  	[sflag:s31] =	ssyncset.done $0x0  }
0x7c: {  	s20 =	rddreg [dreg:$0x1f];
	[sflag:s31] =	ssyncadd.s32 $0xFFFFF000  }
0x7d: {  	[spmem:s20] =	stream.linear.scatter [tilespmem:s1], [sflag:$0x4], $0x1000, $0x38;
	[tilespmem:$0x1FA80] =	vst v63  }
0x7e: {  	_ =	swait.ge [sflag:s31], $0x1000  }
0x7f: {  	s21 =	sld [smem:$0x7F5]  }
0x80: {  	[sflag:s31] =	ssyncset.done $0x0  }
0x81: {  	[sflag:s31] =	ssyncadd.s32 $0xFFFFF000  }
0x82: {  	[spmem:s21] =	stream.linear.scatter [tilespmem:s1], [sflag:$0x4], $0x1000, $0x38;
	[tilespmem:$0x1FA80] =	vst v63  }
0x83: {  	_ =	swait.ge [sflag:s31], $0x1000  }
0x84: {  	s22 =	sld [smem:$0x7F6]  }
0x85: {  	[sflag:s31] =	ssyncset.done $0x0  }
0x86: {  	[sflag:s31] =	ssyncadd.s32 $0xFFFFF000  }
0x87: {  	[spmem:s22] =	stream.linear.scatter [tilespmem:s1], [sflag:$0x4], $0x1000, $0x38;
	[tilespmem:$0x1FA80] =	vst v63  }
0x88: {  	_ =	swait.ge [sflag:s31], $0x1000  }
0x89: {  	s23 =	sld [smem:$0x7F7]  }
0x8a: {  	[sflag:s31] =	ssyncset.done $0x0  }
0x8b: {  	[sflag:s31] =	ssyncadd.s32 $0xFFFFF000  }
0x8c: {  	[spmem:s23] =	stream.linear.scatter [tilespmem:s1], [sflag:$0x4], $0x1000, $0x38;
	[tilespmem:$0x1FA80] =	vst v63  }
0x8d: {  	_ =	swait.ge [sflag:s31], $0x1000  }
0x8e: {  	s24 =	sld [smem:$0x7F8]  }
0x8f: {  	[sflag:s31] =	ssyncset.done $0x0  }
0x90: {  	[sflag:s31] =	ssyncadd.s32 $0xFFFFF000  }
0x91: {  	[spmem:s24] =	stream.linear.scatter [tilespmem:s1], [sflag:$0x4], $0x1000, $0x38;
	[tilespmem:$0x1FA80] =	vst v63  }
0x92: {  	_ =	swait.ge [sflag:s31], $0x1000  }
0x93: {  	s25 =	sld [smem:$0x7F9]  }
0x94: {  	[sflag:s31] =	ssyncset.done $0x0  }
0x95: {  	[sflag:s31] =	ssyncadd.s32 $0xFFFFF000  }
0x96: {  	[spmem:s25] =	stream.linear.scatter [tilespmem:s1], [sflag:$0x4], $0x1000, $0x38;
	[tilespmem:$0x1FA80] =	vst v63  }
0x97: {  	_ =	swait.ge [sflag:s31], $0x1000  }
0x98: {  	s26 =	sld [smem:$0x7FA]  }
0x99: {  	[sflag:s31] =	ssyncset.done $0x0  }
0x9a: {  	[sflag:s31] =	ssyncadd.s32 $0xFFFFF000  }
0x9b: {  	[spmem:s26] =	stream.linear.scatter [tilespmem:s1], [sflag:$0x4], $0x1000, $0x38;
	[tilespmem:$0x1FA80] =	vst v63  }
0x9c: {  	_ =	swait.ge [sflag:s31], $0x1000  }
0x9d: {  	s28 =	sld [smem:$0x7FB]  }
0x9e: {  	[sflag:s31] =	ssyncset.done $0x0  }
0x9f: {  	[sflag:s31] =	ssyncadd.s32 $0xFFFFF000  }
0xa0: {  	[spmem:s28] =	stream.linear.scatter [tilespmem:s1], [sflag:$0x4], $0x1000, $0x38;
	[tilespmem:$0x1FA80] =	vst v63  }
0xa1: {  	_ =	swait.ge [sflag:s31], $0x1000  }
0xa2: {  	s29 =	sld [smem:$0x7FC]  }
0xa3: {  	[sflag:s31] =	ssyncset.done $0x0  }
0xa4: {  	[sflag:s31] =	ssyncadd.s32 $0xFFFFF000  }
0xa5: {  	[spmem:s29] =	stream.linear.scatter [tilespmem:s1], [sflag:$0x4], $0x1000, $0x38;
	[tilespmem:$0x1FA80] =	vst v63  }
0xa6: {  	_ =	swait.ge [sflag:s31], $0x1000  }
0xa7: {  	s30 =	sld [smem:$0x7FD]  }
0xa8: {  	[sflag:s31] =	ssyncset.done $0x0  }
0xa9: {  	[sflag:s31] =	ssyncadd.s32 $0xFFFFF000  }
0xaa: {  	[spmem:s30] =	stream.linear.scatter [tilespmem:s1], [sflag:$0x4], $0x880, $0x38;
	[tilespmem:$0x1FA80] =	vst v63  }
0xab: {  	_ =	swait.ge [sflag:s31], $0x880  }
0xac: {  	[sflag:s31] =	ssyncset.done $0x0  }
0xad: {  	[sflag:s31] =	ssyncadd.s32 $0xFFFFF780  }
0xae: {  	v12 =	vbroadcast v12, $0x0;
	s0 =	simm.s32 $0x0;
	[bflag:$0x0] =	sbarrier.arrive $0xFFFF  }
.LBB2_4:
0xaf: {  	s5 =	smul.u32 $0x340, s0  }
0xb0: {  	s1 =	rddreg [dreg:$0xd]  }
0xb1: {  	[smem:$0x7F3] =	sst s0;
	s0 =	sadd.s32 s1, s5  }
0xb2: {  	s6 =	rddreg [dreg:$0x6];
	s0 =	sshrl.u32 s0, $0x3  }
0xb3: {  	s3 =	simm.s32 $0x0;
	s1 =	sadd.s32 s6, s0  }
0xb4: {  	[tilespmem:s3], [sflag:$0x4] =	stream.linear.gather [hbm4b:s1+s3], $0x340, $0x38;
	[tilespmem:$0x1FA80] =	vst v63  }
0xb5: {  	_ =	swait.ge [sflag:s31], $0x340  }
0xb6: {  	[sflag:s31] =	ssyncset.done $0x0;
	s7 =	rddreg [dreg:$0x7]  }
0xb7: {  	s2 =	simm.s32 $0x380;
	[sflag:s31] =	ssyncadd.s32 $0xFFFFFCC0;
	s1 =	sadd.s32 s7, s0  }
0xb8: {  	[tilespmem:s2], [sflag:$0x4] =	stream.linear.gather [hbm4b:s1+s3], $0x340, $0x38;
	[tilespmem:$0x1FA80] =	vst v63  }
0xb9: {  	_ =	swait.ge [sflag:s31], $0x340  }
0xba: {  	[sflag:s31] =	ssyncset.done $0x0  }
0xbb: {  	[sflag:s31] =	ssyncadd.s32 $0xFFFFFCC0  }
0xbc: {  	s8 =	rddreg [dreg:$0x1]  }
0xbd: {  	s9 =	simm.s32 $0x700;
	s1 =	sadd.s32 s8, s0  }
0xbe: {  	[tilespmem:s9], [sflag:$0x4] =	stream.linear.gather [hbm4b:s1+s3], $0x340, $0x38;
	[tilespmem:$0x1FA80] =	vst v63  }
0xbf: {  	_ =	swait.ge [sflag:s31], $0x340  }
0xc0: {  	[sflag:s31] =	ssyncset.done $0x0  }
0xc1: {  	[sflag:s31] =	ssyncadd.s32 $0xFFFFFCC0  }
0xc2: {  	s10 =	rddreg [dreg:$0x2]  }
0xc3: {  	s11 =	simm.s32 $0xA80;
	s0 =	sadd.s32 s10, s0  }
0xc4: {  	[tilespmem:s11], [sflag:$0x4] =	stream.linear.gather [hbm4b:s0+s3], $0x340, $0x38;
	[tilespmem:$0x1FA80] =	vst v63  }
0xc5: {  	_ =	swait.ge [sflag:s31], $0x340  }
0xc6: {  	[sflag:s31] =	ssyncset.done $0x0  }
0xc7: {  	[sflag:s31] =	ssyncadd.s32 $0xFFFFFCC0  }
0xc8: {  	v13 =	vld [tilespmem:$0x0];
	_ =	sdelay $0x4  }
0xc9: {  	v14 =	vshll.u32 v13, $0x1  }
0xca: {  	v13 =	vand.u32 $0x7, v13;
	v14 =	vand.u32 $0xFFFFFFF0, v14  }
0xcb: {  	v13 =	vor.u32 v13, v14  }
0xcc: {  	v14 =	vperm.xlane v13, v1;
	_ =	sdelay $0x1  }
0xcd: {  	v13 =	vperm.xlane v13, v3;
	v14 =	vadd.s32 v2, v14;
	_ =	sdelay $0x1  }
0xce: {  	v13 =	vadd.s32 v2, v13;
	_ =	sdelay $0x1  }
0xcf: {  	s13 =	simm.s32 $0xF00;
	s12 =	rddreg [dreg:$0x8]  }
0xd0: {  	[tilespmem:s13], [sflag:$0x1] =	stream.indirect_vreg.gather [hbm4b:s12+s3], $0x80, v14, vm0, $0xb8;
	[tilespmem:$0x1FA80] =	vst v63  }
0xd1: {  	s14 =	simm.s32 $0x1700  }
0xd2: {  	[tilespmem:s14], [sflag:$0x1] =	stream.indirect_vreg.gather [hbm4b:s12+s3], $0x80, v13, vm0, $0xb8;
	[tilespmem:$0x1FA80] =	vst v63  }
0xd3: {  	v13 =	vld [tilespmem:$0x10];
	_ =	sdelay $0x4  }
0xd4: {  	v14 =	vshll.u32 v13, $0x1  }
0xd5: {  	v13 =	vand.u32 $0x7, v13;
	v14 =	vand.u32 $0xFFFFFFF0, v14  }
0xd6: {  	v13 =	vor.u32 v13, v14  }
0xd7: {  	v14 =	vperm.xlane v13, v1;
	_ =	sdelay $0x1  }
0xd8: {  	v13 =	vperm.xlane v13, v3;
	v14 =	vadd.s32 v2, v14;
	_ =	sdelay $0x1  }
0xd9: {  	v13 =	vadd.s32 v2, v13;
	_ =	sdelay $0x1  }
0xda: {  	s15 =	simm.s32 $0x1F00  }
0xdb: {  	[tilespmem:s15], [sflag:$0x1] =	stream.indirect_vreg.gather [hbm4b:s12+s3], $0x80, v14, vm0, $0xb8;
	[tilespmem:$0x1FA80] =	vst v63  }
0xdc: {  	s16 =	simm.s32 $0x2700  }
0xdd: {  	[tilespmem:s16], [sflag:$0x1] =	stream.indirect_vreg.gather [hbm4b:s12+s3], $0x80, v13, vm0, $0xb8;
	[tilespmem:$0x1FA80] =	vst v63  }
0xde: {  	v13 =	vld [tilespmem:$0x380];
	_ =	sdelay $0x4  }
0xdf: {  	v14 =	vshll.u32 v13, $0x1  }
0xe0: {  	v13 =	vand.u32 $0x7, v13;
	v14 =	vand.u32 $0xFFFFFFF0, v14  }
0xe1: {  	v13 =	vor.u32 v13, v14  }
0xe2: {  	v14 =	vperm.xlane v13, v1;
	_ =	sdelay $0x1  }
0xe3: {  	v13 =	vperm.xlane v13, v3;
	v14 =	vadd.s32 v2, v14;
	_ =	sdelay $0x1  }
0xe4: {  	v13 =	vadd.s32 v2, v13;
	_ =	sdelay $0x1  }
0xe5: {  	s18 =	simm.s32 $0x2F00;
	s17 =	rddreg [dreg:$0x9]  }
0xe6: {  	[tilespmem:s18], [sflag:$0x1] =	stream.indirect_vreg.gather [hbm4b:s17+s3], $0x80, v14, vm0, $0xb8;
	[tilespmem:$0x1FA80] =	vst v63  }
0xe7: {  	s19 =	simm.s32 $0x3700  }
0xe8: {  	[tilespmem:s19], [sflag:$0x1] =	stream.indirect_vreg.gather [hbm4b:s17+s3], $0x80, v13, vm0, $0xb8;
	[tilespmem:$0x1FA80] =	vst v63  }
0xe9: {  	v13 =	vld [tilespmem:$0x390];
	_ =	sdelay $0x4  }
0xea: {  	v14 =	vshll.u32 v13, $0x1  }
0xeb: {  	v13 =	vand.u32 $0x7, v13;
	v14 =	vand.u32 $0xFFFFFFF0, v14  }
0xec: {  	v13 =	vor.u32 v13, v14  }
0xed: {  	v14 =	vperm.xlane v13, v1;
	_ =	sdelay $0x1  }
0xee: {  	v13 =	vperm.xlane v13, v3;
	v14 =	vadd.s32 v2, v14;
	_ =	sdelay $0x1  }
0xef: {  	v13 =	vadd.s32 v2, v13;
	_ =	sdelay $0x1  }
0xf0: {  	s20 =	simm.s32 $0x3F00  }
0xf1: {  	[tilespmem:s20], [sflag:$0x1] =	stream.indirect_vreg.gather [hbm4b:s17+s3], $0x80, v14, vm0, $0xb8;
	[tilespmem:$0x1FA80] =	vst v63  }
0xf2: {  	s21 =	simm.s32 $0x4700  }
0xf3: {  	[tilespmem:s21], [sflag:$0x1] =	stream.indirect_vreg.gather [hbm4b:s17+s3], $0x80, v13, vm0, $0xb8;
	[tilespmem:$0x1FA80] =	vst v63  }
0xf4: {  	v13 =	vld [tilespmem:$0xA80];
	_ =	sdelay $0x4  }
0xf5: {  	v13 =	vadd.s32 $0xBF80, v13  }
0xf6: {  	(v2sf) =	vpush v13, $0x1  }
0xf7: {  	(v2sf) =	vpush v13, $0x0  }
0xf8: {  	(v2sf) =	vpush v13, $0x3  }
0xf9: {  	(v2sf) =	vpush v13, $0x2  }
0xfa: {  	(v2sf) =	vpush v13, $0x5  }
0xfb: {  	(v2sf) =	vpush v13, $0x4  }
0xfc: {  	(v2sf) =	vpush v13, $0x7  }
0xfd: {  	(v2sf) =	vpush v13, $0x6  }
0xfe: {  	(v2sf) =	vpush v13, $0x9  }
0xff: {  	(v2sf) =	vpush v13, $0x8  }
0x100: {  	v14 =	vld [tilespmem:$0xA90];
	(v2sf) =	vpush v13, $0xB  }
0x101: {  	(v2sf) =	vpush v13, $0xA  }
0x102: {  	(v2sf) =	vpush v13, $0xD  }
0x103: {  	(v2sf) =	vpush v13, $0xC  }
0x104: {  	(v2sf) =	vpush v13, $0xF  }
0x105: {  	s22 =	spop (v2sf);
	(v2sf) =	vpush v13, $0xE;
	v13 =	vadd.s32 $0xBF80, v14  }
0x106: {  	s23 =	spop (v2sf);
	(v2sf) =	vpush v13, $0x1  }
0x107: {  	v15 =	vld.msk [tilespmem:s22+$0x0 ss:$0x0], $0xffff;
	s24 =	spop (v2sf);
	(v2sf) =	vpush v13, $0x0  }
0x108: {  	v14 =	vld [tilespmem:s23+$0x0];
	s25 =	spop (v2sf);
	(v2sf) =	vpush v13, $0x3  }
0x109: {  	v17 =	vld.msk [tilespmem:s24+$0x0 ss:$0x0], $0xffff;
	s26 =	spop (v2sf);
	(v2sf) =	vpush v13, $0x2  }
0x10a: {  	v16 =	vld.msk [tilespmem:s25+$0x0 ss:$0x0], $0xffff;
	s28 =	spop (v2sf);
	(v2sf) =	vpush v13, $0x5  }
0x10b: {  	v19 =	vld.msk [tilespmem:s26+$0x0 ss:$0x0], $0xffff;
	s29 =	spop (v2sf);
	(v2sf) =	vpush v13, $0x4  }
0x10c: {  	v18 =	vld.msk [tilespmem:s28+$0x0 ss:$0x0], $0xffff;
	s31 =	spop (v2sf);
	(v2sf) =	vpush v13, $0x7  }
0x10d: {  	v21 =	vld.msk [tilespmem:s29+$0x0 ss:$0x0], $0xffff;
	s2 =	spop (v2sf);
	(v2sf) =	vpush v13, $0x6  }
0x10e: {  	v20 =	vld.msk [tilespmem:s31+$0x0 ss:$0x0], $0xffff;
	s3 =	spop (v2sf);
	(v2sf) =	vpush v13, $0x9  }
0x10f: {  	v23 =	vld.msk [tilespmem:s2+$0x0 ss:$0x0], $0xffff;
	s5 =	spop (v2sf);
	(v2sf) =	vpush v13, $0x8  }
0x110: {  	v22 =	vld.msk [tilespmem:s3+$0x0 ss:$0x0], $0xffff;
	s6 =	spop (v2sf);
	(v2sf) =	vpush v13, $0xB  }
0x111: {  	v25 =	vld.msk [tilespmem:s5+$0x0 ss:$0x0], $0xffff;
	s7 =	spop (v2sf);
	(v2sf) =	vpush v13, $0xA  }
0x112: {  	v24 =	vld.msk [tilespmem:s6+$0x0 ss:$0x0], $0xffff;
	s8 =	spop (v2sf);
	(v2sf) =	vpush v13, $0xD  }
0x113: {  	v27 =	vld.msk [tilespmem:s7+$0x0 ss:$0x0], $0xffff;
	s9 =	spop (v2sf);
	(v2sf) =	vpush v13, $0xC  }
0x114: {  	v26 =	vld.msk [tilespmem:s8+$0x0 ss:$0x0], $0xffff;
	s10 =	spop (v2sf);
	(v2sf) =	vpush v13, $0xF  }
0x115: {  	v28 =	vld.msk [tilespmem:s10+$0x0 ss:$0x0], $0xffff;
	s11 =	spop (v2sf);
	(v2sf) =	vpush v13, $0xE  }
0x116: {  	v13 =	vld.msk [tilespmem:s9+$0x0 ss:$0x0], $0xffff;
	s12 =	spop (v2sf)  }
0x117: {  	v30 =	vld.msk [tilespmem:s11+$0x0 ss:$0x0], $0xffff;
	s13 =	spop (v2sf)  }
0x118: {  	v29 =	vld [tilespmem:s12+$0x0];
	s14 =	spop (v2sf)  }
0x119: {  	v31 =	vld.msk [tilespmem:s14+$0x0 ss:$0x0], $0xffff;
	s15 =	spop (v2sf)  }
0x11a: {  	v32 =	vld.msk [tilespmem:s13+$0x0 ss:$0x0], $0xffff;
	s16 =	spop (v2sf)  }
0x11b: {  	vm1 =	vcmask $0x704;
	v33 =	vld.msk [tilespmem:s16+$0x0 ss:$0x0], $0xffff;
	s17 =	spop (v2sf)  }
0x11c: {  	v14 =	vsel vm1, v15, v14;
	v15 =	vld.msk [tilespmem:s15+$0x0 ss:$0x0], $0xffff;
	s18 =	spop (v2sf)  }
0x11d: {  	v14 =	vsel vm2, v14, v16;
	v53 =	vsel vm1, v30, v29;
	v54 =	vld.msk [tilespmem:s18+$0x0 ss:$0x0], $0xffff;
	s19 =	spop (v2sf)  }
0x11e: {  	v14 =	vsel vm3, v14, v17;
	v55 =	vld.msk [tilespmem:s17+$0x0 ss:$0x0], $0xffff;
	v16 =	vsel vm2, v53, v31;
	s20 =	spop (v2sf)  }
0x11f: {  	v14 =	vsel vm4, v14, v18;
	v16 =	vsel vm3, v16, v32;
	v56 =	vld.msk [tilespmem:s20+$0x0 ss:$0x0], $0xffff;
	s21 =	spop (v2sf)  }
0x120: {  	v14 =	vsel vm5, v14, v19;
	v57 =	vld.msk [tilespmem:s19+$0x0 ss:$0x0], $0xffff;
	v16 =	vsel vm4, v16, v33;
	s22 =	spop (v2sf)  }
0x121: {  	v14 =	vsel vm6, v14, v20;
	v15 =	vsel vm5, v16, v15;
	v58 =	vld.msk [tilespmem:s22+$0x0 ss:$0x0], $0xffff;
	s23 =	spop (v2sf)  }
0x122: {  	v14 =	vsel vm7, v14, v21;
	v59 =	vld.msk [tilespmem:s21+$0x0 ss:$0x0], $0xffff;
	v15 =	vsel vm6, v15, v54;
	s24 =	spop (v2sf)  }
0x123: {  	v14 =	vsel vm8, v14, v22;
	v15 =	vsel vm7, v15, v55;
	v60 =	vld.msk [tilespmem:s24+$0x0 ss:$0x0], $0xffff;
	s25 =	spop (v2sf)  }
0x124: {  	v14 =	vsel vm9, v14, v23;
	v61 =	vld.msk [tilespmem:s23+$0x0 ss:$0x0], $0xffff;
	v15 =	vsel vm8, v15, v56;
	s26 =	spop (v2sf)  }
0x125: {  	v14 =	vsel vm10, v14, v24;
	v62 =	vld.msk [tilespmem:s26+$0x0 ss:$0x0], $0xffff;
	v15 =	vsel vm9, v15, v57  }
0x126: {  	v14 =	vsel vm11, v14, v25;
	v63 =	vld.msk [tilespmem:s25+$0x0 ss:$0x0], $0xffff;
	v15 =	vsel vm10, v15, v58  }
0x127: {  	v14 =	vsel vm12, v14, v26;
	v15 =	vsel vm11, v15, v59  }
0x128: {  	v14 =	vsel vm13, v14, v27;
	v15 =	vsel vm12, v15, v60  }
0x129: {  	v14 =	vsel vm14, v14, v28;
	v15 =	vsel vm13, v15, v61  }
0x12a: {  	v13 =	vsel vm15, v14, v13;
	v14 =	vsel vm14, v15, v62  }
0x12b: {  	s30 =	simm.s32 $0x0;
	[tilespmem:$0xE00] =	vst v13;
	v13 =	vsel vm15, v14, v63  }
0x12c: {  	s28 =	rddreg [dreg:$0xa];
	s29 =	simm.s32 $0xE00;
	s31 =	simm.s32 $0x8F00;
	[tilespmem:$0xE10] =	vst v13  }
0x12d: {  	[tilespmem:s31], [sflag:$0x3] =	stream.indirect.gather [hbm4b:s28+s4], $0x80, s29, s4, $0xb8;
	[tilespmem:$0x1FA80] =	vst v63  }
.LBB2_5:
0x12e: {  	s31 =	sshll.u32 s30, $0x6  }
0x12f: {  	v13 =	vld [tilespmem:s31+$0x20];
	_ =	sdelay $0x4  }
0x130: {  	v14 =	vshll.u32 v13, $0x1  }
0x131: {  	v13 =	vand.u32 $0x7, v13;
	v14 =	vand.u32 $0xFFFFFFF0, v14  }
0x132: {  	v13 =	vor.u32 v13, v14  }
0x133: {  	v14 =	vperm.xlane v13, v1;
	_ =	sdelay $0x1  }
0x134: {  	v13 =	vperm.xlane v13, v3;
	v14 =	vadd.s32 v2, v14;
	_ =	sdelay $0x1  }
0x135: {  	v13 =	vadd.s32 v2, v13;
	_ =	sdelay $0x1  }
0x136: {  	s0 =	simm.s32 $0x0;
	s1 =	rddreg [dreg:$0x8];
	s2 =	simm.s32 $0x4F00  }
0x137: {  	[tilespmem:s2], [sflag:$0x2] =	stream.indirect_vreg.gather [hbm4b:s1+s0], $0x80, v14, vm0, $0xb8;
	[tilespmem:$0x1FA80] =	vst v63  }
0x138: {  	s19 =	simm.s32 $0x5700  }
0x139: {  	[tilespmem:s19], [sflag:$0x2] =	stream.indirect_vreg.gather [hbm4b:s1+s0], $0x80, v13, vm0, $0xb8;
	[tilespmem:$0x1FA80] =	vst v63  }
0x13a: {  	v13 =	vld [tilespmem:s31+$0x30];
	_ =	sdelay $0x4  }
0x13b: {  	v14 =	vshll.u32 v13, $0x1  }
0x13c: {  	v13 =	vand.u32 $0x7, v13;
	v14 =	vand.u32 $0xFFFFFFF0, v14  }
0x13d: {  	v13 =	vor.u32 v13, v14  }
0x13e: {  	v14 =	vperm.xlane v13, v1;
	_ =	sdelay $0x1  }
0x13f: {  	v13 =	vperm.xlane v13, v3;
	v14 =	vadd.s32 v2, v14;
	_ =	sdelay $0x1  }
0x140: {  	v13 =	vadd.s32 v2, v13;
	_ =	sdelay $0x1  }
0x141: {  	s20 =	simm.s32 $0x5F00  }
0x142: {  	[tilespmem:s20], [sflag:$0x2] =	stream.indirect_vreg.gather [hbm4b:s1+s0], $0x80, v14, vm0, $0xb8;
	[tilespmem:$0x1FA80] =	vst v63  }
0x143: {  	s21 =	simm.s32 $0x6700  }
0x144: {  	[tilespmem:s21], [sflag:$0x2] =	stream.indirect_vreg.gather [hbm4b:s1+s0], $0x80, v13, vm0, $0xb8;
	[tilespmem:$0x1FA80] =	vst v63  }
0x145: {  	v13 =	vld [tilespmem:s31+$0x3A0];
	_ =	sdelay $0x4  }
0x146: {  	v14 =	vshll.u32 v13, $0x1  }
0x147: {  	v13 =	vand.u32 $0x7, v13;
	v14 =	vand.u32 $0xFFFFFFF0, v14  }
0x148: {  	v13 =	vor.u32 v13, v14  }
0x149: {  	v14 =	vperm.xlane v13, v1;
	_ =	sdelay $0x1  }
0x14a: {  	v13 =	vperm.xlane v13, v3;
	v14 =	vadd.s32 v2, v14;
	_ =	sdelay $0x1  }
0x14b: {  	v13 =	vadd.s32 v2, v13;
	_ =	sdelay $0x1  }
0x14c: {  	s22 =	rddreg [dreg:$0x9];
	s23 =	simm.s32 $0x6F00  }
0x14d: {  	[tilespmem:s23], [sflag:$0x2] =	stream.indirect_vreg.gather [hbm4b:s22+s0], $0x80, v14, vm0, $0xb8;
	[tilespmem:$0x1FA80] =	vst v63  }
0x14e: {  	s24 =	simm.s32 $0x7700  }
0x14f: {  	[tilespmem:s24], [sflag:$0x2] =	stream.indirect_vreg.gather [hbm4b:s22+s0], $0x80, v13, vm0, $0xb8;
	[tilespmem:$0x1FA80] =	vst v63  }
0x150: {  	v13 =	vld [tilespmem:s31+$0x3B0];
	_ =	sdelay $0x4  }
0x151: {  	v14 =	vshll.u32 v13, $0x1  }
0x152: {  	v13 =	vand.u32 $0x7, v13;
	v14 =	vand.u32 $0xFFFFFFF0, v14  }
0x153: {  	v13 =	vor.u32 v13, v14  }
0x154: {  	v14 =	vperm.xlane v13, v1;
	_ =	sdelay $0x1  }
0x155: {  	v13 =	vperm.xlane v13, v3;
	v14 =	vadd.s32 v2, v14;
	_ =	sdelay $0x1  }
0x156: {  	v13 =	vadd.s32 v2, v13;
	_ =	sdelay $0x1  }
0x157: {  	s25 =	simm.s32 $0x7F00  }
0x158: {  	[tilespmem:s25], [sflag:$0x2] =	stream.indirect_vreg.gather [hbm4b:s22+s0], $0x80, v14, vm0, $0xb8;
	[tilespmem:$0x1FA80] =	vst v63  }
0x159: {  	s26 =	simm.s32 $0x8700;
	s3 =	simm.s32 $0x1  }
0x15a: {  	[tilespmem:s26], [sflag:$0x2] =	stream.indirect_vreg.gather [hbm4b:s22+s0], $0x80, v13, vm0, $0xb8;
	[tilespmem:$0x1FA80] =	vst v63  }
0x15b: {  	_ =	swait.ge [sflag:s3], $0x2000  }
0x15c: {  	[sflag:s3] =	ssyncset.done $0x0  }
0x15d: {  	[sflag:s3] =	ssyncadd.s32 $0xFFFFE000  }
0x15e: {  	_ =	swait.ge [sflag:s3], $0x2000  }
0x15f: {  	[sflag:s3] =	ssyncset.done $0x0  }
0x160: {  	s5 =	simm.s32 $0x3;
	[sflag:s3] =	ssyncadd.s32 $0xFFFFE000  }
0x161: {  	_ =	swait.ge [sflag:s5], $0x1000  }
0x162: {  	[sflag:s5] =	ssyncset.done $0x0  }
0x163: {  	[sflag:s5] =	ssyncadd.s32 $0xFFFFF000  }
0x164: {  	v13 =	vld [tilespmem:s31+$0xAA0];
	_ =	sdelay $0x4  }
0x165: {  	v13 =	vadd.s32 $0xBF80, v13  }
0x166: {  	(v2sf) =	vpush v13, $0x1  }
0x167: {  	(v2sf) =	vpush v13, $0x0  }
0x168: {  	(v2sf) =	vpush v13, $0x3  }
0x169: {  	(v2sf) =	vpush v13, $0x2  }
0x16a: {  	(v2sf) =	vpush v13, $0x5  }
0x16b: {  	(v2sf) =	vpush v13, $0x4  }
0x16c: {  	(v2sf) =	vpush v13, $0x7  }
0x16d: {  	(v2sf) =	vpush v13, $0x6  }
0x16e: {  	(v2sf) =	vpush v13, $0x9  }
0x16f: {  	(v2sf) =	vpush v13, $0x8  }
0x170: {  	v14 =	vld [tilespmem:s31+$0xAB0];
	(v2sf) =	vpush v13, $0xB  }
0x171: {  	(v2sf) =	vpush v13, $0xA  }
0x172: {  	(v2sf) =	vpush v13, $0xD  }
0x173: {  	(v2sf) =	vpush v13, $0xC  }
0x174: {  	(v2sf) =	vpush v13, $0xF  }
0x175: {  	s6 =	spop (v2sf);
	(v2sf) =	vpush v13, $0xE;
	v13 =	vadd.s32 $0xBF80, v14  }
0x176: {  	s7 =	spop (v2sf);
	(v2sf) =	vpush v13, $0x1  }
0x177: {  	v15 =	vld.msk [tilespmem:s6+$0x0 ss:$0x0], $0xffff;
	s8 =	spop (v2sf);
	(v2sf) =	vpush v13, $0x0  }
0x178: {  	v14 =	vld [tilespmem:s7+$0x0];
	s9 =	spop (v2sf);
	(v2sf) =	vpush v13, $0x3  }
0x179: {  	v17 =	vld.msk [tilespmem:s8+$0x0 ss:$0x0], $0xffff;
	s10 =	spop (v2sf);
	(v2sf) =	vpush v13, $0x2  }
0x17a: {  	v16 =	vld.msk [tilespmem:s9+$0x0 ss:$0x0], $0xffff;
	s11 =	spop (v2sf);
	(v2sf) =	vpush v13, $0x5  }
0x17b: {  	v19 =	vld.msk [tilespmem:s10+$0x0 ss:$0x0], $0xffff;
	s12 =	spop (v2sf);
	(v2sf) =	vpush v13, $0x4  }
0x17c: {  	v18 =	vld.msk [tilespmem:s11+$0x0 ss:$0x0], $0xffff;
	s13 =	spop (v2sf);
	(v2sf) =	vpush v13, $0x7  }
0x17d: {  	v21 =	vld.msk [tilespmem:s12+$0x0 ss:$0x0], $0xffff;
	s14 =	spop (v2sf);
	(v2sf) =	vpush v13, $0x6  }
0x17e: {  	v20 =	vld.msk [tilespmem:s13+$0x0 ss:$0x0], $0xffff;
	s15 =	spop (v2sf);
	(v2sf) =	vpush v13, $0x9  }
0x17f: {  	v23 =	vld.msk [tilespmem:s14+$0x0 ss:$0x0], $0xffff;
	s16 =	spop (v2sf);
	(v2sf) =	vpush v13, $0x8  }
0x180: {  	v22 =	vld.msk [tilespmem:s15+$0x0 ss:$0x0], $0xffff;
	s17 =	spop (v2sf);
	(v2sf) =	vpush v13, $0xB  }
0x181: {  	v25 =	vld.msk [tilespmem:s16+$0x0 ss:$0x0], $0xffff;
	s18 =	spop (v2sf);
	(v2sf) =	vpush v13, $0xA  }
0x182: {  	v24 =	vld.msk [tilespmem:s17+$0x0 ss:$0x0], $0xffff;
	s19 =	spop (v2sf);
	(v2sf) =	vpush v13, $0xD  }
0x183: {  	v27 =	vld.msk [tilespmem:s18+$0x0 ss:$0x0], $0xffff;
	s20 =	spop (v2sf);
	(v2sf) =	vpush v13, $0xC  }
0x184: {  	v26 =	vld.msk [tilespmem:s19+$0x0 ss:$0x0], $0xffff;
	s21 =	spop (v2sf);
	(v2sf) =	vpush v13, $0xF  }
0x185: {  	v28 =	vld.msk [tilespmem:s21+$0x0 ss:$0x0], $0xffff;
	s22 =	spop (v2sf);
	(v2sf) =	vpush v13, $0xE  }
0x186: {  	v13 =	vld.msk [tilespmem:s20+$0x0 ss:$0x0], $0xffff;
	s3 =	spop (v2sf)  }
0x187: {  	v30 =	vld.msk [tilespmem:s22+$0x0 ss:$0x0], $0xffff;
	s23 =	spop (v2sf)  }
0x188: {  	v29 =	vld [tilespmem:s3+$0x0];
	s24 =	spop (v2sf)  }
0x189: {  	s25 =	spop (v2sf);
	v31 =	vld.msk [tilespmem:s24+$0x0 ss:$0x0], $0xffff  }
0x18a: {  	v32 =	vld.msk [tilespmem:s23+$0x0 ss:$0x0], $0xffff;
	s26 =	spop (v2sf)  }
0x18b: {  	vm1 =	vcmask $0x704;
	s5 =	spop (v2sf);
	v33 =	vld.msk [tilespmem:s26+$0x0 ss:$0x0], $0xffff  }
0x18c: {  	v14 =	vsel vm1, v15, v14;
	v15 =	vld.msk [tilespmem:s25+$0x0 ss:$0x0], $0xffff;
	s6 =	spop (v2sf)  }
0x18d: {  	v14 =	vsel vm2, v14, v16;
	v16 =	vsel vm1, v30, v29;
	s7 =	spop (v2sf);
	v29 =	vld.msk [tilespmem:s6+$0x0 ss:$0x0], $0xffff  }
0x18e: {  	v14 =	vsel vm3, v14, v17;
	v17 =	vld.msk [tilespmem:s5+$0x0 ss:$0x0], $0xffff;
	s8 =	spop (v2sf);
	v16 =	vsel vm2, v16, v31  }
0x18f: {  	v14 =	vsel vm4, v14, v18;
	s9 =	spop (v2sf);
	v16 =	vsel vm3, v16, v32;
	v18 =	vld.msk [tilespmem:s8+$0x0 ss:$0x0], $0xffff  }
0x190: {  	v14 =	vsel vm5, v14, v19;
	v19 =	vld.msk [tilespmem:s7+$0x0 ss:$0x0], $0xffff;
	s10 =	spop (v2sf);
	v16 =	vsel vm4, v16, v33  }
0x191: {  	v14 =	vsel vm6, v14, v20;
	s11 =	spop (v2sf);
	v15 =	vsel vm5, v16, v15;
	v16 =	vld.msk [tilespmem:s10+$0x0 ss:$0x0], $0xffff  }
0x192: {  	v14 =	vsel vm7, v14, v21;
	v20 =	vld.msk [tilespmem:s9+$0x0 ss:$0x0], $0xffff;
	s12 =	spop (v2sf);
	v15 =	vsel vm6, v15, v29  }
0x193: {  	v14 =	vsel vm8, v14, v22;
	s13 =	spop (v2sf);
	v15 =	vsel vm7, v15, v17;
	v17 =	vld.msk [tilespmem:s12+$0x0 ss:$0x0], $0xffff  }
0x194: {  	v14 =	vsel vm9, v14, v23;
	v15 =	vsel vm8, v15, v18;
	v18 =	vld.msk [tilespmem:s11+$0x0 ss:$0x0], $0xffff;
	s14 =	spop (v2sf)  }
0x195: {  	v14 =	vsel vm10, v14, v24;
	v15 =	vsel vm9, v15, v19;
	v19 =	vld.msk [tilespmem:s14+$0x0 ss:$0x0], $0xffff  }
0x196: {  	v14 =	vsel vm11, v14, v25;
	v15 =	vsel vm10, v15, v16;
	v16 =	vld.msk [tilespmem:s13+$0x0 ss:$0x0], $0xffff  }
0x197: {  	v14 =	vsel vm12, v14, v26;
	v15 =	vsel vm11, v15, v20  }
0x198: {  	v14 =	vsel vm13, v14, v27;
	v15 =	vsel vm12, v15, v17  }
0x199: {  	v14 =	vsel vm14, v14, v28;
	v15 =	vsel vm13, v15, v18  }
0x19a: {  	v13 =	vsel vm15, v14, v13;
	v14 =	vsel vm14, v15, v19  }
0x19b: {  	[tilespmem:$0xE00] =	vst v13;
	v13 =	vsel vm15, v14, v16  }
0x19c: {  	s15 =	rddreg [dreg:$0xa];
	s16 =	simm.s32 $0xE00;
	s17 =	simm.s32 $0x9F00;
	[tilespmem:$0xE10] =	vst v13  }
0x19d: {  	[tilespmem:s17], [sflag:$0x3] =	stream.indirect.gather [hbm4b:s15+s4], $0x80, s16, s4, $0xb8;
	[tilespmem:$0x1FA80] =	vst v63  }
0x19e: {  	v13 =	vld [tilespmem:s31+$0x700];
	_ =	sdelay $0x4  }
0x19f: {  	vm1 =	vlt.s32 v13, $0x270F  }
0x1a0: {  	v13 =	vnsel vm1, $0x270F, v13  }
0x1a1: {  	[tilespmem:$0xE80] =	vst v13  }
0x1a2: {  	v13 =	vld [tilespmem:s31+$0x710];
	_ =	sdelay $0x2  }
0x1a3: {  	s18 =	sand.u32 $0x7, s0  }
0x1a4: {  	s1 =	sshll.u32 s18, $0x7  }
0x1a5: {  	s19 =	sadd.s32 $0x0, s1;
	vm1 =	vlt.s32 v13, $0x270F  }
0x1a6: {  	s1 =	sadd.s32 $0x180, s19;
	v13 =	vnsel vm1, $0x270F, v13  }
0x1a7: {  	s20 =	sor.u32 $0x400, s1;
	[tilespmem:$0xE90] =	vst v13  }
0x1a8: {  	v13 =	vld [tilespmem:s20+$0xF00]  }
0x1a9: {  	s21 =	sor.u32 $0x410, s1;
	v14 =	vld [tilespmem:s20+$0x2F00]  }
0x1aa: {  	v15 =	vld [tilespmem:s21+$0xF00]  }
0x1ab: {  	s22 =	simm.s32 $0x9000;
	v16 =	vld [tilespmem:s21+$0x2F00]  }
0x1ac: {  	v17 =	vld [tilespmem:s22+$0x80]  }
0x1ad: {  	v18 =	vld [tilespmem:s22+$0x90];
	_ =	sdelay $0x2  }
0x1ae: {  	v13 =	vadd.f32 v14, v13;
	v14 =	vadd.f32 v16, v15;
	_ =	sdelay $0x1  }
0x1af: {  	v13 =	vadd.f32 v17, v13;
	v14 =	vadd.f32 v18, v14;
	_ =	sdelay $0x1  }
0x1b0: {  	v13 =	vadd.f32 v13, v8;
	v14 =	vadd.f32 v14, v9;
	_ =	sdelay $0x1  }
0x1b1: {  	v13 =	vmax.f32 v13, $0.0e+00;
	v14 =	vmax.f32 v14, $0.0e+00  }
0x1b2: {  	v13 =	vmul.f32 v13, v10;
	v14 =	vmul.f32 v14, v11;
	_ =	sdelay $0x1  }
0x1b3: {  	v13 =	vadd.f32 v14, v13;
	_ =	sdelay $0x1  }
0x1b4: {  	v14 =	vperm.xlane v13, v4;
	_ =	sdelay $0x1  }
0x1b5: {  	v13 =	vadd.f32 v13, v14;
	_ =	sdelay $0x1  }
0x1b6: {  	v14 =	vperm.xlane v13, v5;
	_ =	sdelay $0x1  }
0x1b7: {  	v13 =	vadd.f32 v13, v14;
	_ =	sdelay $0x1  }
0x1b8: {  	v14 =	vperm.xlane v13, v6;
	_ =	sdelay $0x1  }
0x1b9: {  	v13 =	vadd.f32 v13, v14;
	_ =	sdelay $0x1  }
0x1ba: {  	v14 =	vperm.xlane v13, v7  }
0x1bb: {  	s23 =	sand.u32 $0x3, s0  }
0x1bc: {  	s3 =	sshll.u32 s23, $0x8;
	v13 =	vadd.f32 v13, v14  }
0x1bd: {  	s3 =	sadd.s32 $0x0, s3  }
0x1be: {  	s3 =	sadd.s32 $0x100, s3;
	v13 =	vadd.f32 v13, v12  }
0x1bf: {  	s5 =	sor.u32 $0x400, s3;
	s3 =	sor.u32 $0x410, s3  }
0x1c0: {  	v19 =	vld [tilespmem:s3+$0xF00];
	v13 =	vsub.f32 $0.0e+00, v13  }
0x1c1: {  	v20 =	vld [tilespmem:s3+$0x2F00]  }
0x1c2: {  	v25 =	vld [tilespmem:s22+$0xFFFFFF00];
	v13 =	vmul.f32 $1.442695020e+00, v13  }
0x1c3: {  	p2 =	por $0x0, $0x0;
	s2 =	sadd.s32 $0x80, s19;
	s4 =	simm.s32 $0x1;
	v26 =	vld [tilespmem:s22+$0xFFFFFF10]  }
0x1c4: {  	s24 =	sor.u32 $0x400, s2;
	s2 =	sor.u32 $0x410, s2;
	s4 =	simm.s32 @!p2 $0x0;
	v29 =	vld [tilespmem:s22+$0xFFFFFF90];
	(erf) = vpow2.f32 v13  }
0x1c5: {  	s25 =	sshll.u32 s4, $0x9;
	v16 =	vld [tilespmem:s2+$0xF00]  }
0x1c6: {  	v17 =	vld [tilespmem:s2+$0x2F00];
	s2 =	sadd.s32 $0x0, s25  }
0x1c7: {  	v15 =	vld [tilespmem:s24+$0x2F00];
	s26 =	sor.u32 $0x400, s2  }
0x1c8: {  	v21 =	vld [tilespmem:s26+$0xF00]  }
0x1c9: {  	s2 =	sor.u32 $0x410, s2;
	v22 =	vld [tilespmem:s26+$0x2F00]  }
0x1ca: {  	v23 =	vld [tilespmem:s2+$0xF00]  }
0x1cb: {  	v24 =	vld [tilespmem:s2+$0x2F00]  }
0x1cc: {  	v14 =	vld [tilespmem:s24+$0xF00]  }
0x1cd: {  	v18 =	vld [tilespmem:s5+$0xF00];
	v27 =	vpop (erf)  }
0x1ce: {  	v16 =	vadd.f32 v17, v16;
	v13 =	vld [tilespmem:s5+$0x2F00];
	v27 =	vadd.f32 $1.000000000e+00, v27  }
0x1cf: {  	v28 =	vld [tilespmem:s22+$0xFFFFFF80];
	s3 =	simm.s32 $0x180  }
0x1d0: {  	s4 =	sand.u32 $0x1800, s0;
	v30 =	vld [tilespmem:s22+$0x0];
	s6 =	sand.u32 $0x380, s3;
	v17 =	vadd.f32 v24, v23;
	v16 =	vadd.f32 v29, v16;
	(erf) = vrcp.f32 v27  }
0x1d1: {  	s2 =	sor.u32 s4, s6;
	v14 =	vadd.f32 v15, v14;
	v15 =	vadd.f32 v22, v21;
	v21 =	vld [tilespmem:s22+$0x10]  }
0x1d2: {  	v17 =	vadd.f32 v26, v17;
	v22 =	vld [tilespmem:s2+$0xF00]  }
0x1d3: {  	v16 =	vadd.f32 v16, v9;
	v13 =	vadd.f32 v13, v18;
	v18 =	vld [tilespmem:s2+$0x2F00]  }
0x1d4: {  	v14 =	vadd.f32 v28, v14  }
0x1d5: {  	v19 =	vadd.f32 v20, v19;
	v17 =	vadd.f32 v17, v9;
	v16 =	vmax.f32 v16, $0.0e+00  }
0x1d6: {  	v16 =	vmul.f32 v16, v11;
	v15 =	vadd.f32 v25, v15;
	v14 =	vadd.f32 v14, v8  }
0x1d7: {  	v17 =	vmax.f32 v17, $0.0e+00;
	v20 =	vadd.f32 v21, v19;
	v13 =	vadd.f32 v30, v13  }
0x1d8: {  	v17 =	vmul.f32 v17, v11;
	v15 =	vadd.f32 v15, v8;
	v18 =	vmul.f32 v18, v22  }
0x1d9: {  	v14 =	vmax.f32 v14, $0.0e+00;
	v20 =	vadd.f32 v20, v9;
	v13 =	vadd.f32 v13, v8;
	v19 =	vpop (erf)  }
0x1da: {  	s7 =	simm.s32 $0x4;
	v15 =	vmax.f32 v15, $0.0e+00;
	v14 =	vmul.f32 v14, v10;
	v18 =	vmul.f32 v19, v18  }
0x1db: {  	s1 =	sand.u32 $0x7, s7;
	s0 =	simm.s32 $0xB000;
	v15 =	vmul.f32 v15, v10;
	v20 =	vmax.f32 v20, $0.0e+00;
	v13 =	vmax.f32 v13, $0.0e+00  }
0x1dc: {  	s1 =	sshll.u32 s1, $0x7;
	v14 =	vadd.f32 v16, v14;
	v16 =	vmul.f32 v20, v11;
	v13 =	vmul.f32 v13, v10;
	[tilespmem:s0+$0x80] =	vst v18  }
0x1dd: {  	s8 =	sadd.s32 $0x400, s1;
	v18 =	vld [tilespmem:s2+$0xF10]  }
0x1de: {  	s1 =	sadd.s32 $0x180, s8;
	v15 =	vadd.f32 v17, v15;
	v13 =	vadd.f32 v16, v13;
	v16 =	vperm.xlane v14, v4;
	v17 =	vld [tilespmem:s2+$0x2F10]  }
0x1df: {  	s9 =	sor.u32 $0x400, s1  }
0x1e0: {  	v21 =	vld [tilespmem:s9+$0xF00];
	v20 =	vperm.xlane v15, v4;
	v14 =	vadd.f32 v14, v16;
	v16 =	vperm.xlane v13, v4  }
0x1e1: {  	s1 =	sor.u32 $0x410, s1;
	v22 =	vld [tilespmem:s9+$0x2F00]  }
0x1e2: {  	v15 =	vadd.f32 v15, v20;
	v20 =	vld [tilespmem:s1+$0xF00];
	v23 =	vperm.xlane v14, v5;
	v13 =	vadd.f32 v13, v16  }
0x1e3: {  	s10 =	simm.s32 $0x9200;
	v16 =	vmul.f32 v17, v18;
	v17 =	vld [tilespmem:s1+$0x2F00]  }
0x1e4: {  	v24 =	vld [tilespmem:s10+$0x80];
	v14 =	vadd.f32 v14, v23;
	v23 =	vperm.xlane v13, v5;
	v18 =	vperm.xlane v15, v5  }
0x1e5: {  	v25 =	vld [tilespmem:s10+$0x90];
	v16 =	vmul.f32 v19, v16  }
0x1e6: {  	v13 =	vadd.f32 v13, v23;
	v15 =	vadd.f32 v15, v18;
	v18 =	vperm.xlane v14, v6  }
0x1e7: {  	v21 =	vadd.f32 v22, v21;
	[tilespmem:s0+$0x90] =	vst v16  }
0x1e8: {  	v14 =	vadd.f32 v14, v18;
	v18 =	vperm.xlane v13, v6;
	v16 =	vld [tilespmem:s2+$0xF20];
	v17 =	vadd.f32 v17, v20  }
0x1e9: {  	v21 =	vadd.f32 v24, v21;
	v20 =	vperm.xlane v15, v6;
	v22 =	vld [tilespmem:s2+$0x2F20]  }
0x1ea: {  	v13 =	vadd.f32 v13, v18;
	v17 =	vadd.f32 v25, v17  }
0x1eb: {  	s14 =	simm.s32 $0x2;
	v18 =	vadd.f32 v21, v8;
	v15 =	vadd.f32 v15, v20;
	v20 =	vperm.xlane v14, v7  }
0x1ec: {  	s3 =	sand.u32 $0x3, s14;
	v17 =	vadd.f32 v17, v9  }
0x1ed: {  	s19 =	simm.s32 $0x400;
	v34 =	vld [tilespmem:s10+$0xFFFFFF00];
	s3 =	sshll.u32 s3, $0x8;
	v18 =	vmax.f32 v18, $0.0e+00;
	v21 =	vperm.xlane v15, v7;
	v14 =	vadd.f32 v14, v20  }
0x1ee: {  	s11 =	simm.s32 $0x0;
	v35 =	vld [tilespmem:s10+$0xFFFFFF10];
	s21 =	sand.u32 $0x1800, s19;
	s3 =	sadd.s32 $0x400, s3;
	v20 =	vperm.xlane v13, v7;
	v16 =	vmul.f32 v22, v16;
	v17 =	vmax.f32 v17, $0.0e+00  }
0x1ef: {  	v37 =	vld [tilespmem:s10+$0xFFFFFF80];
	s3 =	sadd.s32 $0x100, s3;
	s6 =	simm.s32 $0x100;
	s24 =	simm.s32 $0x280;
	v18 =	vmul.f32 v18, v10;
	v15 =	vadd.f32 v15, v21;
	v17 =	vmul.f32 v17, v11  }
0x1f0: {  	v38 =	vld [tilespmem:s10+$0xFFFFFF90];
	s16 =	sor.u32 $0x400, s3;
	s13 =	sand.u32 $0x300, s6;
	s6 =	sand.u32 $0x280, s24;
	v14 =	vadd.f32 v14, v12;
	v13 =	vadd.f32 v13, v20;
	v16 =	vmul.f32 v19, v16  }
0x1f1: {  	s12 =	simm.s32 $0x80;
	v50 =	vld [tilespmem:s16+$0x2F00];
	s29 =	sor.u32 s21, s6;
	s5 =	sand.u32 $0x200, s11;
	v15 =	vadd.f32 v15, v12;
	v17 =	vadd.f32 v17, v18  }
0x1f2: {  	v57 =	vld [tilespmem:s29+$0x2F00];
	s25 =	sor.u32 s5, s4;
	s5 =	sand.u32 $0x280, s12;
	v14 =	vsub.f32 $0.0e+00, v14;
	v13 =	vadd.f32 v13, v12;
	[tilespmem:s0+$0xA0] =	vst v16  }
0x1f3: {  	s28 =	sor.u32 s4, s5;
	s5 =	sor.u32 s4, s13;
	s4 =	sadd.s32 $0x80, s8;
	v15 =	vsub.f32 $0.0e+00, v15;
	v21 =	vld [tilespmem:s2+$0xF30];
	v16 =	vperm.xlane v17, v4  }
0x1f4: {  	s15 =	sor.u32 $0x400, s4;
	s4 =	sor.u32 $0x410, s4;
	v14 =	vmul.f32 $1.442695020e+00, v14;
	v13 =	vsub.f32 $0.0e+00, v13;
	v22 =	vld [tilespmem:s2+$0x2F30]  }
0x1f5: {  	v26 =	vld [tilespmem:s4+$0x2F00];
	v15 =	vmul.f32 $1.442695020e+00, v15;
	v16 =	vadd.f32 v17, v16  }
0x1f6: {  	p2 =	por !p2, !p2;
	s13 =	simm.s32 $0x9400;
	v25 =	vld [tilespmem:s4+$0xF00];
	s4 =	simm.s32 $0x1;
	v13 =	vmul.f32 $1.442695020e+00, v13;
	(erf) = vpow2.f32 v14  }
0x1f7: {  	v48 =	vld [tilespmem:s13+$0x80];
	s4 =	simm.s32 @!p2 $0x0;
	(erf) = vpow2.f32 v15;
	v15 =	vperm.xlane v16, v5  }
0x1f8: {  	v39 =	vld [tilespmem:s13+$0x90];
	s4 =	sshll.u32 s4, $0x9;
	(erf) = vpow2.f32 v13  }
0x1f9: {  	v23 =	vld [tilespmem:s5+$0xF00];
	s4 =	sadd.s32 $0x400, s4;
	v21 =	vmul.f32 v22, v21;
	v15 =	vadd.f32 v16, v15  }
0x1fa: {  	v20 =	vld [tilespmem:s25+$0x2F00];
	s18 =	sor.u32 $0x410, s4  }
0x1fb: {  	v51 =	vld [tilespmem:s18+$0x2F00];
	v21 =	vmul.f32 v21, v19;
	v24 =	vperm.xlane v15, v6  }
0x1fc: {  	v18 =	vld [tilespmem:s25+$0xF00]  }
0x1fd: {  	v14 =	vld [tilespmem:s28+$0x2F00];
	v15 =	vadd.f32 v15, v24  }
0x1fe: {  	v22 =	vld [tilespmem:s15+$0x2F00]  }
0x1ff: {  	v16 =	vld [tilespmem:s15+$0xF00];
	s15 =	simm.s32 $0x8;
	[tilespmem:s0+$0xB0] =	vst v21;
	v21 =	vpop (erf);
	v28 =	vperm.xlane v15, v7  }
0x200: {  	s7 =	sand.u32 $0x7, s15;
	v27 =	vld [tilespmem:s2+$0xF40];
	v21 =	vadd.f32 $1.000000000e+00, v21;
	v29 =	vpop (erf)  }
0x201: {  	s1 =	sshll.u32 s7, $0x7;
	v30 =	vld [tilespmem:s2+$0x2F40];
	v29 =	vadd.f32 $1.000000000e+00, v29;
	v31 =	vpop (erf);
	v15 =	vadd.f32 v15, v28  }
0x202: {  	v17 =	vld [tilespmem:s28+$0xF00];
	s8 =	sadd.s32 $0x800, s1;
	(erf) = vrcp.f32 v21;
	v28 =	vadd.f32 $1.000000000e+00, v31  }
0x203: {  	v13 =	vld [tilespmem:s5+$0x2F00];
	s1 =	sadd.s32 $0x180, s8;
	(erf) = vrcp.f32 v29;
	v15 =	vadd.f32 v15, v12  }
0x204: {  	v24 =	vld [tilespmem:s16+$0xF00];
	s7 =	sor.u32 $0x400, s1;
	(erf) = vrcp.f32 v28  }
0x205: {  	s3 =	sor.u32 $0x410, s3;
	v46 =	vld [tilespmem:s7+$0xF00];
	v15 =	vsub.f32 $0.0e+00, v15  }
0x206: {  	s17 =	sor.u32 $0x400, s4;
	v21 =	vld [tilespmem:s3+$0xF00];
	v27 =	vmul.f32 v30, v27  }
0x207: {  	v31 =	vld [tilespmem:s17+$0x2F00];
	v15 =	vmul.f32 $1.442695020e+00, v15  }
0x208: {  	v29 =	vld [tilespmem:s3+$0x2F00];
	v27 =	vmul.f32 v27, v19  }
0x209: {  	v30 =	vld [tilespmem:s18+$0xF00];
	(erf) = vpow2.f32 v15;
	v15 =	vmul.f32 v14, v17  }
0x20a: {  	v28 =	vld [tilespmem:s17+$0xF00];
	[tilespmem:s0+$0xC0] =	vst v27  }
0x20b: {  	v27 =	vld [tilespmem:s2+$0x2F50];
	v14 =	vpop (erf)  }
0x20c: {  	v23 =	vmul.f32 v13, v23;
	v17 =	vld [tilespmem:s2+$0xF50];
	v36 =	vmul.f32 v14, v15;
	v13 =	vpop (erf)  }
0x20d: {  	v21 =	vadd.f32 v29, v21;
	v29 =	vld [tilespmem:s10+$0x10];
	v15 =	vpop (erf)  }
0x20e: {  	v18 =	vmul.f32 v20, v18;
	[tilespmem:s0+$0xFFFFFF80] =	vst v36;
	v20 =	vmul.f32 v15, v23;
	v23 =	vld [tilespmem:s10+$0x0]  }
0x20f: {  	v16 =	vadd.f32 v22, v16;
	v22 =	vadd.f32 v26, v25;
	v36 =	vld [tilespmem:s28+$0xF10]  }
0x210: {  	v18 =	vmul.f32 v13, v18;
	[tilespmem:s0+$0x0] =	vst v20;
	v20 =	vadd.f32 v31, v28;
	v28 =	vld [tilespmem:s28+$0x2F10]  }
0x211: {  	v22 =	vadd.f32 v38, v22;
	v17 =	vmul.f32 v27, v17;
	v25 =	vld [tilespmem:s5+$0xF10]  }
0x212: {  	v24 =	vadd.f32 v50, v24;
	v21 =	vadd.f32 v29, v21;
	[tilespmem:s0+$0xFFFFFF00] =	vst v18;
	v26 =	vld [tilespmem:s5+$0x2F10];
	v27 =	vpop (erf)  }
0x213: {  	s23 =	simm.s32 $0x200;
	s20 =	simm.s32 $0x380;
	s26 =	simm.s32 $0x300;
	v18 =	vadd.f32 v51, v30;
	v30 =	vld [tilespmem:s25+$0xF10];
	v17 =	vmul.f32 v17, v19;
	v27 =	vadd.f32 $1.000000000e+00, v27  }
0x214: {  	s6 =	sand.u32 $0x300, s26;
	s22 =	sand.u32 $0x380, s20;
	v22 =	vadd.f32 v22, v9;
	s3 =	sand.u32 $0x200, s23;
	v21 =	vadd.f32 v21, v9;
	v31 =	vld [tilespmem:s25+$0x2F10]  }
0x215: {  	s4 =	sor.u32 s21, s22;
	v47 =	vld [tilespmem:s7+$0x2F00];
	s20 =	sor.u32 s3, s21;
	s21 =	sor.u32 s21, s6;
	v18 =	vadd.f32 v35, v18;
	[tilespmem:s0+$0xD0] =	vst v17;
	v17 =	vmul.f32 v28, v36;
	(erf) = vrcp.f32 v27  }
0x216: {  	v61 =	vld [tilespmem:s21+$0x2F00];
	v20 =	vadd.f32 v34, v20;
	v27 =	vadd.f32 v37, v16  }
0x217: {  	s6 =	sadd.s32 $0x80, s8;
	v23 =	vadd.f32 v23, v24;
	v24 =	vld [tilespmem:s4+$0x2F00];
	v25 =	vmul.f32 v26, v25;
	v26 =	vmul.f32 v14, v17  }
0x218: {  	s8 =	sor.u32 $0x400, s6;
	v18 =	vadd.f32 v18, v9;
	v28 =	vld [tilespmem:s4+$0xF00];
	v27 =	vadd.f32 v27, v8  }
0x219: {  	v40 =	vld [tilespmem:s8+$0xF00];
	v20 =	vadd.f32 v20, v8;
	v30 =	vmul.f32 v31, v30;
	v25 =	vmul.f32 v15, v25;
	[tilespmem:s0+$0xFFFFFF90] =	vst v26  }
0x21a: {  	v18 =	vmax.f32 v18, $0.0e+00;
	v23 =	vadd.f32 v23, v8;
	v26 =	vmax.f32 v27, $0.0e+00;
	v27 =	vld [tilespmem:s28+$0xF20]  }
0x21b: {  	v18 =	vmul.f32 v18, v11;
	v20 =	vmax.f32 v20, $0.0e+00;
	v29 =	vmul.f32 v13, v30;
	v30 =	vld [tilespmem:s28+$0x2F20];
	[tilespmem:s0+$0x10] =	vst v25  }
0x21c: {  	v22 =	vmax.f32 v22, $0.0e+00;
	v20 =	vmul.f32 v20, v10;
	v25 =	vmul.f32 v26, v10;
	v26 =	vld [tilespmem:s5+$0xF20]  }
0x21d: {  	v22 =	vmul.f32 v22, v11;
	v23 =	vmax.f32 v23, $0.0e+00;
	[tilespmem:s0+$0xFFFFFF10] =	vst v29;
	v24 =	vmul.f32 v24, v28;
	v29 =	vld [tilespmem:s5+$0x2F20]  }
0x21e: {  	v23 =	vmul.f32 v23, v10;
	v31 =	vadd.f32 v18, v20;
	v28 =	vmax.f32 v21, $0.0e+00;
	v52 =	vld [tilespmem:s25+$0x2F20];
	v21 =	vpop (erf)  }
0x21f: {  	s6 =	sor.u32 $0x410, s6;
	v28 =	vmul.f32 v28, v11;
	v22 =	vadd.f32 v22, v25;
	v25 =	vld [tilespmem:s25+$0xF20];
	v24 =	vmul.f32 v21, v24  }
0x220: {  	s3 =	simm.s32 $0xB200;
	v41 =	vld [tilespmem:s6+$0xF00];
	v27 =	vmul.f32 v30, v27  }
0x221: {  	v18 =	vld [tilespmem:s20+$0xF00];
	v23 =	vadd.f32 v28, v23;
	v28 =	vperm.xlane v31, v4;
	v30 =	vperm.xlane v22, v4;
	[tilespmem:s3+$0x80] =	vst v24  }
0x222: {  	v24 =	vmul.f32 v29, v26;
	v26 =	vmul.f32 v14, v27;
	v27 =	vld [tilespmem:s4+$0xF10]  }
0x223: {  	v28 =	vadd.f32 v31, v28;
	v29 =	vperm.xlane v23, v4;
	v31 =	vld [tilespmem:s4+$0x2F10]  }
0x224: {  	v20 =	vld [tilespmem:s20+$0x2F00];
	v30 =	vadd.f32 v22, v30;
	v25 =	vmul.f32 v52, v25;
	v24 =	vmul.f32 v15, v24;
	[tilespmem:s0+$0xFFFFFFA0] =	vst v26  }
0x225: {  	v26 =	vperm.xlane v28, v5;
	v53 =	vld [tilespmem:s28+$0xF30]  }
0x226: {  	v54 =	vperm.xlane v30, v5;
	v23 =	vadd.f32 v23, v29;
	v25 =	vmul.f32 v13, v25;
	[tilespmem:s0+$0x20] =	vst v24;
	v24 =	vld [tilespmem:s28+$0x2F30]  }
0x227: {  	v26 =	vadd.f32 v28, v26;
	v28 =	vld [tilespmem:s5+$0xF30]  }
0x228: {  	v29 =	vadd.f32 v30, v54;
	v30 =	vperm.xlane v23, v5;
	[tilespmem:s0+$0xFFFFFF20] =	vst v25;
	v25 =	vld [tilespmem:s5+$0x2F30];
	v27 =	vmul.f32 v31, v27  }
0x229: {  	v49 =	vld [tilespmem:s6+$0x2F00]  }
0x22a: {  	v55 =	vld [tilespmem:s25+$0xF30];
	v56 =	vperm.xlane v29, v6;
	v23 =	vadd.f32 v23, v30;
	v27 =	vmul.f32 v21, v27  }
0x22b: {  	p2 =	por !p2, !p2;
	s6 =	simm.s32 $0x1;
	v31 =	vperm.xlane v26, v6;
	v30 =	vld [tilespmem:s25+$0x2F30]  }
0x22c: {  	s6 =	simm.s32 @!p2 $0x0;
	v16 =	vld [tilespmem:s2+$0xF60];
	v29 =	vadd.f32 v29, v56;
	v58 =	vperm.xlane v23, v6;
	v24 =	vmul.f32 v24, v53;
	[tilespmem:s3+$0x90] =	vst v27  }
0x22d: {  	s6 =	sshll.u32 s6, $0x9;
	v18 =	vmul.f32 v20, v18;
	v26 =	vadd.f32 v26, v31;
	v25 =	vmul.f32 v25, v28;
	v27 =	vld [tilespmem:s4+$0xF20]  }
0x22e: {  	s6 =	sadd.s32 $0x800, s6;
	v28 =	vperm.xlane v29, v7;
	v23 =	vadd.f32 v23, v58;
	v24 =	vmul.f32 v24, v14;
	v60 =	vld [tilespmem:s4+$0x2F20]  }
0x22f: {  	s11 =	sor.u32 $0x400, s6;
	s6 =	sor.u32 $0x410, s6;
	v17 =	vld [tilespmem:s2+$0x2F60];
	v59 =	vperm.xlane v26, v7;
	v25 =	vmul.f32 v25, v15  }
0x230: {  	v20 =	vld [tilespmem:s6+$0xF00];
	v28 =	vadd.f32 v29, v28;
	[tilespmem:s0+$0xFFFFFFB0] =	vst v24;
	v24 =	vmul.f32 v30, v55;
	v30 =	vperm.xlane v23, v7  }
0x231: {  	v22 =	vld [tilespmem:s29+$0xF00];
	v26 =	vadd.f32 v26, v59  }
0x232: {  	v54 =	vld [tilespmem:s11+$0x2F00];
	[tilespmem:s0+$0x30] =	vst v25;
	v25 =	vadd.f32 v28, v12;
	v23 =	vadd.f32 v23, v30  }
0x233: {  	v31 =	vld [tilespmem:s21+$0xF00];
	v26 =	vadd.f32 v26, v12;
	v27 =	vmul.f32 v60, v27  }
0x234: {  	v56 =	vld [tilespmem:s13+$0xFFFFFF00];
	v25 =	vsub.f32 $0.0e+00, v25;
	v23 =	vadd.f32 v23, v12  }
0x235: {  	v53 =	vld [tilespmem:s11+$0xF00];
	v26 =	vsub.f32 $0.0e+00, v26;
	v27 =	vmul.f32 v21, v27  }
0x236: {  	s1 =	sor.u32 $0x410, s1;
	v58 =	vld [tilespmem:s13+$0xFFFFFF10];
	v25 =	vmul.f32 $1.442695020e+00, v25;
	v23 =	vsub.f32 $0.0e+00, v23  }
0x237: {  	v26 =	vmul.f32 $1.442695020e+00, v26;
	[tilespmem:s3+$0xA0] =	vst v27;
	v27 =	vld [tilespmem:s1+$0xF00]  }
0x238: {  	(erf) = vpow2.f32 v25;
	v25 =	vld [tilespmem:s4+$0xF30];
	v23 =	vmul.f32 $1.442695020e+00, v23  }
0x239: {  	(erf) = vpow2.f32 v26;
	v26 =	vld [tilespmem:s4+$0x2F30]  }
0x23a: {  	(erf) = vpow2.f32 v23;
	v23 =	vld [tilespmem:s1+$0x2F00]  }
0x23b: {  	v29 =	vld [tilespmem:s28+$0xF40]  }
0x23c: {  	v62 =	vld [tilespmem:s28+$0x2F40];
	v24 =	vmul.f32 v24, v13  }
0x23d: {  	v28 =	vld [tilespmem:s5+$0xF40]  }
0x23e: {  	v36 =	vadd.f32 v47, v46;
	[tilespmem:s0+$0xFFFFFF30] =	vst v24;
	v24 =	vld [tilespmem:s5+$0x2F40];
	v25 =	vmul.f32 v26, v25  }
0x23f: {  	v30 =	vld [tilespmem:s25+$0xF40];
	v23 =	vadd.f32 v23, v27  }
0x240: {  	v36 =	vadd.f32 v48, v36;
	v63 =	vld [tilespmem:s25+$0x2F40];
	v25 =	vmul.f32 v25, v21  }
0x241: {  	v55 =	vld [tilespmem:s6+$0x2F00];
	v29 =	vmul.f32 v62, v29;
	v23 =	vadd.f32 v39, v23  }
0x242: {  	v36 =	vadd.f32 v36, v8;
	v60 =	vld [tilespmem:s13+$0xFFFFFF80];
	[tilespmem:s3+$0xB0] =	vst v25  }
0x243: {  	v29 =	vmul.f32 v29, v14;
	v50 =	vld [tilespmem:s4+$0xF40];
	v23 =	vadd.f32 v23, v9  }
0x244: {  	v36 =	vmax.f32 v36, $0.0e+00;
	v24 =	vmul.f32 v24, v28;
	v52 =	vld [tilespmem:s4+$0x2F40]  }
0x245: {  	v36 =	vmul.f32 v36, v10;
	v62 =	vld [tilespmem:s13+$0xFFFFFF90];
	s1 =	simm.s32 $0x4;
	v30 =	vmul.f32 v63, v30;
	[tilespmem:s0+$0xFFFFFFC0] =	vst v29;
	v23 =	vmax.f32 v23, $0.0e+00  }
0x246: {  	s9 =	sand.u32 $0x3, s1;
	v24 =	vmul.f32 v24, v15;
	v48 =	vld [tilespmem:s28+$0xF50];
	v23 =	vmul.f32 v23, v11  }
0x247: {  	v20 =	vadd.f32 v55, v20;
	s7 =	sshll.u32 s9, $0x8;
	v26 =	vld [tilespmem:s8+$0x2F00]  }
0x248: {  	v29 =	vmul.f32 v30, v13;
	s7 =	sadd.s32 $0x800, s7;
	[tilespmem:s0+$0x40] =	vst v24;
	v24 =	vld [tilespmem:s28+$0x2F50];
	v27 =	vpop (erf);
	v23 =	vadd.f32 v23, v36  }
0x249: {  	v20 =	vadd.f32 v58, v20;
	s7 =	sadd.s32 $0x100, s7;
	v58 =	vld [tilespmem:s5+$0xF50];
	v25 =	vadd.f32 $1.000000000e+00, v27;
	v38 =	vmul.f32 v52, v50  }
0x24a: {  	v16 =	vmul.f32 v17, v16;
	[tilespmem:s0+$0xFFFFFF40] =	vst v29;
	v29 =	vld [tilespmem:s5+$0x2F50];
	s10 =	sor.u32 $0x400, s7;
	v17 =	vperm.xlane v23, v4  }
0x24b: {  	s7 =	sor.u32 $0x410, s7;
	v43 =	vld [tilespmem:s10+$0xF00];
	(erf) = vrcp.f32 v25;
	v38 =	vmul.f32 v38, v21  }
0x24c: {  	v37 =	vadd.f32 v49, v41;
	v44 =	vld [tilespmem:s7+$0x2F00];
	v42 =	vpop (erf);
	v23 =	vadd.f32 v23, v17  }
0x24d: {  	v22 =	vmul.f32 v57, v22;
	v57 =	vmul.f32 v16, v19;
	v27 =	vadd.f32 $1.000000000e+00, v42;
	v51 =	vpop (erf);
	v25 =	vld [tilespmem:s10+$0x2F00];
	[tilespmem:s3+$0xC0] =	vst v38  }
0x24e: {  	v20 =	vadd.f32 v20, v9;
	v39 =	vadd.f32 $1.000000000e+00, v51;
	v28 =	vld [tilespmem:s4+$0xF50];
	v59 =	vperm.xlane v23, v5  }
0x24f: {  	v31 =	vmul.f32 v61, v31;
	v26 =	vadd.f32 v26, v40;
	(erf) = vrcp.f32 v27;
	v38 =	vld [tilespmem:s4+$0x2F50]  }
0x250: {  	v20 =	vmax.f32 v20, $0.0e+00;
	v27 =	vld [tilespmem:s7+$0xF00];
	(erf) = vrcp.f32 v39;
	v34 =	vadd.f32 v23, v59  }
0x251: {  	v63 =	vld [tilespmem:s13+$0x0];
	v20 =	vmul.f32 v20, v11;
	v24 =	vmul.f32 v24, v48;
	v26 =	vadd.f32 v60, v26  }
0x252: {  	v47 =	vld [tilespmem:s13+$0x10];
	v49 =	vadd.f32 v62, v37;
	v29 =	vmul.f32 v29, v58;
	v46 =	vperm.xlane v34, v6  }
0x253: {  	v24 =	vmul.f32 v24, v14;
	v26 =	vadd.f32 v26, v8;
	v36 =	vadd.f32 v54, v53  }
0x254: {  	v25 =	vadd.f32 v25, v43;
	v16 =	vpop (erf);
	v28 =	vmul.f32 v38, v28;
	v30 =	vadd.f32 v34, v46  }
0x255: {  	v27 =	vadd.f32 v44, v27;
	v33 =	vadd.f32 v56, v36;
	v45 =	vmul.f32 v16, v22  }
0x256: {  	v25 =	vadd.f32 v63, v25;
	v28 =	vmul.f32 v28, v21;
	v51 =	vperm.xlane v30, v7  }
0x257: {  	v26 =	vmax.f32 v26, $0.0e+00;
	v36 =	vadd.f32 v49, v9;
	v27 =	vadd.f32 v47, v27;
	[tilespmem:s3+$0xFFFFFF80] =	vst v45  }
0x258: {  	v26 =	vmul.f32 v26, v10;
	v33 =	vadd.f32 v33, v8;
	v17 =	vpop (erf);
	v50 =	vld [tilespmem:s29+$0xF10];
	[tilespmem:s3+$0xD0] =	vst v28;
	v28 =	vadd.f32 v30, v51  }
0x259: {  	v25 =	vadd.f32 v25, v8;
	v36 =	vmax.f32 v36, $0.0e+00;
	v61 =	vmul.f32 v17, v18;
	v18 =	vpop (erf);
	v53 =	vld [tilespmem:s4+$0x2F60]  }
0x25a: {  	v36 =	vmul.f32 v36, v11;
	v31 =	vmul.f32 v18, v31;
	v30 =	vld [tilespmem:s4+$0xF60];
	v28 =	vadd.f32 v28, v12  }
0x25b: {  	[tilespmem:s0+$0xFFFFFFD0] =	vst v24;
	v24 =	vmul.f32 v29, v15;
	v27 =	vadd.f32 v27, v9;
	v33 =	vmax.f32 v33, $0.0e+00;
	v52 =	vld [tilespmem:s29+$0x2F10]  }
0x25c: {  	v25 =	vmax.f32 v25, $0.0e+00;
	v26 =	vadd.f32 v36, v26;
	[tilespmem:s3+$0x0] =	vst v31;
	v28 =	vsub.f32 $0.0e+00, v28  }
0x25d: {  	v25 =	vmul.f32 v25, v10;
	v31 =	vmul.f32 v33, v10;
	v54 =	vld [tilespmem:s21+$0xF10]  }
0x25e: {  	v27 =	vmax.f32 v27, $0.0e+00;
	v36 =	vperm.xlane v26, v4;
	v55 =	vld [tilespmem:s21+$0x2F10];
	v28 =	vmul.f32 $1.442695020e+00, v28  }
0x25f: {  	v35 =	vld [tilespmem:s25+$0x2F50];
	v27 =	vmul.f32 v27, v11;
	v20 =	vadd.f32 v20, v31;
	v30 =	vmul.f32 v53, v30  }
0x260: {  	[tilespmem:s0+$0xE0] =	vst v57;
	v48 =	vld [tilespmem:s28+$0xF60];
	v26 =	vadd.f32 v26, v36;
	v31 =	vmul.f32 v52, v50;
	(erf) = vpow2.f32 v28  }
0x261: {  	v22 =	vld [tilespmem:s2+$0xF70];
	[tilespmem:s3+$0xFFFFFF00] =	vst v61;
	v25 =	vadd.f32 v27, v25;
	v28 =	vmul.f32 v30, v21;
	v30 =	vperm.xlane v20, v4  }
0x262: {  	v56 =	vld [tilespmem:s20+$0xF10];
	v59 =	vperm.xlane v26, v5;
	v31 =	vmul.f32 v16, v31  }
0x263: {  	v57 =	vld [tilespmem:s20+$0x2F10];
	v33 =	vmul.f32 v55, v54;
	[tilespmem:s3+$0xE0] =	vst v28;
	v20 =	vadd.f32 v20, v30;
	v28 =	vperm.xlane v25, v4  }
0x264: {  	[tilespmem:s0+$0x50] =	vst v24;
	v23 =	vld [tilespmem:s2+$0x2F70];
	v26 =	vadd.f32 v26, v59  }
0x265: {  	v27 =	vld [tilespmem:s25+$0xF50];
	[tilespmem:s3+$0xFFFFFF90] =	vst v31;
	v31 =	vmul.f32 v18, v33;
	v61 =	vperm.xlane v20, v5;
	v25 =	vadd.f32 v25, v28  }
0x266: {  	v50 =	vld [tilespmem:s5+$0xF60];
	v45 =	vperm.xlane v26, v6  }
0x267: {  	v62 =	vld [tilespmem:s29+$0x2F20];
	[tilespmem:s3+$0x10] =	vst v31;
	v20 =	vadd.f32 v20, v61;
	v31 =	vperm.xlane v25, v5  }
0x268: {  	v26 =	vadd.f32 v26, v45;
	v63 =	vld [tilespmem:s21+$0xF20];
	v30 =	vmul.f32 v57, v56  }
0x269: {  	v36 =	vld [tilespmem:s4+$0xF70];
	v38 =	vperm.xlane v20, v6;
	v25 =	vadd.f32 v25, v31  }
0x26a: {  	v49 =	vperm.xlane v26, v7;
	v60 =	vld [tilespmem:s4+$0x2F70];
	v30 =	vmul.f32 v17, v30  }
0x26b: {  	v28 =	vld [tilespmem:s29+$0xF20];
	v31 =	vpop (erf);
	v29 =	vperm.xlane v25, v6;
	v20 =	vadd.f32 v20, v38  }
0x26c: {  	s17 =	simm.s32 $0x580;
	s8 =	simm.s32 $0x800;
	v26 =	vadd.f32 v26, v49;
	[tilespmem:s3+$0xFFFFFF10] =	vst v30;
	v30 =	vld [tilespmem:s21+$0x2F20];
	v31 =	vadd.f32 $1.000000000e+00, v31  }
0x26d: {  	s14 =	sand.u32 $0x380, s17;
	s12 =	sand.u32 $0x1800, s8;
	v46 =	vld [tilespmem:s20+$0xF20];
	v24 =	vadd.f32 v25, v29;
	v25 =	vperm.xlane v20, v7  }
0x26e: {  	s16 =	simm.s32 $0x400;
	v26 =	vadd.f32 v26, v12;
	s4 =	sor.u32 s12, s14;
	v47 =	vld [tilespmem:s20+$0x2F20];
	(erf) = vrcp.f32 v31  }
0x26f: {  	s18 =	simm.s32 $0x480;
	s6 =	sand.u32 $0x200, s16;
	v29 =	vld [tilespmem:s4+$0xF00];
	v51 =	vperm.xlane v24, v7;
	v20 =	vadd.f32 v20, v25  }
0x270: {  	s19 =	sand.u32 $0x280, s18;
	s22 =	sor.u32 s6, s12;
	v26 =	vsub.f32 $0.0e+00, v26;
	v25 =	vld [tilespmem:s4+$0x2F00]  }
0x271: {  	s11 =	sor.u32 s12, s19;
	v52 =	vld [tilespmem:s22+$0xF00];
	v24 =	vadd.f32 v24, v51;
	v20 =	vadd.f32 v20, v12  }
0x272: {  	s23 =	simm.s32 $0x500;
	v55 =	vld [tilespmem:s11+$0xF00];
	v26 =	vmul.f32 $1.442695020e+00, v26;
	v28 =	vmul.f32 v62, v28  }
0x273: {  	s24 =	sand.u32 $0x300, s23;
	v53 =	vld [tilespmem:s22+$0x2F00];
	v30 =	vmul.f32 v30, v63;
	v24 =	vadd.f32 v24, v12;
	v20 =	vsub.f32 $0.0e+00, v20  }
0x274: {  	s19 =	sor.u32 s12, s24;
	v56 =	vld [tilespmem:s11+$0x2F00];
	v28 =	vmul.f32 v16, v28;
	v54 =	vmul.f32 v47, v46  }
0x275: {  	v57 =	vld [tilespmem:s19+$0xF00];
	v25 =	vmul.f32 v25, v29;
	v29 =	vmul.f32 v18, v30;
	v24 =	vsub.f32 $0.0e+00, v24  }
0x276: {  	v31 =	vld [tilespmem:s28+$0x2F60];
	[tilespmem:s3+$0xFFFFFFA0] =	vst v28;
	(erf) = vpow2.f32 v26;
	v28 =	vmul.f32 $1.442695020e+00, v20  }
0x277: {  	v26 =	vld [tilespmem:s29+$0xF30];
	[tilespmem:s3+$0x20] =	vst v29;
	v29 =	vmul.f32 v17, v54;
	v20 =	vpop (erf);
	v24 =	vmul.f32 $1.442695020e+00, v24  }
0x278: {  	(erf) = vpow2.f32 v28;
	v28 =	vld [tilespmem:s29+$0x2F30];
	v25 =	vmul.f32 v20, v25  }
0x279: {  	s2 =	simm.s32 $0xB400;
	[tilespmem:s3+$0xFFFFFF20] =	vst v29;
	v29 =	vld [tilespmem:s21+$0x2F30]  }
0x27a: {  	v22 =	vmul.f32 v23, v22;
	(erf) = vpow2.f32 v24;
	v59 =	vld [tilespmem:s20+$0xF30];
	[tilespmem:s2+$0x80] =	vst v25  }
0x27b: {  	v23 =	vmul.f32 v60, v36;
	v24 =	vmul.f32 v35, v27;
	v58 =	vld [tilespmem:s4+$0xF10]  }
0x27c: {  	v27 =	vld [tilespmem:s4+$0x2F10]  }
0x27d: {  	v21 =	vmul.f32 v23, v21;
	v23 =	vld [tilespmem:s20+$0x2F30];
	v24 =	vmul.f32 v24, v13  }
0x27e: {  	v25 =	vld [tilespmem:s21+$0xF30];
	v26 =	vmul.f32 v28, v26;
	v28 =	vmul.f32 v31, v48  }
0x27f: {  	v19 =	vmul.f32 v22, v19;
	v30 =	vld [tilespmem:s19+$0x2F00]  }
0x280: {  	v31 =	vld [tilespmem:s5+$0x2F60];
	[tilespmem:s0+$0xFFFFFF50] =	vst v24;
	v26 =	vmul.f32 v26, v16  }
0x281: {  	[tilespmem:s0+$0xF0] =	vst v19;
	v22 =	vmul.f32 v56, v55;
	v60 =	vpop (erf);
	v61 =	vld [tilespmem:s25+$0xF60];
	v27 =	vmul.f32 v27, v58  }
0x282: {  	v35 =	vadd.f32 $1.000000000e+00, v60;
	v62 =	vmul.f32 v28, v14;
	v33 =	vmul.f32 v23, v59;
	v28 =	vpop (erf);
	[tilespmem:s3+$0xFFFFFFB0] =	vst v26;
	v26 =	vld [tilespmem:s25+$0x2F60]  }
0x283: {  	[tilespmem:s3+$0xF0] =	vst v21;
	v25 =	vmul.f32 v29, v25;
	v19 =	vadd.f32 $1.000000000e+00, v28;
	v28 =	vld [tilespmem:s29+$0xF40];
	v27 =	vmul.f32 v20, v27;
	v63 =	vpop (erf)  }
0x284: {  	[tilespmem:s0+$0xFFFFFFE0] =	vst v62;
	(erf) = vrcp.f32 v35;
	v33 =	vmul.f32 v33, v17;
	v29 =	vld [tilespmem:s29+$0x2F40];
	v34 =	vadd.f32 $1.000000000e+00, v63  }
0x285: {  	s26 =	sor.u32 $0x30, s31;
	v23 =	vld [tilespmem:s28+$0xF70];
	(erf) = vrcp.f32 v19;
	[tilespmem:s2+$0x90] =	vst v27;
	v27 =	vmul.f32 v25, v18  }
0x286: {  	v31 =	vmul.f32 v31, v50;
	v19 =	vld [tilespmem:s4+$0xF20];
	[smem:$0x7F2] =	sst s26;
	(erf) = vrcp.f32 v34  }
0x287: {  	s18 =	simm.s32 $0x8;
	v24 =	vmul.f32 v53, v52;
	v25 =	vmul.f32 v30, v57;
	v21 =	vld [tilespmem:s4+$0x2F20];
	[tilespmem:s3+$0x30] =	vst v27  }
0x288: {  	p2 =	por !p2, !p2;
	s7 =	simm.s32 $0xB400;
	s12 =	sor.u32 $0x20, s31;
	v30 =	vmul.f32 v31, v15;
	v27 =	vmul.f32 v26, v61;
	[tilespmem:s3+$0xFFFFFF30] =	vst v33;
	v26 =	vld [tilespmem:s21+$0xF40]  }
.LBB2_6:
0x289: {  	s6 =	simm.s32 $0x1  }
0x28a: {  	s15 =	sadd.s32 $0x4, s15;
	s1 =	sadd.s32 $0x2, s1;
	v28 =	vmul.f32 v29, v28;
	v29 =	vld [tilespmem:s21+$0x2F40];
	v32 =	vmul.f32 v27, v13;
	s6 =	simm.s32 @!p2 $0x0  }
0x28b: {  	s14 =	sand.u32 $0x7, s15;
	s23 =	sand.u32 $0x3, s1;
	s6 =	sshll.u32 s6, $0x9;
	v31 =	vld [tilespmem:s20+$0xF40];
	[tilespmem:s0+$0x60] =	vst v30  }
0x28c: {  	s8 =	sadd.s32 $0x400, s8;
	s14 =	sshll.u32 s14, $0x7;
	s23 =	sshll.u32 s23, $0x8;
	v28 =	vmul.f32 v28, v16;
	v30 =	vld [tilespmem:s20+$0x2F40];
	[tilespmem:s0+$0xFFFFFF60] =	vst v32  }
0x28d: {  	s23 =	sadd.s32 s8, s23;
	s16 =	sadd.s32 s6, s8;
	s6 =	sadd.s32 s14, s8;
	v35 =	vmul.f32 v21, v19;
	v27 =	vpop (erf);
	v32 =	vld [tilespmem:s28+$0x2F70]  }
0x28e: {  	s14 =	sadd.s32 $0x80, s6;
	s23 =	sadd.s32 $0x100, s23;
	s9 =	sadd.s32 $0x180, s6;
	v33 =	vmul.f32 v27, v22;
	v19 =	vpop (erf);
	[tilespmem:s3+$0xFFFFFFC0] =	vst v28;
	v22 =	vld [tilespmem:s5+$0xF70]  }
0x28f: {  	s10 =	sor.u32 $0x400, s14;
	s24 =	sor.u32 $0x410, s14;
	s28 =	sor.u32 $0x400, s9;
	v34 =	vmul.f32 v20, v35;
	v28 =	vmul.f32 v19, v24;
	v21 =	vpop (erf);
	v24 =	vld [tilespmem:s29+$0xF50]  }
0x290: {  	s6 =	sor.u32 $0x400, s16;
	s14 =	sor.u32 $0x400, s23;
	s26 =	sor.u32 $0x410, s23;
	v26 =	vmul.f32 v29, v26;
	v35 =	vld [tilespmem:s28+$0xF00];
	[tilespmem:s2+$0xFFFFFF80] =	vst v33;
	v25 =	vmul.f32 v21, v25  }
0x291: {  	s23 =	sor.u32 $0x410, s16;
	v29 =	vld [tilespmem:s28+$0x2F00];
	[tilespmem:s2+$0xA0] =	vst v34;
	v30 =	vmul.f32 v30, v31;
	s28 =	smov.u32 s29;
	s29 =	smov.u32 s11  }
0x292: {  	v26 =	vmul.f32 v26, v18;
	[tilespmem:s2+$0x0] =	vst v25;
	v25 =	vld [tilespmem:s4+$0xF30];
	v23 =	vmul.f32 v32, v23  }
0x293: {  	s9 =	sor.u32 $0x410, s9;
	[tilespmem:s2+$0xFFFFFF00] =	vst v28;
	v28 =	vld [tilespmem:s4+$0x2F30];
	v30 =	vmul.f32 v30, v17  }
0x294: {  	v31 =	vld [tilespmem:s9+$0xF00];
	[tilespmem:s3+$0x40] =	vst v26;
	v23 =	vmul.f32 v23, v14;
	v14 =	vmov v16;
	v16 =	vmov v27  }
0x295: {  	s13 =	sadd.s32 $0x200, s13;
	v26 =	vld [tilespmem:s9+$0x2F00];
	[tilespmem:s3+$0xFFFFFF40] =	vst v30  }
0x296: {  	v27 =	vld [tilespmem:s13+$0x80];
	[tilespmem:s0+$0xFFFFFFF0] =	vst v23  }
0x297: {  	s18 =	sadd.s32 $0x4, s18;
	v23 =	vld [tilespmem:s13+$0x90]  }
0x298: {  	p3 =	slt.u32 s18, $0x1C;
	v30 =	vld [tilespmem:s10+$0xF00];
	v25 =	vmul.f32 v28, v25  }
0x299: {  	v28 =	vld [tilespmem:s10+$0x2F00]  }
0x29a: {  	v29 =	vadd.f32 v29, v35;
	v32 =	vld [tilespmem:s24+$0xF00];
	v26 =	vadd.f32 v26, v31;
	v25 =	vmul.f32 v25, v20  }
0x29b: {  	v31 =	vld [tilespmem:s24+$0x2F00]  }
0x29c: {  	v27 =	vadd.f32 v27, v29;
	v33 =	vld [tilespmem:s14+$0xF00];
	v23 =	vadd.f32 v23, v26;
	[tilespmem:s2+$0xB0] =	vst v25  }
0x29d: {  	v25 =	vld [tilespmem:s4+$0xF40]  }
0x29e: {  	v26 =	vadd.f32 v27, v8;
	v23 =	vadd.f32 v23, v9;
	v27 =	vld [tilespmem:s4+$0x2F40]  }
0x29f: {  	v28 =	vadd.f32 v28, v30;
	v29 =	vld [tilespmem:s14+$0x2F00]  }
0x2a0: {  	v26 =	vmax.f32 v26, $0.0e+00;
	v30 =	vadd.f32 v31, v32;
	v31 =	vld [tilespmem:s26+$0xF00];
	v23 =	vmax.f32 v23, $0.0e+00  }
0x2a1: {  	v26 =	vmul.f32 v26, v10;
	v32 =	vld [tilespmem:s26+$0x2F00];
	v23 =	vmul.f32 v23, v11  }
0x2a2: {  	v34 =	vld [tilespmem:s6+$0xF00]  }
0x2a3: {  	v35 =	vld [tilespmem:s6+$0x2F00];
	v23 =	vadd.f32 v23, v26;
	v25 =	vmul.f32 v27, v25  }
0x2a4: {  	v26 =	vld [tilespmem:s23+$0xF00];
	v27 =	vadd.f32 v29, v33  }
0x2a5: {  	v29 =	vld [tilespmem:s23+$0x2F00];
	v33 =	vperm.xlane v23, v4;
	v25 =	vmul.f32 v25, v20  }
0x2a6: {  	v36 =	vld [tilespmem:s13+$0xFFFFFF00];
	v31 =	vadd.f32 v32, v31  }
0x2a7: {  	v32 =	vld [tilespmem:s13+$0xFFFFFF10];
	v23 =	vadd.f32 v23, v33;
	[tilespmem:s2+$0xC0] =	vst v25  }
0x2a8: {  	v25 =	vadd.f32 v35, v34;
	v33 =	vld [tilespmem:s4+$0xF50]  }
0x2a9: {  	v34 =	vperm.xlane v23, v5;
	v35 =	vld [tilespmem:s4+$0x2F50]  }
0x2aa: {  	v26 =	vadd.f32 v29, v26;
	v29 =	vld [tilespmem:s13+$0xFFFFFF80]  }
0x2ab: {  	v25 =	vadd.f32 v36, v25;
	v36 =	vld [tilespmem:s13+$0xFFFFFF90];
	v23 =	vadd.f32 v23, v34  }
0x2ac: {  	v26 =	vadd.f32 v32, v26;
	v32 =	vld [tilespmem:s13+$0x0]  }
0x2ad: {  	v25 =	vadd.f32 v25, v8;
	v34 =	vld [tilespmem:s13+$0x10];
	v37 =	vperm.xlane v23, v6  }
0x2ae: {  	v26 =	vadd.f32 v26, v9;
	v38 =	vld [tilespmem:s29+$0xF10];
	v33 =	vmul.f32 v35, v33  }
0x2af: {  	v25 =	vmax.f32 v25, $0.0e+00;
	v28 =	vadd.f32 v29, v28;
	v23 =	vadd.f32 v23, v37;
	v29 =	vld [tilespmem:s29+$0x2F10]  }
0x2b0: {  	v26 =	vmax.f32 v26, $0.0e+00;
	v30 =	vadd.f32 v36, v30;
	v35 =	vld [tilespmem:s19+$0xF10];
	v33 =	vmul.f32 v33, v20  }
0x2b1: {  	v28 =	vadd.f32 v28, v8;
	v27 =	vadd.f32 v32, v27;
	v32 =	vperm.xlane v23, v7;
	v36 =	vld [tilespmem:s19+$0x2F10]  }
0x2b2: {  	v25 =	vmul.f32 v25, v10;
	v30 =	vadd.f32 v30, v9;
	v31 =	vadd.f32 v34, v31;
	v34 =	vld [tilespmem:s22+$0xF10];
	[tilespmem:s2+$0xD0] =	vst v33  }
0x2b3: {  	v28 =	vmax.f32 v28, $0.0e+00;
	v27 =	vadd.f32 v27, v8;
	v23 =	vadd.f32 v23, v32;
	v32 =	vld [tilespmem:s4+$0xF60]  }
0x2b4: {  	v28 =	vmul.f32 v28, v10;
	v30 =	vmax.f32 v30, $0.0e+00;
	v31 =	vadd.f32 v31, v9;
	v33 =	vld [tilespmem:s4+$0x2F60]  }
0x2b5: {  	v30 =	vmul.f32 v30, v11;
	v27 =	vmax.f32 v27, $0.0e+00;
	v23 =	vadd.f32 v23, v12;
	v37 =	vld [tilespmem:s22+$0x2F10]  }
0x2b6: {  	v26 =	vmul.f32 v26, v11;
	v27 =	vmul.f32 v27, v10;
	v31 =	vmax.f32 v31, $0.0e+00;
	v39 =	vld [tilespmem:s28+$0x2F50]  }
0x2b7: {  	v28 =	vadd.f32 v30, v28;
	v30 =	vmul.f32 v31, v11;
	v23 =	vsub.f32 $0.0e+00, v23;
	v31 =	vld [tilespmem:s21+$0xF50]  }
0x2b8: {  	v25 =	vadd.f32 v26, v25;
	v26 =	vmul.f32 v29, v38;
	v29 =	vmul.f32 v36, v35;
	v35 =	vld [tilespmem:s21+$0x2F50]  }
0x2b9: {  	v27 =	vadd.f32 v30, v27;
	v23 =	vmul.f32 $1.442695020e+00, v23;
	v30 =	vmul.f32 v33, v32;
	v32 =	vld [tilespmem:s20+$0xF50]  }
0x2ba: {  	v33 =	vperm.xlane v25, v4;
	v36 =	vperm.xlane v28, v4;
	v38 =	vld [tilespmem:s20+$0x2F50]  }
0x2bb: {  	(erf) = vpow2.f32 v23;
	v23 =	vmul.f32 v30, v20;
	v30 =	vld [tilespmem:s5+$0x2F70];
	s5 =	smov.u32 s21;
	s21 =	smov.u32 s19  }
0x2bc: {  	v25 =	vadd.f32 v25, v33;
	v28 =	vadd.f32 v28, v36;
	v33 =	vperm.xlane v27, v4;
	v36 =	vld [tilespmem:s25+$0xF70]  }
0x2bd: {  	v26 =	vmul.f32 v16, v26;
	v34 =	vmul.f32 v37, v34;
	[tilespmem:s2+$0xE0] =	vst v23;
	v23 =	vld [tilespmem:s25+$0x2F70];
	s25 =	smov.u32 s20;
	s20 =	smov.u32 s22  }
0x2be: {  	v37 =	vperm.xlane v25, v5;
	v40 =	vperm.xlane v28, v5;
	v27 =	vadd.f32 v27, v33;
	v33 =	vld [tilespmem:s4+$0xF70]  }
0x2bf: {  	v34 =	vmul.f32 v19, v34;
	[tilespmem:s2+$0xFFFFFF90] =	vst v26;
	v26 =	vmul.f32 v21, v29;
	v29 =	vld [tilespmem:s4+$0x2F70]  }
0x2c0: {  	v25 =	vadd.f32 v25, v37;
	v28 =	vadd.f32 v28, v40;
	v37 =	vperm.xlane v27, v5;
	v40 =	vld [tilespmem:s29+$0xF20]  }
0x2c1: {  	v24 =	vmul.f32 v39, v24;
	v41 =	vld [tilespmem:s29+$0x2F20];
	[tilespmem:s2+$0x10] =	vst v26;
	v26 =	vmul.f32 v35, v31  }
0x2c2: {  	v31 =	vperm.xlane v25, v6;
	v35 =	vperm.xlane v28, v6;
	v27 =	vadd.f32 v27, v37;
	[tilespmem:s2+$0xFFFFFF10] =	vst v34;
	v34 =	vld [tilespmem:s21+$0xF20]  }
0x2c3: {  	v24 =	vmul.f32 v24, v14;
	v32 =	vmul.f32 v38, v32;
	v37 =	vld [tilespmem:s21+$0x2F20]  }
0x2c4: {  	v28 =	vadd.f32 v28, v35;
	v35 =	vperm.xlane v27, v6;
	v38 =	vpop (erf);
	v39 =	vld [tilespmem:s20+$0xF20];
	v29 =	vmul.f32 v29, v33  }
0x2c5: {  	v25 =	vadd.f32 v25, v31;
	v31 =	vadd.f32 $1.000000000e+00, v38;
	v33 =	vld [tilespmem:s20+$0x2F20];
	[tilespmem:s3+$0xFFFFFFD0] =	vst v24;
	v24 =	vmul.f32 v26, v18  }
0x2c6: {  	s17 =	sadd.s32 $0x200, s17;
	v26 =	vperm.xlane v28, v7;
	v27 =	vadd.f32 v27, v35;
	v20 =	vmul.f32 v29, v20;
	v29 =	vld [tilespmem:s28+$0xF60]  }
0x2c7: {  	s9 =	sadd.s32 $0xFFFFFE80, s17;
	s6 =	sand.u32 $0x1800, s8;
	s4 =	sand.u32 $0x380, s17;
	v35 =	vperm.xlane v25, v7;
	(erf) = vrcp.f32 v31;
	v31 =	vld [tilespmem:s28+$0x2F60];
	[tilespmem:s3+$0x50] =	vst v24  }
0x2c8: {  	s11 =	sadd.s32 $0xFFFFFF80, s17;
	s10 =	sadd.s32 $0xFFFFFF00, s17;
	s4 =	sor.u32 s6, s4;
	v24 =	vadd.f32 v28, v26;
	v26 =	vperm.xlane v27, v7;
	v28 =	vmul.f32 v41, v40;
	[tilespmem:s2+$0xF0] =	vst v20;
	v38 =	vld [tilespmem:s5+$0xF60]  }
0x2c9: {  	s9 =	sand.u32 $0x200, s9;
	s10 =	sand.u32 $0x280, s10;
	s14 =	sand.u32 $0x300, s11;
	v32 =	vmul.f32 v32, v17;
	v20 =	vadd.f32 v25, v35;
	v34 =	vmul.f32 v37, v34;
	v25 =	vld [tilespmem:s4+$0xF00]  }
0x2ca: {  	s11 =	sor.u32 s6, s10;
	s19 =	sor.u32 s6, s14;
	s22 =	sor.u32 s9, s6;
	v24 =	vadd.f32 v24, v12;
	v26 =	vadd.f32 v27, v26;
	v27 =	vld [tilespmem:s4+$0x2F00];
	v33 =	vmul.f32 v33, v39  }
0x2cb: {  	v28 =	vmul.f32 v16, v28;
	v20 =	vadd.f32 v20, v12;
	v34 =	vmul.f32 v21, v34;
	v35 =	vld [tilespmem:s22+$0xF00];
	[tilespmem:s3+$0xFFFFFF50] =	vst v32  }
0x2cc: {  	v24 =	vsub.f32 $0.0e+00, v24;
	v26 =	vadd.f32 v26, v12;
	v32 =	vld [tilespmem:s22+$0x2F00];
	v33 =	vmul.f32 v19, v33  }
0x2cd: {  	v39 =	vsub.f32 $0.0e+00, v20;
	v37 =	vld [tilespmem:s11+$0xF00];
	[tilespmem:s2+$0xFFFFFFA0] =	vst v28;
	v28 =	vmul.f32 v31, v29;
	v29 =	vmul.f32 v30, v22  }
0x2ce: {  	v23 =	vmul.f32 v23, v36;
	v22 =	vmul.f32 $1.442695020e+00, v24;
	v24 =	vsub.f32 $0.0e+00, v26;
	v30 =	vld [tilespmem:s11+$0x2F00];
	[tilespmem:s2+$0x20] =	vst v34  }
0x2cf: {  	v26 =	vmul.f32 $1.442695020e+00, v39;
	v31 =	vld [tilespmem:s19+$0xF00];
	v25 =	vmul.f32 v27, v25;
	[tilespmem:s2+$0xFFFFFF20] =	vst v33  }
0x2d0: {  	v27 =	vmul.f32 $1.442695020e+00, v24;
	v33 =	vld [tilespmem:s19+$0x2F00];
	(erf) = vpow2.f32 v22;
	v20 =	vpop (erf)  }
0x2d1: {  	v25 =	vmul.f32 v20, v25;
	(erf) = vpow2.f32 v26;
	v26 =	vld [tilespmem:s29+$0xF30]  }
0x2d2: {  	s2 =	sadd.s32 $0x200, s2;
	v24 =	vmul.f32 v32, v35;
	(erf) = vpow2.f32 v27;
	v27 =	vld [tilespmem:s29+$0x2F30]  }
0x2d3: {  	v28 =	vmul.f32 v28, v14;
	v22 =	vmul.f32 v30, v37;
	[tilespmem:s2+$0x80] =	vst v25;
	v30 =	vld [tilespmem:s21+$0xF30]  }
0x2d4: {  	v23 =	vmul.f32 v23, v13;
	v13 =	vmovc v17;
	v17 =	vmovc v19;
	v29 =	vmul.f32 v29, v15;
	v15 =	vmov v18;
	v32 =	vld [tilespmem:s4+$0xF10]  }
0x2d5: {  	v18 =	vmov v21;
	v25 =	vmul.f32 v33, v31;
	v19 =	vld [tilespmem:s4+$0x2F10];
	[tilespmem:s3+$0xFFFFFFE0] =	vst v28  }
0x2d6: {  	v21 =	vld [tilespmem:s21+$0x2F30];
	[tilespmem:s0+$0x70] =	vst v29  }
0x2d7: {  	v29 =	vld [tilespmem:s20+$0xF30];
	v26 =	vmul.f32 v27, v26;
	[tilespmem:s0+$0xFFFFFF70] =	vst v23;
	s0 =	smov.u32 s3;
	s3 =	smov.u32 s7;
	s7 =	smov.u32 s2  }
0x2d8: {  	v23 =	vld [tilespmem:s20+$0x2F30]  }
0x2d9: {  	v27 =	vpop (erf);
	v26 =	vmul.f32 v26, v16;
	v31 =	vld [tilespmem:s5+$0x2F60]  }
0x2da: {  	v27 =	vadd.f32 $1.000000000e+00, v27;
	v19 =	vmul.f32 v19, v32;
	v28 =	vpop (erf);
	v32 =	vld [tilespmem:s25+$0xF60]  }
0x2db: {  	v33 =	vadd.f32 $1.000000000e+00, v28;
	v28 =	vpop (erf);
	[tilespmem:s3+$0xFFFFFFB0] =	vst v26;
	v21 =	vmul.f32 v21, v30;
	v26 =	vld [tilespmem:s25+$0x2F60]  }
0x2dc: {  	v30 =	vadd.f32 $1.000000000e+00, v28;
	v19 =	vmul.f32 v20, v19;
	(erf) = vrcp.f32 v27;
	v28 =	vld [tilespmem:s29+$0xF40]  }
.Ltmp3:
0x2dd: {  	(erf) = vrcp.f32 v33;
	v27 =	vmul.f32 v23, v29;
	v29 =	vld [tilespmem:s29+$0x2F40];
	(pc) =	sbr.rel @p3 .LBB2_6-.Ltmp3, $4  }
0x2de: {  	[tilespmem:s2+$0x90] =	vst v19;
	(erf) = vrcp.f32 v30;
	v30 =	vmul.f32 v21, v18;
	v23 =	vld [tilespmem:s28+$0xF70]  }
0x2df: {  	v31 =	vmul.f32 v31, v38;
	v19 =	vld [tilespmem:s4+$0xF20];
	v33 =	vmul.f32 v27, v17  }
0x2e0: {  	v21 =	vld [tilespmem:s4+$0x2F20];
	[tilespmem:s3+$0x30] =	vst v30;
	v27 =	vmul.f32 v26, v32  }
0x2e1: {  	p2 =	por !p2, !p2;
	v30 =	vmul.f32 v31, v15;
	[tilespmem:s3+$0xFFFFFF30] =	vst v33;
	v26 =	vld [tilespmem:s21+$0xF40]  }
0x2e2: {  	_ =	sdelay $0x2  }
0x2e3: {  	v19 =	vmul.f32 v21, v19;
	_ =	sdelay $0x1  }
0x2e4: {  	v19 =	vmul.f32 v20, v19;
	_ =	sdelay $0x1  }
0x2e5: {  	[tilespmem:s2+$0xA0] =	vst v19  }
0x2e6: {  	v19 =	vld [tilespmem:s4+$0xF30]  }
0x2e7: {  	v59 =	vld [tilespmem:s4+$0x2F30];
	_ =	sdelay $0x4  }
0x2e8: {  	v19 =	vmul.f32 v59, v19;
	_ =	sdelay $0x1  }
0x2e9: {  	v21 =	vpop (erf);
	v19 =	vmul.f32 v19, v20  }
0x2ea: {  	v32 =	vmul.f32 v21, v22  }
0x2eb: {  	v35 =	vld [tilespmem:s20+$0xF40]  }
0x2ec: {  	v38 =	vld [tilespmem:s20+$0x2F40];
	[tilespmem:s2+$0xFFFFFF80] =	vst v32  }
0x2ed: {  	v32 =	vld [tilespmem:s11+$0xF10];
	[tilespmem:s2+$0xB0] =	vst v19;
	v19 =	vpop (erf)  }
0x2ee: {  	v60 =	vld [tilespmem:s11+$0x2F10];
	v24 =	vmul.f32 v19, v24  }
0x2ef: {  	v31 =	vld [tilespmem:s4+$0xF40];
	v22 =	vpop (erf)  }
0x2f0: {  	v33 =	vld [tilespmem:s4+$0x2F40];
	v25 =	vmul.f32 v22, v25;
	[tilespmem:s2+$0xFFFFFF00] =	vst v24  }
0x2f1: {  	v36 =	vld [tilespmem:s22+$0xF10]  }
0x2f2: {  	v28 =	vmul.f32 v29, v28;
	[tilespmem:s2+$0x0] =	vst v25;
	v37 =	vld [tilespmem:s22+$0x2F10]  }
0x2f3: {  	v27 =	vmul.f32 v27, v13;
	v61 =	vld [tilespmem:s19+$0xF10]  }
0x2f4: {  	[tilespmem:s0+$0x60] =	vst v30;
	v28 =	vmul.f32 v28, v16;
	v62 =	vld [tilespmem:s19+$0x2F10]  }
0x2f5: {  	v34 =	vld [tilespmem:s21+$0x2F40];
	[tilespmem:s0+$0xFFFFFF60] =	vst v27;
	v25 =	vmul.f32 v60, v32  }
0x2f6: {  	v27 =	vld [tilespmem:s5+$0x2F70];
	[tilespmem:s3+$0xFFFFFFC0] =	vst v28  }
0x2f7: {  	v49 =	vld [tilespmem:s29+$0xF50];
	v39 =	vmul.f32 v21, v25;
	v41 =	vmul.f32 v37, v36  }
0x2f8: {  	v51 =	vld [tilespmem:s29+$0x2F50];
	v54 =	vmul.f32 v38, v35;
	v31 =	vmul.f32 v33, v31  }
0x2f9: {  	v35 =	vld [tilespmem:s25+$0xF70];
	[tilespmem:s2+$0xFFFFFF90] =	vst v39;
	v33 =	vmul.f32 v62, v61;
	v43 =	vmul.f32 v19, v41  }
0x2fa: {  	v42 =	vld [tilespmem:s11+$0xF20]  }
0x2fb: {  	v26 =	vmul.f32 v34, v26;
	v44 =	vld [tilespmem:s11+$0x2F20];
	v33 =	vmul.f32 v22, v33;
	[tilespmem:s2+$0xFFFFFF10] =	vst v43  }
0x2fc: {  	v47 =	vld [tilespmem:s22+$0xF20]  }
0x2fd: {  	v26 =	vmul.f32 v26, v18;
	[tilespmem:s2+$0x10] =	vst v33;
	v48 =	vld [tilespmem:s22+$0x2F20]  }
0x2fe: {  	v45 =	vld [tilespmem:s19+$0xF20]  }
0x2ff: {  	[tilespmem:s3+$0x40] =	vst v26;
	v46 =	vld [tilespmem:s19+$0x2F20]  }
0x300: {  	v52 =	vld [tilespmem:s21+$0xF50];
	v31 =	vmul.f32 v31, v20;
	v30 =	vmul.f32 v44, v42  }
0x301: {  	v59 =	vld [tilespmem:s21+$0x2F50]  }
0x302: {  	v24 =	vld [tilespmem:s5+$0xF70];
	[tilespmem:s2+$0xC0] =	vst v31;
	v30 =	vmul.f32 v21, v30;
	v28 =	vmul.f32 v48, v47  }
0x303: {  	v31 =	vld [tilespmem:s4+$0xF50]  }
0x304: {  	v63 =	vld [tilespmem:s4+$0x2F50];
	[tilespmem:s2+$0xFFFFFFA0] =	vst v30;
	v29 =	vmul.f32 v46, v45;
	v28 =	vmul.f32 v19, v28  }
0x305: {  	v30 =	vld [tilespmem:s11+$0xF30]  }
0x306: {  	v53 =	vld [tilespmem:s11+$0x2F30];
	v29 =	vmul.f32 v22, v29;
	[tilespmem:s2+$0xFFFFFF20] =	vst v28  }
0x307: {  	v57 =	vld [tilespmem:s22+$0xF30]  }
0x308: {  	[tilespmem:s2+$0x20] =	vst v29;
	v58 =	vld [tilespmem:s22+$0x2F30]  }
0x309: {  	v31 =	vmul.f32 v63, v31;
	v33 =	vmul.f32 v54, v17;
	v55 =	vld [tilespmem:s19+$0xF30]  }
0x30a: {  	v56 =	vld [tilespmem:s19+$0x2F30]  }
0x30b: {  	v25 =	vld [tilespmem:s28+$0x2F70];
	v31 =	vmul.f32 v31, v20;
	[tilespmem:s3+$0xFFFFFF40] =	vst v33;
	v29 =	vmul.f32 v53, v30  }
0x30c: {  	v60 =	vld [tilespmem:s20+$0xF50]  }
0x30d: {  	v61 =	vld [tilespmem:s20+$0x2F50];
	[tilespmem:s2+$0xD0] =	vst v31;
	v29 =	vmul.f32 v29, v21;
	v62 =	vmul.f32 v58, v57  }
0x30e: {  	v31 =	vld [tilespmem:s4+$0xF60]  }
0x30f: {  	v50 =	vld [tilespmem:s4+$0x2F60];
	[tilespmem:s7+$0xFFFFFFB0] =	vst v29;
	v28 =	vmul.f32 v56, v55;
	v29 =	vmul.f32 v62, v19  }
0x310: {  	v63 =	vld [tilespmem:s11+$0xF40]  }
0x311: {  	v26 =	vmul.f32 v51, v49;
	v40 =	vld [tilespmem:s11+$0x2F40];
	v28 =	vmul.f32 v28, v22;
	[tilespmem:s7+$0xFFFFFF30] =	vst v29  }
0x312: {  	v44 =	vld [tilespmem:s22+$0xF40]  }
0x313: {  	v26 =	vmul.f32 v26, v16;
	v32 =	vmul.f32 v59, v52;
	[tilespmem:s7+$0x30] =	vst v28;
	v45 =	vld [tilespmem:s22+$0x2F40]  }
0x314: {  	v30 =	vmul.f32 v61, v60;
	v42 =	vld [tilespmem:s19+$0xF40]  }
0x315: {  	[tilespmem:s3+$0xFFFFFFD0] =	vst v26;
	v32 =	vmul.f32 v32, v18;
	v43 =	vld [tilespmem:s19+$0x2F40]  }
0x316: {  	v47 =	vld [tilespmem:s29+$0x2F60];
	v30 =	vmul.f32 v30, v17;
	v37 =	vmul.f32 v40, v63  }
0x317: {  	[tilespmem:s3+$0x50] =	vst v32;
	v46 =	vld [tilespmem:s29+$0xF60]  }
0x318: {  	[tilespmem:s3+$0xFFFFFF50] =	vst v30;
	v57 =	vld [tilespmem:s21+$0x2F60];
	v37 =	vmul.f32 v37, v21;
	v34 =	vmul.f32 v45, v44  }
0x319: {  	v58 =	vld [tilespmem:s20+$0xF60]  }
0x31a: {  	v59 =	vld [tilespmem:s20+$0x2F60];
	[tilespmem:s7+$0xFFFFFFC0] =	vst v37;
	v29 =	vmul.f32 v43, v42;
	v49 =	vmul.f32 v34, v19  }
0x31b: {  	v48 =	vld [tilespmem:s11+$0xF50]  }
0x31c: {  	v41 =	vmul.f32 v50, v31;
	v50 =	vld [tilespmem:s11+$0x2F50];
	v29 =	vmul.f32 v29, v22;
	[tilespmem:s7+$0xFFFFFF40] =	vst v49  }
0x31d: {  	v31 =	vmul.f32 v47, v46;
	v53 =	vld [tilespmem:s22+$0xF50]  }
0x31e: {  	[tilespmem:s7+$0x40] =	vst v29;
	v54 =	vld [tilespmem:s22+$0x2F50]  }
0x31f: {  	v56 =	vmul.f32 v31, v16;
	v51 =	vld [tilespmem:s19+$0xF50]  }
0x320: {  	v52 =	vld [tilespmem:s19+$0x2F50]  }
0x321: {  	v55 =	vld [tilespmem:s21+$0xF60];
	[tilespmem:s3+$0xFFFFFFE0] =	vst v56;
	v29 =	vmul.f32 v50, v48  }
0x322: {  	v60 =	vld [tilespmem:s29+$0xF70];
	v28 =	vmul.f32 v41, v20  }
0x323: {  	v46 =	vld [tilespmem:s29+$0x2F70];
	v29 =	vmul.f32 v29, v21;
	v32 =	vmul.f32 v54, v53  }
0x324: {  	[tilespmem:s2+$0xE0] =	vst v28;
	v28 =	vld [tilespmem:s25+$0x2F70]  }
0x325: {  	v38 =	vld [tilespmem:s4+$0xF70];
	[tilespmem:s7+$0xFFFFFFD0] =	vst v29;
	v33 =	vmul.f32 v52, v51;
	v41 =	vmul.f32 v32, v19  }
0x326: {  	v62 =	vld [tilespmem:s11+$0xF60]  }
0x327: {  	v63 =	vld [tilespmem:s11+$0x2F60];
	v61 =	vmul.f32 v33, v22;
	[tilespmem:s7+$0xFFFFFF50] =	vst v41  }
0x328: {  	v31 =	vmul.f32 v57, v55;
	v44 =	vld [tilespmem:s22+$0xF60]  }
0x329: {  	v30 =	vmul.f32 v59, v58;
	[tilespmem:s7+$0x50] =	vst v61;
	v45 =	vld [tilespmem:s22+$0x2F60]  }
0x32a: {  	v31 =	vmul.f32 v31, v18;
	v42 =	vld [tilespmem:s19+$0xF60]  }
0x32b: {  	v30 =	vmul.f32 v30, v17;
	v43 =	vld [tilespmem:s19+$0x2F60]  }
0x32c: {  	v26 =	vld [tilespmem:s4+$0x2F70];
	[tilespmem:s3+$0x60] =	vst v31;
	v33 =	vmul.f32 v63, v62  }
0x32d: {  	[tilespmem:s3+$0xFFFFFF60] =	vst v30;
	v47 =	vld [tilespmem:s21+$0xF70]  }
0x32e: {  	v49 =	vld [tilespmem:s20+$0xF70];
	v33 =	vmul.f32 v33, v21;
	v36 =	vmul.f32 v45, v44  }
0x32f: {  	v23 =	vmul.f32 v25, v23;
	v48 =	vld [tilespmem:s21+$0x2F70]  }
0x330: {  	v50 =	vld [tilespmem:s20+$0x2F70];
	[tilespmem:s7+$0xFFFFFFE0] =	vst v33;
	v29 =	vmul.f32 v43, v42;
	v52 =	vmul.f32 v36, v19  }
0x331: {  	v14 =	vmul.f32 v23, v14;
	v55 =	vmul.f32 v27, v24;
	v51 =	vld [tilespmem:s11+$0xF70]  }
0x332: {  	v53 =	vld [tilespmem:s11+$0x2F70];
	v29 =	vmul.f32 v29, v22;
	[tilespmem:s7+$0xFFFFFF60] =	vst v52  }
0x333: {  	[tilespmem:s0+$0xFFFFFFF0] =	vst v14;
	v14 =	vmul.f32 v55, v15;
	v59 =	vld [tilespmem:s22+$0xF70]  }
0x334: {  	v15 =	vmul.f32 v46, v60;
	v58 =	vmul.f32 v28, v35;
	[tilespmem:s7+$0x60] =	vst v29;
	v60 =	vld [tilespmem:s22+$0x2F70]  }
0x335: {  	v54 =	vld [tilespmem:s19+$0xF70]  }
0x336: {  	v13 =	vmul.f32 v58, v13;
	v61 =	vmul.f32 v48, v47;
	v56 =	vld [tilespmem:s19+$0x2F70]  }
0x337: {  	[tilespmem:s0+$0x70] =	vst v14;
	v14 =	vmul.f32 v15, v16;
	v26 =	vmul.f32 v26, v38  }
0x338: {  	[tilespmem:s0+$0xFFFFFF70] =	vst v13;
	v13 =	vmul.f32 v61, v18;
	v62 =	vmul.f32 v53, v51  }
0x339: {  	[tilespmem:s3+$0xFFFFFFF0] =	vst v14;
	v57 =	vmul.f32 v26, v20;
	v15 =	vmul.f32 v50, v49  }
0x33a: {  	[tilespmem:s3+$0x70] =	vst v13;
	v13 =	vmul.f32 v62, v21;
	v63 =	vmul.f32 v60, v59  }
0x33b: {  	[tilespmem:s2+$0xF0] =	vst v57;
	v14 =	vmul.f32 v15, v17;
	v15 =	vmul.f32 v56, v54  }
0x33c: {  	[tilespmem:s7+$0xFFFFFFF0] =	vst v13;
	v13 =	vmul.f32 v63, v19  }
0x33d: {  	s26 =	rddreg [dreg:$0x4];
	[tilespmem:s3+$0xFFFFFF70] =	vst v14;
	v14 =	vmul.f32 v15, v22  }
0x33e: {  	s1 =	simm.s32 $0xAF00;
	p2 =	seq.s32 s30, $0xC;
	s28 =	simm.s32 $0xE80;
	[tilespmem:s7+$0xFFFFFF70] =	vst v13  }
.Ltmp4:
0x33f: {  	s29 =	simm.s32 $0x4;
	s3 =	simm.s32 $0x20;
	[tilespmem:s7+$0x70] =	vst v14;
	(pc) =	sbr.rel @!p2 .LBB2_8-.Ltmp4, $4  }
0x340: {  	[spmem:s26] =	stream.indirect.scatter.add.f32 [tilespmem:s1], [sflag:$0x4], $0x80, s28, s3, $0xb8;
	[tilespmem:$0x1FA80] =	vst v63  }
0x341: {  	_ =	swait.ge [sflag:s29], $0x1000  }
0x342: {  	[sflag:s29] =	ssyncset.done $0x0  }
0x343: {  	[sflag:s29] =	ssyncadd.s32 $0xFFFFF000  }
0x344: {  	s0 =	simm.s32 $0x2  }
0x345: {  	_ =	swait.ge [sflag:s0], $0x2000  }
0x346: {  	[sflag:s0] =	ssyncset.done $0x0  }
0x347: {  	[sflag:s0] =	ssyncadd.s32 $0xFFFFE000  }
0x348: {  	_ =	swait.ge [sflag:s0], $0x2000  }
.Ltmp5:
0x349: {  	[sflag:s0] =	ssyncset.done $0x0;
	(pc) =	sbr.rel .LBB2_10-.Ltmp5, $4  }
0x34a: {  	s31 =	simm.s32 $0x3;
	[sflag:s0] =	ssyncadd.s32 $0xFFFFE000  }
0x34b: {  	_ =	swait.ge [sflag:s31], $0x1000  }
0x34c: {  	[sflag:s31] =	ssyncset.done $0x0  }
0x34d: {  	[sflag:s31] =	ssyncadd.s32 $0xFFFFF000  }
.LBB2_8:
0x34e: {  	v13 =	vld [tilespmem:s31+$0x40];
	_ =	sdelay $0x4  }
0x34f: {  	v14 =	vshll.u32 v13, $0x1  }
0x350: {  	v13 =	vand.u32 $0x7, v13;
	v14 =	vand.u32 $0xFFFFFFF0, v14  }
0x351: {  	v13 =	vor.u32 v13, v14  }
0x352: {  	v14 =	vperm.xlane v13, v1;
	_ =	sdelay $0x1  }
0x353: {  	v13 =	vperm.xlane v13, v3;
	v14 =	vadd.s32 v2, v14;
	_ =	sdelay $0x1  }
0x354: {  	v13 =	vadd.s32 v2, v13;
	_ =	sdelay $0x1  }
0x355: {  	s0 =	simm.s32 $0x0;
	s1 =	rddreg [dreg:$0x8];
	s2 =	simm.s32 $0xF00  }
0x356: {  	[tilespmem:s2], [sflag:$0x1] =	stream.indirect_vreg.gather [hbm4b:s1+s0], $0x80, v14, vm0, $0xb8;
	[tilespmem:$0x1FA80] =	vst v63  }
0x357: {  	s10 =	simm.s32 $0x1700  }
0x358: {  	[tilespmem:s10], [sflag:$0x1] =	stream.indirect_vreg.gather [hbm4b:s1+s0], $0x80, v13, vm0, $0xb8;
	[tilespmem:$0x1FA80] =	vst v63  }
0x359: {  	v13 =	vld [tilespmem:s31+$0x50];
	_ =	sdelay $0x4  }
0x35a: {  	v14 =	vshll.u32 v13, $0x1  }
0x35b: {  	v13 =	vand.u32 $0x7, v13;
	v14 =	vand.u32 $0xFFFFFFF0, v14  }
0x35c: {  	v13 =	vor.u32 v13, v14  }
0x35d: {  	v14 =	vperm.xlane v13, v1;
	_ =	sdelay $0x1  }
0x35e: {  	v13 =	vperm.xlane v13, v3;
	v14 =	vadd.s32 v2, v14;
	_ =	sdelay $0x1  }
0x35f: {  	v13 =	vadd.s32 v2, v13;
	_ =	sdelay $0x1  }
0x360: {  	s11 =	simm.s32 $0x1F00  }
0x361: {  	[tilespmem:s11], [sflag:$0x1] =	stream.indirect_vreg.gather [hbm4b:s1+s0], $0x80, v14, vm0, $0xb8;
	[tilespmem:$0x1FA80] =	vst v63  }
0x362: {  	s13 =	simm.s32 $0x2700  }
0x363: {  	[tilespmem:s13], [sflag:$0x1] =	stream.indirect_vreg.gather [hbm4b:s1+s0], $0x80, v13, vm0, $0xb8;
	[tilespmem:$0x1FA80] =	vst v63  }
0x364: {  	v13 =	vld [tilespmem:s31+$0x3C0];
	_ =	sdelay $0x4  }
0x365: {  	v14 =	vshll.u32 v13, $0x1  }
0x366: {  	v13 =	vand.u32 $0x7, v13;
	v14 =	vand.u32 $0xFFFFFFF0, v14  }
0x367: {  	v13 =	vor.u32 v13, v14  }
0x368: {  	v14 =	vperm.xlane v13, v1;
	_ =	sdelay $0x1  }
0x369: {  	v13 =	vperm.xlane v13, v3;
	v14 =	vadd.s32 v2, v14;
	_ =	sdelay $0x1  }
0x36a: {  	v13 =	vadd.s32 v2, v13;
	_ =	sdelay $0x1  }
0x36b: {  	s14 =	rddreg [dreg:$0x9];
	s15 =	simm.s32 $0x2F00  }
0x36c: {  	[tilespmem:s15], [sflag:$0x1] =	stream.indirect_vreg.gather [hbm4b:s14+s0], $0x80, v14, vm0, $0xb8;
	[tilespmem:$0x1FA80] =	vst v63  }
0x36d: {  	s16 =	simm.s32 $0x3700  }
0x36e: {  	[tilespmem:s16], [sflag:$0x1] =	stream.indirect_vreg.gather [hbm4b:s14+s0], $0x80, v13, vm0, $0xb8;
	[tilespmem:$0x1FA80] =	vst v63  }
0x36f: {  	v13 =	vld [tilespmem:s31+$0x3D0];
	_ =	sdelay $0x4  }
0x370: {  	v14 =	vshll.u32 v13, $0x1  }
0x371: {  	v13 =	vand.u32 $0x7, v13;
	v14 =	vand.u32 $0xFFFFFFF0, v14  }
0x372: {  	v13 =	vor.u32 v13, v14  }
0x373: {  	v14 =	vperm.xlane v13, v1;
	_ =	sdelay $0x1  }
0x374: {  	v13 =	vperm.xlane v13, v3;
	v14 =	vadd.s32 v2, v14;
	_ =	sdelay $0x1  }
0x375: {  	v13 =	vadd.s32 v2, v13;
	_ =	sdelay $0x1  }
0x376: {  	s17 =	simm.s32 $0x3F00  }
0x377: {  	[tilespmem:s17], [sflag:$0x1] =	stream.indirect_vreg.gather [hbm4b:s14+s0], $0x80, v14, vm0, $0xb8;
	[tilespmem:$0x1FA80] =	vst v63  }
0x378: {  	s18 =	simm.s32 $0x4700;
	s19 =	simm.s32 $0x2  }
0x379: {  	[tilespmem:s18], [sflag:$0x1] =	stream.indirect_vreg.gather [hbm4b:s14+s0], $0x80, v13, vm0, $0xb8;
	[tilespmem:$0x1FA80] =	vst v63  }
0x37a: {  	_ =	swait.ge [sflag:s19], $0x2000  }
0x37b: {  	[sflag:s19] =	ssyncset.done $0x0  }
0x37c: {  	[sflag:s19] =	ssyncadd.s32 $0xFFFFE000  }
0x37d: {  	_ =	swait.ge [sflag:s19], $0x2000  }
0x37e: {  	[sflag:s19] =	ssyncset.done $0x0  }
0x37f: {  	s20 =	simm.s32 $0x3;
	[sflag:s19] =	ssyncadd.s32 $0xFFFFE000  }
0x380: {  	_ =	swait.ge [sflag:s20], $0x1000  }
0x381: {  	[sflag:s20] =	ssyncset.done $0x0  }
0x382: {  	[sflag:s20] =	ssyncadd.s32 $0xFFFFF000  }
0x383: {  	v13 =	vld [tilespmem:s31+$0xAC0];
	_ =	sdelay $0x4  }
0x384: {  	v13 =	vadd.s32 $0xBF80, v13  }
0x385: {  	(v2sf) =	vpush v13, $0x1  }
0x386: {  	(v2sf) =	vpush v13, $0x0  }
0x387: {  	(v2sf) =	vpush v13, $0x3  }
0x388: {  	(v2sf) =	vpush v13, $0x2  }
0x389: {  	(v2sf) =	vpush v13, $0x5  }
0x38a: {  	(v2sf) =	vpush v13, $0x4  }
0x38b: {  	(v2sf) =	vpush v13, $0x7  }
0x38c: {  	(v2sf) =	vpush v13, $0x6  }
0x38d: {  	(v2sf) =	vpush v13, $0x9  }
0x38e: {  	(v2sf) =	vpush v13, $0x8  }
0x38f: {  	v14 =	vld [tilespmem:s31+$0xAD0];
	(v2sf) =	vpush v13, $0xB  }
0x390: {  	(v2sf) =	vpush v13, $0xA  }
0x391: {  	(v2sf) =	vpush v13, $0xD  }
0x392: {  	(v2sf) =	vpush v13, $0xC  }
0x393: {  	(v2sf) =	vpush v13, $0xF  }
0x394: {  	s21 =	spop (v2sf);
	(v2sf) =	vpush v13, $0xE;
	v13 =	vadd.s32 $0xBF80, v14  }
0x395: {  	s22 =	spop (v2sf);
	(v2sf) =	vpush v13, $0x1  }
0x396: {  	v15 =	vld.msk [tilespmem:s21+$0x0 ss:$0x0], $0xffff;
	s23 =	spop (v2sf);
	(v2sf) =	vpush v13, $0x0  }
0x397: {  	v14 =	vld [tilespmem:s22+$0x0];
	s24 =	spop (v2sf);
	(v2sf) =	vpush v13, $0x3  }
0x398: {  	v17 =	vld.msk [tilespmem:s23+$0x0 ss:$0x0], $0xffff;
	s25 =	spop (v2sf);
	(v2sf) =	vpush v13, $0x2  }
0x399: {  	v16 =	vld.msk [tilespmem:s24+$0x0 ss:$0x0], $0xffff;
	s26 =	spop (v2sf);
	(v2sf) =	vpush v13, $0x5  }
0x39a: {  	v19 =	vld.msk [tilespmem:s25+$0x0 ss:$0x0], $0xffff;
	s28 =	spop (v2sf);
	(v2sf) =	vpush v13, $0x4  }
0x39b: {  	v18 =	vld.msk [tilespmem:s26+$0x0 ss:$0x0], $0xffff;
	s29 =	spop (v2sf);
	(v2sf) =	vpush v13, $0x7  }
0x39c: {  	v21 =	vld.msk [tilespmem:s28+$0x0 ss:$0x0], $0xffff;
	s31 =	spop (v2sf);
	(v2sf) =	vpush v13, $0x6  }
0x39d: {  	v20 =	vld.msk [tilespmem:s29+$0x0 ss:$0x0], $0xffff;
	s2 =	spop (v2sf);
	(v2sf) =	vpush v13, $0x9  }
0x39e: {  	v23 =	vld.msk [tilespmem:s31+$0x0 ss:$0x0], $0xffff;
	s4 =	spop (v2sf);
	(v2sf) =	vpush v13, $0x8  }
0x39f: {  	v22 =	vld.msk [tilespmem:s2+$0x0 ss:$0x0], $0xffff;
	s5 =	spop (v2sf);
	(v2sf) =	vpush v13, $0xB  }
0x3a0: {  	v25 =	vld.msk [tilespmem:s4+$0x0 ss:$0x0], $0xffff;
	s6 =	spop (v2sf);
	(v2sf) =	vpush v13, $0xA  }
0x3a1: {  	v24 =	vld.msk [tilespmem:s5+$0x0 ss:$0x0], $0xffff;
	s7 =	spop (v2sf);
	(v2sf) =	vpush v13, $0xD  }
0x3a2: {  	v27 =	vld.msk [tilespmem:s6+$0x0 ss:$0x0], $0xffff;
	s8 =	spop (v2sf);
	(v2sf) =	vpush v13, $0xC  }
0x3a3: {  	v26 =	vld.msk [tilespmem:s7+$0x0 ss:$0x0], $0xffff;
	s9 =	spop (v2sf);
	(v2sf) =	vpush v13, $0xF  }
0x3a4: {  	v28 =	vld.msk [tilespmem:s9+$0x0 ss:$0x0], $0xffff;
	s10 =	spop (v2sf);
	(v2sf) =	vpush v13, $0xE  }
0x3a5: {  	v13 =	vld.msk [tilespmem:s8+$0x0 ss:$0x0], $0xffff;
	s11 =	spop (v2sf)  }
0x3a6: {  	v30 =	vld.msk [tilespmem:s10+$0x0 ss:$0x0], $0xffff;
	s13 =	spop (v2sf)  }
0x3a7: {  	v29 =	vld [tilespmem:s11+$0x0];
	s14 =	spop (v2sf)  }
0x3a8: {  	s15 =	spop (v2sf);
	v31 =	vld.msk [tilespmem:s14+$0x0 ss:$0x0], $0xffff  }
0x3a9: {  	v32 =	vld.msk [tilespmem:s13+$0x0 ss:$0x0], $0xffff;
	s16 =	spop (v2sf)  }
0x3aa: {  	vm1 =	vcmask $0x704;
	s17 =	spop (v2sf);
	v33 =	vld.msk [tilespmem:s16+$0x0 ss:$0x0], $0xffff  }
0x3ab: {  	v14 =	vsel vm1, v15, v14;
	v15 =	vld.msk [tilespmem:s15+$0x0 ss:$0x0], $0xffff;
	s18 =	spop (v2sf)  }
0x3ac: {  	v14 =	vsel vm2, v14, v16;
	v53 =	vsel vm1, v30, v29;
	s19 =	spop (v2sf);
	v54 =	vld.msk [tilespmem:s18+$0x0 ss:$0x0], $0xffff  }
0x3ad: {  	v14 =	vsel vm3, v14, v17;
	v55 =	vld.msk [tilespmem:s17+$0x0 ss:$0x0], $0xffff;
	s20 =	spop (v2sf);
	v16 =	vsel vm2, v53, v31  }
0x3ae: {  	v14 =	vsel vm4, v14, v18;
	s21 =	spop (v2sf);
	v16 =	vsel vm3, v16, v32;
	v56 =	vld.msk [tilespmem:s20+$0x0 ss:$0x0], $0xffff  }
0x3af: {  	v14 =	vsel vm5, v14, v19;
	v57 =	vld.msk [tilespmem:s19+$0x0 ss:$0x0], $0xffff;
	s22 =	spop (v2sf);
	v16 =	vsel vm4, v16, v33  }
0x3b0: {  	v14 =	vsel vm6, v14, v20;
	s23 =	spop (v2sf);
	v15 =	vsel vm5, v16, v15;
	v58 =	vld.msk [tilespmem:s22+$0x0 ss:$0x0], $0xffff  }
0x3b1: {  	v14 =	vsel vm7, v14, v21;
	v59 =	vld.msk [tilespmem:s21+$0x0 ss:$0x0], $0xffff;
	s24 =	spop (v2sf);
	v15 =	vsel vm6, v15, v54  }
0x3b2: {  	v14 =	vsel vm8, v14, v22;
	s25 =	spop (v2sf);
	v15 =	vsel vm7, v15, v55;
	v60 =	vld.msk [tilespmem:s24+$0x0 ss:$0x0], $0xffff  }
0x3b3: {  	v14 =	vsel vm9, v14, v23;
	v61 =	vld.msk [tilespmem:s23+$0x0 ss:$0x0], $0xffff;
	v15 =	vsel vm8, v15, v56;
	s26 =	spop (v2sf)  }
0x3b4: {  	v14 =	vsel vm10, v14, v24;
	v15 =	vsel vm9, v15, v57;
	v62 =	vld.msk [tilespmem:s26+$0x0 ss:$0x0], $0xffff  }
0x3b5: {  	v14 =	vsel vm11, v14, v25;
	v63 =	vld.msk [tilespmem:s25+$0x0 ss:$0x0], $0xffff;
	v15 =	vsel vm10, v15, v58  }
0x3b6: {  	v14 =	vsel vm12, v14, v26;
	v15 =	vsel vm11, v15, v59  }
0x3b7: {  	v14 =	vsel vm13, v14, v27;
	v15 =	vsel vm12, v15, v60  }
0x3b8: {  	v14 =	vsel vm14, v14, v28;
	v15 =	vsel vm13, v15, v61  }
0x3b9: {  	v13 =	vsel vm15, v14, v13;
	v14 =	vsel vm14, v15, v62  }
0x3ba: {  	[tilespmem:$0xE00] =	vst v13;
	v13 =	vsel vm15, v14, v63  }
0x3bb: {  	s28 =	rddreg [dreg:$0xa];
	s29 =	simm.s32 $0xE00;
	s31 =	simm.s32 $0x8F00;
	[tilespmem:$0xE10] =	vst v13  }
0x3bc: {  	[tilespmem:s31], [sflag:$0x3] =	stream.indirect.gather [hbm4b:s28+s3], $0x80, s29, s3, $0xb8;
	[tilespmem:$0x1FA80] =	vst v63  }
.LBB2_10:
0x3bd: {  	v13 =	vld [tilespmem:s12+$0x700];
	_ =	sdelay $0x4  }
0x3be: {  	s0 =	sld [smem:$0x7F2];
	vm1 =	vlt.s32 v13, $0x270F  }
0x3bf: {  	v13 =	vnsel vm1, $0x270F, v13  }
0x3c0: {  	[tilespmem:$0xE80] =	vst v13  }
0x3c1: {  	v13 =	vld [tilespmem:s0+$0x700];
	_ =	sdelay $0x1  }
0x3c2: {  	s24 =	simm.s32 $0x0  }
0x3c3: {  	s1 =	sand.u32 $0x7, s24  }
0x3c4: {  	s1 =	sshll.u32 s1, $0x7  }
0x3c5: {  	s2 =	sadd.s32 $0x0, s1;
	vm1 =	vlt.s32 v13, $0x270F  }
0x3c6: {  	s1 =	sadd.s32 $0x180, s2;
	v13 =	vnsel vm1, $0x270F, v13  }
0x3c7: {  	s3 =	sor.u32 $0x400, s1;
	[tilespmem:$0xE90] =	vst v13  }
0x3c8: {  	v13 =	vld [tilespmem:s3+$0x4F00]  }
0x3c9: {  	s25 =	sor.u32 $0x410, s1;
	v14 =	vld [tilespmem:s3+$0x6F00]  }
0x3ca: {  	v15 =	vld [tilespmem:s25+$0x4F00]  }
0x3cb: {  	s26 =	simm.s32 $0xA000;
	v16 =	vld [tilespmem:s25+$0x6F00]  }
0x3cc: {  	v17 =	vld [tilespmem:s26+$0x80]  }
0x3cd: {  	v18 =	vld [tilespmem:s26+$0x90];
	_ =	sdelay $0x2  }
0x3ce: {  	v13 =	vadd.f32 v14, v13;
	v14 =	vadd.f32 v16, v15;
	_ =	sdelay $0x1  }
0x3cf: {  	v13 =	vadd.f32 v17, v13;
	v14 =	vadd.f32 v18, v14;
	_ =	sdelay $0x1  }
0x3d0: {  	v13 =	vadd.f32 v13, v8;
	v14 =	vadd.f32 v14, v9;
	_ =	sdelay $0x1  }
0x3d1: {  	v13 =	vmax.f32 v13, $0.0e+00;
	v14 =	vmax.f32 v14, $0.0e+00  }
0x3d2: {  	v13 =	vmul.f32 v13, v10;
	v14 =	vmul.f32 v14, v11;
	_ =	sdelay $0x1  }
0x3d3: {  	v13 =	vadd.f32 v14, v13;
	_ =	sdelay $0x1  }
0x3d4: {  	v14 =	vperm.xlane v13, v4;
	_ =	sdelay $0x1  }
0x3d5: {  	v13 =	vadd.f32 v13, v14;
	_ =	sdelay $0x1  }
0x3d6: {  	v14 =	vperm.xlane v13, v5;
	_ =	sdelay $0x1  }
0x3d7: {  	v13 =	vadd.f32 v13, v14;
	_ =	sdelay $0x1  }
0x3d8: {  	v14 =	vperm.xlane v13, v6;
	_ =	sdelay $0x1  }
0x3d9: {  	v13 =	vadd.f32 v13, v14;
	_ =	sdelay $0x1  }
0x3da: {  	v14 =	vperm.xlane v13, v7;
	_ =	sdelay $0x1  }
0x3db: {  	v13 =	vadd.f32 v13, v14;
	_ =	sdelay $0x1  }
0x3dc: {  	v13 =	vadd.f32 v13, v12;
	_ =	sdelay $0x1  }
0x3dd: {  	v25 =	vld [tilespmem:s26+$0xFFFFFF00];
	v13 =	vsub.f32 $0.0e+00, v13  }
0x3de: {  	v26 =	vld [tilespmem:s26+$0xFFFFFF10]  }
0x3df: {  	s5 =	sand.u32 $0x3, s24;
	v28 =	vld [tilespmem:s26+$0xFFFFFF80];
	v13 =	vmul.f32 $1.442695020e+00, v13  }
0x3e0: {  	s2 =	sadd.s32 $0x80, s2;
	s3 =	sshll.u32 s5, $0x8;
	v29 =	vld [tilespmem:s26+$0xFFFFFF90]  }
0x3e1: {  	s4 =	sor.u32 $0x400, s2;
	v30 =	vld [tilespmem:s26+$0x0];
	s3 =	sadd.s32 $0x0, s3;
	(erf) = vpow2.f32 v13  }
0x3e2: {  	p2 =	por $0x0, $0x0;
	s3 =	sadd.s32 $0x100, s3;
	v15 =	vld [tilespmem:s4+$0x6F00]  }
0x3e3: {  	s5 =	sor.u32 $0x400, s3;
	s3 =	sor.u32 $0x410, s3;
	v14 =	vld [tilespmem:s4+$0x4F00];
	s4 =	simm.s32 $0x1  }
0x3e4: {  	s2 =	sor.u32 $0x410, s2;
	v19 =	vld [tilespmem:s3+$0x4F00];
	s4 =	simm.s32 @!p2 $0x0  }
0x3e5: {  	v16 =	vld [tilespmem:s2+$0x4F00];
	s6 =	sshll.u32 s4, $0x9  }
0x3e6: {  	v17 =	vld [tilespmem:s2+$0x6F00];
	s2 =	sadd.s32 $0x0, s6  }
0x3e7: {  	v18 =	vld [tilespmem:s5+$0x4F00];
	s7 =	sor.u32 $0x400, s2  }
0x3e8: {  	v21 =	vld [tilespmem:s7+$0x4F00]  }
0x3e9: {  	s2 =	sor.u32 $0x410, s2;
	v22 =	vld [tilespmem:s7+$0x6F00]  }
0x3ea: {  	v23 =	vld [tilespmem:s2+$0x4F00];
	v27 =	vpop (erf)  }
0x3eb: {  	v16 =	vadd.f32 v17, v16;
	v13 =	vld [tilespmem:s5+$0x6F00];
	v27 =	vadd.f32 $1.000000000e+00, v27  }
0x3ec: {  	s8 =	simm.s32 $0x180;
	v24 =	vld [tilespmem:s2+$0x6F00]  }
0x3ed: {  	s9 =	sand.u32 $0x1800, s24;
	s10 =	sand.u32 $0x380, s8;
	v20 =	vld [tilespmem:s3+$0x6F00];
	v16 =	vadd.f32 v29, v16;
	(erf) = vrcp.f32 v27  }
0x3ee: {  	v14 =	vadd.f32 v15, v14;
	s2 =	sor.u32 s9, s10;
	v15 =	vadd.f32 v22, v21;
	v21 =	vld [tilespmem:s26+$0x10]  }
0x3ef: {  	v16 =	vadd.f32 v16, v9;
	v22 =	vld [tilespmem:s2+$0x4F00]  }
0x3f0: {  	v14 =	vadd.f32 v28, v14;
	v13 =	vadd.f32 v13, v18;
	v18 =	vld [tilespmem:s2+$0x6F00]  }
0x3f1: {  	v17 =	vadd.f32 v24, v23;
	v15 =	vadd.f32 v25, v15  }
0x3f2: {  	v19 =	vadd.f32 v20, v19;
	v16 =	vmax.f32 v16, $0.0e+00;
	v14 =	vadd.f32 v14, v8  }
0x3f3: {  	v16 =	vmul.f32 v16, v11;
	v17 =	vadd.f32 v26, v17;
	v15 =	vadd.f32 v15, v8  }
0x3f4: {  	v14 =	vmax.f32 v14, $0.0e+00;
	v13 =	vadd.f32 v30, v13;
	v20 =	vadd.f32 v21, v19  }
0x3f5: {  	v14 =	vmul.f32 v14, v10;
	v17 =	vadd.f32 v17, v9;
	v18 =	vmul.f32 v18, v22  }
0x3f6: {  	v15 =	vmax.f32 v15, $0.0e+00;
	v13 =	vadd.f32 v13, v8;
	v20 =	vadd.f32 v20, v9;
	v19 =	vpop (erf)  }
0x3f7: {  	s11 =	simm.s32 $0x4;
	v17 =	vmax.f32 v17, $0.0e+00;
	v15 =	vmul.f32 v15, v10;
	v18 =	vmul.f32 v19, v18  }
0x3f8: {  	s1 =	sand.u32 $0x7, s11;
	s0 =	simm.s32 $0xB000;
	v17 =	vmul.f32 v17, v11;
	v13 =	vmax.f32 v13, $0.0e+00;
	v20 =	vmax.f32 v20, $0.0e+00  }
0x3f9: {  	s1 =	sshll.u32 s1, $0x7;
	v14 =	vadd.f32 v16, v14;
	v13 =	vmul.f32 v13, v10;
	v16 =	vmul.f32 v20, v11;
	[tilespmem:s0+$0x80] =	vst v18  }
0x3fa: {  	s12 =	sadd.s32 $0x400, s1;
	v18 =	vld [tilespmem:s2+$0x4F10]  }
0x3fb: {  	s1 =	sadd.s32 $0x180, s12;
	v15 =	vadd.f32 v17, v15;
	v13 =	vadd.f32 v16, v13;
	v16 =	vperm.xlane v14, v4;
	v17 =	vld [tilespmem:s2+$0x6F10]  }
0x3fc: {  	s13 =	sor.u32 $0x400, s1  }
0x3fd: {  	v21 =	vld [tilespmem:s13+$0x4F00];
	v20 =	vperm.xlane v15, v4;
	v14 =	vadd.f32 v14, v16;
	v16 =	vperm.xlane v13, v4  }
0x3fe: {  	s1 =	sor.u32 $0x410, s1;
	v22 =	vld [tilespmem:s13+$0x6F00]  }
0x3ff: {  	v15 =	vadd.f32 v15, v20;
	v20 =	vld [tilespmem:s1+$0x4F00];
	v23 =	vperm.xlane v14, v5;
	v13 =	vadd.f32 v13, v16  }
0x400: {  	s14 =	simm.s32 $0xA200;
	v16 =	vmul.f32 v17, v18;
	v17 =	vld [tilespmem:s1+$0x6F00]  }
0x401: {  	v24 =	vld [tilespmem:s14+$0x80];
	v14 =	vadd.f32 v14, v23;
	v23 =	vperm.xlane v13, v5;
	v18 =	vperm.xlane v15, v5  }
0x402: {  	v25 =	vld [tilespmem:s14+$0x90];
	v16 =	vmul.f32 v19, v16  }
0x403: {  	v13 =	vadd.f32 v13, v23;
	v15 =	vadd.f32 v15, v18;
	v18 =	vperm.xlane v14, v6  }
0x404: {  	v21 =	vadd.f32 v22, v21;
	[tilespmem:s0+$0x90] =	vst v16  }
0x405: {  	v14 =	vadd.f32 v14, v18;
	v18 =	vperm.xlane v13, v6;
	v16 =	vld [tilespmem:s2+$0x4F20];
	v17 =	vadd.f32 v17, v20  }
0x406: {  	v21 =	vadd.f32 v24, v21;
	v20 =	vperm.xlane v15, v6;
	v22 =	vld [tilespmem:s2+$0x6F20]  }
0x407: {  	v13 =	vadd.f32 v13, v18;
	v17 =	vadd.f32 v25, v17  }
0x408: {  	v18 =	vadd.f32 v21, v8;
	v15 =	vadd.f32 v15, v20;
	v20 =	vperm.xlane v14, v7  }
0x409: {  	v17 =	vadd.f32 v17, v9  }
0x40a: {  	s18 =	simm.s32 $0x2;
	v34 =	vld [tilespmem:s14+$0xFFFFFF00];
	v18 =	vmax.f32 v18, $0.0e+00;
	v21 =	vperm.xlane v15, v7;
	v14 =	vadd.f32 v14, v20  }
0x40b: {  	v35 =	vld [tilespmem:s14+$0xFFFFFF10];
	s3 =	sand.u32 $0x3, s18;
	v20 =	vperm.xlane v13, v7;
	v16 =	vmul.f32 v22, v16;
	v17 =	vmax.f32 v17, $0.0e+00  }
0x40c: {  	v37 =	vld [tilespmem:s14+$0xFFFFFF80];
	s3 =	sshll.u32 s3, $0x8;
	s4 =	sadd.s32 $0x80, s12;
	v18 =	vmul.f32 v18, v10;
	v15 =	vadd.f32 v15, v21;
	v17 =	vmul.f32 v17, v11  }
0x40d: {  	v38 =	vld [tilespmem:s14+$0xFFFFFF90];
	s3 =	sadd.s32 $0x400, s3;
	s19 =	sor.u32 $0x400, s4;
	s4 =	sor.u32 $0x410, s4;
	v14 =	vadd.f32 v14, v12;
	v13 =	vadd.f32 v13, v20;
	v16 =	vmul.f32 v19, v16  }
0x40e: {  	s15 =	simm.s32 $0x0;
	s16 =	simm.s32 $0x80;
	s3 =	sadd.s32 $0x100, s3;
	v26 =	vld [tilespmem:s4+$0x6F00];
	v15 =	vadd.f32 v15, v12;
	v17 =	vadd.f32 v17, v18  }
0x40f: {  	s20 =	sor.u32 $0x400, s3;
	p2 =	por !p2, !p2;
	s6 =	simm.s32 $0x100;
	v25 =	vld [tilespmem:s4+$0x4F00];
	v14 =	vsub.f32 $0.0e+00, v14;
	v13 =	vadd.f32 v13, v12;
	[tilespmem:s0+$0xA0] =	vst v16  }
0x410: {  	s17 =	sand.u32 $0x300, s6;
	s5 =	sand.u32 $0x200, s15;
	s4 =	simm.s32 $0x1;
	v15 =	vsub.f32 $0.0e+00, v15;
	v21 =	vld [tilespmem:s2+$0x4F30];
	v16 =	vperm.xlane v17, v4  }
0x411: {  	s25 =	sor.u32 s5, s9;
	s5 =	sand.u32 $0x280, s16;
	s4 =	simm.s32 @!p2 $0x0;
	v14 =	vmul.f32 $1.442695020e+00, v14;
	v13 =	vsub.f32 $0.0e+00, v13;
	v22 =	vld [tilespmem:s2+$0x6F30]  }
0x412: {  	v32 =	vld [tilespmem:s20+$0x6F00];
	s28 =	sor.u32 s9, s5;
	s5 =	sor.u32 s9, s17;
	s4 =	sshll.u32 s4, $0x9;
	v15 =	vmul.f32 $1.442695020e+00, v15;
	v16 =	vadd.f32 v17, v16  }
0x413: {  	v23 =	vld [tilespmem:s5+$0x4F00];
	s4 =	sadd.s32 $0x400, s4;
	v13 =	vmul.f32 $1.442695020e+00, v13;
	(erf) = vpow2.f32 v14  }
0x414: {  	v20 =	vld [tilespmem:s25+$0x6F00];
	s22 =	sor.u32 $0x410, s4;
	(erf) = vpow2.f32 v15;
	v15 =	vperm.xlane v16, v5  }
0x415: {  	v33 =	vld [tilespmem:s22+$0x6F00];
	(erf) = vpow2.f32 v13  }
0x416: {  	v18 =	vld [tilespmem:s25+$0x4F00];
	v21 =	vmul.f32 v22, v21;
	v15 =	vadd.f32 v16, v15  }
0x417: {  	v14 =	vld [tilespmem:s28+$0x6F00]  }
0x418: {  	v17 =	vld [tilespmem:s28+$0x4F00];
	v21 =	vmul.f32 v21, v19;
	v24 =	vperm.xlane v15, v6  }
0x419: {  	v13 =	vld [tilespmem:s5+$0x6F00]  }
0x41a: {  	v22 =	vld [tilespmem:s19+$0x6F00];
	[tilespmem:s0+$0xB0] =	vst v21;
	v15 =	vadd.f32 v15, v24  }
0x41b: {  	v27 =	vld [tilespmem:s2+$0x4F40]  }
0x41c: {  	v30 =	vld [tilespmem:s2+$0x6F40];
	v21 =	vpop (erf);
	v28 =	vperm.xlane v15, v7  }
0x41d: {  	v16 =	vld [tilespmem:s19+$0x4F00];
	v21 =	vadd.f32 $1.000000000e+00, v21;
	v29 =	vpop (erf)  }
0x41e: {  	s3 =	sor.u32 $0x410, s3;
	s12 =	simm.s32 $0x8;
	v24 =	vld [tilespmem:s20+$0x4F00];
	v29 =	vadd.f32 $1.000000000e+00, v29;
	v31 =	vpop (erf);
	v15 =	vadd.f32 v15, v28  }
0x41f: {  	s9 =	sand.u32 $0x7, s12;
	s21 =	sor.u32 $0x400, s4;
	(erf) = vrcp.f32 v21;
	v21 =	vld [tilespmem:s3+$0x4F00];
	v28 =	vadd.f32 $1.000000000e+00, v31  }
0x420: {  	s1 =	sshll.u32 s9, $0x7;
	v31 =	vld [tilespmem:s21+$0x6F00];
	(erf) = vrcp.f32 v29;
	v15 =	vadd.f32 v15, v12  }
0x421: {  	s23 =	simm.s32 $0x400;
	s10 =	sadd.s32 $0x800, s1;
	v27 =	vmul.f32 v30, v27;
	v30 =	vld [tilespmem:s22+$0x4F00];
	(erf) = vrcp.f32 v28  }
0x422: {  	s6 =	simm.s32 $0x200;
	s7 =	simm.s32 $0x280;
	s1 =	sadd.s32 $0x180, s10;
	v29 =	vld [tilespmem:s3+$0x6F00];
	v15 =	vsub.f32 $0.0e+00, v15  }
0x423: {  	s3 =	sand.u32 $0x200, s6;
	s6 =	sand.u32 $0x280, s7;
	s7 =	sor.u32 $0x400, s1;
	v28 =	vld [tilespmem:s21+$0x4F00]  }
0x424: {  	s8 =	simm.s32 $0x300;
	s26 =	sand.u32 $0x1800, s23;
	v46 =	vld [tilespmem:s7+$0x4F00];
	v15 =	vmul.f32 $1.442695020e+00, v15  }
0x425: {  	v27 =	vmul.f32 v27, v19;
	s29 =	sor.u32 s26, s6;
	s6 =	sand.u32 $0x300, s8;
	v47 =	vld [tilespmem:s7+$0x6F00]  }
0x426: {  	s21 =	sor.u32 s26, s6;
	v57 =	vld [tilespmem:s29+$0x6F00];
	(erf) = vpow2.f32 v15;
	v15 =	vmul.f32 v14, v17  }
0x427: {  	[tilespmem:s0+$0xC0] =	vst v27;
	v61 =	vld [tilespmem:s21+$0x6F00]  }
0x428: {  	v27 =	vld [tilespmem:s2+$0x6F50];
	v14 =	vpop (erf)  }
0x429: {  	v23 =	vmul.f32 v13, v23;
	v17 =	vld [tilespmem:s2+$0x4F50];
	v36 =	vmul.f32 v14, v15;
	v13 =	vpop (erf)  }
0x42a: {  	v21 =	vadd.f32 v29, v21;
	v29 =	vld [tilespmem:s14+$0x10];
	v15 =	vpop (erf)  }
0x42b: {  	v18 =	vmul.f32 v20, v18;
	[tilespmem:s0+$0xFFFFFF80] =	vst v36;
	v20 =	vmul.f32 v15, v23;
	v23 =	vld [tilespmem:s14+$0x0]  }
0x42c: {  	v16 =	vadd.f32 v22, v16;
	v22 =	vadd.f32 v26, v25;
	v36 =	vld [tilespmem:s28+$0x4F10]  }
0x42d: {  	v18 =	vmul.f32 v13, v18;
	[tilespmem:s0+$0x0] =	vst v20;
	v20 =	vadd.f32 v31, v28;
	v28 =	vld [tilespmem:s28+$0x6F10]  }
0x42e: {  	v22 =	vadd.f32 v38, v22;
	v17 =	vmul.f32 v27, v17;
	v25 =	vld [tilespmem:s5+$0x4F10]  }
0x42f: {  	v24 =	vadd.f32 v32, v24;
	v21 =	vadd.f32 v29, v21;
	[tilespmem:s0+$0xFFFFFF00] =	vst v18;
	v26 =	vld [tilespmem:s5+$0x6F10];
	v27 =	vpop (erf)  }
0x430: {  	s6 =	sadd.s32 $0x80, s10;
	v18 =	vadd.f32 v33, v30;
	v30 =	vld [tilespmem:s25+$0x4F10];
	v17 =	vmul.f32 v17, v19;
	v27 =	vadd.f32 $1.000000000e+00, v27  }
0x431: {  	s24 =	simm.s32 $0x380;
	v22 =	vadd.f32 v22, v9;
	s8 =	sor.u32 $0x400, s6;
	v21 =	vadd.f32 v21, v9;
	v31 =	vld [tilespmem:s25+$0x6F10]  }
0x432: {  	s4 =	sand.u32 $0x380, s24;
	s6 =	sor.u32 $0x410, s6;
	v40 =	vld [tilespmem:s8+$0x4F00];
	v18 =	vadd.f32 v35, v18;
	[tilespmem:s0+$0xD0] =	vst v17;
	v17 =	vmul.f32 v28, v36;
	(erf) = vrcp.f32 v27  }
0x433: {  	s4 =	sor.u32 s26, s4;
	v41 =	vld [tilespmem:s6+$0x4F00];
	v20 =	vadd.f32 v34, v20;
	v27 =	vadd.f32 v37, v16  }
0x434: {  	v23 =	vadd.f32 v23, v24;
	v24 =	vld [tilespmem:s4+$0x6F00];
	v25 =	vmul.f32 v26, v25;
	v26 =	vmul.f32 v14, v17  }
0x435: {  	v18 =	vadd.f32 v18, v9;
	v28 =	vld [tilespmem:s4+$0x4F00];
	v27 =	vadd.f32 v27, v8  }
0x436: {  	v49 =	vld [tilespmem:s6+$0x6F00];
	v20 =	vadd.f32 v20, v8;
	v30 =	vmul.f32 v31, v30;
	v25 =	vmul.f32 v15, v25;
	[tilespmem:s0+$0xFFFFFF90] =	vst v26  }
0x437: {  	s13 =	simm.s32 $0x4;
	v18 =	vmax.f32 v18, $0.0e+00;
	v23 =	vadd.f32 v23, v8;
	v26 =	vmax.f32 v27, $0.0e+00;
	v27 =	vld [tilespmem:s28+$0x4F20]  }
0x438: {  	s11 =	sand.u32 $0x3, s13;
	v18 =	vmul.f32 v18, v11;
	v20 =	vmax.f32 v20, $0.0e+00;
	v29 =	vmul.f32 v13, v30;
	v30 =	vld [tilespmem:s28+$0x6F20];
	[tilespmem:s0+$0x10] =	vst v25  }
0x439: {  	s7 =	sshll.u32 s11, $0x8;
	v22 =	vmax.f32 v22, $0.0e+00;
	v20 =	vmul.f32 v20, v10;
	v25 =	vmul.f32 v26, v10;
	v26 =	vld [tilespmem:s5+$0x4F20]  }
0x43a: {  	s7 =	sadd.s32 $0x800, s7;
	v22 =	vmul.f32 v22, v11;
	v23 =	vmax.f32 v23, $0.0e+00;
	[tilespmem:s0+$0xFFFFFF10] =	vst v29;
	v24 =	vmul.f32 v24, v28;
	v29 =	vld [tilespmem:s5+$0x6F20]  }
0x43b: {  	s7 =	sadd.s32 $0x100, s7;
	v23 =	vmul.f32 v23, v10;
	v31 =	vadd.f32 v18, v20;
	v28 =	vmax.f32 v21, $0.0e+00;
	v52 =	vld [tilespmem:s25+$0x6F20];
	v21 =	vpop (erf)  }
0x43c: {  	s14 =	sor.u32 $0x400, s7;
	v28 =	vmul.f32 v28, v11;
	v22 =	vadd.f32 v22, v25;
	v25 =	vld [tilespmem:s25+$0x4F20];
	v24 =	vmul.f32 v21, v24  }
0x43d: {  	s20 =	sor.u32 s3, s26;
	s3 =	simm.s32 $0xB200;
	v43 =	vld [tilespmem:s14+$0x4F00];
	v27 =	vmul.f32 v30, v27  }
0x43e: {  	v18 =	vld [tilespmem:s20+$0x4F00];
	v23 =	vadd.f32 v28, v23;
	v28 =	vperm.xlane v31, v4;
	v30 =	vperm.xlane v22, v4;
	[tilespmem:s3+$0x80] =	vst v24  }
0x43f: {  	v24 =	vmul.f32 v29, v26;
	v26 =	vmul.f32 v14, v27;
	v27 =	vld [tilespmem:s4+$0x4F10]  }
0x440: {  	v28 =	vadd.f32 v31, v28;
	v29 =	vperm.xlane v23, v4;
	v31 =	vld [tilespmem:s4+$0x6F10]  }
0x441: {  	v20 =	vld [tilespmem:s20+$0x6F00];
	v30 =	vadd.f32 v22, v30;
	v25 =	vmul.f32 v52, v25;
	v24 =	vmul.f32 v15, v24;
	[tilespmem:s0+$0xFFFFFFA0] =	vst v26  }
0x442: {  	v26 =	vperm.xlane v28, v5;
	v53 =	vld [tilespmem:s28+$0x4F30]  }
0x443: {  	v54 =	vperm.xlane v30, v5;
	v23 =	vadd.f32 v23, v29;
	v25 =	vmul.f32 v13, v25;
	[tilespmem:s0+$0x20] =	vst v24;
	v24 =	vld [tilespmem:s28+$0x6F30]  }
0x444: {  	v26 =	vadd.f32 v28, v26;
	v28 =	vld [tilespmem:s5+$0x4F30]  }
0x445: {  	s7 =	sor.u32 $0x410, s7;
	v29 =	vadd.f32 v30, v54;
	v30 =	vperm.xlane v23, v5;
	[tilespmem:s0+$0xFFFFFF20] =	vst v25;
	v25 =	vld [tilespmem:s5+$0x6F30];
	v27 =	vmul.f32 v31, v27  }
0x446: {  	v44 =	vld [tilespmem:s7+$0x6F00]  }
0x447: {  	v55 =	vld [tilespmem:s25+$0x4F30];
	v56 =	vperm.xlane v29, v6;
	v23 =	vadd.f32 v23, v30;
	v27 =	vmul.f32 v21, v27  }
0x448: {  	p2 =	por !p2, !p2;
	s6 =	simm.s32 $0x1;
	v31 =	vperm.xlane v26, v6;
	v30 =	vld [tilespmem:s25+$0x6F30]  }
0x449: {  	s6 =	simm.s32 @!p2 $0x0;
	v16 =	vld [tilespmem:s2+$0x4F60];
	v29 =	vadd.f32 v29, v56;
	v58 =	vperm.xlane v23, v6;
	v24 =	vmul.f32 v24, v53;
	[tilespmem:s3+$0x90] =	vst v27  }
0x44a: {  	s6 =	sshll.u32 s6, $0x9;
	v18 =	vmul.f32 v20, v18;
	v26 =	vadd.f32 v26, v31;
	v25 =	vmul.f32 v25, v28;
	v27 =	vld [tilespmem:s4+$0x4F20]  }
0x44b: {  	s6 =	sadd.s32 $0x800, s6;
	v28 =	vperm.xlane v29, v7;
	v23 =	vadd.f32 v23, v58;
	v24 =	vmul.f32 v24, v14;
	v60 =	vld [tilespmem:s4+$0x6F20]  }
0x44c: {  	s15 =	sor.u32 $0x400, s6;
	s6 =	sor.u32 $0x410, s6;
	v17 =	vld [tilespmem:s2+$0x6F60];
	v59 =	vperm.xlane v26, v7;
	v25 =	vmul.f32 v25, v15  }
0x44d: {  	v20 =	vld [tilespmem:s6+$0x4F00];
	v28 =	vadd.f32 v29, v28;
	[tilespmem:s0+$0xFFFFFFB0] =	vst v24;
	v24 =	vmul.f32 v30, v55;
	v30 =	vperm.xlane v23, v7  }
0x44e: {  	v22 =	vld [tilespmem:s29+$0x4F00];
	v26 =	vadd.f32 v26, v59  }
0x44f: {  	v54 =	vld [tilespmem:s15+$0x6F00];
	[tilespmem:s0+$0x30] =	vst v25;
	v25 =	vadd.f32 v28, v12;
	v23 =	vadd.f32 v23, v30  }
0x450: {  	v31 =	vld [tilespmem:s21+$0x4F00];
	v26 =	vadd.f32 v26, v12;
	v27 =	vmul.f32 v60, v27  }
0x451: {  	v53 =	vld [tilespmem:s15+$0x4F00];
	v25 =	vsub.f32 $0.0e+00, v25;
	v23 =	vadd.f32 v23, v12  }
0x452: {  	v29 =	vld [tilespmem:s28+$0x4F40];
	v26 =	vsub.f32 $0.0e+00, v26;
	v27 =	vmul.f32 v21, v27  }
0x453: {  	s1 =	sor.u32 $0x410, s1;
	v62 =	vld [tilespmem:s28+$0x6F40];
	v25 =	vmul.f32 $1.442695020e+00, v25;
	v23 =	vsub.f32 $0.0e+00, v23  }
0x454: {  	v26 =	vmul.f32 $1.442695020e+00, v26;
	[tilespmem:s3+$0xA0] =	vst v27;
	v27 =	vld [tilespmem:s1+$0x4F00]  }
0x455: {  	(erf) = vpow2.f32 v25;
	v25 =	vld [tilespmem:s4+$0x4F30];
	v23 =	vmul.f32 $1.442695020e+00, v23  }
0x456: {  	(erf) = vpow2.f32 v26;
	v26 =	vld [tilespmem:s4+$0x6F30]  }
0x457: {  	(erf) = vpow2.f32 v23;
	v23 =	vld [tilespmem:s1+$0x6F00];
	s1 =	simm.s32 $0xA400  }
0x458: {  	v48 =	vld [tilespmem:s1+$0x80]  }
0x459: {  	v24 =	vmul.f32 v24, v13;
	v39 =	vld [tilespmem:s1+$0x90]  }
0x45a: {  	v28 =	vld [tilespmem:s5+$0x4F40]  }
0x45b: {  	[tilespmem:s0+$0xFFFFFF30] =	vst v24;
	v24 =	vld [tilespmem:s5+$0x6F40];
	v25 =	vmul.f32 v26, v25  }
0x45c: {  	v36 =	vadd.f32 v47, v46;
	v30 =	vld [tilespmem:s25+$0x4F40];
	v23 =	vadd.f32 v23, v27  }
0x45d: {  	v63 =	vld [tilespmem:s25+$0x6F40];
	v25 =	vmul.f32 v25, v21  }
0x45e: {  	v55 =	vld [tilespmem:s6+$0x6F00];
	v36 =	vadd.f32 v48, v36;
	v23 =	vadd.f32 v39, v23  }
0x45f: {  	v29 =	vmul.f32 v62, v29;
	v56 =	vld [tilespmem:s1+$0xFFFFFF00];
	[tilespmem:s3+$0xB0] =	vst v25  }
0x460: {  	v50 =	vld [tilespmem:s4+$0x4F40];
	v36 =	vadd.f32 v36, v8;
	v23 =	vadd.f32 v23, v9  }
0x461: {  	v29 =	vmul.f32 v29, v14;
	v24 =	vmul.f32 v24, v28;
	v52 =	vld [tilespmem:s4+$0x6F40]  }
0x462: {  	v30 =	vmul.f32 v63, v30;
	v58 =	vld [tilespmem:s1+$0xFFFFFF10];
	v36 =	vmax.f32 v36, $0.0e+00;
	v23 =	vmax.f32 v23, $0.0e+00  }
0x463: {  	v60 =	vld [tilespmem:s1+$0xFFFFFF80];
	v36 =	vmul.f32 v36, v10;
	v23 =	vmul.f32 v23, v11  }
0x464: {  	v62 =	vld [tilespmem:s1+$0xFFFFFF90];
	v24 =	vmul.f32 v24, v15  }
0x465: {  	[tilespmem:s0+$0xFFFFFFC0] =	vst v29;
	v29 =	vmul.f32 v30, v13;
	v26 =	vld [tilespmem:s8+$0x6F00];
	v27 =	vpop (erf);
	v23 =	vadd.f32 v23, v36  }
0x466: {  	[tilespmem:s0+$0x40] =	vst v24;
	v24 =	vld [tilespmem:s28+$0x6F50];
	v25 =	vadd.f32 $1.000000000e+00, v27;
	v38 =	vmul.f32 v52, v50  }
0x467: {  	v16 =	vmul.f32 v17, v16;
	v20 =	vadd.f32 v55, v20;
	[tilespmem:s0+$0xFFFFFF40] =	vst v29;
	v29 =	vld [tilespmem:s5+$0x6F50];
	v17 =	vperm.xlane v23, v4  }
0x468: {  	v37 =	vadd.f32 v49, v41;
	v48 =	vld [tilespmem:s28+$0x4F50];
	(erf) = vrcp.f32 v25;
	v38 =	vmul.f32 v38, v21  }
0x469: {  	v20 =	vadd.f32 v58, v20;
	v58 =	vld [tilespmem:s5+$0x4F50];
	v42 =	vpop (erf);
	v23 =	vadd.f32 v23, v17  }
0x46a: {  	v22 =	vmul.f32 v57, v22;
	v57 =	vmul.f32 v16, v19;
	v27 =	vadd.f32 $1.000000000e+00, v42;
	v51 =	vpop (erf);
	v25 =	vld [tilespmem:s14+$0x6F00];
	[tilespmem:s3+$0xC0] =	vst v38  }
0x46b: {  	v20 =	vadd.f32 v20, v9;
	v39 =	vadd.f32 $1.000000000e+00, v51;
	v28 =	vld [tilespmem:s4+$0x4F50];
	v59 =	vperm.xlane v23, v5  }
0x46c: {  	v31 =	vmul.f32 v61, v31;
	v26 =	vadd.f32 v26, v40;
	(erf) = vrcp.f32 v27;
	v38 =	vld [tilespmem:s4+$0x6F50]  }
0x46d: {  	v27 =	vld [tilespmem:s7+$0x4F00];
	v20 =	vmax.f32 v20, $0.0e+00;
	(erf) = vrcp.f32 v39;
	v34 =	vadd.f32 v23, v59  }
0x46e: {  	v63 =	vld [tilespmem:s1+$0x0];
	v26 =	vadd.f32 v60, v26;
	v20 =	vmul.f32 v20, v11;
	v24 =	vmul.f32 v24, v48  }
0x46f: {  	v47 =	vld [tilespmem:s1+$0x10];
	v49 =	vadd.f32 v62, v37;
	v29 =	vmul.f32 v29, v58;
	v46 =	vperm.xlane v34, v6  }
0x470: {  	v26 =	vadd.f32 v26, v8;
	v24 =	vmul.f32 v24, v14;
	v36 =	vadd.f32 v54, v53  }
0x471: {  	v25 =	vadd.f32 v25, v43;
	v16 =	vpop (erf);
	v28 =	vmul.f32 v38, v28;
	v30 =	vadd.f32 v34, v46  }
0x472: {  	v27 =	vadd.f32 v44, v27;
	v33 =	vadd.f32 v56, v36;
	v45 =	vmul.f32 v16, v22  }
0x473: {  	v25 =	vadd.f32 v63, v25;
	v28 =	vmul.f32 v28, v21;
	v51 =	vperm.xlane v30, v7  }
0x474: {  	v26 =	vmax.f32 v26, $0.0e+00;
	v36 =	vadd.f32 v49, v9;
	v27 =	vadd.f32 v47, v27;
	[tilespmem:s3+$0xFFFFFF80] =	vst v45  }
0x475: {  	v26 =	vmul.f32 v26, v10;
	v33 =	vadd.f32 v33, v8;
	v17 =	vpop (erf);
	v50 =	vld [tilespmem:s29+$0x4F10];
	[tilespmem:s3+$0xD0] =	vst v28;
	v28 =	vadd.f32 v30, v51  }
0x476: {  	v25 =	vadd.f32 v25, v8;
	v36 =	vmax.f32 v36, $0.0e+00;
	v61 =	vmul.f32 v17, v18;
	v18 =	vpop (erf);
	v53 =	vld [tilespmem:s4+$0x6F60]  }
0x477: {  	v36 =	vmul.f32 v36, v11;
	v31 =	vmul.f32 v18, v31;
	v30 =	vld [tilespmem:s4+$0x4F60];
	v28 =	vadd.f32 v28, v12  }
0x478: {  	[tilespmem:s0+$0xFFFFFFD0] =	vst v24;
	v24 =	vmul.f32 v29, v15;
	v27 =	vadd.f32 v27, v9;
	v33 =	vmax.f32 v33, $0.0e+00;
	v52 =	vld [tilespmem:s29+$0x6F10]  }
0x479: {  	v25 =	vmax.f32 v25, $0.0e+00;
	v26 =	vadd.f32 v36, v26;
	[tilespmem:s3+$0x0] =	vst v31;
	v28 =	vsub.f32 $0.0e+00, v28  }
0x47a: {  	v25 =	vmul.f32 v25, v10;
	v31 =	vmul.f32 v33, v10;
	v54 =	vld [tilespmem:s21+$0x4F10]  }
0x47b: {  	v27 =	vmax.f32 v27, $0.0e+00;
	v36 =	vperm.xlane v26, v4;
	v55 =	vld [tilespmem:s21+$0x6F10];
	v28 =	vmul.f32 $1.442695020e+00, v28  }
0x47c: {  	v35 =	vld [tilespmem:s25+$0x6F50];
	v27 =	vmul.f32 v27, v11;
	v20 =	vadd.f32 v20, v31;
	v30 =	vmul.f32 v53, v30  }
0x47d: {  	[tilespmem:s0+$0xE0] =	vst v57;
	v48 =	vld [tilespmem:s28+$0x4F60];
	v26 =	vadd.f32 v26, v36;
	v31 =	vmul.f32 v52, v50;
	(erf) = vpow2.f32 v28  }
0x47e: {  	v22 =	vld [tilespmem:s2+$0x4F70];
	[tilespmem:s3+$0xFFFFFF00] =	vst v61;
	v25 =	vadd.f32 v27, v25;
	v28 =	vmul.f32 v30, v21;
	v30 =	vperm.xlane v20, v4  }
0x47f: {  	v56 =	vld [tilespmem:s20+$0x4F10];
	v59 =	vperm.xlane v26, v5;
	v31 =	vmul.f32 v16, v31  }
0x480: {  	v57 =	vld [tilespmem:s20+$0x6F10];
	v33 =	vmul.f32 v55, v54;
	[tilespmem:s3+$0xE0] =	vst v28;
	v20 =	vadd.f32 v20, v30;
	v28 =	vperm.xlane v25, v4  }
0x481: {  	[tilespmem:s0+$0x50] =	vst v24;
	v23 =	vld [tilespmem:s2+$0x6F70];
	v26 =	vadd.f32 v26, v59  }
0x482: {  	v27 =	vld [tilespmem:s25+$0x4F50];
	[tilespmem:s3+$0xFFFFFF90] =	vst v31;
	v31 =	vmul.f32 v18, v33;
	v61 =	vperm.xlane v20, v5;
	v25 =	vadd.f32 v25, v28  }
0x483: {  	v50 =	vld [tilespmem:s5+$0x4F60];
	v45 =	vperm.xlane v26, v6  }
0x484: {  	v62 =	vld [tilespmem:s29+$0x6F20];
	[tilespmem:s3+$0x10] =	vst v31;
	v20 =	vadd.f32 v20, v61;
	v31 =	vperm.xlane v25, v5  }
0x485: {  	v26 =	vadd.f32 v26, v45;
	v63 =	vld [tilespmem:s21+$0x4F20];
	v30 =	vmul.f32 v57, v56  }
0x486: {  	v36 =	vld [tilespmem:s4+$0x4F70];
	v38 =	vperm.xlane v20, v6;
	v25 =	vadd.f32 v25, v31  }
0x487: {  	v49 =	vperm.xlane v26, v7;
	v60 =	vld [tilespmem:s4+$0x6F70];
	v30 =	vmul.f32 v17, v30  }
0x488: {  	v28 =	vld [tilespmem:s29+$0x4F20];
	v31 =	vpop (erf);
	v29 =	vperm.xlane v25, v6;
	v20 =	vadd.f32 v20, v38  }
0x489: {  	s17 =	simm.s32 $0x580;
	s8 =	simm.s32 $0x800;
	v26 =	vadd.f32 v26, v49;
	[tilespmem:s3+$0xFFFFFF10] =	vst v30;
	v30 =	vld [tilespmem:s21+$0x6F20];
	v31 =	vadd.f32 $1.000000000e+00, v31  }
0x48a: {  	s18 =	sand.u32 $0x380, s17;
	s16 =	sand.u32 $0x1800, s8;
	v46 =	vld [tilespmem:s20+$0x4F20];
	v24 =	vadd.f32 v25, v29;
	v25 =	vperm.xlane v20, v7  }
0x48b: {  	s19 =	simm.s32 $0x400;
	v26 =	vadd.f32 v26, v12;
	s4 =	sor.u32 s16, s18;
	v47 =	vld [tilespmem:s20+$0x6F20];
	(erf) = vrcp.f32 v31  }
0x48c: {  	s22 =	simm.s32 $0x480;
	s6 =	sand.u32 $0x200, s19;
	v29 =	vld [tilespmem:s4+$0x4F00];
	v51 =	vperm.xlane v24, v7;
	v20 =	vadd.f32 v20, v25  }
0x48d: {  	s23 =	sand.u32 $0x280, s22;
	s15 =	sor.u32 s6, s16;
	v26 =	vsub.f32 $0.0e+00, v26;
	v25 =	vld [tilespmem:s4+$0x6F00]  }
0x48e: {  	s11 =	sor.u32 s16, s23;
	v52 =	vld [tilespmem:s15+$0x4F00];
	v24 =	vadd.f32 v24, v51;
	v20 =	vadd.f32 v20, v12  }
0x48f: {  	s24 =	simm.s32 $0x500;
	v55 =	vld [tilespmem:s11+$0x4F00];
	v26 =	vmul.f32 $1.442695020e+00, v26;
	v28 =	vmul.f32 v62, v28  }
0x490: {  	s26 =	sand.u32 $0x300, s24;
	v53 =	vld [tilespmem:s15+$0x6F00];
	v30 =	vmul.f32 v30, v63;
	v24 =	vadd.f32 v24, v12;
	v20 =	vsub.f32 $0.0e+00, v20  }
0x491: {  	s19 =	sor.u32 s16, s26;
	v56 =	vld [tilespmem:s11+$0x6F00];
	v28 =	vmul.f32 v16, v28;
	v54 =	vmul.f32 v47, v46  }
0x492: {  	v57 =	vld [tilespmem:s19+$0x4F00];
	v25 =	vmul.f32 v25, v29;
	v29 =	vmul.f32 v18, v30;
	v24 =	vsub.f32 $0.0e+00, v24  }
0x493: {  	v31 =	vld [tilespmem:s28+$0x6F60];
	[tilespmem:s3+$0xFFFFFFA0] =	vst v28;
	(erf) = vpow2.f32 v26;
	v28 =	vmul.f32 $1.442695020e+00, v20  }
0x494: {  	v26 =	vld [tilespmem:s29+$0x4F30];
	[tilespmem:s3+$0x20] =	vst v29;
	v29 =	vmul.f32 v17, v54;
	v20 =	vpop (erf);
	v24 =	vmul.f32 $1.442695020e+00, v24  }
0x495: {  	(erf) = vpow2.f32 v28;
	v28 =	vld [tilespmem:s29+$0x6F30];
	v25 =	vmul.f32 v20, v25  }
0x496: {  	s2 =	simm.s32 $0xB400;
	[tilespmem:s3+$0xFFFFFF20] =	vst v29;
	v29 =	vld [tilespmem:s21+$0x6F30]  }
0x497: {  	v22 =	vmul.f32 v23, v22;
	(erf) = vpow2.f32 v24;
	v59 =	vld [tilespmem:s20+$0x4F30];
	[tilespmem:s2+$0x80] =	vst v25  }
0x498: {  	v23 =	vmul.f32 v60, v36;
	v24 =	vmul.f32 v35, v27;
	v58 =	vld [tilespmem:s4+$0x4F10]  }
0x499: {  	v27 =	vld [tilespmem:s4+$0x6F10]  }
0x49a: {  	v21 =	vmul.f32 v23, v21;
	v23 =	vld [tilespmem:s20+$0x6F30];
	v24 =	vmul.f32 v24, v13  }
0x49b: {  	v25 =	vld [tilespmem:s21+$0x4F30];
	v26 =	vmul.f32 v28, v26;
	v28 =	vmul.f32 v31, v48  }
0x49c: {  	v30 =	vld [tilespmem:s19+$0x6F00]  }
0x49d: {  	v19 =	vmul.f32 v22, v19;
	v31 =	vld [tilespmem:s5+$0x6F60];
	[tilespmem:s0+$0xFFFFFF50] =	vst v24;
	v26 =	vmul.f32 v26, v16  }
0x49e: {  	v22 =	vmul.f32 v56, v55;
	v60 =	vpop (erf);
	v61 =	vld [tilespmem:s25+$0x4F60];
	v27 =	vmul.f32 v27, v58  }
0x49f: {  	v35 =	vadd.f32 $1.000000000e+00, v60;
	v62 =	vmul.f32 v28, v14;
	v33 =	vmul.f32 v23, v59;
	v28 =	vpop (erf);
	[tilespmem:s3+$0xFFFFFFB0] =	vst v26;
	v26 =	vld [tilespmem:s25+$0x6F60]  }
0x4a0: {  	[tilespmem:s0+$0xF0] =	vst v19;
	v25 =	vmul.f32 v29, v25;
	v19 =	vadd.f32 $1.000000000e+00, v28;
	v28 =	vld [tilespmem:s29+$0x4F40];
	v27 =	vmul.f32 v20, v27;
	v63 =	vpop (erf)  }
0x4a1: {  	[tilespmem:s0+$0xFFFFFFE0] =	vst v62;
	v33 =	vmul.f32 v33, v17;
	v29 =	vld [tilespmem:s29+$0x6F40];
	(erf) = vrcp.f32 v35;
	v34 =	vadd.f32 $1.000000000e+00, v63  }
0x4a2: {  	v23 =	vld [tilespmem:s28+$0x4F70];
	(erf) = vrcp.f32 v19;
	[tilespmem:s2+$0x90] =	vst v27;
	v27 =	vmul.f32 v25, v18  }
0x4a3: {  	[tilespmem:s3+$0xF0] =	vst v21;
	v31 =	vmul.f32 v31, v50;
	v19 =	vld [tilespmem:s4+$0x4F20];
	(erf) = vrcp.f32 v34  }
0x4a4: {  	s31 =	simm.s32 $0x4;
	v24 =	vmul.f32 v53, v52;
	v25 =	vmul.f32 v30, v57;
	v21 =	vld [tilespmem:s4+$0x6F20];
	[tilespmem:s3+$0x30] =	vst v27  }
0x4a5: {  	p2 =	por !p2, !p2;
	s7 =	simm.s32 $0xB400;
	s18 =	simm.s32 $0x8;
	[tilespmem:s3+$0xFFFFFF30] =	vst v33;
	v30 =	vmul.f32 v31, v15;
	v27 =	vmul.f32 v26, v61;
	v26 =	vld [tilespmem:s21+$0x4F40]  }
.LBB2_11:
0x4a6: {  	s6 =	simm.s32 $0x1  }
0x4a7: {  	s12 =	sadd.s32 $0x4, s12;
	s13 =	sadd.s32 $0x2, s13;
	v28 =	vmul.f32 v29, v28;
	v29 =	vld [tilespmem:s21+$0x6F40];
	v32 =	vmul.f32 v27, v13;
	s6 =	simm.s32 @!p2 $0x0  }
0x4a8: {  	s9 =	sand.u32 $0x7, s12;
	s10 =	sand.u32 $0x3, s13;
	s6 =	sshll.u32 s6, $0x9;
	v31 =	vld [tilespmem:s20+$0x4F40];
	[tilespmem:s0+$0x60] =	vst v30  }
0x4a9: {  	s8 =	sadd.s32 $0x400, s8;
	s9 =	sshll.u32 s9, $0x7;
	s10 =	sshll.u32 s10, $0x8;
	v28 =	vmul.f32 v28, v16;
	v30 =	vld [tilespmem:s20+$0x6F40];
	[tilespmem:s0+$0xFFFFFF60] =	vst v32  }
0x4aa: {  	s10 =	sadd.s32 s8, s10;
	s16 =	sadd.s32 s6, s8;
	s6 =	sadd.s32 s9, s8;
	v35 =	vmul.f32 v21, v19;
	v27 =	vpop (erf);
	v32 =	vld [tilespmem:s28+$0x6F70]  }
0x4ab: {  	s9 =	sadd.s32 $0x80, s6;
	s10 =	sadd.s32 $0x100, s10;
	s24 =	sadd.s32 $0x180, s6;
	v33 =	vmul.f32 v27, v22;
	v19 =	vpop (erf);
	[tilespmem:s3+$0xFFFFFFC0] =	vst v28;
	v22 =	vld [tilespmem:s5+$0x4F70]  }
0x4ac: {  	s26 =	sor.u32 $0x400, s9;
	s9 =	sor.u32 $0x410, s9;
	s28 =	sor.u32 $0x400, s24;
	v34 =	vmul.f32 v20, v35;
	v28 =	vmul.f32 v19, v24;
	v21 =	vpop (erf);
	v24 =	vld [tilespmem:s29+$0x4F50]  }
0x4ad: {  	s6 =	sor.u32 $0x400, s16;
	s14 =	sor.u32 $0x400, s10;
	s23 =	sor.u32 $0x410, s10;
	v26 =	vmul.f32 v29, v26;
	v35 =	vld [tilespmem:s28+$0x4F00];
	[tilespmem:s2+$0xFFFFFF80] =	vst v33;
	v25 =	vmul.f32 v21, v25  }
0x4ae: {  	s22 =	sor.u32 $0x410, s16;
	v29 =	vld [tilespmem:s28+$0x6F00];
	[tilespmem:s2+$0xA0] =	vst v34;
	v30 =	vmul.f32 v30, v31;
	s28 =	smov.u32 s29;
	s29 =	smov.u32 s11  }
0x4af: {  	v26 =	vmul.f32 v26, v18;
	[tilespmem:s2+$0x0] =	vst v25;
	v25 =	vld [tilespmem:s4+$0x4F30];
	v23 =	vmul.f32 v32, v23  }
0x4b0: {  	s10 =	sor.u32 $0x410, s24;
	[tilespmem:s2+$0xFFFFFF00] =	vst v28;
	v28 =	vld [tilespmem:s4+$0x6F30];
	v30 =	vmul.f32 v30, v17  }
0x4b1: {  	v31 =	vld [tilespmem:s10+$0x4F00];
	[tilespmem:s3+$0x40] =	vst v26;
	v23 =	vmul.f32 v23, v14;
	v14 =	vmov v16;
	v16 =	vmov v27  }
0x4b2: {  	s1 =	sadd.s32 $0x200, s1;
	v26 =	vld [tilespmem:s10+$0x6F00];
	[tilespmem:s3+$0xFFFFFF40] =	vst v30  }
0x4b3: {  	v27 =	vld [tilespmem:s1+$0x80];
	[tilespmem:s0+$0xFFFFFFF0] =	vst v23  }
0x4b4: {  	s18 =	sadd.s32 $0x4, s18;
	v23 =	vld [tilespmem:s1+$0x90]  }
0x4b5: {  	p3 =	slt.u32 s18, $0x1C;
	v30 =	vld [tilespmem:s26+$0x4F00];
	v25 =	vmul.f32 v28, v25  }
0x4b6: {  	v28 =	vld [tilespmem:s26+$0x6F00]  }
0x4b7: {  	v29 =	vadd.f32 v29, v35;
	v32 =	vld [tilespmem:s9+$0x4F00];
	v26 =	vadd.f32 v26, v31;
	v25 =	vmul.f32 v25, v20  }
0x4b8: {  	v31 =	vld [tilespmem:s9+$0x6F00]  }
0x4b9: {  	v27 =	vadd.f32 v27, v29;
	v33 =	vld [tilespmem:s14+$0x4F00];
	v23 =	vadd.f32 v23, v26;
	[tilespmem:s2+$0xB0] =	vst v25  }
0x4ba: {  	v25 =	vld [tilespmem:s4+$0x4F40]  }
0x4bb: {  	v26 =	vadd.f32 v27, v8;
	v23 =	vadd.f32 v23, v9;
	v27 =	vld [tilespmem:s4+$0x6F40]  }
0x4bc: {  	v28 =	vadd.f32 v28, v30;
	v29 =	vld [tilespmem:s14+$0x6F00]  }
0x4bd: {  	v26 =	vmax.f32 v26, $0.0e+00;
	v30 =	vadd.f32 v31, v32;
	v31 =	vld [tilespmem:s23+$0x4F00];
	v23 =	vmax.f32 v23, $0.0e+00  }
0x4be: {  	v26 =	vmul.f32 v26, v10;
	v32 =	vld [tilespmem:s23+$0x6F00];
	v23 =	vmul.f32 v23, v11  }
0x4bf: {  	v34 =	vld [tilespmem:s6+$0x4F00]  }
0x4c0: {  	v35 =	vld [tilespmem:s6+$0x6F00];
	v23 =	vadd.f32 v23, v26;
	v25 =	vmul.f32 v27, v25  }
0x4c1: {  	v26 =	vld [tilespmem:s22+$0x4F00];
	v27 =	vadd.f32 v29, v33  }
0x4c2: {  	v29 =	vld [tilespmem:s22+$0x6F00];
	v33 =	vperm.xlane v23, v4;
	v25 =	vmul.f32 v25, v20  }
0x4c3: {  	v36 =	vld [tilespmem:s1+$0xFFFFFF00];
	v31 =	vadd.f32 v32, v31  }
0x4c4: {  	v32 =	vld [tilespmem:s1+$0xFFFFFF10];
	v23 =	vadd.f32 v23, v33;
	[tilespmem:s2+$0xC0] =	vst v25  }
0x4c5: {  	v25 =	vadd.f32 v35, v34;
	v33 =	vld [tilespmem:s4+$0x4F50]  }
0x4c6: {  	v34 =	vperm.xlane v23, v5;
	v35 =	vld [tilespmem:s4+$0x6F50]  }
0x4c7: {  	v26 =	vadd.f32 v29, v26;
	v29 =	vld [tilespmem:s1+$0xFFFFFF80]  }
0x4c8: {  	v25 =	vadd.f32 v36, v25;
	v36 =	vld [tilespmem:s1+$0xFFFFFF90];
	v23 =	vadd.f32 v23, v34  }
0x4c9: {  	v26 =	vadd.f32 v32, v26;
	v32 =	vld [tilespmem:s1+$0x0]  }
0x4ca: {  	v25 =	vadd.f32 v25, v8;
	v34 =	vld [tilespmem:s1+$0x10];
	v37 =	vperm.xlane v23, v6  }
0x4cb: {  	v26 =	vadd.f32 v26, v9;
	v38 =	vld [tilespmem:s29+$0x4F10];
	v33 =	vmul.f32 v35, v33  }
0x4cc: {  	v25 =	vmax.f32 v25, $0.0e+00;
	v28 =	vadd.f32 v29, v28;
	v23 =	vadd.f32 v23, v37;
	v29 =	vld [tilespmem:s29+$0x6F10]  }
0x4cd: {  	v26 =	vmax.f32 v26, $0.0e+00;
	v30 =	vadd.f32 v36, v30;
	v35 =	vld [tilespmem:s19+$0x4F10];
	v33 =	vmul.f32 v33, v20  }
0x4ce: {  	v28 =	vadd.f32 v28, v8;
	v27 =	vadd.f32 v32, v27;
	v32 =	vperm.xlane v23, v7;
	v36 =	vld [tilespmem:s19+$0x6F10]  }
0x4cf: {  	v25 =	vmul.f32 v25, v10;
	v30 =	vadd.f32 v30, v9;
	v31 =	vadd.f32 v34, v31;
	v34 =	vld [tilespmem:s15+$0x4F10];
	[tilespmem:s2+$0xD0] =	vst v33  }
0x4d0: {  	v28 =	vmax.f32 v28, $0.0e+00;
	v27 =	vadd.f32 v27, v8;
	v23 =	vadd.f32 v23, v32;
	v32 =	vld [tilespmem:s4+$0x4F60]  }
0x4d1: {  	v28 =	vmul.f32 v28, v10;
	v30 =	vmax.f32 v30, $0.0e+00;
	v31 =	vadd.f32 v31, v9;
	v33 =	vld [tilespmem:s4+$0x6F60]  }
0x4d2: {  	v30 =	vmul.f32 v30, v11;
	v27 =	vmax.f32 v27, $0.0e+00;
	v23 =	vadd.f32 v23, v12;
	v37 =	vld [tilespmem:s15+$0x6F10]  }
0x4d3: {  	v26 =	vmul.f32 v26, v11;
	v27 =	vmul.f32 v27, v10;
	v31 =	vmax.f32 v31, $0.0e+00;
	v39 =	vld [tilespmem:s28+$0x6F50]  }
0x4d4: {  	v28 =	vadd.f32 v30, v28;
	v30 =	vmul.f32 v31, v11;
	v23 =	vsub.f32 $0.0e+00, v23;
	v31 =	vld [tilespmem:s21+$0x4F50]  }
0x4d5: {  	v25 =	vadd.f32 v26, v25;
	v26 =	vmul.f32 v29, v38;
	v29 =	vmul.f32 v36, v35;
	v35 =	vld [tilespmem:s21+$0x6F50]  }
0x4d6: {  	v27 =	vadd.f32 v30, v27;
	v23 =	vmul.f32 $1.442695020e+00, v23;
	v30 =	vmul.f32 v33, v32;
	v32 =	vld [tilespmem:s20+$0x4F50]  }
0x4d7: {  	v33 =	vperm.xlane v25, v4;
	v36 =	vperm.xlane v28, v4;
	v38 =	vld [tilespmem:s20+$0x6F50]  }
0x4d8: {  	(erf) = vpow2.f32 v23;
	v23 =	vmul.f32 v30, v20;
	v30 =	vld [tilespmem:s5+$0x6F70];
	s5 =	smov.u32 s21;
	s21 =	smov.u32 s19  }
0x4d9: {  	v25 =	vadd.f32 v25, v33;
	v28 =	vadd.f32 v28, v36;
	v33 =	vperm.xlane v27, v4;
	v36 =	vld [tilespmem:s25+$0x4F70]  }
0x4da: {  	v26 =	vmul.f32 v16, v26;
	v34 =	vmul.f32 v37, v34;
	[tilespmem:s2+$0xE0] =	vst v23;
	v23 =	vld [tilespmem:s25+$0x6F70];
	s25 =	smov.u32 s20;
	s20 =	smov.u32 s15  }
0x4db: {  	v37 =	vperm.xlane v25, v5;
	v40 =	vperm.xlane v28, v5;
	v27 =	vadd.f32 v27, v33;
	v33 =	vld [tilespmem:s4+$0x4F70]  }
0x4dc: {  	v34 =	vmul.f32 v19, v34;
	[tilespmem:s2+$0xFFFFFF90] =	vst v26;
	v26 =	vmul.f32 v21, v29;
	v29 =	vld [tilespmem:s4+$0x6F70]  }
0x4dd: {  	v25 =	vadd.f32 v25, v37;
	v28 =	vadd.f32 v28, v40;
	v37 =	vperm.xlane v27, v5;
	v40 =	vld [tilespmem:s29+$0x4F20]  }
0x4de: {  	v24 =	vmul.f32 v39, v24;
	v41 =	vld [tilespmem:s29+$0x6F20];
	[tilespmem:s2+$0x10] =	vst v26;
	v26 =	vmul.f32 v35, v31  }
0x4df: {  	v31 =	vperm.xlane v25, v6;
	v35 =	vperm.xlane v28, v6;
	v27 =	vadd.f32 v27, v37;
	[tilespmem:s2+$0xFFFFFF10] =	vst v34;
	v34 =	vld [tilespmem:s21+$0x4F20]  }
0x4e0: {  	v24 =	vmul.f32 v24, v14;
	v32 =	vmul.f32 v38, v32;
	v37 =	vld [tilespmem:s21+$0x6F20]  }
0x4e1: {  	v28 =	vadd.f32 v28, v35;
	v35 =	vperm.xlane v27, v6;
	v38 =	vpop (erf);
	v39 =	vld [tilespmem:s20+$0x4F20];
	v29 =	vmul.f32 v29, v33  }
0x4e2: {  	v25 =	vadd.f32 v25, v31;
	v31 =	vadd.f32 $1.000000000e+00, v38;
	v33 =	vld [tilespmem:s20+$0x6F20];
	[tilespmem:s3+$0xFFFFFFD0] =	vst v24;
	v24 =	vmul.f32 v26, v18  }
0x4e3: {  	s17 =	sadd.s32 $0x200, s17;
	v26 =	vperm.xlane v28, v7;
	v27 =	vadd.f32 v27, v35;
	v20 =	vmul.f32 v29, v20;
	v29 =	vld [tilespmem:s28+$0x4F60]  }
0x4e4: {  	s9 =	sadd.s32 $0xFFFFFE80, s17;
	s6 =	sand.u32 $0x1800, s8;
	s4 =	sand.u32 $0x380, s17;
	v35 =	vperm.xlane v25, v7;
	(erf) = vrcp.f32 v31;
	v31 =	vld [tilespmem:s28+$0x6F60];
	[tilespmem:s3+$0x50] =	vst v24  }
0x4e5: {  	s11 =	sadd.s32 $0xFFFFFF80, s17;
	s10 =	sadd.s32 $0xFFFFFF00, s17;
	s4 =	sor.u32 s6, s4;
	v24 =	vadd.f32 v28, v26;
	v26 =	vperm.xlane v27, v7;
	v28 =	vmul.f32 v41, v40;
	[tilespmem:s2+$0xF0] =	vst v20;
	v38 =	vld [tilespmem:s5+$0x4F60]  }
0x4e6: {  	s10 =	sand.u32 $0x280, s10;
	s9 =	sand.u32 $0x200, s9;
	s14 =	sand.u32 $0x300, s11;
	v32 =	vmul.f32 v32, v17;
	v20 =	vadd.f32 v25, v35;
	v34 =	vmul.f32 v37, v34;
	v25 =	vld [tilespmem:s4+$0x4F00]  }
0x4e7: {  	s11 =	sor.u32 s6, s10;
	s19 =	sor.u32 s6, s14;
	s15 =	sor.u32 s9, s6;
	v24 =	vadd.f32 v24, v12;
	v26 =	vadd.f32 v27, v26;
	v27 =	vld [tilespmem:s4+$0x6F00];
	v33 =	vmul.f32 v33, v39  }
0x4e8: {  	v28 =	vmul.f32 v16, v28;
	v20 =	vadd.f32 v20, v12;
	v34 =	vmul.f32 v21, v34;
	v35 =	vld [tilespmem:s15+$0x4F00];
	[tilespmem:s3+$0xFFFFFF50] =	vst v32  }
0x4e9: {  	v24 =	vsub.f32 $0.0e+00, v24;
	v26 =	vadd.f32 v26, v12;
	v32 =	vld [tilespmem:s15+$0x6F00];
	v33 =	vmul.f32 v19, v33  }
0x4ea: {  	v39 =	vsub.f32 $0.0e+00, v20;
	v37 =	vld [tilespmem:s11+$0x4F00];
	[tilespmem:s2+$0xFFFFFFA0] =	vst v28;
	v28 =	vmul.f32 v31, v29;
	v29 =	vmul.f32 v30, v22  }
0x4eb: {  	v23 =	vmul.f32 v23, v36;
	v22 =	vmul.f32 $1.442695020e+00, v24;
	v24 =	vsub.f32 $0.0e+00, v26;
	v30 =	vld [tilespmem:s11+$0x6F00];
	[tilespmem:s2+$0x20] =	vst v34  }
0x4ec: {  	v26 =	vmul.f32 $1.442695020e+00, v39;
	v31 =	vld [tilespmem:s19+$0x4F00];
	v25 =	vmul.f32 v27, v25;
	[tilespmem:s2+$0xFFFFFF20] =	vst v33  }
0x4ed: {  	v27 =	vmul.f32 $1.442695020e+00, v24;
	v33 =	vld [tilespmem:s19+$0x6F00];
	(erf) = vpow2.f32 v22;
	v20 =	vpop (erf)  }
0x4ee: {  	v25 =	vmul.f32 v20, v25;
	(erf) = vpow2.f32 v26;
	v26 =	vld [tilespmem:s29+$0x4F30]  }
0x4ef: {  	s2 =	sadd.s32 $0x200, s2;
	v24 =	vmul.f32 v32, v35;
	(erf) = vpow2.f32 v27;
	v27 =	vld [tilespmem:s29+$0x6F30]  }
0x4f0: {  	v28 =	vmul.f32 v28, v14;
	v22 =	vmul.f32 v30, v37;
	[tilespmem:s2+$0x80] =	vst v25;
	v30 =	vld [tilespmem:s21+$0x4F30]  }
0x4f1: {  	v23 =	vmul.f32 v23, v13;
	v13 =	vmovc v17;
	v17 =	vmovc v19;
	v29 =	vmul.f32 v29, v15;
	v15 =	vmov v18;
	v32 =	vld [tilespmem:s4+$0x4F10]  }
0x4f2: {  	v18 =	vmov v21;
	v25 =	vmul.f32 v33, v31;
	v19 =	vld [tilespmem:s4+$0x6F10];
	[tilespmem:s3+$0xFFFFFFE0] =	vst v28  }
0x4f3: {  	v21 =	vld [tilespmem:s21+$0x6F30];
	[tilespmem:s0+$0x70] =	vst v29  }
0x4f4: {  	v29 =	vld [tilespmem:s20+$0x4F30];
	v26 =	vmul.f32 v27, v26;
	[tilespmem:s0+$0xFFFFFF70] =	vst v23;
	s0 =	smov.u32 s3;
	s3 =	smov.u32 s7;
	s7 =	smov.u32 s2  }
0x4f5: {  	v23 =	vld [tilespmem:s20+$0x6F30]  }
0x4f6: {  	v27 =	vpop (erf);
	v26 =	vmul.f32 v26, v16;
	v31 =	vld [tilespmem:s5+$0x6F60]  }
0x4f7: {  	v27 =	vadd.f32 $1.000000000e+00, v27;
	v19 =	vmul.f32 v19, v32;
	v28 =	vpop (erf);
	v32 =	vld [tilespmem:s25+$0x4F60]  }
0x4f8: {  	v33 =	vadd.f32 $1.000000000e+00, v28;
	v28 =	vpop (erf);
	[tilespmem:s3+$0xFFFFFFB0] =	vst v26;
	v21 =	vmul.f32 v21, v30;
	v26 =	vld [tilespmem:s25+$0x6F60]  }
0x4f9: {  	v30 =	vadd.f32 $1.000000000e+00, v28;
	v19 =	vmul.f32 v20, v19;
	(erf) = vrcp.f32 v27;
	v28 =	vld [tilespmem:s29+$0x4F40]  }
.Ltmp6:
0x4fa: {  	(erf) = vrcp.f32 v33;
	v27 =	vmul.f32 v23, v29;
	v29 =	vld [tilespmem:s29+$0x6F40];
	(pc) =	sbr.rel @p3 .LBB2_11-.Ltmp6, $4  }
0x4fb: {  	[tilespmem:s2+$0x90] =	vst v19;
	(erf) = vrcp.f32 v30;
	v30 =	vmul.f32 v21, v18;
	v23 =	vld [tilespmem:s28+$0x4F70]  }
0x4fc: {  	v31 =	vmul.f32 v31, v38;
	v19 =	vld [tilespmem:s4+$0x4F20];
	v33 =	vmul.f32 v27, v17  }
0x4fd: {  	v21 =	vld [tilespmem:s4+$0x6F20];
	[tilespmem:s3+$0x30] =	vst v30;
	v27 =	vmul.f32 v26, v32  }
0x4fe: {  	p2 =	por !p2, !p2;
	v30 =	vmul.f32 v31, v15;
	[tilespmem:s3+$0xFFFFFF30] =	vst v33;
	v26 =	vld [tilespmem:s21+$0x4F40]  }
0x4ff: {  	_ =	sdelay $0x2  }
0x500: {  	v19 =	vmul.f32 v21, v19;
	_ =	sdelay $0x1  }
0x501: {  	v19 =	vmul.f32 v20, v19;
	_ =	sdelay $0x1  }
0x502: {  	[tilespmem:s2+$0xA0] =	vst v19  }
0x503: {  	v19 =	vld [tilespmem:s4+$0x4F30]  }
0x504: {  	v59 =	vld [tilespmem:s4+$0x6F30];
	_ =	sdelay $0x4  }
0x505: {  	v19 =	vmul.f32 v59, v19;
	_ =	sdelay $0x1  }
0x506: {  	v21 =	vpop (erf);
	v19 =	vmul.f32 v19, v20  }
0x507: {  	v32 =	vmul.f32 v21, v22  }
0x508: {  	v35 =	vld [tilespmem:s20+$0x4F40]  }
0x509: {  	v38 =	vld [tilespmem:s20+$0x6F40];
	[tilespmem:s2+$0xFFFFFF80] =	vst v32  }
0x50a: {  	v32 =	vld [tilespmem:s11+$0x4F10];
	[tilespmem:s2+$0xB0] =	vst v19;
	v19 =	vpop (erf)  }
0x50b: {  	v60 =	vld [tilespmem:s11+$0x6F10];
	v24 =	vmul.f32 v19, v24  }
0x50c: {  	v31 =	vld [tilespmem:s4+$0x4F40];
	v22 =	vpop (erf)  }
0x50d: {  	v33 =	vld [tilespmem:s4+$0x6F40];
	v25 =	vmul.f32 v22, v25;
	[tilespmem:s2+$0xFFFFFF00] =	vst v24  }
0x50e: {  	v36 =	vld [tilespmem:s15+$0x4F10]  }
0x50f: {  	v28 =	vmul.f32 v29, v28;
	[tilespmem:s2+$0x0] =	vst v25;
	v37 =	vld [tilespmem:s15+$0x6F10]  }
0x510: {  	v27 =	vmul.f32 v27, v13;
	v61 =	vld [tilespmem:s19+$0x4F10]  }
0x511: {  	[tilespmem:s0+$0x60] =	vst v30;
	v28 =	vmul.f32 v28, v16;
	v62 =	vld [tilespmem:s19+$0x6F10]  }
0x512: {  	v34 =	vld [tilespmem:s21+$0x6F40];
	[tilespmem:s0+$0xFFFFFF60] =	vst v27;
	v25 =	vmul.f32 v60, v32  }
0x513: {  	v27 =	vld [tilespmem:s5+$0x6F70];
	[tilespmem:s3+$0xFFFFFFC0] =	vst v28  }
0x514: {  	v49 =	vld [tilespmem:s29+$0x4F50];
	v39 =	vmul.f32 v21, v25;
	v41 =	vmul.f32 v37, v36  }
0x515: {  	v51 =	vld [tilespmem:s29+$0x6F50];
	v54 =	vmul.f32 v38, v35;
	v31 =	vmul.f32 v33, v31  }
0x516: {  	v35 =	vld [tilespmem:s25+$0x4F70];
	[tilespmem:s2+$0xFFFFFF90] =	vst v39;
	v33 =	vmul.f32 v62, v61;
	v43 =	vmul.f32 v19, v41  }
0x517: {  	v42 =	vld [tilespmem:s11+$0x4F20]  }
0x518: {  	v26 =	vmul.f32 v34, v26;
	v44 =	vld [tilespmem:s11+$0x6F20];
	v33 =	vmul.f32 v22, v33;
	[tilespmem:s2+$0xFFFFFF10] =	vst v43  }
0x519: {  	v47 =	vld [tilespmem:s15+$0x4F20]  }
0x51a: {  	v26 =	vmul.f32 v26, v18;
	[tilespmem:s2+$0x10] =	vst v33;
	v48 =	vld [tilespmem:s15+$0x6F20]  }
0x51b: {  	v45 =	vld [tilespmem:s19+$0x4F20]  }
0x51c: {  	[tilespmem:s3+$0x40] =	vst v26;
	v46 =	vld [tilespmem:s19+$0x6F20]  }
0x51d: {  	v52 =	vld [tilespmem:s21+$0x4F50];
	v31 =	vmul.f32 v31, v20;
	v30 =	vmul.f32 v44, v42  }
0x51e: {  	v59 =	vld [tilespmem:s21+$0x6F50]  }
0x51f: {  	v24 =	vld [tilespmem:s5+$0x4F70];
	[tilespmem:s2+$0xC0] =	vst v31;
	v30 =	vmul.f32 v21, v30;
	v28 =	vmul.f32 v48, v47  }
0x520: {  	v31 =	vld [tilespmem:s4+$0x4F50]  }
0x521: {  	v63 =	vld [tilespmem:s4+$0x6F50];
	[tilespmem:s2+$0xFFFFFFA0] =	vst v30;
	v29 =	vmul.f32 v46, v45;
	v28 =	vmul.f32 v19, v28  }
0x522: {  	v30 =	vld [tilespmem:s11+$0x4F30]  }
0x523: {  	v53 =	vld [tilespmem:s11+$0x6F30];
	v29 =	vmul.f32 v22, v29;
	[tilespmem:s2+$0xFFFFFF20] =	vst v28  }
0x524: {  	v57 =	vld [tilespmem:s15+$0x4F30]  }
0x525: {  	[tilespmem:s2+$0x20] =	vst v29;
	v58 =	vld [tilespmem:s15+$0x6F30]  }
0x526: {  	v31 =	vmul.f32 v63, v31;
	v33 =	vmul.f32 v54, v17;
	v55 =	vld [tilespmem:s19+$0x4F30]  }
0x527: {  	v56 =	vld [tilespmem:s19+$0x6F30]  }
0x528: {  	v25 =	vld [tilespmem:s28+$0x6F70];
	v31 =	vmul.f32 v31, v20;
	[tilespmem:s3+$0xFFFFFF40] =	vst v33;
	v29 =	vmul.f32 v53, v30  }
0x529: {  	v60 =	vld [tilespmem:s20+$0x4F50]  }
0x52a: {  	v61 =	vld [tilespmem:s20+$0x6F50];
	[tilespmem:s2+$0xD0] =	vst v31;
	v29 =	vmul.f32 v29, v21;
	v62 =	vmul.f32 v58, v57  }
0x52b: {  	v31 =	vld [tilespmem:s4+$0x4F60]  }
0x52c: {  	v50 =	vld [tilespmem:s4+$0x6F60];
	[tilespmem:s7+$0xFFFFFFB0] =	vst v29;
	v28 =	vmul.f32 v56, v55;
	v29 =	vmul.f32 v62, v19  }
0x52d: {  	v63 =	vld [tilespmem:s11+$0x4F40]  }
0x52e: {  	v26 =	vmul.f32 v51, v49;
	v40 =	vld [tilespmem:s11+$0x6F40];
	v28 =	vmul.f32 v28, v22;
	[tilespmem:s7+$0xFFFFFF30] =	vst v29  }
0x52f: {  	v44 =	vld [tilespmem:s15+$0x4F40]  }
0x530: {  	v26 =	vmul.f32 v26, v16;
	v32 =	vmul.f32 v59, v52;
	[tilespmem:s7+$0x30] =	vst v28;
	v45 =	vld [tilespmem:s15+$0x6F40]  }
0x531: {  	v30 =	vmul.f32 v61, v60;
	v42 =	vld [tilespmem:s19+$0x4F40]  }
0x532: {  	[tilespmem:s3+$0xFFFFFFD0] =	vst v26;
	v32 =	vmul.f32 v32, v18;
	v43 =	vld [tilespmem:s19+$0x6F40]  }
0x533: {  	v47 =	vld [tilespmem:s29+$0x6F60];
	v30 =	vmul.f32 v30, v17;
	v37 =	vmul.f32 v40, v63  }
0x534: {  	[tilespmem:s3+$0x50] =	vst v32;
	v46 =	vld [tilespmem:s29+$0x4F60]  }
0x535: {  	[tilespmem:s3+$0xFFFFFF50] =	vst v30;
	v57 =	vld [tilespmem:s21+$0x6F60];
	v37 =	vmul.f32 v37, v21;
	v34 =	vmul.f32 v45, v44  }
0x536: {  	v58 =	vld [tilespmem:s20+$0x4F60]  }
0x537: {  	v59 =	vld [tilespmem:s20+$0x6F60];
	[tilespmem:s7+$0xFFFFFFC0] =	vst v37;
	v29 =	vmul.f32 v43, v42;
	v49 =	vmul.f32 v34, v19  }
0x538: {  	v48 =	vld [tilespmem:s11+$0x4F50]  }
0x539: {  	v41 =	vmul.f32 v50, v31;
	v50 =	vld [tilespmem:s11+$0x6F50];
	v29 =	vmul.f32 v29, v22;
	[tilespmem:s7+$0xFFFFFF40] =	vst v49  }
0x53a: {  	v31 =	vmul.f32 v47, v46;
	v53 =	vld [tilespmem:s15+$0x4F50]  }
0x53b: {  	[tilespmem:s7+$0x40] =	vst v29;
	v54 =	vld [tilespmem:s15+$0x6F50]  }
0x53c: {  	v56 =	vmul.f32 v31, v16;
	v51 =	vld [tilespmem:s19+$0x4F50]  }
0x53d: {  	v52 =	vld [tilespmem:s19+$0x6F50]  }
0x53e: {  	v55 =	vld [tilespmem:s21+$0x4F60];
	[tilespmem:s3+$0xFFFFFFE0] =	vst v56;
	v29 =	vmul.f32 v50, v48  }
0x53f: {  	v60 =	vld [tilespmem:s29+$0x4F70];
	v28 =	vmul.f32 v41, v20  }
0x540: {  	v46 =	vld [tilespmem:s29+$0x6F70];
	v29 =	vmul.f32 v29, v21;
	v32 =	vmul.f32 v54, v53  }
0x541: {  	[tilespmem:s2+$0xE0] =	vst v28;
	v28 =	vld [tilespmem:s25+$0x6F70]  }
0x542: {  	v38 =	vld [tilespmem:s4+$0x4F70];
	[tilespmem:s7+$0xFFFFFFD0] =	vst v29;
	v33 =	vmul.f32 v52, v51;
	v41 =	vmul.f32 v32, v19  }
0x543: {  	v62 =	vld [tilespmem:s11+$0x4F60]  }
0x544: {  	v63 =	vld [tilespmem:s11+$0x6F60];
	v61 =	vmul.f32 v33, v22;
	[tilespmem:s7+$0xFFFFFF50] =	vst v41  }
0x545: {  	v31 =	vmul.f32 v57, v55;
	v44 =	vld [tilespmem:s15+$0x4F60]  }
0x546: {  	v30 =	vmul.f32 v59, v58;
	[tilespmem:s7+$0x50] =	vst v61;
	v45 =	vld [tilespmem:s15+$0x6F60]  }
0x547: {  	v31 =	vmul.f32 v31, v18;
	v42 =	vld [tilespmem:s19+$0x4F60]  }
0x548: {  	v30 =	vmul.f32 v30, v17;
	v43 =	vld [tilespmem:s19+$0x6F60]  }
0x549: {  	v26 =	vld [tilespmem:s4+$0x6F70];
	[tilespmem:s3+$0x60] =	vst v31;
	v33 =	vmul.f32 v63, v62  }
0x54a: {  	[tilespmem:s3+$0xFFFFFF60] =	vst v30;
	v47 =	vld [tilespmem:s21+$0x4F70]  }
0x54b: {  	v49 =	vld [tilespmem:s20+$0x4F70];
	v33 =	vmul.f32 v33, v21;
	v36 =	vmul.f32 v45, v44  }
0x54c: {  	v23 =	vmul.f32 v25, v23;
	v48 =	vld [tilespmem:s21+$0x6F70]  }
0x54d: {  	v50 =	vld [tilespmem:s20+$0x6F70];
	[tilespmem:s7+$0xFFFFFFE0] =	vst v33;
	v29 =	vmul.f32 v43, v42;
	v52 =	vmul.f32 v36, v19  }
0x54e: {  	v14 =	vmul.f32 v23, v14;
	v55 =	vmul.f32 v27, v24;
	v51 =	vld [tilespmem:s11+$0x4F70]  }
0x54f: {  	v53 =	vld [tilespmem:s11+$0x6F70];
	v29 =	vmul.f32 v29, v22;
	[tilespmem:s7+$0xFFFFFF60] =	vst v52  }
0x550: {  	[tilespmem:s0+$0xFFFFFFF0] =	vst v14;
	v14 =	vmul.f32 v55, v15;
	v59 =	vld [tilespmem:s15+$0x4F70]  }
0x551: {  	v15 =	vmul.f32 v46, v60;
	v58 =	vmul.f32 v28, v35;
	[tilespmem:s7+$0x60] =	vst v29;
	v60 =	vld [tilespmem:s15+$0x6F70]  }
0x552: {  	v54 =	vld [tilespmem:s19+$0x4F70]  }
0x553: {  	v13 =	vmul.f32 v58, v13;
	v61 =	vmul.f32 v48, v47;
	v56 =	vld [tilespmem:s19+$0x6F70]  }
0x554: {  	[tilespmem:s0+$0x70] =	vst v14;
	v14 =	vmul.f32 v15, v16;
	v26 =	vmul.f32 v26, v38  }
0x555: {  	[tilespmem:s0+$0xFFFFFF70] =	vst v13;
	v13 =	vmul.f32 v61, v18;
	v62 =	vmul.f32 v53, v51  }
0x556: {  	[tilespmem:s3+$0xFFFFFFF0] =	vst v14;
	v57 =	vmul.f32 v26, v20;
	v15 =	vmul.f32 v50, v49  }
0x557: {  	[tilespmem:s3+$0x70] =	vst v13;
	v13 =	vmul.f32 v62, v21;
	v63 =	vmul.f32 v60, v59  }
0x558: {  	[tilespmem:s2+$0xF0] =	vst v57;
	v14 =	vmul.f32 v15, v17;
	v15 =	vmul.f32 v56, v54  }
0x559: {  	[tilespmem:s7+$0xFFFFFFF0] =	vst v13;
	v13 =	vmul.f32 v63, v19  }
0x55a: {  	s30 =	sadd.s32 $0x1, s30;
	[tilespmem:s3+$0xFFFFFF70] =	vst v14;
	v14 =	vmul.f32 v15, v22  }
0x55b: {  	s1 =	simm.s32 $0xAF00;
	p2 =	sne.s32 s30, $0xD;
	s28 =	rddreg [dreg:$0x4];
	[tilespmem:s7+$0xFFFFFF70] =	vst v13  }
.Ltmp7:
0x55c: {  	s29 =	simm.s32 $0xE80;
	s4 =	simm.s32 $0x20;
	[tilespmem:s7+$0x70] =	vst v14;
	(pc) =	sbr.rel @p2 .LBB2_5-.Ltmp7, $4  }
0x55d: {  	[spmem:s28] =	stream.indirect.scatter.add.f32 [tilespmem:s1], [sflag:$0x4], $0x80, s29, s4, $0xb8;
	[tilespmem:$0x1FA80] =	vst v63  }
0x55e: {  	_ =	swait.ge [sflag:s31], $0x1000  }
0x55f: {  	[sflag:s31] =	ssyncset.done $0x0  }
0x560: {  	[sflag:s31] =	ssyncadd.s32 $0xFFFFF000  }
0x561: {  	s0 =	sld [smem:$0x7F3];
	_ =	sdelay $0x2  }
0x562: {  	s0 =	sadd.s32 $0x1, s0  }
0x563: {  	p2 =	sne.s32 s0, $0xC  }
.Ltmp8:
0x564: {  	_ = 	snop;
	(pc) =	sbr.rel @p2 .LBB2_4-.Ltmp8, $1  }
0x565: {  	_ =	sdelay $0x3  }
.Ltmp9:
0x566: {  	(pc) =	sbr.rel @p0 .LBB2_18-.Ltmp9, $1  }
0x567: {  	_ =	sdelay $0x3  }
0x568: {  	s0 =	simm.s32 $0x0;
	s1 =	rddreg [dreg:$0x11]  }
0x569: {  	[tilespmem:s0], [sflag:$0x4] =	stream.linear.gather [hbm4b:s1+s0], $0x20, $0x38;
	[tilespmem:$0x1FA80] =	vst v63  }
0x56a: {  	_ =	swait.ge [sflag:s31], $0x20  }
0x56b: {  	[sflag:s31] =	ssyncset.done $0x0  }
0x56c: {  	s2 =	simm.s32 $0x380;
	s30 =	rddreg [dreg:$0x12];
	[sflag:s31] =	ssyncadd.s32 $0xFFFFFFE0  }
0x56d: {  	[tilespmem:s2], [sflag:$0x4] =	stream.linear.gather [hbm4b:s30+s0], $0x20, $0x38;
	[tilespmem:$0x1FA80] =	vst v63  }
0x56e: {  	_ =	swait.ge [sflag:s31], $0x20  }
0x56f: {  	[sflag:s31] =	ssyncset.done $0x0  }
0x570: {  	s5 =	simm.s32 $0x700;
	s3 =	rddreg [dreg:$0x13];
	[sflag:s31] =	ssyncadd.s32 $0xFFFFFFE0  }
0x571: {  	[tilespmem:s5], [sflag:$0x4] =	stream.linear.gather [hbm4b:s3+s0], $0x20, $0x38;
	[tilespmem:$0x1FA80] =	vst v63  }
0x572: {  	_ =	swait.ge [sflag:s31], $0x20  }
0x573: {  	[sflag:s31] =	ssyncset.done $0x0  }
0x574: {  	s7 =	simm.s32 $0xA80;
	s6 =	rddreg [dreg:$0x14];
	[sflag:s31] =	ssyncadd.s32 $0xFFFFFFE0  }
0x575: {  	[tilespmem:s7], [sflag:$0x4] =	stream.linear.gather [hbm4b:s6+s0], $0x20, $0x38;
	[tilespmem:$0x1FA80] =	vst v63  }
0x576: {  	_ =	swait.ge [sflag:s31], $0x20  }
0x577: {  	[sflag:s31] =	ssyncset.done $0x0  }
0x578: {  	[sflag:s31] =	ssyncadd.s32 $0xFFFFFFE0  }
0x579: {  	v13 =	vld [tilespmem:$0x0];
	_ =	sdelay $0x4  }
0x57a: {  	v14 =	vshll.u32 v13, $0x1  }
0x57b: {  	v13 =	vand.u32 $0x7, v13;
	v14 =	vand.u32 $0xFFFFFFF0, v14  }
0x57c: {  	v13 =	vor.u32 v13, v14  }
0x57d: {  	v14 =	vperm.xlane v13, v1;
	_ =	sdelay $0x1  }
0x57e: {  	v13 =	vperm.xlane v13, v3;
	v14 =	vadd.s32 v2, v14;
	_ =	sdelay $0x1  }
0x57f: {  	v13 =	vadd.s32 v2, v13;
	_ =	sdelay $0x1  }
0x580: {  	s9 =	simm.s32 $0xF00;
	s8 =	rddreg [dreg:$0x8]  }
0x581: {  	[tilespmem:s9], [sflag:$0x1] =	stream.indirect_vreg.gather [hbm4b:s8+s0], $0x80, v14, vm0, $0xb8;
	[tilespmem:$0x1FA80] =	vst v63  }
0x582: {  	s10 =	simm.s32 $0x1700  }
0x583: {  	[tilespmem:s10], [sflag:$0x1] =	stream.indirect_vreg.gather [hbm4b:s8+s0], $0x80, v13, vm0, $0xb8;
	[tilespmem:$0x1FA80] =	vst v63  }
0x584: {  	v13 =	vld [tilespmem:$0x10];
	_ =	sdelay $0x4  }
0x585: {  	v14 =	vshll.u32 v13, $0x1  }
0x586: {  	v13 =	vand.u32 $0x7, v13;
	v14 =	vand.u32 $0xFFFFFFF0, v14  }
0x587: {  	v13 =	vor.u32 v13, v14  }
0x588: {  	v14 =	vperm.xlane v13, v1;
	_ =	sdelay $0x1  }
0x589: {  	v13 =	vperm.xlane v13, v3;
	v14 =	vadd.s32 v2, v14;
	_ =	sdelay $0x1  }
0x58a: {  	v13 =	vadd.s32 v2, v13;
	_ =	sdelay $0x1  }
0x58b: {  	s11 =	simm.s32 $0x1F00  }
0x58c: {  	[tilespmem:s11], [sflag:$0x1] =	stream.indirect_vreg.gather [hbm4b:s8+s0], $0x80, v14, vm0, $0xb8;
	[tilespmem:$0x1FA80] =	vst v63  }
0x58d: {  	s12 =	simm.s32 $0x2700  }
0x58e: {  	[tilespmem:s12], [sflag:$0x1] =	stream.indirect_vreg.gather [hbm4b:s8+s0], $0x80, v13, vm0, $0xb8;
	[tilespmem:$0x1FA80] =	vst v63  }
0x58f: {  	v13 =	vld [tilespmem:$0x380];
	_ =	sdelay $0x4  }
0x590: {  	v14 =	vshll.u32 v13, $0x1  }
0x591: {  	v13 =	vand.u32 $0x7, v13;
	v14 =	vand.u32 $0xFFFFFFF0, v14  }
0x592: {  	v13 =	vor.u32 v13, v14  }
0x593: {  	v14 =	vperm.xlane v13, v1;
	_ =	sdelay $0x1  }
0x594: {  	v13 =	vperm.xlane v13, v3;
	v14 =	vadd.s32 v2, v14;
	_ =	sdelay $0x1  }
0x595: {  	v13 =	vadd.s32 v2, v13;
	_ =	sdelay $0x1  }
0x596: {  	s14 =	simm.s32 $0x2F00;
	s13 =	rddreg [dreg:$0x9]  }
0x597: {  	[tilespmem:s14], [sflag:$0x1] =	stream.indirect_vreg.gather [hbm4b:s13+s0], $0x80, v14, vm0, $0xb8;
	[tilespmem:$0x1FA80] =	vst v63  }
0x598: {  	s15 =	simm.s32 $0x3700  }
0x599: {  	[tilespmem:s15], [sflag:$0x1] =	stream.indirect_vreg.gather [hbm4b:s13+s0], $0x80, v13, vm0, $0xb8;
	[tilespmem:$0x1FA80] =	vst v63  }
0x59a: {  	v13 =	vld [tilespmem:$0x390];
	_ =	sdelay $0x4  }
0x59b: {  	v14 =	vshll.u32 v13, $0x1  }
0x59c: {  	v13 =	vand.u32 $0x7, v13;
	v14 =	vand.u32 $0xFFFFFFF0, v14  }
0x59d: {  	v13 =	vor.u32 v13, v14  }
0x59e: {  	v14 =	vperm.xlane v13, v1;
	_ =	sdelay $0x1  }
0x59f: {  	v13 =	vperm.xlane v13, v3;
	v14 =	vadd.s32 v2, v14;
	_ =	sdelay $0x1  }
0x5a0: {  	v13 =	vadd.s32 v2, v13;
	_ =	sdelay $0x1  }
0x5a1: {  	s16 =	simm.s32 $0x3F00  }
0x5a2: {  	[tilespmem:s16], [sflag:$0x1] =	stream.indirect_vreg.gather [hbm4b:s13+s0], $0x80, v14, vm0, $0xb8;
	[tilespmem:$0x1FA80] =	vst v63  }
0x5a3: {  	s17 =	simm.s32 $0x4700  }
0x5a4: {  	[tilespmem:s17], [sflag:$0x1] =	stream.indirect_vreg.gather [hbm4b:s13+s0], $0x80, v13, vm0, $0xb8;
	[tilespmem:$0x1FA80] =	vst v63  }
0x5a5: {  	v13 =	vld [tilespmem:$0xA80];
	_ =	sdelay $0x4  }
0x5a6: {  	v13 =	vadd.s32 $0xBF80, v13  }
0x5a7: {  	(v2sf) =	vpush v13, $0x1  }
0x5a8: {  	(v2sf) =	vpush v13, $0x0  }
0x5a9: {  	(v2sf) =	vpush v13, $0x3  }
0x5aa: {  	(v2sf) =	vpush v13, $0x2  }
0x5ab: {  	(v2sf) =	vpush v13, $0x5  }
0x5ac: {  	(v2sf) =	vpush v13, $0x4  }
0x5ad: {  	(v2sf) =	vpush v13, $0x7  }
0x5ae: {  	(v2sf) =	vpush v13, $0x6  }
0x5af: {  	(v2sf) =	vpush v13, $0x9  }
0x5b0: {  	(v2sf) =	vpush v13, $0x8  }
0x5b1: {  	v14 =	vld [tilespmem:$0xA90];
	(v2sf) =	vpush v13, $0xB  }
0x5b2: {  	(v2sf) =	vpush v13, $0xA  }
0x5b3: {  	(v2sf) =	vpush v13, $0xD  }
0x5b4: {  	(v2sf) =	vpush v13, $0xC  }
0x5b5: {  	(v2sf) =	vpush v13, $0xF  }
0x5b6: {  	s18 =	spop (v2sf);
	(v2sf) =	vpush v13, $0xE;
	v13 =	vadd.s32 $0xBF80, v14  }
0x5b7: {  	s19 =	spop (v2sf);
	(v2sf) =	vpush v13, $0x1  }
0x5b8: {  	v15 =	vld.msk [tilespmem:s18+$0x0 ss:$0x0], $0xffff;
	s20 =	spop (v2sf);
	(v2sf) =	vpush v13, $0x0  }
0x5b9: {  	v14 =	vld [tilespmem:s19+$0x0];
	s21 =	spop (v2sf);
	(v2sf) =	vpush v13, $0x3  }
0x5ba: {  	v17 =	vld.msk [tilespmem:s20+$0x0 ss:$0x0], $0xffff;
	s22 =	spop (v2sf);
	(v2sf) =	vpush v13, $0x2  }
0x5bb: {  	v16 =	vld.msk [tilespmem:s21+$0x0 ss:$0x0], $0xffff;
	s23 =	spop (v2sf);
	(v2sf) =	vpush v13, $0x5  }
0x5bc: {  	v19 =	vld.msk [tilespmem:s22+$0x0 ss:$0x0], $0xffff;
	s24 =	spop (v2sf);
	(v2sf) =	vpush v13, $0x4  }
0x5bd: {  	v18 =	vld.msk [tilespmem:s23+$0x0 ss:$0x0], $0xffff;
	s25 =	spop (v2sf);
	(v2sf) =	vpush v13, $0x7  }
0x5be: {  	v21 =	vld.msk [tilespmem:s24+$0x0 ss:$0x0], $0xffff;
	s26 =	spop (v2sf);
	(v2sf) =	vpush v13, $0x6  }
0x5bf: {  	v20 =	vld.msk [tilespmem:s25+$0x0 ss:$0x0], $0xffff;
	s30 =	spop (v2sf);
	(v2sf) =	vpush v13, $0x9  }
0x5c0: {  	v23 =	vld.msk [tilespmem:s26+$0x0 ss:$0x0], $0xffff;
	s3 =	spop (v2sf);
	(v2sf) =	vpush v13, $0x8  }
0x5c1: {  	v22 =	vld.msk [tilespmem:s30+$0x0 ss:$0x0], $0xffff;
	s5 =	spop (v2sf);
	(v2sf) =	vpush v13, $0xB  }
0x5c2: {  	v25 =	vld.msk [tilespmem:s3+$0x0 ss:$0x0], $0xffff;
	s6 =	spop (v2sf);
	(v2sf) =	vpush v13, $0xA  }
0x5c3: {  	v24 =	vld.msk [tilespmem:s5+$0x0 ss:$0x0], $0xffff;
	s7 =	spop (v2sf);
	(v2sf) =	vpush v13, $0xD  }
0x5c4: {  	v27 =	vld.msk [tilespmem:s6+$0x0 ss:$0x0], $0xffff;
	s8 =	spop (v2sf);
	(v2sf) =	vpush v13, $0xC  }
0x5c5: {  	v26 =	vld.msk [tilespmem:s7+$0x0 ss:$0x0], $0xffff;
	s9 =	spop (v2sf);
	(v2sf) =	vpush v13, $0xF  }
0x5c6: {  	v28 =	vld.msk [tilespmem:s9+$0x0 ss:$0x0], $0xffff;
	s10 =	spop (v2sf);
	(v2sf) =	vpush v13, $0xE  }
0x5c7: {  	v13 =	vld.msk [tilespmem:s8+$0x0 ss:$0x0], $0xffff;
	s3 =	spop (v2sf)  }
0x5c8: {  	v30 =	vld.msk [tilespmem:s10+$0x0 ss:$0x0], $0xffff;
	s11 =	spop (v2sf)  }
0x5c9: {  	v29 =	vld [tilespmem:s3+$0x0];
	s12 =	spop (v2sf)  }
0x5ca: {  	s13 =	spop (v2sf);
	v31 =	vld.msk [tilespmem:s12+$0x0 ss:$0x0], $0xffff  }
0x5cb: {  	v32 =	vld.msk [tilespmem:s11+$0x0 ss:$0x0], $0xffff;
	s14 =	spop (v2sf)  }
0x5cc: {  	vm1 =	vcmask $0x704;
	s15 =	spop (v2sf);
	v33 =	vld.msk [tilespmem:s14+$0x0 ss:$0x0], $0xffff  }
0x5cd: {  	v14 =	vsel vm1, v15, v14;
	v15 =	vld.msk [tilespmem:s13+$0x0 ss:$0x0], $0xffff;
	s16 =	spop (v2sf)  }
0x5ce: {  	v14 =	vsel vm2, v14, v16;
	v16 =	vsel vm1, v30, v29;
	s17 =	spop (v2sf);
	v29 =	vld.msk [tilespmem:s16+$0x0 ss:$0x0], $0xffff  }
0x5cf: {  	v14 =	vsel vm3, v14, v17;
	v17 =	vld.msk [tilespmem:s15+$0x0 ss:$0x0], $0xffff;
	s18 =	spop (v2sf);
	v16 =	vsel vm2, v16, v31  }
0x5d0: {  	v14 =	vsel vm4, v14, v18;
	s19 =	spop (v2sf);
	v16 =	vsel vm3, v16, v32;
	v18 =	vld.msk [tilespmem:s18+$0x0 ss:$0x0], $0xffff  }
0x5d1: {  	v14 =	vsel vm5, v14, v19;
	v19 =	vld.msk [tilespmem:s17+$0x0 ss:$0x0], $0xffff;
	s20 =	spop (v2sf);
	v16 =	vsel vm4, v16, v33  }
0x5d2: {  	v14 =	vsel vm6, v14, v20;
	s21 =	spop (v2sf);
	v15 =	vsel vm5, v16, v15;
	v16 =	vld.msk [tilespmem:s20+$0x0 ss:$0x0], $0xffff  }
0x5d3: {  	v14 =	vsel vm7, v14, v21;
	v20 =	vld.msk [tilespmem:s19+$0x0 ss:$0x0], $0xffff;
	s22 =	spop (v2sf);
	v15 =	vsel vm6, v15, v29  }
0x5d4: {  	v14 =	vsel vm8, v14, v22;
	s23 =	spop (v2sf);
	v15 =	vsel vm7, v15, v17;
	v17 =	vld.msk [tilespmem:s22+$0x0 ss:$0x0], $0xffff  }
0x5d5: {  	v14 =	vsel vm9, v14, v23;
	v15 =	vsel vm8, v15, v18;
	v18 =	vld.msk [tilespmem:s21+$0x0 ss:$0x0], $0xffff;
	s24 =	spop (v2sf)  }
0x5d6: {  	v14 =	vsel vm10, v14, v24;
	v15 =	vsel vm9, v15, v19;
	v19 =	vld.msk [tilespmem:s24+$0x0 ss:$0x0], $0xffff  }
0x5d7: {  	v14 =	vsel vm11, v14, v25;
	v15 =	vsel vm10, v15, v16;
	v16 =	vld.msk [tilespmem:s23+$0x0 ss:$0x0], $0xffff  }
0x5d8: {  	v14 =	vsel vm12, v14, v26;
	v15 =	vsel vm11, v15, v20  }
0x5d9: {  	v14 =	vsel vm13, v14, v27;
	v15 =	vsel vm12, v15, v17  }
0x5da: {  	v14 =	vsel vm14, v14, v28;
	v15 =	vsel vm13, v15, v18  }
0x5db: {  	v13 =	vsel vm15, v14, v13;
	v14 =	vsel vm14, v15, v19  }
0x5dc: {  	s2 =	simm.s32 $0x1;
	[tilespmem:$0xE00] =	vst v13;
	v13 =	vsel vm15, v14, v16  }
0x5dd: {  	s25 =	rddreg [dreg:$0xa];
	s26 =	simm.s32 $0xE00;
	s30 =	simm.s32 $0x8F00;
	[tilespmem:$0xE10] =	vst v13  }
0x5de: {  	[tilespmem:s30], [sflag:$0x3] =	stream.indirect.gather [hbm4b:s25+s4], $0x80, s26, s4, $0xb8;
	[tilespmem:$0x1FA80] =	vst v63  }
0x5df: {  	_ =	swait.ge [sflag:s2], $0x2000  }
0x5e0: {  	[sflag:s2] =	ssyncset.done $0x0  }
0x5e1: {  	[sflag:s2] =	ssyncadd.s32 $0xFFFFE000  }
0x5e2: {  	_ =	swait.ge [sflag:s2], $0x2000  }
0x5e3: {  	[sflag:s2] =	ssyncset.done $0x0  }
0x5e4: {  	s3 =	simm.s32 $0x3;
	[sflag:s2] =	ssyncadd.s32 $0xFFFFE000  }
0x5e5: {  	_ =	swait.ge [sflag:s3], $0x1000  }
0x5e6: {  	[sflag:s3] =	ssyncset.done $0x0  }
0x5e7: {  	[sflag:s3] =	ssyncadd.s32 $0xFFFFF000  }
0x5e8: {  	v13 =	vld [tilespmem:$0x700]  }
0x5e9: {  	v14 =	vld [tilespmem:$0x710];
	_ =	sdelay $0x2  }
0x5ea: {  	s4 =	sand.u32 $0x7, s0  }
0x5eb: {  	s1 =	sshll.u32 s4, $0x7;
	vm1 =	vlt.s32 v13, $0x270F  }
0x5ec: {  	s5 =	sadd.s32 $0x0, s1;
	v13 =	vnsel vm1, $0x270F, v13;
	vm1 =	vlt.s32 v14, $0x270F  }
0x5ed: {  	s1 =	sadd.s32 $0x180, s5;
	v14 =	vnsel vm1, $0x270F, v14;
	[tilespmem:$0xE80] =	vst v13  }
0x5ee: {  	s6 =	sor.u32 $0x400, s1;
	[tilespmem:$0xE90] =	vst v14  }
0x5ef: {  	v13 =	vld [tilespmem:s6+$0xF00]  }
0x5f0: {  	s7 =	sor.u32 $0x410, s1;
	v14 =	vld [tilespmem:s6+$0x2F00]  }
0x5f1: {  	v15 =	vld [tilespmem:s7+$0xF00]  }
0x5f2: {  	s8 =	simm.s32 $0x9000;
	v16 =	vld [tilespmem:s7+$0x2F00]  }
0x5f3: {  	v17 =	vld [tilespmem:s8+$0x80]  }
0x5f4: {  	v18 =	vld [tilespmem:s8+$0x90];
	_ =	sdelay $0x2  }
0x5f5: {  	v13 =	vadd.f32 v14, v13;
	v14 =	vadd.f32 v16, v15;
	_ =	sdelay $0x1  }
0x5f6: {  	v13 =	vadd.f32 v17, v13;
	v14 =	vadd.f32 v18, v14;
	_ =	sdelay $0x1  }
0x5f7: {  	v13 =	vadd.f32 v13, v8;
	v14 =	vadd.f32 v14, v9;
	_ =	sdelay $0x1  }
0x5f8: {  	v13 =	vmax.f32 v13, $0.0e+00;
	v14 =	vmax.f32 v14, $0.0e+00  }
0x5f9: {  	v13 =	vmul.f32 v13, v10;
	v14 =	vmul.f32 v14, v11;
	_ =	sdelay $0x1  }
0x5fa: {  	v13 =	vadd.f32 v14, v13;
	_ =	sdelay $0x1  }
0x5fb: {  	v14 =	vperm.xlane v13, v4;
	_ =	sdelay $0x1  }
0x5fc: {  	v13 =	vadd.f32 v13, v14;
	_ =	sdelay $0x1  }
0x5fd: {  	v14 =	vperm.xlane v13, v5;
	_ =	sdelay $0x1  }
0x5fe: {  	v13 =	vadd.f32 v13, v14;
	_ =	sdelay $0x1  }
0x5ff: {  	v14 =	vperm.xlane v13, v6;
	_ =	sdelay $0x1  }
0x600: {  	v13 =	vadd.f32 v13, v14;
	_ =	sdelay $0x1  }
0x601: {  	v14 =	vperm.xlane v13, v7  }
0x602: {  	s9 =	sand.u32 $0x3, s0  }
0x603: {  	s3 =	sshll.u32 s9, $0x8;
	v13 =	vadd.f32 v13, v14  }
0x604: {  	s3 =	sadd.s32 $0x0, s3  }
0x605: {  	s3 =	sadd.s32 $0x100, s3;
	v13 =	vadd.f32 v13, v12  }
0x606: {  	s2 =	sadd.s32 $0x80, s5;
	s5 =	sor.u32 $0x400, s3;
	s3 =	sor.u32 $0x410, s3  }
0x607: {  	v19 =	vld [tilespmem:s3+$0xF00];
	v13 =	vsub.f32 $0.0e+00, v13  }
0x608: {  	v20 =	vld [tilespmem:s3+$0x2F00]  }
0x609: {  	v25 =	vld [tilespmem:s8+$0xFFFFFF00];
	v13 =	vmul.f32 $1.442695020e+00, v13  }
0x60a: {  	p2 =	por $0x0, $0x0;
	s4 =	simm.s32 $0x1;
	v26 =	vld [tilespmem:s8+$0xFFFFFF10]  }
0x60b: {  	s4 =	simm.s32 @!p2 $0x0;
	s10 =	sor.u32 $0x400, s2;
	s2 =	sor.u32 $0x410, s2;
	v29 =	vld [tilespmem:s8+$0xFFFFFF90];
	(erf) = vpow2.f32 v13  }
0x60c: {  	s11 =	sshll.u32 s4, $0x9;
	v16 =	vld [tilespmem:s2+$0xF00]  }
0x60d: {  	v17 =	vld [tilespmem:s2+$0x2F00];
	s2 =	sadd.s32 $0x0, s11  }
0x60e: {  	v15 =	vld [tilespmem:s10+$0x2F00];
	s12 =	sor.u32 $0x400, s2  }
0x60f: {  	v21 =	vld [tilespmem:s12+$0xF00]  }
0x610: {  	s2 =	sor.u32 $0x410, s2;
	v22 =	vld [tilespmem:s12+$0x2F00]  }
0x611: {  	v23 =	vld [tilespmem:s2+$0xF00]  }
0x612: {  	v24 =	vld [tilespmem:s2+$0x2F00]  }
0x613: {  	v14 =	vld [tilespmem:s10+$0xF00]  }
0x614: {  	v18 =	vld [tilespmem:s5+$0xF00];
	v27 =	vpop (erf)  }
0x615: {  	v16 =	vadd.f32 v17, v16;
	v13 =	vld [tilespmem:s5+$0x2F00];
	v27 =	vadd.f32 $1.000000000e+00, v27  }
0x616: {  	s13 =	simm.s32 $0x180;
	v28 =	vld [tilespmem:s8+$0xFFFFFF80]  }
0x617: {  	s14 =	sand.u32 $0x1800, s0;
	s15 =	sand.u32 $0x380, s13;
	v30 =	vld [tilespmem:s8+$0x0];
	v17 =	vadd.f32 v24, v23;
	v16 =	vadd.f32 v29, v16;
	(erf) = vrcp.f32 v27  }
0x618: {  	s2 =	sor.u32 s14, s15;
	v14 =	vadd.f32 v15, v14;
	v15 =	vadd.f32 v22, v21;
	v21 =	vld [tilespmem:s8+$0x10]  }
0x619: {  	v17 =	vadd.f32 v26, v17;
	v22 =	vld [tilespmem:s2+$0xF00]  }
0x61a: {  	v16 =	vadd.f32 v16, v9;
	v13 =	vadd.f32 v13, v18;
	v18 =	vld [tilespmem:s2+$0x2F00]  }
0x61b: {  	v14 =	vadd.f32 v28, v14  }
0x61c: {  	v19 =	vadd.f32 v20, v19;
	v17 =	vadd.f32 v17, v9;
	v16 =	vmax.f32 v16, $0.0e+00  }
0x61d: {  	v16 =	vmul.f32 v16, v11;
	v15 =	vadd.f32 v25, v15;
	v14 =	vadd.f32 v14, v8  }
0x61e: {  	v17 =	vmax.f32 v17, $0.0e+00;
	v20 =	vadd.f32 v21, v19;
	v13 =	vadd.f32 v30, v13  }
0x61f: {  	v17 =	vmul.f32 v17, v11;
	v15 =	vadd.f32 v15, v8;
	v18 =	vmul.f32 v18, v22  }
0x620: {  	v14 =	vmax.f32 v14, $0.0e+00;
	v20 =	vadd.f32 v20, v9;
	v13 =	vadd.f32 v13, v8;
	v19 =	vpop (erf)  }
0x621: {  	s16 =	simm.s32 $0x4;
	v15 =	vmax.f32 v15, $0.0e+00;
	v14 =	vmul.f32 v14, v10;
	v18 =	vmul.f32 v19, v18  }
0x622: {  	s0 =	simm.s32 $0xB000;
	s1 =	sand.u32 $0x7, s16;
	v15 =	vmul.f32 v15, v10;
	v20 =	vmax.f32 v20, $0.0e+00;
	v13 =	vmax.f32 v13, $0.0e+00  }
0x623: {  	s1 =	sshll.u32 s1, $0x7;
	v14 =	vadd.f32 v16, v14;
	v16 =	vmul.f32 v20, v11;
	v13 =	vmul.f32 v13, v10;
	[tilespmem:s0+$0x80] =	vst v18  }
0x624: {  	s17 =	sadd.s32 $0x400, s1;
	v18 =	vld [tilespmem:s2+$0xF10]  }
0x625: {  	s1 =	sadd.s32 $0x180, s17;
	v15 =	vadd.f32 v17, v15;
	v13 =	vadd.f32 v16, v13;
	v16 =	vperm.xlane v14, v4;
	v17 =	vld [tilespmem:s2+$0x2F10]  }
0x626: {  	s18 =	sor.u32 $0x400, s1  }
0x627: {  	v21 =	vld [tilespmem:s18+$0xF00];
	v20 =	vperm.xlane v15, v4;
	v14 =	vadd.f32 v14, v16;
	v16 =	vperm.xlane v13, v4  }
0x628: {  	s1 =	sor.u32 $0x410, s1;
	v22 =	vld [tilespmem:s18+$0x2F00]  }
0x629: {  	v15 =	vadd.f32 v15, v20;
	v20 =	vld [tilespmem:s1+$0xF00];
	v23 =	vperm.xlane v14, v5;
	v13 =	vadd.f32 v13, v16  }
0x62a: {  	s19 =	simm.s32 $0x9200;
	v16 =	vmul.f32 v17, v18;
	v17 =	vld [tilespmem:s1+$0x2F00]  }
0x62b: {  	v24 =	vld [tilespmem:s19+$0x80];
	v14 =	vadd.f32 v14, v23;
	v23 =	vperm.xlane v13, v5;
	v18 =	vperm.xlane v15, v5  }
0x62c: {  	v25 =	vld [tilespmem:s19+$0x90];
	v16 =	vmul.f32 v19, v16  }
0x62d: {  	v13 =	vadd.f32 v13, v23;
	v15 =	vadd.f32 v15, v18;
	v18 =	vperm.xlane v14, v6  }
0x62e: {  	v21 =	vadd.f32 v22, v21;
	[tilespmem:s0+$0x90] =	vst v16  }
0x62f: {  	v14 =	vadd.f32 v14, v18;
	v18 =	vperm.xlane v13, v6;
	v16 =	vld [tilespmem:s2+$0xF20];
	v17 =	vadd.f32 v17, v20  }
0x630: {  	v21 =	vadd.f32 v24, v21;
	v20 =	vperm.xlane v15, v6;
	v22 =	vld [tilespmem:s2+$0x2F20]  }
0x631: {  	v13 =	vadd.f32 v13, v18;
	v17 =	vadd.f32 v25, v17  }
0x632: {  	s23 =	simm.s32 $0x2;
	v18 =	vadd.f32 v21, v8;
	v15 =	vadd.f32 v15, v20;
	v20 =	vperm.xlane v14, v7  }
0x633: {  	s3 =	sand.u32 $0x3, s23;
	v17 =	vadd.f32 v17, v9  }
0x634: {  	s20 =	simm.s32 $0x0;
	v34 =	vld [tilespmem:s19+$0xFFFFFF00];
	s3 =	sshll.u32 s3, $0x8;
	v18 =	vmax.f32 v18, $0.0e+00;
	v21 =	vperm.xlane v15, v7;
	v14 =	vadd.f32 v14, v20  }
0x635: {  	s4 =	sadd.s32 $0x80, s17;
	s6 =	simm.s32 $0x100;
	v35 =	vld [tilespmem:s19+$0xFFFFFF10];
	s3 =	sadd.s32 $0x400, s3;
	v20 =	vperm.xlane v13, v7;
	v16 =	vmul.f32 v22, v16;
	v17 =	vmax.f32 v17, $0.0e+00  }
0x636: {  	s24 =	sor.u32 $0x400, s4;
	v37 =	vld [tilespmem:s19+$0xFFFFFF80];
	s22 =	sand.u32 $0x300, s6;
	s3 =	sadd.s32 $0x100, s3;
	v18 =	vmul.f32 v18, v10;
	v15 =	vadd.f32 v15, v21;
	v17 =	vmul.f32 v17, v11  }
0x637: {  	v38 =	vld [tilespmem:s19+$0xFFFFFF90];
	s6 =	simm.s32 $0x400;
	s26 =	sor.u32 $0x400, s3;
	s11 =	simm.s32 $0x280;
	v14 =	vadd.f32 v14, v12;
	v13 =	vadd.f32 v13, v20;
	v16 =	vmul.f32 v19, v16  }
0x638: {  	s4 =	sor.u32 $0x410, s4;
	v50 =	vld [tilespmem:s26+$0x2F00];
	s8 =	sand.u32 $0x1800, s6;
	s6 =	sand.u32 $0x280, s11;
	v15 =	vadd.f32 v15, v12;
	v17 =	vadd.f32 v17, v18  }
0x639: {  	s21 =	simm.s32 $0x80;
	s12 =	simm.s32 $0x300;
	v26 =	vld [tilespmem:s4+$0x2F00];
	s29 =	sor.u32 s8, s6;
	v14 =	vsub.f32 $0.0e+00, v14;
	v13 =	vadd.f32 v13, v12;
	[tilespmem:s0+$0xA0] =	vst v16  }
0x63a: {  	s6 =	sand.u32 $0x300, s12;
	s12 =	simm.s32 $0x8;
	s5 =	sand.u32 $0x200, s20;
	v15 =	vsub.f32 $0.0e+00, v15;
	v21 =	vld [tilespmem:s2+$0xF30];
	v16 =	vperm.xlane v17, v4  }
0x63b: {  	p2 =	por !p2, !p2;
	s13 =	sand.u32 $0x7, s12;
	s25 =	sor.u32 s5, s14;
	v14 =	vmul.f32 $1.442695020e+00, v14;
	v13 =	vsub.f32 $0.0e+00, v13;
	v22 =	vld [tilespmem:s2+$0x2F30]  }
0x63c: {  	v57 =	vld [tilespmem:s29+$0x2F00];
	s5 =	sand.u32 $0x280, s21;
	s21 =	sor.u32 s8, s6;
	s1 =	sshll.u32 s13, $0x7;
	v15 =	vmul.f32 $1.442695020e+00, v15;
	v16 =	vadd.f32 v17, v16  }
0x63d: {  	s28 =	sor.u32 s14, s5;
	s5 =	sor.u32 s14, s22;
	v61 =	vld [tilespmem:s21+$0x2F00];
	s14 =	sadd.s32 $0x800, s1;
	v13 =	vmul.f32 $1.442695020e+00, v13;
	(erf) = vpow2.f32 v14  }
0x63e: {  	s7 =	simm.s32 $0x380;
	s1 =	sadd.s32 $0x180, s14;
	v25 =	vld [tilespmem:s4+$0xF00];
	s4 =	simm.s32 $0x1;
	(erf) = vpow2.f32 v15;
	v15 =	vperm.xlane v16, v5  }
0x63f: {  	s9 =	sand.u32 $0x380, s7;
	v23 =	vld [tilespmem:s5+$0xF00];
	s7 =	sor.u32 $0x400, s1;
	s4 =	simm.s32 @!p2 $0x0;
	(erf) = vpow2.f32 v13  }
0x640: {  	v47 =	vld [tilespmem:s7+$0xF00];
	s4 =	sshll.u32 s4, $0x9;
	v21 =	vmul.f32 v22, v21;
	v15 =	vadd.f32 v16, v15  }
0x641: {  	v48 =	vld [tilespmem:s7+$0x2F00];
	s4 =	sadd.s32 $0x400, s4  }
0x642: {  	v20 =	vld [tilespmem:s25+$0x2F00];
	s30 =	sor.u32 $0x400, s4;
	s4 =	sor.u32 $0x410, s4;
	v21 =	vmul.f32 v21, v19;
	v24 =	vperm.xlane v15, v6  }
0x643: {  	v51 =	vld [tilespmem:s4+$0x2F00]  }
0x644: {  	v18 =	vld [tilespmem:s25+$0xF00];
	v15 =	vadd.f32 v15, v24  }
0x645: {  	v14 =	vld [tilespmem:s28+$0x2F00]  }
0x646: {  	v17 =	vld [tilespmem:s28+$0xF00];
	[tilespmem:s0+$0xB0] =	vst v21;
	v21 =	vpop (erf);
	v28 =	vperm.xlane v15, v7  }
0x647: {  	v27 =	vld [tilespmem:s2+$0xF40];
	v21 =	vadd.f32 $1.000000000e+00, v21;
	v29 =	vpop (erf)  }
0x648: {  	v30 =	vld [tilespmem:s2+$0x2F40];
	v29 =	vadd.f32 $1.000000000e+00, v29;
	v31 =	vpop (erf);
	v15 =	vadd.f32 v15, v28  }
0x649: {  	v13 =	vld [tilespmem:s5+$0x2F00];
	(erf) = vrcp.f32 v21;
	v28 =	vadd.f32 $1.000000000e+00, v31  }
0x64a: {  	v22 =	vld [tilespmem:s24+$0x2F00];
	(erf) = vrcp.f32 v29;
	v15 =	vadd.f32 v15, v12  }
0x64b: {  	v16 =	vld [tilespmem:s24+$0xF00];
	(erf) = vrcp.f32 v28  }
0x64c: {  	s3 =	sor.u32 $0x410, s3;
	v24 =	vld [tilespmem:s26+$0xF00];
	v15 =	vsub.f32 $0.0e+00, v15  }
0x64d: {  	v21 =	vld [tilespmem:s3+$0xF00];
	v27 =	vmul.f32 v30, v27  }
0x64e: {  	v31 =	vld [tilespmem:s30+$0x2F00];
	v15 =	vmul.f32 $1.442695020e+00, v15  }
0x64f: {  	v29 =	vld [tilespmem:s3+$0x2F00];
	v27 =	vmul.f32 v27, v19  }
0x650: {  	v30 =	vld [tilespmem:s4+$0xF00];
	(erf) = vpow2.f32 v15;
	v15 =	vmul.f32 v14, v17  }
0x651: {  	v28 =	vld [tilespmem:s30+$0xF00];
	[tilespmem:s0+$0xC0] =	vst v27  }
0x652: {  	v27 =	vld [tilespmem:s2+$0x2F50];
	v14 =	vpop (erf)  }
0x653: {  	v23 =	vmul.f32 v13, v23;
	v17 =	vld [tilespmem:s2+$0xF50];
	v36 =	vmul.f32 v14, v15;
	v13 =	vpop (erf)  }
0x654: {  	v21 =	vadd.f32 v29, v21;
	v29 =	vld [tilespmem:s19+$0x10];
	v15 =	vpop (erf)  }
0x655: {  	v18 =	vmul.f32 v20, v18;
	[tilespmem:s0+$0xFFFFFF80] =	vst v36;
	v20 =	vmul.f32 v15, v23;
	v23 =	vld [tilespmem:s19+$0x0]  }
0x656: {  	s13 =	simm.s32 $0x4;
	v16 =	vadd.f32 v22, v16;
	v22 =	vadd.f32 v26, v25;
	v36 =	vld [tilespmem:s28+$0xF10]  }
0x657: {  	s15 =	sand.u32 $0x3, s13;
	v18 =	vmul.f32 v13, v18;
	[tilespmem:s0+$0x0] =	vst v20;
	v20 =	vadd.f32 v31, v28;
	v28 =	vld [tilespmem:s28+$0x2F10]  }
0x658: {  	s7 =	sshll.u32 s15, $0x8;
	v22 =	vadd.f32 v38, v22;
	v17 =	vmul.f32 v27, v17;
	v25 =	vld [tilespmem:s5+$0xF10]  }
0x659: {  	s7 =	sadd.s32 $0x800, s7;
	v24 =	vadd.f32 v50, v24;
	v21 =	vadd.f32 v29, v21;
	[tilespmem:s0+$0xFFFFFF00] =	vst v18;
	v26 =	vld [tilespmem:s5+$0x2F10];
	v27 =	vpop (erf)  }
0x65a: {  	s7 =	sadd.s32 $0x100, s7;
	v18 =	vadd.f32 v51, v30;
	v30 =	vld [tilespmem:s25+$0xF10];
	v17 =	vmul.f32 v17, v19;
	v27 =	vadd.f32 $1.000000000e+00, v27  }
0x65b: {  	s16 =	sor.u32 $0x400, s7;
	v22 =	vadd.f32 v22, v9;
	v21 =	vadd.f32 v21, v9;
	v31 =	vld [tilespmem:s25+$0x2F10]  }
0x65c: {  	s7 =	sor.u32 $0x410, s7;
	v43 =	vld [tilespmem:s16+$0xF00];
	v18 =	vadd.f32 v35, v18;
	[tilespmem:s0+$0xD0] =	vst v17;
	v17 =	vmul.f32 v28, v36;
	(erf) = vrcp.f32 v27  }
0x65d: {  	s10 =	simm.s32 $0x200;
	v44 =	vld [tilespmem:s7+$0x2F00];
	s4 =	sor.u32 s8, s9;
	v20 =	vadd.f32 v34, v20;
	v27 =	vadd.f32 v37, v16  }
0x65e: {  	s6 =	sadd.s32 $0x80, s14;
	s3 =	sand.u32 $0x200, s10;
	v23 =	vadd.f32 v23, v24;
	v24 =	vld [tilespmem:s4+$0x2F00];
	v25 =	vmul.f32 v26, v25;
	v26 =	vmul.f32 v14, v17  }
0x65f: {  	s20 =	sor.u32 s3, s8;
	s8 =	sor.u32 $0x400, s6;
	v18 =	vadd.f32 v18, v9;
	v28 =	vld [tilespmem:s4+$0xF00];
	v27 =	vadd.f32 v27, v8  }
0x660: {  	v40 =	vld [tilespmem:s8+$0xF00];
	v20 =	vadd.f32 v20, v8;
	v30 =	vmul.f32 v31, v30;
	v25 =	vmul.f32 v15, v25;
	[tilespmem:s0+$0xFFFFFF90] =	vst v26  }
0x661: {  	v18 =	vmax.f32 v18, $0.0e+00;
	v23 =	vadd.f32 v23, v8;
	v26 =	vmax.f32 v27, $0.0e+00;
	v27 =	vld [tilespmem:s28+$0xF20]  }
0x662: {  	v18 =	vmul.f32 v18, v11;
	v20 =	vmax.f32 v20, $0.0e+00;
	v29 =	vmul.f32 v13, v30;
	v30 =	vld [tilespmem:s28+$0x2F20];
	[tilespmem:s0+$0x10] =	vst v25  }
0x663: {  	v22 =	vmax.f32 v22, $0.0e+00;
	v20 =	vmul.f32 v20, v10;
	v25 =	vmul.f32 v26, v10;
	v26 =	vld [tilespmem:s5+$0xF20]  }
0x664: {  	v22 =	vmul.f32 v22, v11;
	v23 =	vmax.f32 v23, $0.0e+00;
	[tilespmem:s0+$0xFFFFFF10] =	vst v29;
	v24 =	vmul.f32 v24, v28;
	v29 =	vld [tilespmem:s5+$0x2F20]  }
0x665: {  	v23 =	vmul.f32 v23, v10;
	v31 =	vadd.f32 v18, v20;
	v28 =	vmax.f32 v21, $0.0e+00;
	v52 =	vld [tilespmem:s25+$0x2F20];
	v21 =	vpop (erf)  }
0x666: {  	s6 =	sor.u32 $0x410, s6;
	v28 =	vmul.f32 v28, v11;
	v22 =	vadd.f32 v22, v25;
	v25 =	vld [tilespmem:s25+$0xF20];
	v24 =	vmul.f32 v21, v24  }
0x667: {  	s3 =	simm.s32 $0xB200;
	v41 =	vld [tilespmem:s6+$0xF00];
	v27 =	vmul.f32 v30, v27  }
0x668: {  	v18 =	vld [tilespmem:s20+$0xF00];
	v23 =	vadd.f32 v28, v23;
	v28 =	vperm.xlane v31, v4;
	v30 =	vperm.xlane v22, v4;
	[tilespmem:s3+$0x80] =	vst v24  }
0x669: {  	v24 =	vmul.f32 v29, v26;
	v26 =	vmul.f32 v14, v27;
	v27 =	vld [tilespmem:s4+$0xF10]  }
0x66a: {  	v28 =	vadd.f32 v31, v28;
	v29 =	vperm.xlane v23, v4;
	v31 =	vld [tilespmem:s4+$0x2F10]  }
0x66b: {  	v20 =	vld [tilespmem:s20+$0x2F00];
	v30 =	vadd.f32 v22, v30;
	v25 =	vmul.f32 v52, v25;
	v24 =	vmul.f32 v15, v24;
	[tilespmem:s0+$0xFFFFFFA0] =	vst v26  }
0x66c: {  	v26 =	vperm.xlane v28, v5;
	v53 =	vld [tilespmem:s28+$0xF30]  }
0x66d: {  	v54 =	vperm.xlane v30, v5;
	v23 =	vadd.f32 v23, v29;
	v25 =	vmul.f32 v13, v25;
	[tilespmem:s0+$0x20] =	vst v24;
	v24 =	vld [tilespmem:s28+$0x2F30]  }
0x66e: {  	v26 =	vadd.f32 v28, v26;
	v28 =	vld [tilespmem:s5+$0xF30]  }
0x66f: {  	v29 =	vadd.f32 v30, v54;
	v30 =	vperm.xlane v23, v5;
	[tilespmem:s0+$0xFFFFFF20] =	vst v25;
	v25 =	vld [tilespmem:s5+$0x2F30];
	v27 =	vmul.f32 v31, v27  }
0x670: {  	v50 =	vld [tilespmem:s6+$0x2F00]  }
0x671: {  	v55 =	vld [tilespmem:s25+$0xF30];
	v56 =	vperm.xlane v29, v6;
	v23 =	vadd.f32 v23, v30;
	v27 =	vmul.f32 v21, v27  }
0x672: {  	p2 =	por !p2, !p2;
	s6 =	simm.s32 $0x1;
	v31 =	vperm.xlane v26, v6;
	v30 =	vld [tilespmem:s25+$0x2F30]  }
0x673: {  	s6 =	simm.s32 @!p2 $0x0;
	v16 =	vld [tilespmem:s2+$0xF60];
	v29 =	vadd.f32 v29, v56;
	v58 =	vperm.xlane v23, v6;
	v24 =	vmul.f32 v24, v53;
	[tilespmem:s3+$0x90] =	vst v27  }
0x674: {  	s6 =	sshll.u32 s6, $0x9;
	v18 =	vmul.f32 v20, v18;
	v26 =	vadd.f32 v26, v31;
	v25 =	vmul.f32 v25, v28;
	v27 =	vld [tilespmem:s4+$0xF20]  }
0x675: {  	s6 =	sadd.s32 $0x800, s6;
	v28 =	vperm.xlane v29, v7;
	v23 =	vadd.f32 v23, v58;
	v24 =	vmul.f32 v24, v14;
	v60 =	vld [tilespmem:s4+$0x2F20]  }
0x676: {  	s17 =	sor.u32 $0x400, s6;
	s6 =	sor.u32 $0x410, s6;
	v17 =	vld [tilespmem:s2+$0x2F60];
	v59 =	vperm.xlane v26, v7;
	v25 =	vmul.f32 v25, v15  }
0x677: {  	v20 =	vld [tilespmem:s6+$0xF00];
	v28 =	vadd.f32 v29, v28;
	[tilespmem:s0+$0xFFFFFFB0] =	vst v24;
	v24 =	vmul.f32 v30, v55;
	v30 =	vperm.xlane v23, v7  }
0x678: {  	v22 =	vld [tilespmem:s29+$0xF00];
	v26 =	vadd.f32 v26, v59  }
0x679: {  	v54 =	vld [tilespmem:s17+$0xF00];
	[tilespmem:s0+$0x30] =	vst v25;
	v25 =	vadd.f32 v28, v12;
	v23 =	vadd.f32 v23, v30  }
0x67a: {  	v31 =	vld [tilespmem:s21+$0xF00];
	v26 =	vadd.f32 v26, v12;
	v27 =	vmul.f32 v60, v27  }
0x67b: {  	v56 =	vld [tilespmem:s6+$0x2F00];
	v25 =	vsub.f32 $0.0e+00, v25;
	v23 =	vadd.f32 v23, v12  }
0x67c: {  	v29 =	vld [tilespmem:s28+$0xF40];
	v26 =	vsub.f32 $0.0e+00, v26;
	v27 =	vmul.f32 v21, v27  }
0x67d: {  	s1 =	sor.u32 $0x410, s1;
	v62 =	vld [tilespmem:s28+$0x2F40];
	v25 =	vmul.f32 $1.442695020e+00, v25;
	v23 =	vsub.f32 $0.0e+00, v23  }
0x67e: {  	v26 =	vmul.f32 $1.442695020e+00, v26;
	[tilespmem:s3+$0xA0] =	vst v27;
	v27 =	vld [tilespmem:s1+$0xF00]  }
0x67f: {  	(erf) = vpow2.f32 v25;
	v25 =	vld [tilespmem:s4+$0xF30];
	v23 =	vmul.f32 $1.442695020e+00, v23  }
0x680: {  	(erf) = vpow2.f32 v26;
	v26 =	vld [tilespmem:s4+$0x2F30]  }
0x681: {  	(erf) = vpow2.f32 v23;
	v23 =	vld [tilespmem:s1+$0x2F00];
	s1 =	simm.s32 $0x9400  }
0x682: {  	v49 =	vld [tilespmem:s1+$0x80]  }
0x683: {  	v24 =	vmul.f32 v24, v13;
	v39 =	vld [tilespmem:s1+$0x90]  }
0x684: {  	v28 =	vld [tilespmem:s5+$0xF40]  }
0x685: {  	[tilespmem:s0+$0xFFFFFF30] =	vst v24;
	v24 =	vld [tilespmem:s5+$0x2F40];
	v25 =	vmul.f32 v26, v25  }
0x686: {  	v36 =	vadd.f32 v48, v47;
	v30 =	vld [tilespmem:s25+$0xF40];
	v23 =	vadd.f32 v23, v27  }
0x687: {  	v63 =	vld [tilespmem:s25+$0x2F40];
	v25 =	vmul.f32 v25, v21  }
0x688: {  	v55 =	vld [tilespmem:s17+$0x2F00];
	v36 =	vadd.f32 v49, v36;
	v23 =	vadd.f32 v39, v23  }
0x689: {  	v22 =	vmul.f32 v57, v22;
	v29 =	vmul.f32 v62, v29;
	v57 =	vld [tilespmem:s1+$0xFFFFFF00];
	[tilespmem:s3+$0xB0] =	vst v25  }
0x68a: {  	v31 =	vmul.f32 v61, v31;
	v51 =	vld [tilespmem:s4+$0xF40];
	v36 =	vadd.f32 v36, v8;
	v23 =	vadd.f32 v23, v9  }
0x68b: {  	v29 =	vmul.f32 v29, v14;
	v24 =	vmul.f32 v24, v28;
	v53 =	vld [tilespmem:s4+$0x2F40]  }
0x68c: {  	v30 =	vmul.f32 v63, v30;
	v59 =	vld [tilespmem:s1+$0xFFFFFF10];
	v36 =	vmax.f32 v36, $0.0e+00;
	v23 =	vmax.f32 v23, $0.0e+00  }
0x68d: {  	v61 =	vld [tilespmem:s1+$0xFFFFFF80];
	v36 =	vmul.f32 v36, v10;
	v23 =	vmul.f32 v23, v11  }
0x68e: {  	v63 =	vld [tilespmem:s1+$0xFFFFFF90];
	v24 =	vmul.f32 v24, v15  }
0x68f: {  	[tilespmem:s0+$0xFFFFFFC0] =	vst v29;
	v29 =	vmul.f32 v30, v13;
	v26 =	vld [tilespmem:s8+$0x2F00];
	v27 =	vpop (erf);
	v23 =	vadd.f32 v23, v36  }
0x690: {  	[tilespmem:s0+$0x40] =	vst v24;
	v24 =	vld [tilespmem:s28+$0x2F50];
	v25 =	vadd.f32 $1.000000000e+00, v27;
	v38 =	vmul.f32 v53, v51  }
0x691: {  	v16 =	vmul.f32 v17, v16;
	v20 =	vadd.f32 v56, v20;
	[tilespmem:s0+$0xFFFFFF40] =	vst v29;
	v29 =	vld [tilespmem:s5+$0x2F50];
	v17 =	vperm.xlane v23, v4  }
0x692: {  	v49 =	vld [tilespmem:s28+$0xF50];
	(erf) = vrcp.f32 v25;
	v38 =	vmul.f32 v38, v21  }
0x693: {  	v20 =	vadd.f32 v59, v20;
	v59 =	vld [tilespmem:s5+$0xF50];
	v42 =	vpop (erf);
	v23 =	vadd.f32 v23, v17  }
0x694: {  	v37 =	vadd.f32 v50, v41;
	v27 =	vadd.f32 $1.000000000e+00, v42;
	v52 =	vpop (erf);
	v25 =	vld [tilespmem:s16+$0x2F00];
	[tilespmem:s3+$0xC0] =	vst v38  }
0x695: {  	v20 =	vadd.f32 v20, v9;
	v39 =	vadd.f32 $1.000000000e+00, v52;
	v28 =	vld [tilespmem:s4+$0xF50];
	v60 =	vperm.xlane v23, v5  }
0x696: {  	v58 =	vmul.f32 v16, v19;
	v26 =	vadd.f32 v26, v40;
	(erf) = vrcp.f32 v27;
	v38 =	vld [tilespmem:s4+$0x2F50]  }
0x697: {  	v27 =	vld [tilespmem:s7+$0xF00];
	v20 =	vmax.f32 v20, $0.0e+00;
	(erf) = vrcp.f32 v39;
	v34 =	vadd.f32 v23, v60  }
0x698: {  	v46 =	vld [tilespmem:s1+$0x0];
	v26 =	vadd.f32 v61, v26;
	v20 =	vmul.f32 v20, v11;
	v24 =	vmul.f32 v24, v49  }
0x699: {  	v48 =	vld [tilespmem:s1+$0x10];
	v50 =	vadd.f32 v63, v37;
	v29 =	vmul.f32 v29, v59;
	v47 =	vperm.xlane v34, v6  }
0x69a: {  	v26 =	vadd.f32 v26, v8;
	v24 =	vmul.f32 v24, v14;
	v36 =	vadd.f32 v55, v54  }
0x69b: {  	v25 =	vadd.f32 v25, v43;
	v16 =	vpop (erf);
	v28 =	vmul.f32 v38, v28;
	v30 =	vadd.f32 v34, v47  }
0x69c: {  	v27 =	vadd.f32 v44, v27;
	v33 =	vadd.f32 v57, v36;
	v45 =	vmul.f32 v16, v22  }
0x69d: {  	v25 =	vadd.f32 v46, v25;
	v28 =	vmul.f32 v28, v21;
	v52 =	vperm.xlane v30, v7  }
0x69e: {  	v26 =	vmax.f32 v26, $0.0e+00;
	v36 =	vadd.f32 v50, v9;
	v27 =	vadd.f32 v48, v27;
	[tilespmem:s3+$0xFFFFFF80] =	vst v45  }
0x69f: {  	v26 =	vmul.f32 v26, v10;
	v33 =	vadd.f32 v33, v8;
	v17 =	vpop (erf);
	v51 =	vld [tilespmem:s29+$0xF10];
	[tilespmem:s3+$0xD0] =	vst v28;
	v28 =	vadd.f32 v30, v52  }
0x6a0: {  	v25 =	vadd.f32 v25, v8;
	v36 =	vmax.f32 v36, $0.0e+00;
	v62 =	vmul.f32 v17, v18;
	v18 =	vpop (erf);
	v54 =	vld [tilespmem:s4+$0x2F60]  }
0x6a1: {  	v36 =	vmul.f32 v36, v11;
	v31 =	vmul.f32 v18, v31;
	v30 =	vld [tilespmem:s4+$0xF60];
	v28 =	vadd.f32 v28, v12  }
0x6a2: {  	[tilespmem:s0+$0xFFFFFFD0] =	vst v24;
	v24 =	vmul.f32 v29, v15;
	v27 =	vadd.f32 v27, v9;
	v33 =	vmax.f32 v33, $0.0e+00;
	v53 =	vld [tilespmem:s29+$0x2F10]  }
0x6a3: {  	v25 =	vmax.f32 v25, $0.0e+00;
	v26 =	vadd.f32 v36, v26;
	[tilespmem:s3+$0x0] =	vst v31;
	v28 =	vsub.f32 $0.0e+00, v28  }
0x6a4: {  	v25 =	vmul.f32 v25, v10;
	v31 =	vmul.f32 v33, v10;
	v55 =	vld [tilespmem:s21+$0xF10]  }
0x6a5: {  	v27 =	vmax.f32 v27, $0.0e+00;
	v36 =	vperm.xlane v26, v4;
	v56 =	vld [tilespmem:s21+$0x2F10];
	v28 =	vmul.f32 $1.442695020e+00, v28  }
0x6a6: {  	v35 =	vld [tilespmem:s25+$0x2F50];
	v27 =	vmul.f32 v27, v11;
	v20 =	vadd.f32 v20, v31;
	v30 =	vmul.f32 v54, v30  }
0x6a7: {  	[tilespmem:s0+$0xE0] =	vst v58;
	v49 =	vld [tilespmem:s28+$0xF60];
	v26 =	vadd.f32 v26, v36;
	v31 =	vmul.f32 v53, v51;
	(erf) = vpow2.f32 v28  }
0x6a8: {  	v22 =	vld [tilespmem:s2+$0xF70];
	[tilespmem:s3+$0xFFFFFF00] =	vst v62;
	v25 =	vadd.f32 v27, v25;
	v28 =	vmul.f32 v30, v21;
	v30 =	vperm.xlane v20, v4  }
0x6a9: {  	v57 =	vld [tilespmem:s20+$0xF10];
	v60 =	vperm.xlane v26, v5;
	v31 =	vmul.f32 v16, v31  }
0x6aa: {  	v58 =	vld [tilespmem:s20+$0x2F10];
	v33 =	vmul.f32 v56, v55;
	[tilespmem:s3+$0xE0] =	vst v28;
	v20 =	vadd.f32 v20, v30;
	v28 =	vperm.xlane v25, v4  }
0x6ab: {  	[tilespmem:s0+$0x50] =	vst v24;
	v23 =	vld [tilespmem:s2+$0x2F70];
	v26 =	vadd.f32 v26, v60  }
0x6ac: {  	v27 =	vld [tilespmem:s25+$0xF50];
	[tilespmem:s3+$0xFFFFFF90] =	vst v31;
	v31 =	vmul.f32 v18, v33;
	v62 =	vperm.xlane v20, v5;
	v25 =	vadd.f32 v25, v28  }
0x6ad: {  	v51 =	vld [tilespmem:s5+$0xF60];
	v46 =	vperm.xlane v26, v6  }
0x6ae: {  	v63 =	vld [tilespmem:s29+$0x2F20];
	[tilespmem:s3+$0x10] =	vst v31;
	v20 =	vadd.f32 v20, v62;
	v31 =	vperm.xlane v25, v5  }
0x6af: {  	v26 =	vadd.f32 v26, v46;
	v45 =	vld [tilespmem:s21+$0xF20];
	v30 =	vmul.f32 v58, v57  }
0x6b0: {  	v36 =	vld [tilespmem:s4+$0xF70];
	v38 =	vperm.xlane v20, v6;
	v25 =	vadd.f32 v25, v31  }
0x6b1: {  	v50 =	vperm.xlane v26, v7;
	v61 =	vld [tilespmem:s4+$0x2F70];
	v30 =	vmul.f32 v17, v30  }
0x6b2: {  	v28 =	vld [tilespmem:s29+$0xF20];
	v31 =	vpop (erf);
	v29 =	vperm.xlane v25, v6;
	v20 =	vadd.f32 v20, v38  }
0x6b3: {  	s17 =	simm.s32 $0x580;
	s8 =	simm.s32 $0x800;
	v26 =	vadd.f32 v26, v50;
	[tilespmem:s3+$0xFFFFFF10] =	vst v30;
	v30 =	vld [tilespmem:s21+$0x2F20];
	v31 =	vadd.f32 $1.000000000e+00, v31  }
0x6b4: {  	s19 =	sand.u32 $0x380, s17;
	s18 =	sand.u32 $0x1800, s8;
	v47 =	vld [tilespmem:s20+$0xF20];
	v24 =	vadd.f32 v25, v29;
	v25 =	vperm.xlane v20, v7  }
0x6b5: {  	v26 =	vadd.f32 v26, v12;
	s4 =	sor.u32 s18, s19;
	v48 =	vld [tilespmem:s20+$0x2F20];
	(erf) = vrcp.f32 v31  }
0x6b6: {  	s22 =	simm.s32 $0x400;
	v29 =	vld [tilespmem:s4+$0xF00];
	v20 =	vadd.f32 v20, v25  }
0x6b7: {  	s23 =	simm.s32 $0x480;
	s6 =	sand.u32 $0x200, s22;
	v26 =	vsub.f32 $0.0e+00, v26;
	v52 =	vperm.xlane v24, v7;
	v25 =	vld [tilespmem:s4+$0x2F00]  }
0x6b8: {  	s24 =	sand.u32 $0x280, s23;
	s15 =	sor.u32 s6, s18;
	v22 =	vmul.f32 v23, v22;
	v23 =	vmul.f32 v61, v36;
	v31 =	vld [tilespmem:s28+$0x2F60];
	v20 =	vadd.f32 v20, v12  }
0x6b9: {  	s11 =	sor.u32 s18, s24;
	v53 =	vld [tilespmem:s15+$0xF00];
	v26 =	vmul.f32 $1.442695020e+00, v26;
	v28 =	vmul.f32 v63, v28;
	v24 =	vadd.f32 v24, v52  }
0x6ba: {  	s26 =	simm.s32 $0x500;
	v56 =	vld [tilespmem:s11+$0xF00];
	v33 =	vmul.f32 v23, v21;
	v30 =	vmul.f32 v30, v45;
	v20 =	vsub.f32 $0.0e+00, v20  }
0x6bb: {  	s30 =	sand.u32 $0x300, s26;
	v54 =	vld [tilespmem:s15+$0x2F00];
	v28 =	vmul.f32 v16, v28;
	v55 =	vmul.f32 v48, v47;
	v24 =	vadd.f32 v24, v12  }
0x6bc: {  	v57 =	vld [tilespmem:s11+$0x2F00];
	s19 =	sor.u32 s18, s30;
	v25 =	vmul.f32 v25, v29;
	v29 =	vmul.f32 v18, v30  }
0x6bd: {  	v58 =	vld [tilespmem:s19+$0xF00];
	[tilespmem:s3+$0xFFFFFFA0] =	vst v28;
	(erf) = vpow2.f32 v26;
	v21 =	vmul.f32 v31, v49;
	v24 =	vsub.f32 $0.0e+00, v24  }
0x6be: {  	v26 =	vld [tilespmem:s29+$0xF30];
	v28 =	vmul.f32 $1.442695020e+00, v20;
	[tilespmem:s3+$0x20] =	vst v29;
	v29 =	vmul.f32 v17, v55;
	v20 =	vpop (erf)  }
0x6bf: {  	v31 =	vld [tilespmem:s5+$0x2F60];
	v24 =	vmul.f32 $1.442695020e+00, v24;
	v25 =	vmul.f32 v20, v25  }
0x6c0: {  	s2 =	simm.s32 $0xB400;
	(erf) = vpow2.f32 v28;
	v28 =	vld [tilespmem:s29+$0x2F30];
	[tilespmem:s3+$0xFFFFFF20] =	vst v29  }
0x6c1: {  	v29 =	vld [tilespmem:s21+$0x2F30];
	(erf) = vpow2.f32 v24;
	[tilespmem:s2+$0x80] =	vst v25  }
0x6c2: {  	v59 =	vld [tilespmem:s4+$0xF10]  }
0x6c3: {  	v24 =	vmul.f32 v35, v27;
	v27 =	vld [tilespmem:s4+$0x2F10]  }
0x6c4: {  	v23 =	vld [tilespmem:s20+$0x2F30]  }
0x6c5: {  	v25 =	vld [tilespmem:s21+$0xF30];
	v24 =	vmul.f32 v24, v13;
	v26 =	vmul.f32 v28, v26  }
0x6c6: {  	v19 =	vmul.f32 v22, v19;
	v28 =	vld [tilespmem:s20+$0xF30]  }
0x6c7: {  	v30 =	vld [tilespmem:s19+$0x2F00];
	[tilespmem:s0+$0xFFFFFF50] =	vst v24;
	v26 =	vmul.f32 v26, v16  }
0x6c8: {  	[tilespmem:s0+$0xF0] =	vst v19;
	v62 =	vmul.f32 v21, v14;
	v60 =	vpop (erf);
	v61 =	vld [tilespmem:s25+$0xF60];
	v27 =	vmul.f32 v27, v59  }
0x6c9: {  	v22 =	vmul.f32 v57, v56;
	v31 =	vmul.f32 v31, v51;
	v35 =	vadd.f32 $1.000000000e+00, v60;
	v21 =	vpop (erf);
	[tilespmem:s3+$0xFFFFFFB0] =	vst v26;
	v26 =	vld [tilespmem:s25+$0x2F60]  }
0x6ca: {  	[tilespmem:s0+$0xFFFFFFE0] =	vst v62;
	v25 =	vmul.f32 v29, v25;
	v19 =	vadd.f32 $1.000000000e+00, v21;
	v21 =	vld [tilespmem:s29+$0xF40];
	v29 =	vmul.f32 v20, v27;
	v63 =	vpop (erf)  }
0x6cb: {  	v28 =	vmul.f32 v23, v28;
	v23 =	vld [tilespmem:s28+$0xF70];
	(erf) = vrcp.f32 v35;
	v34 =	vadd.f32 $1.000000000e+00, v63  }
0x6cc: {  	v27 =	vld [tilespmem:s29+$0x2F40];
	(erf) = vrcp.f32 v19;
	v19 =	vmul.f32 v25, v18;
	[tilespmem:s2+$0x90] =	vst v29  }
0x6cd: {  	[tilespmem:s3+$0xF0] =	vst v33;
	v28 =	vmul.f32 v28, v17;
	v29 =	vld [tilespmem:s4+$0xF20];
	(erf) = vrcp.f32 v34  }
0x6ce: {  	v24 =	vmul.f32 v54, v53;
	v25 =	vmul.f32 v30, v58;
	v30 =	vld [tilespmem:s4+$0x2F20];
	[tilespmem:s3+$0x30] =	vst v19  }
0x6cf: {  	p2 =	por !p2, !p2;
	s7 =	simm.s32 $0xB400;
	s18 =	simm.s32 $0x8;
	v19 =	vmul.f32 v26, v61;
	[tilespmem:s3+$0xFFFFFF30] =	vst v28;
	v28 =	vmul.f32 v31, v15;
	v26 =	vld [tilespmem:s21+$0xF40]  }
.LBB2_16:
0x6d0: {  	s6 =	simm.s32 $0x1  }
0x6d1: {  	s12 =	sadd.s32 $0x4, s12;
	s13 =	sadd.s32 $0x2, s13;
	v21 =	vmul.f32 v27, v21;
	v27 =	vld [tilespmem:s21+$0x2F40];
	v19 =	vmul.f32 v19, v13;
	s6 =	simm.s32 @!p2 $0x0  }
0x6d2: {  	s9 =	sand.u32 $0x7, s12;
	s10 =	sand.u32 $0x3, s13;
	s6 =	sshll.u32 s6, $0x9;
	v31 =	vld [tilespmem:s20+$0xF40];
	[tilespmem:s0+$0x60] =	vst v28  }
0x6d3: {  	s8 =	sadd.s32 $0x400, s8;
	s9 =	sshll.u32 s9, $0x7;
	s10 =	sshll.u32 s10, $0x8;
	v35 =	vmul.f32 v21, v16;
	v28 =	vld [tilespmem:s20+$0x2F40];
	[tilespmem:s0+$0xFFFFFF60] =	vst v19  }
0x6d4: {  	s10 =	sadd.s32 s8, s10;
	s16 =	sadd.s32 s6, s8;
	s6 =	sadd.s32 s9, s8;
	v29 =	vmul.f32 v30, v29;
	v30 =	vpop (erf);
	v32 =	vld [tilespmem:s28+$0x2F70]  }
0x6d5: {  	s9 =	sadd.s32 $0x80, s6;
	s10 =	sadd.s32 $0x100, s10;
	s24 =	sadd.s32 $0x180, s6;
	v33 =	vmul.f32 v30, v22;
	v19 =	vpop (erf);
	[tilespmem:s3+$0xFFFFFFC0] =	vst v35;
	v22 =	vld [tilespmem:s5+$0xF70]  }
0x6d6: {  	s26 =	sor.u32 $0x400, s9;
	s9 =	sor.u32 $0x410, s9;
	s28 =	sor.u32 $0x400, s24;
	v29 =	vmul.f32 v20, v29;
	v34 =	vmul.f32 v19, v24;
	v21 =	vpop (erf);
	v24 =	vld [tilespmem:s29+$0xF50]  }
0x6d7: {  	s6 =	sor.u32 $0x400, s16;
	s14 =	sor.u32 $0x400, s10;
	s23 =	sor.u32 $0x410, s10;
	v26 =	vmul.f32 v27, v26;
	v35 =	vld [tilespmem:s28+$0xF00];
	[tilespmem:s2+$0xFFFFFF80] =	vst v33;
	v25 =	vmul.f32 v21, v25  }
0x6d8: {  	s22 =	sor.u32 $0x410, s16;
	v27 =	vld [tilespmem:s28+$0x2F00];
	[tilespmem:s2+$0xA0] =	vst v29;
	v28 =	vmul.f32 v28, v31;
	s28 =	smov.u32 s29;
	s29 =	smov.u32 s11  }
0x6d9: {  	v26 =	vmul.f32 v26, v18;
	[tilespmem:s2+$0x0] =	vst v25;
	v25 =	vld [tilespmem:s4+$0xF30];
	v23 =	vmul.f32 v32, v23  }
0x6da: {  	s10 =	sor.u32 $0x410, s24;
	[tilespmem:s2+$0xFFFFFF00] =	vst v34;
	v29 =	vld [tilespmem:s4+$0x2F30];
	v28 =	vmul.f32 v28, v17  }
0x6db: {  	v31 =	vld [tilespmem:s10+$0xF00];
	[tilespmem:s3+$0x40] =	vst v26;
	v23 =	vmul.f32 v23, v14;
	v14 =	vmov v16;
	v16 =	vmov v30  }
0x6dc: {  	s1 =	sadd.s32 $0x200, s1;
	v26 =	vld [tilespmem:s10+$0x2F00];
	[tilespmem:s3+$0xFFFFFF40] =	vst v28  }
0x6dd: {  	v28 =	vld [tilespmem:s1+$0x80];
	[tilespmem:s0+$0xFFFFFFF0] =	vst v23  }
0x6de: {  	s18 =	sadd.s32 $0x4, s18;
	v23 =	vld [tilespmem:s1+$0x90]  }
0x6df: {  	p3 =	slt.u32 s18, $0x1C;
	v30 =	vld [tilespmem:s26+$0xF00];
	v25 =	vmul.f32 v29, v25  }
0x6e0: {  	v29 =	vld [tilespmem:s26+$0x2F00]  }
0x6e1: {  	v27 =	vadd.f32 v27, v35;
	v32 =	vld [tilespmem:s9+$0xF00];
	v26 =	vadd.f32 v26, v31;
	v25 =	vmul.f32 v25, v20  }
0x6e2: {  	v31 =	vld [tilespmem:s9+$0x2F00]  }
0x6e3: {  	v27 =	vadd.f32 v28, v27;
	v33 =	vld [tilespmem:s14+$0xF00];
	v23 =	vadd.f32 v23, v26;
	[tilespmem:s2+$0xB0] =	vst v25  }
0x6e4: {  	v25 =	vld [tilespmem:s4+$0xF40]  }
0x6e5: {  	v26 =	vadd.f32 v27, v8;
	v23 =	vadd.f32 v23, v9;
	v27 =	vld [tilespmem:s4+$0x2F40]  }
0x6e6: {  	v28 =	vadd.f32 v29, v30;
	v29 =	vld [tilespmem:s14+$0x2F00]  }
0x6e7: {  	v26 =	vmax.f32 v26, $0.0e+00;
	v30 =	vadd.f32 v31, v32;
	v31 =	vld [tilespmem:s23+$0xF00];
	v23 =	vmax.f32 v23, $0.0e+00  }
0x6e8: {  	v26 =	vmul.f32 v26, v10;
	v32 =	vld [tilespmem:s23+$0x2F00];
	v23 =	vmul.f32 v23, v11  }
0x6e9: {  	v34 =	vld [tilespmem:s6+$0xF00]  }
0x6ea: {  	v35 =	vld [tilespmem:s6+$0x2F00];
	v23 =	vadd.f32 v23, v26;
	v25 =	vmul.f32 v27, v25  }
0x6eb: {  	v26 =	vld [tilespmem:s22+$0xF00];
	v27 =	vadd.f32 v29, v33  }
0x6ec: {  	v29 =	vld [tilespmem:s22+$0x2F00];
	v33 =	vperm.xlane v23, v4;
	v25 =	vmul.f32 v25, v20  }
0x6ed: {  	v36 =	vld [tilespmem:s1+$0xFFFFFF00];
	v31 =	vadd.f32 v32, v31  }
0x6ee: {  	v32 =	vld [tilespmem:s1+$0xFFFFFF10];
	v23 =	vadd.f32 v23, v33;
	[tilespmem:s2+$0xC0] =	vst v25  }
0x6ef: {  	v25 =	vadd.f32 v35, v34;
	v33 =	vld [tilespmem:s4+$0xF50]  }
0x6f0: {  	v34 =	vperm.xlane v23, v5;
	v35 =	vld [tilespmem:s4+$0x2F50]  }
0x6f1: {  	v26 =	vadd.f32 v29, v26;
	v29 =	vld [tilespmem:s1+$0xFFFFFF80]  }
0x6f2: {  	v25 =	vadd.f32 v36, v25;
	v36 =	vld [tilespmem:s1+$0xFFFFFF90];
	v23 =	vadd.f32 v23, v34  }
0x6f3: {  	v26 =	vadd.f32 v32, v26;
	v32 =	vld [tilespmem:s1+$0x0]  }
0x6f4: {  	v25 =	vadd.f32 v25, v8;
	v34 =	vld [tilespmem:s1+$0x10];
	v37 =	vperm.xlane v23, v6  }
0x6f5: {  	v26 =	vadd.f32 v26, v9;
	v38 =	vld [tilespmem:s29+$0xF10];
	v33 =	vmul.f32 v35, v33  }
0x6f6: {  	v25 =	vmax.f32 v25, $0.0e+00;
	v28 =	vadd.f32 v29, v28;
	v23 =	vadd.f32 v23, v37;
	v29 =	vld [tilespmem:s29+$0x2F10]  }
0x6f7: {  	v26 =	vmax.f32 v26, $0.0e+00;
	v30 =	vadd.f32 v36, v30;
	v35 =	vld [tilespmem:s19+$0xF10];
	v33 =	vmul.f32 v33, v20  }
0x6f8: {  	v28 =	vadd.f32 v28, v8;
	v27 =	vadd.f32 v32, v27;
	v32 =	vperm.xlane v23, v7;
	v36 =	vld [tilespmem:s19+$0x2F10]  }
0x6f9: {  	v25 =	vmul.f32 v25, v10;
	v30 =	vadd.f32 v30, v9;
	v31 =	vadd.f32 v34, v31;
	v34 =	vld [tilespmem:s15+$0xF10];
	[tilespmem:s2+$0xD0] =	vst v33  }
0x6fa: {  	v28 =	vmax.f32 v28, $0.0e+00;
	v27 =	vadd.f32 v27, v8;
	v23 =	vadd.f32 v23, v32;
	v32 =	vld [tilespmem:s4+$0xF60]  }
0x6fb: {  	v28 =	vmul.f32 v28, v10;
	v30 =	vmax.f32 v30, $0.0e+00;
	v31 =	vadd.f32 v31, v9;
	v33 =	vld [tilespmem:s4+$0x2F60]  }
0x6fc: {  	v30 =	vmul.f32 v30, v11;
	v27 =	vmax.f32 v27, $0.0e+00;
	v23 =	vadd.f32 v23, v12;
	v37 =	vld [tilespmem:s15+$0x2F10]  }
0x6fd: {  	v26 =	vmul.f32 v26, v11;
	v27 =	vmul.f32 v27, v10;
	v31 =	vmax.f32 v31, $0.0e+00;
	v39 =	vld [tilespmem:s28+$0x2F50]  }
0x6fe: {  	v28 =	vadd.f32 v30, v28;
	v30 =	vmul.f32 v31, v11;
	v23 =	vsub.f32 $0.0e+00, v23;
	v31 =	vld [tilespmem:s21+$0xF50]  }
0x6ff: {  	v25 =	vadd.f32 v26, v25;
	v26 =	vmul.f32 v29, v38;
	v29 =	vmul.f32 v36, v35;
	v35 =	vld [tilespmem:s21+$0x2F50]  }
0x700: {  	v27 =	vadd.f32 v30, v27;
	v23 =	vmul.f32 $1.442695020e+00, v23;
	v30 =	vmul.f32 v33, v32;
	v32 =	vld [tilespmem:s20+$0xF50]  }
0x701: {  	v33 =	vperm.xlane v25, v4;
	v36 =	vperm.xlane v28, v4;
	v38 =	vld [tilespmem:s20+$0x2F50]  }
0x702: {  	(erf) = vpow2.f32 v23;
	v23 =	vmul.f32 v30, v20;
	v30 =	vld [tilespmem:s5+$0x2F70];
	s5 =	smov.u32 s21;
	s21 =	smov.u32 s19  }
0x703: {  	v25 =	vadd.f32 v25, v33;
	v28 =	vadd.f32 v28, v36;
	v33 =	vperm.xlane v27, v4;
	v36 =	vld [tilespmem:s25+$0xF70]  }
0x704: {  	v26 =	vmul.f32 v16, v26;
	v34 =	vmul.f32 v37, v34;
	[tilespmem:s2+$0xE0] =	vst v23;
	v23 =	vld [tilespmem:s25+$0x2F70];
	s25 =	smov.u32 s20;
	s20 =	smov.u32 s15  }
0x705: {  	v37 =	vperm.xlane v25, v5;
	v40 =	vperm.xlane v28, v5;
	v27 =	vadd.f32 v27, v33;
	v33 =	vld [tilespmem:s4+$0xF70]  }
0x706: {  	v34 =	vmul.f32 v19, v34;
	[tilespmem:s2+$0xFFFFFF90] =	vst v26;
	v26 =	vmul.f32 v21, v29;
	v29 =	vld [tilespmem:s4+$0x2F70]  }
0x707: {  	v25 =	vadd.f32 v25, v37;
	v28 =	vadd.f32 v28, v40;
	v37 =	vperm.xlane v27, v5;
	v40 =	vld [tilespmem:s29+$0xF20]  }
0x708: {  	v24 =	vmul.f32 v39, v24;
	v41 =	vld [tilespmem:s29+$0x2F20];
	[tilespmem:s2+$0x10] =	vst v26;
	v26 =	vmul.f32 v35, v31  }
0x709: {  	v31 =	vperm.xlane v25, v6;
	v35 =	vperm.xlane v28, v6;
	v27 =	vadd.f32 v27, v37;
	[tilespmem:s2+$0xFFFFFF10] =	vst v34;
	v34 =	vld [tilespmem:s21+$0xF20]  }
0x70a: {  	v24 =	vmul.f32 v24, v14;
	v32 =	vmul.f32 v38, v32;
	v37 =	vld [tilespmem:s21+$0x2F20]  }
0x70b: {  	v28 =	vadd.f32 v28, v35;
	v35 =	vperm.xlane v27, v6;
	v38 =	vpop (erf);
	v39 =	vld [tilespmem:s20+$0xF20];
	v29 =	vmul.f32 v29, v33  }
0x70c: {  	v25 =	vadd.f32 v25, v31;
	v31 =	vadd.f32 $1.000000000e+00, v38;
	v33 =	vld [tilespmem:s20+$0x2F20];
	[tilespmem:s3+$0xFFFFFFD0] =	vst v24;
	v24 =	vmul.f32 v26, v18  }
0x70d: {  	s17 =	sadd.s32 $0x200, s17;
	v26 =	vperm.xlane v28, v7;
	v27 =	vadd.f32 v27, v35;
	v20 =	vmul.f32 v29, v20;
	v29 =	vld [tilespmem:s28+$0xF60]  }
0x70e: {  	s9 =	sadd.s32 $0xFFFFFE80, s17;
	s6 =	sand.u32 $0x1800, s8;
	s4 =	sand.u32 $0x380, s17;
	v35 =	vperm.xlane v25, v7;
	(erf) = vrcp.f32 v31;
	v31 =	vld [tilespmem:s28+$0x2F60];
	[tilespmem:s3+$0x50] =	vst v24  }
0x70f: {  	s11 =	sadd.s32 $0xFFFFFF80, s17;
	s10 =	sadd.s32 $0xFFFFFF00, s17;
	s4 =	sor.u32 s6, s4;
	v24 =	vadd.f32 v28, v26;
	v26 =	vperm.xlane v27, v7;
	v28 =	vmul.f32 v41, v40;
	[tilespmem:s2+$0xF0] =	vst v20;
	v38 =	vld [tilespmem:s5+$0xF60]  }
0x710: {  	s10 =	sand.u32 $0x280, s10;
	s9 =	sand.u32 $0x200, s9;
	s14 =	sand.u32 $0x300, s11;
	v32 =	vmul.f32 v32, v17;
	v20 =	vadd.f32 v25, v35;
	v34 =	vmul.f32 v37, v34;
	v25 =	vld [tilespmem:s4+$0xF00]  }
0x711: {  	s11 =	sor.u32 s6, s10;
	s19 =	sor.u32 s6, s14;
	s15 =	sor.u32 s9, s6;
	v24 =	vadd.f32 v24, v12;
	v26 =	vadd.f32 v27, v26;
	v27 =	vld [tilespmem:s4+$0x2F00];
	v33 =	vmul.f32 v33, v39  }
0x712: {  	v28 =	vmul.f32 v16, v28;
	v20 =	vadd.f32 v20, v12;
	v34 =	vmul.f32 v21, v34;
	v35 =	vld [tilespmem:s15+$0xF00];
	[tilespmem:s3+$0xFFFFFF50] =	vst v32  }
0x713: {  	v24 =	vsub.f32 $0.0e+00, v24;
	v26 =	vadd.f32 v26, v12;
	v32 =	vld [tilespmem:s15+$0x2F00];
	v33 =	vmul.f32 v19, v33  }
0x714: {  	v39 =	vsub.f32 $0.0e+00, v20;
	v37 =	vld [tilespmem:s11+$0xF00];
	[tilespmem:s2+$0xFFFFFFA0] =	vst v28;
	v28 =	vmul.f32 v31, v29;
	v29 =	vmul.f32 v30, v22  }
0x715: {  	v23 =	vmul.f32 v23, v36;
	v22 =	vmul.f32 $1.442695020e+00, v24;
	v24 =	vsub.f32 $0.0e+00, v26;
	v30 =	vld [tilespmem:s11+$0x2F00];
	[tilespmem:s2+$0x20] =	vst v34  }
0x716: {  	v26 =	vmul.f32 $1.442695020e+00, v39;
	v31 =	vld [tilespmem:s19+$0xF00];
	v25 =	vmul.f32 v27, v25;
	[tilespmem:s2+$0xFFFFFF20] =	vst v33  }
0x717: {  	v27 =	vmul.f32 $1.442695020e+00, v24;
	v33 =	vld [tilespmem:s19+$0x2F00];
	(erf) = vpow2.f32 v22;
	v20 =	vpop (erf)  }
0x718: {  	v25 =	vmul.f32 v20, v25;
	(erf) = vpow2.f32 v26;
	v26 =	vld [tilespmem:s29+$0xF30]  }
0x719: {  	s2 =	sadd.s32 $0x200, s2;
	v24 =	vmul.f32 v32, v35;
	(erf) = vpow2.f32 v27;
	v27 =	vld [tilespmem:s29+$0x2F30]  }
0x71a: {  	v28 =	vmul.f32 v28, v14;
	v22 =	vmul.f32 v30, v37;
	[tilespmem:s2+$0x80] =	vst v25;
	v30 =	vld [tilespmem:s21+$0xF30]  }
0x71b: {  	v23 =	vmul.f32 v23, v13;
	v13 =	vmovc v17;
	v17 =	vmovc v19;
	v29 =	vmul.f32 v29, v15;
	v15 =	vmov v18;
	v32 =	vld [tilespmem:s4+$0xF10]  }
0x71c: {  	v18 =	vmov v21;
	v25 =	vmul.f32 v33, v31;
	v19 =	vld [tilespmem:s4+$0x2F10];
	[tilespmem:s3+$0xFFFFFFE0] =	vst v28  }
0x71d: {  	v21 =	vld [tilespmem:s21+$0x2F30];
	[tilespmem:s0+$0x70] =	vst v29  }
0x71e: {  	v28 =	vld [tilespmem:s20+$0xF30];
	v26 =	vmul.f32 v27, v26;
	[tilespmem:s0+$0xFFFFFF70] =	vst v23;
	s0 =	smov.u32 s3;
	s3 =	smov.u32 s7;
	s7 =	smov.u32 s2  }
0x71f: {  	v23 =	vld [tilespmem:s20+$0x2F30]  }
0x720: {  	v27 =	vpop (erf);
	v26 =	vmul.f32 v26, v16;
	v31 =	vld [tilespmem:s5+$0x2F60]  }
0x721: {  	v27 =	vadd.f32 $1.000000000e+00, v27;
	v19 =	vmul.f32 v19, v32;
	v29 =	vpop (erf);
	v32 =	vld [tilespmem:s25+$0xF60]  }
0x722: {  	v29 =	vadd.f32 $1.000000000e+00, v29;
	v33 =	vpop (erf);
	[tilespmem:s3+$0xFFFFFFB0] =	vst v26;
	v26 =	vmul.f32 v21, v30;
	v34 =	vld [tilespmem:s25+$0x2F60]  }
0x723: {  	v30 =	vadd.f32 $1.000000000e+00, v33;
	v19 =	vmul.f32 v20, v19;
	(erf) = vrcp.f32 v27;
	v21 =	vld [tilespmem:s29+$0xF40]  }
.Ltmp10:
0x724: {  	(erf) = vrcp.f32 v29;
	v28 =	vmul.f32 v23, v28;
	v27 =	vld [tilespmem:s29+$0x2F40];
	(pc) =	sbr.rel @p3 .LBB2_16-.Ltmp10, $4  }
0x725: {  	[tilespmem:s2+$0x90] =	vst v19;
	(erf) = vrcp.f32 v30;
	v19 =	vmul.f32 v26, v18;
	v23 =	vld [tilespmem:s28+$0xF70]  }
0x726: {  	v29 =	vld [tilespmem:s4+$0xF20];
	v26 =	vmul.f32 v28, v17;
	v28 =	vmul.f32 v31, v38  }
0x727: {  	v30 =	vld [tilespmem:s4+$0x2F20];
	[tilespmem:s3+$0x30] =	vst v19;
	v19 =	vmul.f32 v34, v32  }
0x728: {  	p2 =	por !p2, !p2;
	[tilespmem:s3+$0xFFFFFF30] =	vst v26;
	v26 =	vld [tilespmem:s21+$0xF40];
	v28 =	vmul.f32 v28, v15  }
0x729: {  	_ =	sdelay $0x2  }
0x72a: {  	v8 =	vmul.f32 v30, v29;
	_ =	sdelay $0x1  }
0x72b: {  	v8 =	vmul.f32 v20, v8;
	_ =	sdelay $0x1  }
0x72c: {  	[tilespmem:s2+$0xA0] =	vst v8  }
0x72d: {  	v8 =	vld [tilespmem:s4+$0xF30]  }
0x72e: {  	v9 =	vld [tilespmem:s4+$0x2F30];
	_ =	sdelay $0x4  }
0x72f: {  	v8 =	vmul.f32 v9, v8;
	_ =	sdelay $0x1  }
0x730: {  	v8 =	vmul.f32 v8, v20;
	_ =	sdelay $0x1  }
0x731: {  	v36 =	vld [tilespmem:s21+$0x2F40];
	v9 =	vpop (erf)  }
0x732: {  	v37 =	vld [tilespmem:s20+$0xF40];
	v12 =	vmul.f32 v9, v22;
	[tilespmem:s2+$0xB0] =	vst v8  }
0x733: {  	v11 =	vld [tilespmem:s4+$0xF40];
	v8 =	vpop (erf)  }
0x734: {  	[tilespmem:s2+$0xFFFFFF80] =	vst v12;
	v35 =	vld [tilespmem:s4+$0x2F40];
	v24 =	vmul.f32 v8, v24  }
0x735: {  	v39 =	vld [tilespmem:s11+$0xF10];
	v10 =	vpop (erf)  }
0x736: {  	v40 =	vld [tilespmem:s11+$0x2F10];
	v38 =	vmul.f32 v10, v25;
	[tilespmem:s2+$0xFFFFFF00] =	vst v24  }
0x737: {  	v31 =	vld [tilespmem:s15+$0xF10]  }
0x738: {  	v21 =	vmul.f32 v27, v21;
	[tilespmem:s2+$0x0] =	vst v38;
	v32 =	vld [tilespmem:s15+$0x2F10]  }
0x739: {  	v19 =	vmul.f32 v19, v13;
	v11 =	vmul.f32 v35, v11;
	v41 =	vld [tilespmem:s19+$0xF10]  }
0x73a: {  	[tilespmem:s0+$0x60] =	vst v28;
	v21 =	vmul.f32 v21, v16;
	v42 =	vld [tilespmem:s19+$0x2F10]  }
0x73b: {  	v33 =	vld [tilespmem:s20+$0x2F40];
	[tilespmem:s0+$0xFFFFFF60] =	vst v19;
	v43 =	vmul.f32 v40, v39;
	v11 =	vmul.f32 v11, v20  }
0x73c: {  	v19 =	vld [tilespmem:s5+$0x2F70];
	[tilespmem:s3+$0xFFFFFFC0] =	vst v21  }
0x73d: {  	v55 =	vld [tilespmem:s29+$0xF50];
	v45 =	vmul.f32 v9, v43;
	[tilespmem:s2+$0xC0] =	vst v11;
	v46 =	vmul.f32 v32, v31  }
0x73e: {  	v44 =	vld [tilespmem:s4+$0xF50]  }
0x73f: {  	[tilespmem:s2+$0xFFFFFF90] =	vst v45;
	v34 =	vld [tilespmem:s4+$0x2F50];
	v22 =	vmul.f32 v42, v41;
	v47 =	vmul.f32 v8, v46  }
0x740: {  	v24 =	vld [tilespmem:s11+$0xF20]  }
0x741: {  	v48 =	vld [tilespmem:s11+$0x2F20];
	v22 =	vmul.f32 v10, v22;
	[tilespmem:s2+$0xFFFFFF10] =	vst v47  }
0x742: {  	v53 =	vmul.f32 v36, v26;
	v52 =	vld [tilespmem:s15+$0xF20]  }
0x743: {  	v30 =	vmul.f32 v33, v37;
	[tilespmem:s2+$0x10] =	vst v22;
	v54 =	vld [tilespmem:s15+$0x2F20]  }
0x744: {  	v21 =	vmul.f32 v53, v18;
	v49 =	vmul.f32 v34, v44;
	v50 =	vld [tilespmem:s19+$0xF20]  }
0x745: {  	v30 =	vmul.f32 v30, v17;
	v51 =	vld [tilespmem:s19+$0x2F20]  }
0x746: {  	v59 =	vld [tilespmem:s29+$0x2F50];
	[tilespmem:s3+$0x40] =	vst v21;
	v56 =	vmul.f32 v48, v24;
	v22 =	vmul.f32 v49, v20  }
0x747: {  	[tilespmem:s3+$0xFFFFFF40] =	vst v30;
	v60 =	vld [tilespmem:s21+$0xF50]  }
0x748: {  	v12 =	vld [tilespmem:s28+$0x2F70];
	[tilespmem:s2+$0xD0] =	vst v22;
	v22 =	vmul.f32 v9, v56;
	v26 =	vmul.f32 v54, v52  }
0x749: {  	v39 =	vld [tilespmem:s20+$0xF50]  }
0x74a: {  	v40 =	vld [tilespmem:s20+$0x2F50];
	v25 =	vmul.f32 v51, v50;
	[tilespmem:s2+$0xFFFFFFA0] =	vst v22;
	v26 =	vmul.f32 v8, v26  }
0x74b: {  	v22 =	vld [tilespmem:s11+$0xF30]  }
0x74c: {  	v61 =	vld [tilespmem:s11+$0x2F30];
	v25 =	vmul.f32 v10, v25;
	[tilespmem:s2+$0xFFFFFF20] =	vst v26  }
0x74d: {  	v36 =	vld [tilespmem:s15+$0xF30]  }
0x74e: {  	[tilespmem:s2+$0x20] =	vst v25;
	v37 =	vld [tilespmem:s15+$0x2F30]  }
0x74f: {  	v62 =	vld [tilespmem:s19+$0xF30]  }
0x750: {  	v63 =	vld [tilespmem:s19+$0x2F30]  }
0x751: {  	v38 =	vld [tilespmem:s21+$0x2F50];
	v22 =	vmul.f32 v61, v22  }
0x752: {  	v11 =	vld [tilespmem:s5+$0xF70]  }
0x753: {  	v31 =	vld [tilespmem:s25+$0xF70];
	v22 =	vmul.f32 v22, v9;
	v41 =	vmul.f32 v37, v36  }
0x754: {  	v57 =	vld [tilespmem:s4+$0xF60]  }
0x755: {  	v58 =	vld [tilespmem:s4+$0x2F60];
	v26 =	vmul.f32 v63, v62;
	[tilespmem:s7+$0xFFFFFFB0] =	vst v22;
	v22 =	vmul.f32 v41, v8  }
0x756: {  	v42 =	vld [tilespmem:s11+$0xF40]  }
0x757: {  	v21 =	vmul.f32 v59, v55;
	v43 =	vld [tilespmem:s11+$0x2F40];
	v26 =	vmul.f32 v26, v10;
	[tilespmem:s7+$0xFFFFFF30] =	vst v22  }
0x758: {  	v45 =	vld [tilespmem:s15+$0xF40]  }
0x759: {  	v21 =	vmul.f32 v21, v16;
	v27 =	vmul.f32 v38, v60;
	[tilespmem:s7+$0x30] =	vst v26;
	v46 =	vld [tilespmem:s15+$0x2F40]  }
0x75a: {  	v25 =	vmul.f32 v40, v39;
	v26 =	vld [tilespmem:s19+$0xF40]  }
0x75b: {  	[tilespmem:s3+$0xFFFFFFD0] =	vst v21;
	v27 =	vmul.f32 v27, v18;
	v44 =	vld [tilespmem:s19+$0x2F40]  }
0x75c: {  	v47 =	vld [tilespmem:s29+$0xF60];
	v25 =	vmul.f32 v25, v17;
	v32 =	vmul.f32 v43, v42  }
0x75d: {  	v48 =	vld [tilespmem:s29+$0x2F60];
	[tilespmem:s3+$0x50] =	vst v27  }
0x75e: {  	v55 =	vld [tilespmem:s21+$0xF60];
	[tilespmem:s3+$0xFFFFFF50] =	vst v25;
	v32 =	vmul.f32 v32, v9;
	v28 =	vmul.f32 v46, v45  }
0x75f: {  	v24 =	vmul.f32 v58, v57;
	v58 =	vld [tilespmem:s20+$0xF60]  }
0x760: {  	v59 =	vld [tilespmem:s20+$0x2F60];
	v22 =	vmul.f32 v44, v26;
	[tilespmem:s7+$0xFFFFFFC0] =	vst v32;
	v28 =	vmul.f32 v28, v8  }
0x761: {  	v49 =	vld [tilespmem:s11+$0xF50]  }
0x762: {  	v50 =	vld [tilespmem:s11+$0x2F50];
	v22 =	vmul.f32 v22, v10;
	[tilespmem:s7+$0xFFFFFF40] =	vst v28  }
0x763: {  	v53 =	vld [tilespmem:s15+$0xF50]  }
0x764: {  	[tilespmem:s7+$0x40] =	vst v22;
	v54 =	vld [tilespmem:s15+$0x2F50]  }
0x765: {  	v51 =	vld [tilespmem:s19+$0xF50]  }
0x766: {  	v24 =	vmul.f32 v24, v20;
	v25 =	vmul.f32 v59, v58;
	v52 =	vld [tilespmem:s19+$0x2F50]  }
0x767: {  	v57 =	vld [tilespmem:s21+$0x2F60];
	v22 =	vmul.f32 v50, v49  }
0x768: {  	[tilespmem:s2+$0xE0] =	vst v24;
	v24 =	vld [tilespmem:s25+$0x2F70];
	v25 =	vmul.f32 v25, v17  }
0x769: {  	v33 =	vld [tilespmem:s4+$0xF70];
	v22 =	vmul.f32 v22, v9;
	v27 =	vmul.f32 v54, v53  }
0x76a: {  	v21 =	vld [tilespmem:s4+$0x2F70];
	[tilespmem:s3+$0xFFFFFF60] =	vst v25  }
0x76b: {  	v43 =	vld [tilespmem:s20+$0xF70];
	v28 =	vmul.f32 v52, v51;
	[tilespmem:s7+$0xFFFFFFD0] =	vst v22;
	v35 =	vmul.f32 v27, v8  }
0x76c: {  	v62 =	vld [tilespmem:s11+$0xF60]  }
0x76d: {  	v63 =	vld [tilespmem:s11+$0x2F60];
	v61 =	vmul.f32 v28, v10;
	[tilespmem:s7+$0xFFFFFF50] =	vst v35  }
0x76e: {  	v26 =	vmul.f32 v48, v47;
	v38 =	vld [tilespmem:s15+$0xF60]  }
0x76f: {  	[tilespmem:s7+$0x50] =	vst v61;
	v39 =	vld [tilespmem:s15+$0x2F60]  }
0x770: {  	v56 =	vmul.f32 v26, v16;
	v26 =	vmul.f32 v57, v55;
	v36 =	vld [tilespmem:s19+$0xF60]  }
0x771: {  	v37 =	vld [tilespmem:s19+$0x2F60]  }
0x772: {  	v44 =	vld [tilespmem:s20+$0x2F70];
	[tilespmem:s3+$0xFFFFFFE0] =	vst v56;
	v26 =	vmul.f32 v26, v18;
	v28 =	vmul.f32 v63, v62  }
0x773: {  	v60 =	vld [tilespmem:s29+$0xF70]  }
0x774: {  	v40 =	vld [tilespmem:s29+$0x2F70];
	[tilespmem:s3+$0x60] =	vst v26;
	v28 =	vmul.f32 v28, v9;
	v29 =	vmul.f32 v39, v38  }
0x775: {  	v41 =	vld [tilespmem:s21+$0xF70]  }
0x776: {  	v42 =	vld [tilespmem:s21+$0x2F70];
	v22 =	vmul.f32 v37, v36;
	[tilespmem:s7+$0xFFFFFFE0] =	vst v28;
	v46 =	vmul.f32 v29, v8  }
0x777: {  	v45 =	vld [tilespmem:s11+$0xF70]  }
0x778: {  	v12 =	vmul.f32 v12, v23;
	v47 =	vld [tilespmem:s11+$0x2F70];
	v22 =	vmul.f32 v22, v10;
	[tilespmem:s7+$0xFFFFFF60] =	vst v46  }
0x779: {  	v11 =	vmul.f32 v19, v11;
	v52 =	vld [tilespmem:s15+$0xF70]  }
0x77a: {  	v12 =	vmul.f32 v12, v14;
	v21 =	vmul.f32 v21, v33;
	[tilespmem:s7+$0x60] =	vst v22;
	v54 =	vld [tilespmem:s15+$0x2F70]  }
0x77b: {  	v11 =	vmul.f32 v11, v15;
	v51 =	vmul.f32 v24, v31;
	v48 =	vld [tilespmem:s19+$0xF70]  }
0x77c: {  	[tilespmem:s0+$0xFFFFFFF0] =	vst v12;
	v50 =	vmul.f32 v21, v20;
	v53 =	vmul.f32 v40, v60;
	v49 =	vld [tilespmem:s19+$0x2F70]  }
0x77d: {  	[tilespmem:s0+$0x70] =	vst v11;
	v55 =	vmul.f32 v51, v13;
	v56 =	vmul.f32 v42, v41  }
0x77e: {  	v58 =	vmul.f32 v44, v43;
	[tilespmem:s2+$0xF0] =	vst v50;
	v57 =	vmul.f32 v53, v16  }
0x77f: {  	[tilespmem:s0+$0xFFFFFF70] =	vst v55;
	v59 =	vmul.f32 v56, v18;
	v60 =	vmul.f32 v47, v45  }
0x780: {  	[tilespmem:s3+$0xFFFFFFF0] =	vst v57;
	v61 =	vmul.f32 v58, v17;
	v63 =	vmul.f32 v54, v52  }
0x781: {  	[tilespmem:s3+$0x70] =	vst v59;
	v9 =	vmul.f32 v60, v9;
	v62 =	vmul.f32 v49, v48  }
0x782: {  	[tilespmem:s3+$0xFFFFFF70] =	vst v61;
	v8 =	vmul.f32 v63, v8  }
0x783: {  	[tilespmem:s7+$0xFFFFFFF0] =	vst v9;
	v10 =	vmul.f32 v62, v10  }
0x784: {  	s1 =	simm.s32 $0xAF00;
	[tilespmem:s7+$0xFFFFFF70] =	vst v8  }
0x785: {  	s30 =	simm.s32 $0xE80;
	s4 =	simm.s32 $0x20;
	s29 =	rddreg [dreg:$0x4];
	[tilespmem:s7+$0x70] =	vst v10  }
0x786: {  	[spmem:s29] =	stream.indirect.scatter.add.f32 [tilespmem:s1], [sflag:$0x4], $0x80, s30, s4, $0xb8;
	[tilespmem:$0x1FA80] =	vst v63  }
.Ltmp11:
0x787: {  	_ =	swait.ge [sflag:s31], $0x1000;
	(pc) =	sbr.rel .LBB2_19-.Ltmp11, $3  }
0x788: {  	[sflag:s31] =	ssyncset.done $0x0  }
0x789: {  	[sflag:s31] =	ssyncadd.s32 $0xFFFFF000  }
0x78a: {  	[bflag:$0x0] =	sbarrier.arrive $0xFFFF;
	_ =	sdelay $0x1  }
.LBB2_18:
.Ltmp12:
0x78b: {  	(pc) =	sbr.rel @p1 .LBB2_20-.Ltmp12, $2  }
0x78c: {  	_ =	sdelay $0x1  }
0x78d: {  	[bflag:$0x0] =	sbarrier.arrive $0xFFFF;
	_ =	sdelay $0x1  }
.LBB2_19:
0x78e: {  	s0 =	stileid.u32  }
0x78f: {  	s1 =	rddreg [dreg:$0x15];
	s0 =	sshll.u32 s0, $0x6  }
.Ltmp13:
0x790: {  	s2 =	rddreg [dreg:$0x17];
	s0 =	sor.u32 $0x1C04, s0;
	(pc) =	sbr.rel .LBB2_21-.Ltmp13, $4  }
0x791: {  	[hbm:s1], [sflag:s0] =	dma.local [spmem:s2], $0x2800  }
0x792: {  	_ =	swait.ge [sflag:s31], $0x2800  }
0x793: {  	[sflag:s31] =	ssyncset.done $0x0  }
0x794: {  	s1 =	sld [smem:$0x7F4];
	[sflag:s31] =	ssyncadd.s32 $0xFFFFD800  }
.LBB2_22:
0x795: {  	_ =	sfence.sel $0x180000  }
0x796: {  	[bflag:$0x0] =	sbarrier.arrive $0xFFFF  }
0x797: {  	_ =	strace $0x90000047  }
0x798: {  	s0 =	stileid.u32;
	[bflag:$0x2] =	sbarrier.arrive $0xFFFF  }
0x799: {  	p0 =	sne.s32 s0, $0x0;
	s0 =	rddreg [dreg:$0x5]  }
0x79a: {  	s0 =	sadd.s32 @!p0 $0x100000, s0  }
0x79b: {  	[sflag:s0] =	ssyncadd.tile.s32 @!p0 $0x1;
	_ =	shalt  }
.Lfunc_end2:
_tile_overlayer_lowered:
.L_overlay_start_2:
0x79c: {  	(tag) =	ssettag $0x2  }
0x79d: {  	s0 =	rddreg [dreg:$0x0];
	s2 =	stileid.u32  }
0x79e: {  	s1 =	rddreg [dreg:$0x1];
	p0 =	sne.s32 s2, $0x0  }
0x79f: {  	s3 =	rddreg [dreg:$0x2];
	[bflag:$0x3] =	sbarrier.arrive $0xFFFF;
	s2 =	simm.s32 @!p0 $0x1C04  }
0x7a0: {  	[timem:s3], [sflag:s2] =	dma.local @!p0 [hbm:s0], s1  }
0x7a1: {  	s0 =	simm.s32 @!p0 $0x4  }
0x7a2: {  	_ =	swait.ge @!p0 [sflag:s0], s1  }
0x7a3: {  	s1 =	ssub.s32 @!p0 $0x0, s1;
	[sflag:s0] =	ssyncset.done @!p0 $0x0  }
0x7a4: {  	[sflag:s0] =	ssyncadd.s32 @!p0 s1  }
0x7a5: {  	[bflag:$0x3] =	sbarrier.arrive $0xFFFF  }
0x7a6: {  	_ =	shalt  }

</sc_bundles>
